<compile_context>
chip_gen: v7x
topology: tpu7x:2x2x1
jax: 0.10.2.dev20260603
libtpu: 0.0.44.dev20260713+nightly
codegen_flags: <defaults>
</compile_context>

<pallas_src>
import jax
import jax.numpy as jnp
from jax import lax
from jax.experimental import pallas as pl
from jax.experimental.pallas import tpu as pltpu
import jax.experimental.pallas.tpu_sc as plsc

N_NODES = 10000
N_EDGES = 640000
N_GRAPHS = 64
EPS = 1e-5
F_IN = 16
F_HID = 256
F_MLP = 512

NC = 2
NS = 16
CHUNK = 80
ROWS = N_EDGES // CHUNK
STAGE = 50
K = 5
STAGE_A = 125
CHUNK2 = 64
ROWS2 = N_EDGES // CHUNK2
BLK = 1000
GRID = N_NODES // BLK

_f32 = jnp.float32


def _mesh():
    return plsc.VectorSubcoreMesh(core_axis_name="c", subcore_axis_name="s")


_SC_PARAMS = pltpu.CompilerParams(use_tc_tiling_on_sc=False)


def _deg_body(dst_hbm, out_hbm, zbuf, ones_v, idx_v, shared, sem):
    c = lax.axis_index("c")
    s = lax.axis_index("s")

    @pl.when(s == 0)
    def _init():
        def fz(i, carry):
            zbuf[pl.ds(i * 16, 16)] = jnp.zeros((16,), _f32)
            return carry
        lax.fori_loop(0, zbuf.shape[0] // 16, fz, 0)
        for g in range(N_NODES // zbuf.shape[0]):
            pltpu.sync_copy(zbuf, shared.at[pl.ds(g * zbuf.shape[0], zbuf.shape[0])])

    for i in range(CHUNK // 16):
        ones_v[pl.ds(i * 16, 16)] = jnp.ones((16,), _f32)
    plsc.subcore_barrier()

    rows_w = ROWS // (NC * NS)
    base = (c * NS + s) * rows_w

    def stage_body(t, carry):
        pltpu.sync_copy(dst_hbm.at[pl.ds(base + t * STAGE, STAGE)], idx_v)

        def grp(g, carry2):
            hs = []
            for b in range(K):
                j = g * K + b
                hs.append(pltpu.async_copy(ones_v, shared.at[idx_v.at[j]], sem,
                                           add=True))
            for h in hs:
                h.wait()
            return carry2
        lax.fori_loop(0, STAGE // K, grp, 0)
        return carry
    lax.fori_loop(0, rows_w // STAGE, stage_body, 0)

    plsc.subcore_barrier()

    @pl.when(s == 0)
    def _out():
        pltpu.sync_copy(shared, out_hbm.at[c])


def _sc_deg(dst2d):
    return pl.kernel(
        _deg_body,
        out_type=jax.ShapeDtypeStruct((NC, N_NODES), _f32),
        mesh=_mesh(),
        compiler_params=_SC_PARAMS,
        scratch_types=[
            pltpu.VMEM((2000,), _f32),
            pltpu.VMEM((CHUNK,), _f32),
            pltpu.VMEM((STAGE, CHUNK), jnp.int32),
            pltpu.VMEM_SHARED((N_NODES,), _f32),
            pltpu.SemaphoreType.DMA,
        ],
    )(dst2d)


def _agg_worker(src_hbm, dst_hbm, table_hbm, shared, idx_s, idx_d, rows,
                semg, sems, base, nrows):
    stage = idx_s.shape[0]
    nq = (stage - 1) // 4
    npipe = nq * 4

    def gather(j, b):
        return pltpu.async_copy(table_hbm.at[idx_s.at[j]], rows.at[b],
                                semg[b])

    def gather_wait(j, b):
        pltpu.make_async_copy(table_hbm.at[idx_s.at[j]], rows.at[b],
                              semg[b]).wait()

    def scatter(j, b):
        return pltpu.async_copy(rows.at[b], shared.at[idx_d.at[j]], sems[b],
                                add=True)

    def scatter_wait(j, b):
        pltpu.make_async_copy(rows.at[b], shared.at[idx_d.at[j]],
                              sems[b]).wait()

    def stage_body(t, carry):
        r0 = base + t * stage
        pltpu.sync_copy(src_hbm.at[pl.ds(r0, stage)], idx_s)
        pltpu.sync_copy(dst_hbm.at[pl.ds(r0, stage)], idx_d)
        gather(0, 0)
        gather(1, 1)

        def quad(q, carry2):
            for b in range(4):
                j = q * 4 + b
                b2 = (b + 2) % 4

                @pl.when(jnp.logical_and(j >= 2, j + 2 < npipe))
                def _free_buf():
                    scatter_wait(j - 2, b2)

                @pl.when(j + 2 < npipe)
                def _prefetch():
                    gather(j + 2, b2)
                gather_wait(j, b)
                scatter(j, b)
            return carry2
        lax.fori_loop(0, nq, quad, 0)
        for b in range(4):
            scatter_wait(npipe - 4 + b, b)
        for w in range(npipe, stage):
            gather(w, 0).wait()
            scatter(w, 0).wait()
        return carry
    lax.fori_loop(0, nrows // stage, stage_body, 0)


def _agg16_body(src_hbm, dst_hbm, table_hbm, out_hbm, idx_s, idx_d, rows,
                shared, sg0, sg1, sg2, sg3, ss0, ss1, ss2, ss3):
    c = lax.axis_index("c")
    s = lax.axis_index("s")

    @pl.when(s == 0)
    def _init():
        pltpu.sync_copy(table_hbm, shared)
    plsc.subcore_barrier()

    rows_w = ROWS // (NC * NS)
    _agg_worker(src_hbm, dst_hbm, table_hbm, shared, idx_s, idx_d, rows,
                (sg0, sg1, sg2, sg3), (ss0, ss1, ss2, ss3),
                (c * NS + s) * rows_w, rows_w)

    plsc.subcore_barrier()

    @pl.when(s == 0)
    def _out():
        pltpu.sync_copy(shared, out_hbm.at[c])


def _sc_agg16(src2d, dst2d, xs):
    return pl.kernel(
        _agg16_body,
        out_type=jax.ShapeDtypeStruct((NC, N_NODES, F_IN), _f32),
        mesh=_mesh(),
        compiler_params=_SC_PARAMS,
        scratch_types=[
            pltpu.VMEM((STAGE_A, CHUNK), jnp.int32),
            pltpu.VMEM((STAGE_A, CHUNK), jnp.int32),
            pltpu.VMEM((4, CHUNK, F_IN), _f32),
            pltpu.VMEM_SHARED((N_NODES, F_IN), _f32),
        ] + [pltpu.SemaphoreType.DMA] * 8,
    )(src2d, dst2d, xs)


def _agg256_body(src_hbm, dst_hbm, t0_hbm, t1_hbm, out_hbm, idx_s, idx_d,
                 rows, shared, sg0, sg1, sg2, sg3, ss0, ss1, ss2, ss3):
    c = lax.axis_index("c")
    s = lax.axis_index("s")

    def run(table_hbm):
        @pl.when(s == 0)
        def _init():
            pltpu.sync_copy(table_hbm, shared)
        plsc.subcore_barrier()

        rows_w = ROWS2 // NS
        _agg_worker(src_hbm, dst_hbm, table_hbm, shared, idx_s, idx_d, rows,
                    (sg0, sg1, sg2, sg3), (ss0, ss1, ss2, ss3),
                    s * rows_w, rows_w)

        plsc.subcore_barrier()

        @pl.when(s == 0)
        def _out():
            pltpu.sync_copy(shared, out_hbm.at[c])

    @pl.when(c == 0)
    def _c0():
        run(t0_hbm)

    @pl.when(c == 1)
    def _c1():
        run(t1_hbm)


def _sc_agg256(src2d, dst2d, hs0, hs1):
    half = F_HID // 2
    return pl.kernel(
        _agg256_body,
        out_type=jax.ShapeDtypeStruct((NC, N_NODES, half), _f32),
        mesh=_mesh(),
        compiler_params=_SC_PARAMS,
        scratch_types=[
            pltpu.VMEM((STAGE_A, CHUNK2), jnp.int32),
            pltpu.VMEM((STAGE_A, CHUNK2), jnp.int32),
            pltpu.VMEM((4, CHUNK2, half), _f32),
            pltpu.VMEM_SHARED((N_NODES, half), _f32),
        ] + [pltpu.SemaphoreType.DMA] * 8,
    )(src2d, dst2d, hs0, hs1)


def _prep_body(degp_ref, x_ref, dinv_ref, xs_ref):
    deg = degp_ref[:, 0:1] + degp_ref[:, 1:2] + 1.0
    dinv = lax.rsqrt(deg)
    dinv_ref[:, :] = dinv
    xs_ref[:, :] = x_ref[:, :] * dinv


def _tc_prep(degp_t, tree_x):
    return pl.pallas_call(
        _prep_body,
        out_shape=[
            jax.ShapeDtypeStruct((N_NODES, 1), _f32),
            jax.ShapeDtypeStruct((N_NODES, F_IN), _f32),
        ],
    )(degp_t, tree_x)


def _ln_relu(pre, g, be):
    m = jnp.mean(pre, axis=-1, keepdims=True)
    v = jnp.mean((pre - m) ** 2, axis=-1, keepdims=True)
    return jnp.maximum((pre - m) / jnp.sqrt(v + EPS) * g + be, 0.0)


def _l1_body(p0, p1, xs, dinv, W, b, g, be, hs0, hs1):
    dv = dinv[:, :]
    t = (p0[:, :] + p1[:, :] - xs[:, :]) * dv
    pre = jnp.dot(t, W[:, :], preferred_element_type=_f32, precision=lax.Precision.HIGHEST) + b[:, :]
    h = _ln_relu(pre, g[:, :], be[:, :])
    hsv = h * dv
    half = F_HID // 2
    hs0[:, :] = hsv[:, :half]
    hs1[:, :] = hsv[:, half:]


def _tc_layer1(p0, p1, xs, dinv, W_g1, b_g1, g_n1, be_n1):
    half = F_HID // 2
    blk_r = lambda i: (i, 0)
    blk_w = lambda i: (0, 0)
    return pl.pallas_call(
        _l1_body,
        grid=(GRID,),
        in_specs=[
            pl.BlockSpec((BLK, F_IN), blk_r),
            pl.BlockSpec((BLK, F_IN), blk_r),
            pl.BlockSpec((BLK, F_IN), blk_r),
            pl.BlockSpec((BLK, 1), blk_r),
            pl.BlockSpec((F_IN, F_HID), blk_w),
            pl.BlockSpec((1, F_HID), blk_w),
            pl.BlockSpec((1, F_HID), blk_w),
            pl.BlockSpec((1, F_HID), blk_w),
        ],
        out_specs=[
            pl.BlockSpec((BLK, half), blk_r),
            pl.BlockSpec((BLK, half), blk_r),
        ],
        out_shape=[
            jax.ShapeDtypeStruct((N_NODES, half), _f32),
            jax.ShapeDtypeStruct((N_NODES, half), _f32),
        ],
    )(p0, p1, xs, dinv, W_g1, b_g1, g_n1, be_n1)


def _head_body(a0, a1, dinv, bat, W2a, W2b, b2, g2, be2,
               Wf1, bf1, gf1, bef1, Wf2, bf2, gf2, bef2,
               Wf3, bf3, gf3, bef3, wo, bo, out, acc):
    i = pl.program_id(0)

    @pl.when(i == 0)
    def _():
        acc[:, :] = jnp.full((N_GRAPHS, F_HID), -jnp.inf, _f32)

    dv = dinv[:, :]
    pre = (jnp.dot(a0[:, :] * dv, W2a[:, :], preferred_element_type=_f32, precision=lax.Precision.HIGHEST)
           + jnp.dot(a1[:, :] * dv, W2b[:, :], preferred_element_type=_f32, precision=lax.Precision.HIGHEST)
           + b2[:, :])
    h2 = _ln_relu(pre, g2[:, :], be2[:, :])

    ids = bat[:, :]
    QR = BLK // 4
    for q in range(4):
        ids_q = ids[q * QR:(q + 1) * QR, :]
        h2_q = h2[q * QR:(q + 1) * QR, :]
        lo = bat[q * QR, 0]
        hi = bat[(q + 1) * QR - 1, 0]

        def seg(gid, carry, ids_q=ids_q, h2_q=h2_q):
            mm = jnp.max(jnp.where(ids_q == gid, h2_q, -jnp.inf), axis=0,
                         keepdims=True)
            acc[pl.ds(gid, 1), :] = jnp.maximum(acc[pl.ds(gid, 1), :], mm)
            return carry
        lax.fori_loop(lo, hi + 1, seg, 0)

    @pl.when(i == pl.num_programs(0) - 1)
    def _mlp():
        z = acc[:, :]
        z = _ln_relu(jnp.dot(z, Wf1[:, :], preferred_element_type=_f32, precision=lax.Precision.HIGHEST)
                     + bf1[:, :], gf1[:, :], bef1[:, :])
        z = _ln_relu(jnp.dot(z, Wf2[:, :], preferred_element_type=_f32, precision=lax.Precision.HIGHEST)
                     + bf2[:, :], gf2[:, :], bef2[:, :])
        z = _ln_relu(jnp.dot(z, Wf3[:, :], preferred_element_type=_f32, precision=lax.Precision.HIGHEST)
                     + bf3[:, :], gf3[:, :], bef3[:, :])
        out[:, :] = jnp.sum(z * wo[:, :], axis=1, keepdims=True) + bo[:, :]


def _tc_head(a0, a1, dinv, bat2d, W2a, W2b, b2, g2, be2,
             Wf1, bf1, gf1, bef1, Wf2, bf2, gf2, bef2,
             Wf3, bf3, gf3, bef3, wo, bo):
    half = F_HID // 2
    blk_r = lambda i: (i, 0)
    blk_w = lambda i: (0, 0)
    vec = lambda d: pl.BlockSpec((1, d), blk_w)
    return pl.pallas_call(
        _head_body,
        grid=(GRID,),
        in_specs=[
            pl.BlockSpec((BLK, half), blk_r),
            pl.BlockSpec((BLK, half), blk_r),
            pl.BlockSpec((BLK, 1), blk_r),
            pl.BlockSpec((BLK, 1), blk_r),
            pl.BlockSpec((half, F_HID), blk_w),
            pl.BlockSpec((half, F_HID), blk_w),
            vec(F_HID), vec(F_HID), vec(F_HID),
            pl.BlockSpec((F_HID, F_MLP), blk_w),
            vec(F_MLP), vec(F_MLP), vec(F_MLP),
            pl.BlockSpec((F_MLP, F_MLP), blk_w),
            vec(F_MLP), vec(F_MLP), vec(F_MLP),
            pl.BlockSpec((F_MLP, F_MLP), blk_w),
            vec(F_MLP), vec(F_MLP), vec(F_MLP),
            vec(F_MLP), vec(1),
        ],
        out_specs=pl.BlockSpec((N_GRAPHS, 1), blk_w),
        out_shape=jax.ShapeDtypeStruct((N_GRAPHS, 1), _f32),
        scratch_shapes=[pltpu.VMEM((N_GRAPHS, F_HID), _f32)],
    )(a0, a1, dinv, bat2d, W2a, W2b, b2, g2, be2,
      Wf1, bf1, gf1, bef1, Wf2, bf2, gf2, bef2,
      Wf3, bf3, gf3, bef3, wo, bo)


def kernel(tree_x, edge_index, batch,
           W_g1, b_g1, g_n1, be_n1,
           W_g2, b_g2, g_n2, be_n2,
           W_f1, b_f1, g_f1, be_f1,
           W_f2, b_f2, g_f2, be_f2,
           W_f3, b_f3, g_f3, be_f3,
           W_o, b_o):
    half = F_HID // 2
    src2d = edge_index[0].reshape(ROWS, CHUNK)
    dst2d = edge_index[1].reshape(ROWS, CHUNK)
    src2d2 = edge_index[0].reshape(ROWS2, CHUNK2)
    dst2d2 = edge_index[1].reshape(ROWS2, CHUNK2)

    degp = _sc_deg(dst2d)
    dinv, xs = _tc_prep(degp.T, tree_x)
    aggp = _sc_agg16(src2d, dst2d, xs)
    hs0, hs1 = _tc_layer1(aggp[0], aggp[1], xs, dinv, W_g1,
                          b_g1.reshape(1, F_HID), g_n1.reshape(1, F_HID),
                          be_n1.reshape(1, F_HID))
    ap = _sc_agg256(src2d2, dst2d2, hs0, hs1)
    return _tc_head(ap[0], ap[1], dinv, batch.reshape(N_NODES, 1),
                    W_g2[:half], W_g2[half:],
                    b_g2.reshape(1, F_HID), g_n2.reshape(1, F_HID),
                    be_n2.reshape(1, F_HID),
                    W_f1, b_f1.reshape(1, F_MLP), g_f1.reshape(1, F_MLP),
                    be_f1.reshape(1, F_MLP),
                    W_f2, b_f2.reshape(1, F_MLP), g_f2.reshape(1, F_MLP),
                    be_f2.reshape(1, F_MLP),
                    W_f3, b_f3.reshape(1, F_MLP), g_f3.reshape(1, F_MLP),
                    be_f3.reshape(1, F_MLP),
                    W_o.reshape(1, F_MLP), b_o.reshape(1, 1))

# --- scband reference (transcript-rebuilt; emitter-appended) ---
"""Pipeline reference for scband-dqn-gnn-38190849196377 (READ-ONLY COPY).

The authoritative reference and input builder live on the scoring server;
editing this copy changes nothing except your own understanding.
"""

import jax, jax.numpy as jnp
import numpy as np

N_NODES = 10000
N_EDGES = 640000
N_GRAPHS = 64
EPS = 1e-5


def _ln(x, g, b):
    m = jnp.mean(x, axis=-1, keepdims=True)
    v = jnp.var(x, axis=-1, keepdims=True)
    return (x - m) / jnp.sqrt(v + EPS) * g + b


def _gcn_conv(x, edge_index, W, b, n):
    loop = jnp.arange(n, dtype=edge_index.dtype)
    src = jnp.concatenate([edge_index[0], loop])
    dst = jnp.concatenate([edge_index[1], loop])
    deg = jnp.zeros((n,), x.dtype).at[dst].add(1.0)
    dinv = jnp.where(deg > 0, 1.0 / jnp.sqrt(deg), 0.0)
    norm = dinv[src] * dinv[dst]
    h = x @ W
    msg = h[src] * norm[:, None]
    out = jnp.zeros((n, W.shape[1]), x.dtype).at[dst].add(msg)
    return out + b


def setup_inputs(seed: int = 0) -> dict:
    key = jax.random.key(seed)
    ks = jax.random.split(key, 16)
    inp = {}
    inp['tree_x'] = jax.random.normal(ks[0], (N_NODES, 16), dtype=jnp.float32)
    inp['edge_index'] = jax.random.randint(ks[1], (2, N_EDGES), 0, N_NODES, dtype=jnp.int64 if jax.config.jax_enable_x64 else jnp.int32).astype(jnp.int32)
    inp['batch'] = jnp.sort(jax.random.randint(ks[2], (N_NODES,), 0, N_GRAPHS)).astype(jnp.int32)
    def lin(k, fan_in, fan_out):
        s = 1.0 / np.sqrt(fan_in)
        return jax.random.uniform(k, (fan_in, fan_out), jnp.float32, -s, s)
    inp['W_g1'] = lin(ks[3], 16, 256); inp['b_g1'] = jnp.zeros((256,), jnp.float32)
    inp['g_n1'] = jnp.ones((256,), jnp.float32); inp['be_n1'] = jnp.zeros((256,), jnp.float32)
    inp['W_g2'] = lin(ks[4], 256, 256); inp['b_g2'] = jnp.zeros((256,), jnp.float32)
    inp['g_n2'] = jnp.ones((256,), jnp.float32); inp['be_n2'] = jnp.zeros((256,), jnp.float32)
    inp['W_f1'] = lin(ks[5], 256, 512); inp['b_f1'] = jnp.zeros((512,), jnp.float32)
    inp['g_f1'] = jnp.ones((512,), jnp.float32); inp['be_f1'] = jnp.zeros((512,), jnp.float32)
    inp['W_f2'] = lin(ks[6], 512, 512); inp['b_f2'] = jnp.zeros((512,), jnp.float32)
    inp['g_f2'] = jnp.ones((512,), jnp.float32); inp['be_f2'] = jnp.zeros((512,), jnp.float32)
    inp['W_f3'] = lin(ks[7], 512, 512); inp['b_f3'] = jnp.zeros((512,), jnp.float32)
    inp['g_f3'] = jnp.ones((512,), jnp.float32); inp['be_f3'] = jnp.zeros((512,), jnp.float32)
    inp['W_o'] = lin(ks[8], 512, 1); inp['b_o'] = jnp.zeros((1,), jnp.float32)
    return inp


def reference(tree_x, edge_index, batch,
              W_g1, b_g1, g_n1, be_n1,
              W_g2, b_g2, g_n2, be_n2,
              W_f1, b_f1, g_f1, be_f1,
              W_f2, b_f2, g_f2, be_f2,
              W_f3, b_f3, g_f3, be_f3,
              W_o, b_o):
    n = tree_x.shape[0]
    h = _gcn_conv(tree_x, edge_index, W_g1, b_g1, n)
    h = jax.nn.relu(_ln(h, g_n1, be_n1))
    h = _gcn_conv(h, edge_index, W_g2, b_g2, n)
    h = jax.nn.relu(_ln(h, g_n2, be_n2))
    x = jax.ops.segment_max(h, batch, num_segments=N_GRAPHS)
    x = jax.nn.relu(_ln(x @ W_f1 + b_f1, g_f1, be_f1))
    x = jax.nn.relu(_ln(x @ W_f2 + b_f2, g_f2, be_f2))
    x = jax.nn.relu(_ln(x @ W_f3 + b_f3, g_f3, be_f3))
    return x @ W_o + b_o

if __name__ == "__main__":
    import jax
    _d = setup_inputs()
    print(jax.jit(kernel)(*tuple(_d.values())))

</pallas_src>

<mosaic_0001>
#map = affine_map<(d0, d1) -> (0, 0)>
module attributes {stable_mosaic.version = 14 : i64} {
  func.func @_deg_body(%arg0: i32, %arg1: i32, %arg2: memref<8000x80xi32, #tpu.memory_space<hbm>>, %arg3: memref<2x10000xf32, #tpu.memory_space<hbm>>, %arg4: memref<2000xf32, #tpu.memory_space<vmem>>, %arg5: memref<80xf32, #tpu.memory_space<vmem>>, %arg6: memref<50x80xi32, #tpu.memory_space<vmem>>, %arg7: memref<10000xf32, #tpu.memory_space<vmem_shared>>, %arg8: memref<!tpu.dma_semaphore, #tpu.memory_space<semaphore_mem>>) attributes {dimension_semantics = [#tpu.dimension_semantics<core_parallel>, #tpu.dimension_semantics<subcore_parallel>], iteration_bounds = array<i64: 2, 16>, scalar_prefetch = 0 : i64, scratch_operands = 5 : i64, tpu.core_type = #tpu.core_type<sc_vector_subcore>, window_params = [{transform_indices = #map}, {transform_indices = #map}]} {
    %eq3A = arith.constant 0 : i32
    %eq3A_0 = arith.cmpi eq, %arg1, %eq3A : i32
    %convert_element_type3A = arith.extui %eq3A_0 : i1 to i32
    %cond3A = arith.constant 0 : i32
    %cond3A_1 = arith.cmpi ne, %convert_element_type3A, %cond3A : i32
    scf.if %cond3A_1 {
      %scan3A_44 = arith.constant 0 : i32
      %scan3A_45 = arith.constant 0 : i32
      %scan3A_46 = arith.constant 125 : i32
      %scan3A_47 = arith.addi %scan3A_45, %scan3A_46 : i32
      %scan3A_48 = arith.constant 1 : i32
      scf.for %scan3A_50 = %scan3A_45 to %scan3A_47 step %scan3A_48  : i32 {
        %broadcast_in_dim3A_51 = arith.constant 0.000000e+00 : f32
        %broadcast_in_dim3A_52 = vector.broadcast %broadcast_in_dim3A_51 : f32 to vector<16xf32>
        %mul3A_53 = arith.constant 16 : i32
        %mul3A_54 = arith.muli %scan3A_50, %mul3A_53 : i32
        %swap3A_55 = arith.index_cast %mul3A_54 : i32 to index
        %swap3A_56 = tpu.vector_load %arg4[%swap3A_55] {strides = array<i32>} : memref<2000xf32, #tpu.memory_space<vmem>>, vector<16xf32>,
        %swap3A_57 = vector.shape_cast %swap3A_56 : vector<16xf32> to vector<16xf32>
        %swap3A_58 = vector.shape_cast %broadcast_in_dim3A_52 : vector<16xf32> to vector<16xf32>
        tpu.vector_store %arg4[%swap3A_55], %swap3A_58 {strides = array<i32>} : memref<2000xf32, #tpu.memory_space<vmem>>, vector<16xf32>,
      }
      %scan3A_49 = arith.constant 125 : i32
      "tpu.region"() ({
        %run_scoped3A = tpu.sem_alloc : memref<!tpu.dma_semaphore, #tpu.memory_space<semaphore_mem>>
        %dma_start3A = arith.constant 0 : i32
        %dma_start3A_50 = tpu.memref_slice %arg7[%dma_start3A] : memref<10000xf32, #tpu.memory_space<vmem_shared>> -> memref<2000xf32, #tpu.memory_space<vmem_shared>>
        %dma_start3A_51 = arith.constant 0 : i32
        %dma_start3A_52 = tpu.memref_slice %arg7[%dma_start3A_51] : memref<10000xf32, #tpu.memory_space<vmem_shared>> -> memref<2000xf32, #tpu.memory_space<vmem_shared>>
        tpu.enqueue_dma source(%arg4 : memref<2000xf32, #tpu.memory_space<vmem>>) target(%dma_start3A_52 : memref<2000xf32, #tpu.memory_space<vmem_shared>>) target_semaphore(%run_scoped3A : memref<!tpu.dma_semaphore, #tpu.memory_space<semaphore_mem>>)
        %dma_wait3A = arith.constant 0 : i32
        %dma_wait3A_53 = tpu.memref_slice %arg7[%dma_wait3A] : memref<10000xf32, #tpu.memory_space<vmem_shared>> -> memref<2000xf32, #tpu.memory_space<vmem_shared>>
        %dma_wait3A_54 = arith.constant 0 : i32
        %dma_wait3A_55 = tpu.memref_slice %arg7[%dma_wait3A_54] : memref<10000xf32, #tpu.memory_space<vmem_shared>> -> memref<2000xf32, #tpu.memory_space<vmem_shared>>
        tpu.wait_dma2 semaphore(%run_scoped3A : memref<!tpu.dma_semaphore, #tpu.memory_space<semaphore_mem>>) src(%arg4 : memref<2000xf32, #tpu.memory_space<vmem>>) dst(%dma_wait3A_55 : memref<2000xf32, #tpu.memory_space<vmem_shared>>)
        tpu.yield
      }) : () -> ()
      "tpu.region"() ({
        %run_scoped3A = tpu.sem_alloc : memref<!tpu.dma_semaphore, #tpu.memory_space<semaphore_mem>>
        %dma_start3A = arith.constant 2000 : i32
        %dma_start3A_50 = tpu.memref_slice %arg7[%dma_start3A] : memref<10000xf32, #tpu.memory_space<vmem_shared>> -> memref<2000xf32, #tpu.memory_space<vmem_shared>>
        %dma_start3A_51 = arith.constant 2000 : i32
        %dma_start3A_52 = tpu.memref_slice %arg7[%dma_start3A_51] : memref<10000xf32, #tpu.memory_space<vmem_shared>> -> memref<2000xf32, #tpu.memory_space<vmem_shared>>
        tpu.enqueue_dma source(%arg4 : memref<2000xf32, #tpu.memory_space<vmem>>) target(%dma_start3A_52 : memref<2000xf32, #tpu.memory_space<vmem_shared>>) target_semaphore(%run_scoped3A : memref<!tpu.dma_semaphore, #tpu.memory_space<semaphore_mem>>)
        %dma_wait3A = arith.constant 2000 : i32
        %dma_wait3A_53 = tpu.memref_slice %arg7[%dma_wait3A] : memref<10000xf32, #tpu.memory_space<vmem_shared>> -> memref<2000xf32, #tpu.memory_space<vmem_shared>>
        %dma_wait3A_54 = arith.constant 2000 : i32
        %dma_wait3A_55 = tpu.memref_slice %arg7[%dma_wait3A_54] : memref<10000xf32, #tpu.memory_space<vmem_shared>> -> memref<2000xf32, #tpu.memory_space<vmem_shared>>
        tpu.wait_dma2 semaphore(%run_scoped3A : memref<!tpu.dma_semaphore, #tpu.memory_space<semaphore_mem>>) src(%arg4 : memref<2000xf32, #tpu.memory_space<vmem>>) dst(%dma_wait3A_55 : memref<2000xf32, #tpu.memory_space<vmem_shared>>)
        tpu.yield
      }) : () -> ()
      "tpu.region"() ({
        %run_scoped3A = tpu.sem_alloc : memref<!tpu.dma_semaphore, #tpu.memory_space<semaphore_mem>>
        %dma_start3A = arith.constant 4000 : i32
        %dma_start3A_50 = tpu.memref_slice %arg7[%dma_start3A] : memref<10000xf32, #tpu.memory_space<vmem_shared>> -> memref<2000xf32, #tpu.memory_space<vmem_shared>>
        %dma_start3A_51 = arith.constant 4000 : i32
        %dma_start3A_52 = tpu.memref_slice %arg7[%dma_start3A_51] : memref<10000xf32, #tpu.memory_space<vmem_shared>> -> memref<2000xf32, #tpu.memory_space<vmem_shared>>
        tpu.enqueue_dma source(%arg4 : memref<2000xf32, #tpu.memory_space<vmem>>) target(%dma_start3A_52 : memref<2000xf32, #tpu.memory_space<vmem_shared>>) target_semaphore(%run_scoped3A : memref<!tpu.dma_semaphore, #tpu.memory_space<semaphore_mem>>)
        %dma_wait3A = arith.constant 4000 : i32
        %dma_wait3A_53 = tpu.memref_slice %arg7[%dma_wait3A] : memref<10000xf32, #tpu.memory_space<vmem_shared>> -> memref<2000xf32, #tpu.memory_space<vmem_shared>>
        %dma_wait3A_54 = arith.constant 4000 : i32
        %dma_wait3A_55 = tpu.memref_slice %arg7[%dma_wait3A_54] : memref<10000xf32, #tpu.memory_space<vmem_shared>> -> memref<2000xf32, #tpu.memory_space<vmem_shared>>
        tpu.wait_dma2 semaphore(%run_scoped3A : memref<!tpu.dma_semaphore, #tpu.memory_space<semaphore_mem>>) src(%arg4 : memref<2000xf32, #tpu.memory_space<vmem>>) dst(%dma_wait3A_55 : memref<2000xf32, #tpu.memory_space<vmem_shared>>)
        tpu.yield
      }) : () -> ()
      "tpu.region"() ({
        %run_scoped3A = tpu.sem_alloc : memref<!tpu.dma_semaphore, #tpu.memory_space<semaphore_mem>>
        %dma_start3A = arith.constant 6000 : i32
        %dma_start3A_50 = tpu.memref_slice %arg7[%dma_start3A] : memref<10000xf32, #tpu.memory_space<vmem_shared>> -> memref<2000xf32, #tpu.memory_space<vmem_shared>>
        %dma_start3A_51 = arith.constant 6000 : i32
        %dma_start3A_52 = tpu.memref_slice %arg7[%dma_start3A_51] : memref<10000xf32, #tpu.memory_space<vmem_shared>> -> memref<2000xf32, #tpu.memory_space<vmem_shared>>
        tpu.enqueue_dma source(%arg4 : memref<2000xf32, #tpu.memory_space<vmem>>) target(%dma_start3A_52 : memref<2000xf32, #tpu.memory_space<vmem_shared>>) target_semaphore(%run_scoped3A : memref<!tpu.dma_semaphore, #tpu.memory_space<semaphore_mem>>)
        %dma_wait3A = arith.constant 6000 : i32
        %dma_wait3A_53 = tpu.memref_slice %arg7[%dma_wait3A] : memref<10000xf32, #tpu.memory_space<vmem_shared>> -> memref<2000xf32, #tpu.memory_space<vmem_shared>>
        %dma_wait3A_54 = arith.constant 6000 : i32
        %dma_wait3A_55 = tpu.memref_slice %arg7[%dma_wait3A_54] : memref<10000xf32, #tpu.memory_space<vmem_shared>> -> memref<2000xf32, #tpu.memory_space<vmem_shared>>
        tpu.wait_dma2 semaphore(%run_scoped3A : memref<!tpu.dma_semaphore, #tpu.memory_space<semaphore_mem>>) src(%arg4 : memref<2000xf32, #tpu.memory_space<vmem>>) dst(%dma_wait3A_55 : memref<2000xf32, #tpu.memory_space<vmem_shared>>)
        tpu.yield
      }) : () -> ()
      "tpu.region"() ({
        %run_scoped3A = tpu.sem_alloc : memref<!tpu.dma_semaphore, #tpu.memory_space<semaphore_mem>>
        %dma_start3A = arith.constant 8000 : i32
        %dma_start3A_50 = tpu.memref_slice %arg7[%dma_start3A] : memref<10000xf32, #tpu.memory_space<vmem_shared>> -> memref<2000xf32, #tpu.memory_space<vmem_shared>>
        %dma_start3A_51 = arith.constant 8000 : i32
        %dma_start3A_52 = tpu.memref_slice %arg7[%dma_start3A_51] : memref<10000xf32, #tpu.memory_space<vmem_shared>> -> memref<2000xf32, #tpu.memory_space<vmem_shared>>
        tpu.enqueue_dma source(%arg4 : memref<2000xf32, #tpu.memory_space<vmem>>) target(%dma_start3A_52 : memref<2000xf32, #tpu.memory_space<vmem_shared>>) target_semaphore(%run_scoped3A : memref<!tpu.dma_semaphore, #tpu.memory_space<semaphore_mem>>)
        %dma_wait3A = arith.constant 8000 : i32
        %dma_wait3A_53 = tpu.memref_slice %arg7[%dma_wait3A] : memref<10000xf32, #tpu.memory_space<vmem_shared>> -> memref<2000xf32, #tpu.memory_space<vmem_shared>>
        %dma_wait3A_54 = arith.constant 8000 : i32
        %dma_wait3A_55 = tpu.memref_slice %arg7[%dma_wait3A_54] : memref<10000xf32, #tpu.memory_space<vmem_shared>> -> memref<2000xf32, #tpu.memory_space<vmem_shared>>
        tpu.wait_dma2 semaphore(%run_scoped3A : memref<!tpu.dma_semaphore, #tpu.memory_space<semaphore_mem>>) src(%arg4 : memref<2000xf32, #tpu.memory_space<vmem>>) dst(%dma_wait3A_55 : memref<2000xf32, #tpu.memory_space<vmem_shared>>)
        tpu.yield
      }) : () -> ()
    } else {
    }
    %broadcast_in_dim3A = arith.constant 1.000000e+00 : f32
    %broadcast_in_dim3A_2 = vector.broadcast %broadcast_in_dim3A : f32 to vector<16xf32>
    %swap3A = arith.constant 0 : index
    %swap3A_3 = tpu.vector_load %arg5[%swap3A] {strides = array<i32>} : memref<80xf32, #tpu.memory_space<vmem>>, vector<16xf32>,
    %swap3A_4 = vector.shape_cast %swap3A_3 : vector<16xf32> to vector<16xf32>
    %swap3A_5 = vector.shape_cast %broadcast_in_dim3A_2 : vector<16xf32> to vector<16xf32>
    tpu.vector_store %arg5[%swap3A], %swap3A_5 {strides = array<i32>} : memref<80xf32, #tpu.memory_space<vmem>>, vector<16xf32>,
    %broadcast_in_dim3A_6 = arith.constant 1.000000e+00 : f32
    %broadcast_in_dim3A_7 = vector.broadcast %broadcast_in_dim3A_6 : f32 to vector<16xf32>
    %swap3A_8 = arith.constant 16 : index
    %swap3A_9 = tpu.vector_load %arg5[%swap3A_8] {strides = array<i32>} : memref<80xf32, #tpu.memory_space<vmem>>, vector<16xf32>,
    %swap3A_10 = vector.shape_cast %swap3A_9 : vector<16xf32> to vector<16xf32>
    %swap3A_11 = vector.shape_cast %broadcast_in_dim3A_7 : vector<16xf32> to vector<16xf32>
    tpu.vector_store %arg5[%swap3A_8], %swap3A_11 {strides = array<i32>} : memref<80xf32, #tpu.memory_space<vmem>>, vector<16xf32>,
    %broadcast_in_dim3A_12 = arith.constant 1.000000e+00 : f32
    %broadcast_in_dim3A_13 = vector.broadcast %broadcast_in_dim3A_12 : f32 to vector<16xf32>
    %swap3A_14 = arith.constant 32 : index
    %swap3A_15 = tpu.vector_load %arg5[%swap3A_14] {strides = array<i32>} : memref<80xf32, #tpu.memory_space<vmem>>, vector<16xf32>,
    %swap3A_16 = vector.shape_cast %swap3A_15 : vector<16xf32> to vector<16xf32>
    %swap3A_17 = vector.shape_cast %broadcast_in_dim3A_13 : vector<16xf32> to vector<16xf32>
    tpu.vector_store %arg5[%swap3A_14], %swap3A_17 {strides = array<i32>} : memref<80xf32, #tpu.memory_space<vmem>>, vector<16xf32>,
    %broadcast_in_dim3A_18 = arith.constant 1.000000e+00 : f32
    %broadcast_in_dim3A_19 = vector.broadcast %broadcast_in_dim3A_18 : f32 to vector<16xf32>
    %swap3A_20 = arith.constant 48 : index
    %swap3A_21 = tpu.vector_load %arg5[%swap3A_20] {strides = array<i32>} : memref<80xf32, #tpu.memory_space<vmem>>, vector<16xf32>,
    %swap3A_22 = vector.shape_cast %swap3A_21 : vector<16xf32> to vector<16xf32>
    %swap3A_23 = vector.shape_cast %broadcast_in_dim3A_19 : vector<16xf32> to vector<16xf32>
    tpu.vector_store %arg5[%swap3A_20], %swap3A_23 {strides = array<i32>} : memref<80xf32, #tpu.memory_space<vmem>>, vector<16xf32>,
    %broadcast_in_dim3A_24 = arith.constant 1.000000e+00 : f32
    %broadcast_in_dim3A_25 = vector.broadcast %broadcast_in_dim3A_24 : f32 to vector<16xf32>
    %swap3A_26 = arith.constant 64 : index
    %swap3A_27 = tpu.vector_load %arg5[%swap3A_26] {strides = array<i32>} : memref<80xf32, #tpu.memory_space<vmem>>, vector<16xf32>,
    %swap3A_28 = vector.shape_cast %swap3A_27 : vector<16xf32> to vector<16xf32>
    %swap3A_29 = vector.shape_cast %broadcast_in_dim3A_25 : vector<16xf32> to vector<16xf32>
    tpu.vector_store %arg5[%swap3A_26], %swap3A_29 {strides = array<i32>} : memref<80xf32, #tpu.memory_space<vmem>>, vector<16xf32>,
    %barrier3A = arith.constant 0 : index
    tpu.barrier barrier_id(%barrier3A)
    %mul3A = arith.constant 16 : i32
    %mul3A_30 = arith.muli %arg0, %mul3A : i32
    %add3A = arith.addi %mul3A_30, %arg1 : i32
    %mul3A_31 = arith.constant 250 : i32
    %mul3A_32 = arith.muli %add3A, %mul3A_31 : i32
    %scan3A = arith.constant 0 : i32
    %scan3A_33 = arith.constant 0 : i32
    %scan3A_34 = arith.constant 5 : i32
    %scan3A_35 = arith.addi %scan3A_33, %scan3A_34 : i32
    %scan3A_36 = arith.constant 1 : i32
    scf.for %scan3A_44 = %scan3A_33 to %scan3A_35 step %scan3A_36  : i32 {
      %mul3A_45 = arith.constant 50 : i32
      %mul3A_46 = arith.muli %scan3A_44, %mul3A_45 : i32
      %add3A_47 = arith.addi %mul3A_32, %mul3A_46 : i32
      "tpu.region"() ({
        %run_scoped3A = tpu.sem_alloc : memref<!tpu.dma_semaphore, #tpu.memory_space<semaphore_mem>>
        %dma_start3A = arith.constant 0 : i32
        %dma_start3A_54 = tpu.memref_slice %arg2[%add3A_47, %dma_start3A] : memref<8000x80xi32, #tpu.memory_space<hbm>> -> memref<50x80xi32, #tpu.memory_space<hbm>>
        %dma_start3A_55 = arith.constant 0 : i32
        %dma_start3A_56 = tpu.memref_slice %arg2[%add3A_47, %dma_start3A_55] : memref<8000x80xi32, #tpu.memory_space<hbm>> -> memref<50x80xi32, #tpu.memory_space<hbm>>
        tpu.enqueue_dma source(%dma_start3A_56 : memref<50x80xi32, #tpu.memory_space<hbm>>) target(%arg6 : memref<50x80xi32, #tpu.memory_space<vmem>>) target_semaphore(%run_scoped3A : memref<!tpu.dma_semaphore, #tpu.memory_space<semaphore_mem>>)
        %dma_wait3A = arith.constant 0 : i32
        %dma_wait3A_57 = tpu.memref_slice %arg2[%add3A_47, %dma_wait3A] : memref<8000x80xi32, #tpu.memory_space<hbm>> -> memref<50x80xi32, #tpu.memory_space<hbm>>
        %dma_wait3A_58 = arith.constant 0 : i32
        %dma_wait3A_59 = tpu.memref_slice %arg2[%add3A_47, %dma_wait3A_58] : memref<8000x80xi32, #tpu.memory_space<hbm>> -> memref<50x80xi32, #tpu.memory_space<hbm>>
        tpu.wait_dma2 semaphore(%run_scoped3A : memref<!tpu.dma_semaphore, #tpu.memory_space<semaphore_mem>>) src(%dma_wait3A_59 : memref<50x80xi32, #tpu.memory_space<hbm>>) dst(%arg6 : memref<50x80xi32, #tpu.memory_space<vmem>>)
        tpu.yield
      }) : () -> ()
      %scan3A_48 = arith.constant 0 : i32
      %scan3A_49 = arith.constant 0 : i32
      %scan3A_50 = arith.constant 10 : i32
      %scan3A_51 = arith.addi %scan3A_49, %scan3A_50 : i32
      %scan3A_52 = arith.constant 1 : i32
      scf.for %scan3A_54 = %scan3A_49 to %scan3A_51 step %scan3A_52  : i32 {
        %mul3A_55 = arith.constant 5 : i32
        %mul3A_56 = arith.muli %scan3A_54, %mul3A_55 : i32
        %add3A_57 = arith.constant 0 : i32
        %add3A_58 = arith.addi %mul3A_56, %add3A_57 : i32
        %dma_start3A = arith.constant 0 : i32
        %dma_start3A_59 = tpu.memref_slice %arg6[%add3A_58, %dma_start3A] : memref<50x80xi32, #tpu.memory_space<vmem>> -> memref<1x80xi32, #tpu.memory_space<vmem>>
        %dma_start3A_60 = tpu.memref_squeeze %dma_start3A_59 : memref<1x80xi32, #tpu.memory_space<vmem>> -> memref<80xi32, #tpu.memory_space<vmem>>
        %dma_start3A_61 = arith.constant 0 : i32
        %dma_start3A_62 = tpu.memref_slice %arg7[%dma_start3A_61] : memref<10000xf32, #tpu.memory_space<vmem_shared>> -> memref<10000xf32, #tpu.memory_space<vmem_shared>>
        tpu.enqueue_indirect_dma source(%arg5 : memref<80xf32, #tpu.memory_space<vmem>>) target(%dma_start3A_62 : memref<10000xf32, #tpu.memory_space<vmem_shared>>) offsets(%dma_start3A_60 : memref<80xi32, #tpu.memory_space<vmem>>) semaphore(%arg8 : memref<!tpu.dma_semaphore, #tpu.memory_space<semaphore_mem>>) {add = true}
        %mul3A_63 = arith.constant 5 : i32
        %mul3A_64 = arith.muli %scan3A_54, %mul3A_63 : i32
        %add3A_65 = arith.constant 1 : i32
        %add3A_66 = arith.addi %mul3A_64, %add3A_65 : i32
        %dma_start3A_67 = arith.constant 0 : i32
        %dma_start3A_68 = tpu.memref_slice %arg6[%add3A_66, %dma_start3A_67] : memref<50x80xi32, #tpu.memory_space<vmem>> -> memref<1x80xi32, #tpu.memory_space<vmem>>
        %dma_start3A_69 = tpu.memref_squeeze %dma_start3A_68 : memref<1x80xi32, #tpu.memory_space<vmem>> -> memref<80xi32, #tpu.memory_space<vmem>>
        %dma_start3A_70 = arith.constant 0 : i32
        %dma_start3A_71 = tpu.memref_slice %arg7[%dma_start3A_70] : memref<10000xf32, #tpu.memory_space<vmem_shared>> -> memref<10000xf32, #tpu.memory_space<vmem_shared>>
        tpu.enqueue_indirect_dma source(%arg5 : memref<80xf32, #tpu.memory_space<vmem>>) target(%dma_start3A_71 : memref<10000xf32, #tpu.memory_space<vmem_shared>>) offsets(%dma_start3A_69 : memref<80xi32, #tpu.memory_space<vmem>>) semaphore(%arg8 : memref<!tpu.dma_semaphore, #tpu.memory_space<semaphore_mem>>) {add = true}
        %mul3A_72 = arith.constant 5 : i32
        %mul3A_73 = arith.muli %scan3A_54, %mul3A_72 : i32
        %add3A_74 = arith.constant 2 : i32
        %add3A_75 = arith.addi %mul3A_73, %add3A_74 : i32
        %dma_start3A_76 = arith.constant 0 : i32
        %dma_start3A_77 = tpu.memref_slice %arg6[%add3A_75, %dma_start3A_76] : memref<50x80xi32, #tpu.memory_space<vmem>> -> memref<1x80xi32, #tpu.memory_space<vmem>>
        %dma_start3A_78 = tpu.memref_squeeze %dma_start3A_77 : memref<1x80xi32, #tpu.memory_space<vmem>> -> memref<80xi32, #tpu.memory_space<vmem>>
        %dma_start3A_79 = arith.constant 0 : i32
        %dma_start3A_80 = tpu.memref_slice %arg7[%dma_start3A_79] : memref<10000xf32, #tpu.memory_space<vmem_shared>> -> memref<10000xf32, #tpu.memory_space<vmem_shared>>
        tpu.enqueue_indirect_dma source(%arg5 : memref<80xf32, #tpu.memory_space<vmem>>) target(%dma_start3A_80 : memref<10000xf32, #tpu.memory_space<vmem_shared>>) offsets(%dma_start3A_78 : memref<80xi32, #tpu.memory_space<vmem>>) semaphore(%arg8 : memref<!tpu.dma_semaphore, #tpu.memory_space<semaphore_mem>>) {add = true}
        %mul3A_81 = arith.constant 5 : i32
        %mul3A_82 = arith.muli %scan3A_54, %mul3A_81 : i32
        %add3A_83 = arith.constant 3 : i32
        %add3A_84 = arith.addi %mul3A_82, %add3A_83 : i32
        %dma_start3A_85 = arith.constant 0 : i32
        %dma_start3A_86 = tpu.memref_slice %arg6[%add3A_84, %dma_start3A_85] : memref<50x80xi32, #tpu.memory_space<vmem>> -> memref<1x80xi32, #tpu.memory_space<vmem>>
        %dma_start3A_87 = tpu.memref_squeeze %dma_start3A_86 : memref<1x80xi32, #tpu.memory_space<vmem>> -> memref<80xi32, #tpu.memory_space<vmem>>
        %dma_start3A_88 = arith.constant 0 : i32
        %dma_start3A_89 = tpu.memref_slice %arg7[%dma_start3A_88] : memref<10000xf32, #tpu.memory_space<vmem_shared>> -> memref<10000xf32, #tpu.memory_space<vmem_shared>>
        tpu.enqueue_indirect_dma source(%arg5 : memref<80xf32, #tpu.memory_space<vmem>>) target(%dma_start3A_89 : memref<10000xf32, #tpu.memory_space<vmem_shared>>) offsets(%dma_start3A_87 : memref<80xi32, #tpu.memory_space<vmem>>) semaphore(%arg8 : memref<!tpu.dma_semaphore, #tpu.memory_space<semaphore_mem>>) {add = true}
        %mul3A_90 = arith.constant 5 : i32
        %mul3A_91 = arith.muli %scan3A_54, %mul3A_90 : i32
        %add3A_92 = arith.constant 4 : i32
        %add3A_93 = arith.addi %mul3A_91, %add3A_92 : i32
        %dma_start3A_94 = arith.constant 0 : i32
        %dma_start3A_95 = tpu.memref_slice %arg6[%add3A_93, %dma_start3A_94] : memref<50x80xi32, #tpu.memory_space<vmem>> -> memref<1x80xi32, #tpu.memory_space<vmem>>
        %dma_start3A_96 = tpu.memref_squeeze %dma_start3A_95 : memref<1x80xi32, #tpu.memory_space<vmem>> -> memref<80xi32, #tpu.memory_space<vmem>>
        %dma_start3A_97 = arith.constant 0 : i32
        %dma_start3A_98 = tpu.memref_slice %arg7[%dma_start3A_97] : memref<10000xf32, #tpu.memory_space<vmem_shared>> -> memref<10000xf32, #tpu.memory_space<vmem_shared>>
        tpu.enqueue_indirect_dma source(%arg5 : memref<80xf32, #tpu.memory_space<vmem>>) target(%dma_start3A_98 : memref<10000xf32, #tpu.memory_space<vmem_shared>>) offsets(%dma_start3A_96 : memref<80xi32, #tpu.memory_space<vmem>>) semaphore(%arg8 : memref<!tpu.dma_semaphore, #tpu.memory_space<semaphore_mem>>) {add = true}
        %dma_wait3A = arith.constant 0 : i32
        %dma_wait3A_99 = tpu.memref_slice %arg6[%add3A_58, %dma_wait3A] : memref<50x80xi32, #tpu.memory_space<vmem>> -> memref<1x80xi32, #tpu.memory_space<vmem>>
        %dma_wait3A_100 = tpu.memref_squeeze %dma_wait3A_99 : memref<1x80xi32, #tpu.memory_space<vmem>> -> memref<80xi32, #tpu.memory_space<vmem>>
        %dma_wait3A_101 = arith.constant 0 : i32
        %dma_wait3A_102 = tpu.memref_slice %arg7[%dma_wait3A_101] : memref<10000xf32, #tpu.memory_space<vmem_shared>> -> memref<10000xf32, #tpu.memory_space<vmem_shared>>
        tpu.wait_indirect_dma semaphore(%arg8 : memref<!tpu.dma_semaphore, #tpu.memory_space<semaphore_mem>>) src(%arg5 : memref<80xf32, #tpu.memory_space<vmem>>) dst(%dma_wait3A_102 : memref<10000xf32, #tpu.memory_space<vmem_shared>>)
        %dma_wait3A_103 = arith.constant 0 : i32
        %dma_wait3A_104 = tpu.memref_slice %arg6[%add3A_66, %dma_wait3A_103] : memref<50x80xi32, #tpu.memory_space<vmem>> -> memref<1x80xi32, #tpu.memory_space<vmem>>
        %dma_wait3A_105 = tpu.memref_squeeze %dma_wait3A_104 : memref<1x80xi32, #tpu.memory_space<vmem>> -> memref<80xi32, #tpu.memory_space<vmem>>
        %dma_wait3A_106 = arith.constant 0 : i32
        %dma_wait3A_107 = tpu.memref_slice %arg7[%dma_wait3A_106] : memref<10000xf32, #tpu.memory_space<vmem_shared>> -> memref<10000xf32, #tpu.memory_space<vmem_shared>>
        tpu.wait_indirect_dma semaphore(%arg8 : memref<!tpu.dma_semaphore, #tpu.memory_space<semaphore_mem>>) src(%arg5 : memref<80xf32, #tpu.memory_space<vmem>>) dst(%dma_wait3A_107 : memref<10000xf32, #tpu.memory_space<vmem_shared>>)
        %dma_wait3A_108 = arith.constant 0 : i32
        %dma_wait3A_109 = tpu.memref_slice %arg6[%add3A_75, %dma_wait3A_108] : memref<50x80xi32, #tpu.memory_space<vmem>> -> memref<1x80xi32, #tpu.memory_space<vmem>>
        %dma_wait3A_110 = tpu.memref_squeeze %dma_wait3A_109 : memref<1x80xi32, #tpu.memory_space<vmem>> -> memref<80xi32, #tpu.memory_space<vmem>>
        %dma_wait3A_111 = arith.constant 0 : i32
        %dma_wait3A_112 = tpu.memref_slice %arg7[%dma_wait3A_111] : memref<10000xf32, #tpu.memory_space<vmem_shared>> -> memref<10000xf32, #tpu.memory_space<vmem_shared>>
        tpu.wait_indirect_dma semaphore(%arg8 : memref<!tpu.dma_semaphore, #tpu.memory_space<semaphore_mem>>) src(%arg5 : memref<80xf32, #tpu.memory_space<vmem>>) dst(%dma_wait3A_112 : memref<10000xf32, #tpu.memory_space<vmem_shared>>)
        %dma_wait3A_113 = arith.constant 0 : i32
        %dma_wait3A_114 = tpu.memref_slice %arg6[%add3A_84, %dma_wait3A_113] : memref<50x80xi32, #tpu.memory_space<vmem>> -> memref<1x80xi32, #tpu.memory_space<vmem>>
        %dma_wait3A_115 = tpu.memref_squeeze %dma_wait3A_114 : memref<1x80xi32, #tpu.memory_space<vmem>> -> memref<80xi32, #tpu.memory_space<vmem>>
        %dma_wait3A_116 = arith.constant 0 : i32
        %dma_wait3A_117 = tpu.memref_slice %arg7[%dma_wait3A_116] : memref<10000xf32, #tpu.memory_space<vmem_shared>> -> memref<10000xf32, #tpu.memory_space<vmem_shared>>
        tpu.wait_indirect_dma semaphore(%arg8 : memref<!tpu.dma_semaphore, #tpu.memory_space<semaphore_mem>>) src(%arg5 : memref<80xf32, #tpu.memory_space<vmem>>) dst(%dma_wait3A_117 : memref<10000xf32, #tpu.memory_space<vmem_shared>>)
        %dma_wait3A_118 = arith.constant 0 : i32
        %dma_wait3A_119 = tpu.memref_slice %arg6[%add3A_93, %dma_wait3A_118] : memref<50x80xi32, #tpu.memory_space<vmem>> -> memref<1x80xi32, #tpu.memory_space<vmem>>
        %dma_wait3A_120 = tpu.memref_squeeze %dma_wait3A_119 : memref<1x80xi32, #tpu.memory_space<vmem>> -> memref<80xi32, #tpu.memory_space<vmem>>
        %dma_wait3A_121 = arith.constant 0 : i32
        %dma_wait3A_122 = tpu.memref_slice %arg7[%dma_wait3A_121] : memref<10000xf32, #tpu.memory_space<vmem_shared>> -> memref<10000xf32, #tpu.memory_space<vmem_shared>>
        tpu.wait_indirect_dma semaphore(%arg8 : memref<!tpu.dma_semaphore, #tpu.memory_space<semaphore_mem>>) src(%arg5 : memref<80xf32, #tpu.memory_space<vmem>>) dst(%dma_wait3A_122 : memref<10000xf32, #tpu.memory_space<vmem_shared>>)
      }
      %scan3A_53 = arith.constant 10 : i32
    }
    %scan3A_37 = arith.constant 5 : i32
    %barrier3A_38 = arith.constant 0 : index
    tpu.barrier barrier_id(%barrier3A_38)
    %eq3A_39 = arith.constant 0 : i32
    %eq3A_40 = arith.cmpi eq, %arg1, %eq3A_39 : i32
    %convert_element_type3A_41 = arith.extui %eq3A_40 : i1 to i32
    %cond3A_42 = arith.constant 0 : i32
    %cond3A_43 = arith.cmpi ne, %convert_element_type3A_41, %cond3A_42 : i32
    scf.if %cond3A_43 {
      "tpu.region"() ({
        %run_scoped3A = tpu.sem_alloc : memref<!tpu.dma_semaphore, #tpu.memory_space<semaphore_mem>>
        %dma_start3A = arith.constant 0 : i32
        %dma_start3A_44 = tpu.memref_slice %arg3[%arg0, %dma_start3A] : memref<2x10000xf32, #tpu.memory_space<hbm>> -> memref<1x10000xf32, #tpu.memory_space<hbm>>
        %dma_start3A_45 = tpu.memref_squeeze %dma_start3A_44 : memref<1x10000xf32, #tpu.memory_space<hbm>> -> memref<10000xf32, #tpu.memory_space<hbm>>
        tpu.enqueue_dma source(%arg7 : memref<10000xf32, #tpu.memory_space<vmem_shared>>) target(%dma_start3A_45 : memref<10000xf32, #tpu.memory_space<hbm>>) target_semaphore(%run_scoped3A : memref<!tpu.dma_semaphore, #tpu.memory_space<semaphore_mem>>)
        %dma_wait3A = arith.constant 0 : i32
        %dma_wait3A_46 = tpu.memref_slice %arg3[%arg0, %dma_wait3A] : memref<2x10000xf32, #tpu.memory_space<hbm>> -> memref<1x10000xf32, #tpu.memory_space<hbm>>
        %dma_wait3A_47 = tpu.memref_squeeze %dma_wait3A_46 : memref<1x10000xf32, #tpu.memory_space<hbm>> -> memref<10000xf32, #tpu.memory_space<hbm>>
        tpu.wait_dma2 semaphore(%run_scoped3A : memref<!tpu.dma_semaphore, #tpu.memory_space<semaphore_mem>>) src(%arg7 : memref<10000xf32, #tpu.memory_space<vmem_shared>>) dst(%dma_wait3A_47 : memref<10000xf32, #tpu.memory_space<hbm>>)
        tpu.yield
      }) : () -> ()
    } else {
    }
    return
  }
}

#map = affine_map<(d0, d1) -> (0, 0)>
#map1 = affine_map<(d0, d1) -> (0, 0, 0)>
module attributes {stable_mosaic.version = 14 : i64} {
  func.func @_agg256_body(%arg0: i32, %arg1: i32, %arg2: memref<10000x64xi32, #tpu.memory_space<hbm>>, %arg3: memref<10000x64xi32, #tpu.memory_space<hbm>>, %arg4: memref<10000x128xf32, #tpu.memory_space<hbm>>, %arg5: memref<10000x128xf32, #tpu.memory_space<hbm>>, %arg6: memref<2x10000x128xf32, #tpu.memory_space<hbm>>, %arg7: memref<125x64xi32, #tpu.memory_space<vmem>>, %arg8: memref<125x64xi32, #tpu.memory_space<vmem>>, %arg9: memref<4x64x128xf32, #tpu.memory_space<vmem>>, %arg10: memref<10000x128xf32, #tpu.memory_space<vmem_shared>>, %arg11: memref<!tpu.dma_semaphore, #tpu.memory_space<semaphore_mem>>, %arg12: memref<!tpu.dma_semaphore, #tpu.memory_space<semaphore_mem>>, %arg13: memref<!tpu.dma_semaphore, #tpu.memory_space<semaphore_mem>>, %arg14: memref<!tpu.dma_semaphore, #tpu.memory_space<semaphore_mem>>, %arg15: memref<!tpu.dma_semaphore, #tpu.memory_space<semaphore_mem>>, %arg16: memref<!tpu.dma_semaphore, #tpu.memory_space<semaphore_mem>>, %arg17: memref<!tpu.dma_semaphore, #tpu.memory_space<semaphore_mem>>, %arg18: memref<!tpu.dma_semaphore, #tpu.memory_space<semaphore_mem>>) attributes {dimension_semantics = [#tpu.dimension_semantics<core_parallel>, #tpu.dimension_semantics<subcore_parallel>], iteration_bounds = array<i64: 2, 16>, scalar_prefetch = 0 : i64, scratch_operands = 12 : i64, tpu.core_type = #tpu.core_type<sc_vector_subcore>, window_params = [{transform_indices = #map}, {transform_indices = #map}, {transform_indices = #map}, {transform_indices = #map}, {transform_indices = #map1}]} {
    %eq3A = arith.constant 0 : i32
    %eq3A_0 = arith.cmpi eq, %arg0, %eq3A : i32
    %convert_element_type3A = arith.extui %eq3A_0 : i1 to i32
    %cond3A = arith.constant 0 : i32
    %cond3A_1 = arith.cmpi ne, %convert_element_type3A, %cond3A : i32
    scf.if %cond3A_1 {
      %eq3A_7 = arith.constant 0 : i32
      %eq3A_8 = arith.cmpi eq, %arg1, %eq3A_7 : i32
      %convert_element_type3A_9 = arith.extui %eq3A_8 : i1 to i32
      %cond3A_10 = arith.constant 0 : i32
      %cond3A_11 = arith.cmpi ne, %convert_element_type3A_9, %cond3A_10 : i32
      scf.if %cond3A_11 {
        "tpu.region"() ({
          %run_scoped3A = tpu.sem_alloc : memref<!tpu.dma_semaphore, #tpu.memory_space<semaphore_mem>>
          tpu.enqueue_dma source(%arg4 : memref<10000x128xf32, #tpu.memory_space<hbm>>) target(%arg10 : memref<10000x128xf32, #tpu.memory_space<vmem_shared>>) target_semaphore(%run_scoped3A : memref<!tpu.dma_semaphore, #tpu.memory_space<semaphore_mem>>)
          tpu.wait_dma2 semaphore(%run_scoped3A : memref<!tpu.dma_semaphore, #tpu.memory_space<semaphore_mem>>) src(%arg4 : memref<10000x128xf32, #tpu.memory_space<hbm>>) dst(%arg10 : memref<10000x128xf32, #tpu.memory_space<vmem_shared>>)
          tpu.yield
        }) : () -> ()
      } else {
      }
      %barrier3A = arith.constant 0 : index
      tpu.barrier barrier_id(%barrier3A)
      %mul3A = arith.constant 625 : i32
      %mul3A_12 = arith.muli %arg1, %mul3A : i32
      %scan3A = arith.constant 0 : i32
      %scan3A_13 = arith.constant 0 : i32
      %scan3A_14 = arith.constant 5 : i32
      %scan3A_15 = arith.addi %scan3A_13, %scan3A_14 : i32
      %scan3A_16 = arith.constant 1 : i32
      scf.for %scan3A_24 = %scan3A_13 to %scan3A_15 step %scan3A_16  : i32 {
        %mul3A_25 = arith.constant 125 : i32
        %mul3A_26 = arith.muli %scan3A_24, %mul3A_25 : i32
        %add3A = arith.addi %mul3A_12, %mul3A_26 : i32
        "tpu.region"() ({
          %run_scoped3A = tpu.sem_alloc : memref<!tpu.dma_semaphore, #tpu.memory_space<semaphore_mem>>
          %dma_start3A_151 = arith.constant 0 : i32
          %dma_start3A_152 = tpu.memref_slice %arg2[%add3A, %dma_start3A_151] : memref<10000x64xi32, #tpu.memory_space<hbm>> -> memref<125x64xi32, #tpu.memory_space<hbm>>
          %dma_start3A_153 = arith.constant 0 : i32
          %dma_start3A_154 = tpu.memref_slice %arg2[%add3A, %dma_start3A_153] : memref<10000x64xi32, #tpu.memory_space<hbm>> -> memref<125x64xi32, #tpu.memory_space<hbm>>
          tpu.enqueue_dma source(%dma_start3A_154 : memref<125x64xi32, #tpu.memory_space<hbm>>) target(%arg7 : memref<125x64xi32, #tpu.memory_space<vmem>>) target_semaphore(%run_scoped3A : memref<!tpu.dma_semaphore, #tpu.memory_space<semaphore_mem>>)
          %dma_wait3A_155 = arith.constant 0 : i32
          %dma_wait3A_156 = tpu.memref_slice %arg2[%add3A, %dma_wait3A_155] : memref<10000x64xi32, #tpu.memory_space<hbm>> -> memref<125x64xi32, #tpu.memory_space<hbm>>
          %dma_wait3A_157 = arith.constant 0 : i32
          %dma_wait3A_158 = tpu.memref_slice %arg2[%add3A, %dma_wait3A_157] : memref<10000x64xi32, #tpu.memory_space<hbm>> -> memref<125x64xi32, #tpu.memory_space<hbm>>
          tpu.wait_dma2 semaphore(%run_scoped3A : memref<!tpu.dma_semaphore, #tpu.memory_space<semaphore_mem>>) src(%dma_wait3A_158 : memref<125x64xi32, #tpu.memory_space<hbm>>) dst(%arg7 : memref<125x64xi32, #tpu.memory_space<vmem>>)
          tpu.yield
        }) : () -> ()
        "tpu.region"() ({
          %run_scoped3A = tpu.sem_alloc : memref<!tpu.dma_semaphore, #tpu.memory_space<semaphore_mem>>
          %dma_start3A_151 = arith.constant 0 : i32
          %dma_start3A_152 = tpu.memref_slice %arg3[%add3A, %dma_start3A_151] : memref<10000x64xi32, #tpu.memory_space<hbm>> -> memref<125x64xi32, #tpu.memory_space<hbm>>
          %dma_start3A_153 = arith.constant 0 : i32
          %dma_start3A_154 = tpu.memref_slice %arg3[%add3A, %dma_start3A_153] : memref<10000x64xi32, #tpu.memory_space<hbm>> -> memref<125x64xi32, #tpu.memory_space<hbm>>
          tpu.enqueue_dma source(%dma_start3A_154 : memref<125x64xi32, #tpu.memory_space<hbm>>) target(%arg8 : memref<125x64xi32, #tpu.memory_space<vmem>>) target_semaphore(%run_scoped3A : memref<!tpu.dma_semaphore, #tpu.memory_space<semaphore_mem>>)
          %dma_wait3A_155 = arith.constant 0 : i32
          %dma_wait3A_156 = tpu.memref_slice %arg3[%add3A, %dma_wait3A_155] : memref<10000x64xi32, #tpu.memory_space<hbm>> -> memref<125x64xi32, #tpu.memory_space<hbm>>
          %dma_wait3A_157 = arith.constant 0 : i32
          %dma_wait3A_158 = tpu.memref_slice %arg3[%add3A, %dma_wait3A_157] : memref<10000x64xi32, #tpu.memory_space<hbm>> -> memref<125x64xi32, #tpu.memory_space<hbm>>
          tpu.wait_dma2 semaphore(%run_scoped3A : memref<!tpu.dma_semaphore, #tpu.memory_space<semaphore_mem>>) src(%dma_wait3A_158 : memref<125x64xi32, #tpu.memory_space<hbm>>) dst(%arg8 : memref<125x64xi32, #tpu.memory_space<vmem>>)
          tpu.yield
        }) : () -> ()
        %dma_start3A = arith.constant 0 : i32
        %dma_start3A_27 = arith.constant 0 : i32
        %dma_start3A_28 = arith.constant 0 : i32
        %dma_start3A_29 = arith.constant 0 : i32
        %dma_start3A_30 = tpu.memref_slice %arg9[%dma_start3A_27, %dma_start3A_28, %dma_start3A_29] : memref<4x64x128xf32, #tpu.memory_space<vmem>> -> memref<1x64x128xf32, #tpu.memory_space<vmem>>
        %dma_start3A_31 = tpu.memref_squeeze %dma_start3A_30 : memref<1x64x128xf32, #tpu.memory_space<vmem>> -> memref<64x128xf32, #tpu.memory_space<vmem>>
        %dma_start3A_32 = arith.constant 0 : i32
        %dma_start3A_33 = tpu.memref_slice %arg7[%dma_start3A, %dma_start3A_32] : memref<125x64xi32, #tpu.memory_space<vmem>> -> memref<1x64xi32, #tpu.memory_space<vmem>>
        %dma_start3A_34 = tpu.memref_squeeze %dma_start3A_33 : memref<1x64xi32, #tpu.memory_space<vmem>> -> memref<64xi32, #tpu.memory_space<vmem>>
        %dma_start3A_35 = arith.constant 0 : i32
        %dma_start3A_36 = arith.constant 0 : i32
        %dma_start3A_37 = tpu.memref_slice %arg4[%dma_start3A_35, %dma_start3A_36] : memref<10000x128xf32, #tpu.memory_space<hbm>> -> memref<10000x128xf32, #tpu.memory_space<hbm>>
        tpu.enqueue_indirect_dma source(%dma_start3A_37 : memref<10000x128xf32, #tpu.memory_space<hbm>>) target(%dma_start3A_31 : memref<64x128xf32, #tpu.memory_space<vmem>>) offsets(%dma_start3A_34 : memref<64xi32, #tpu.memory_space<vmem>>) semaphore(%arg11 : memref<!tpu.dma_semaphore, #tpu.memory_space<semaphore_mem>>)
        %dma_start3A_38 = arith.constant 1 : i32
        %dma_start3A_39 = arith.constant 1 : i32
        %dma_start3A_40 = arith.constant 0 : i32
        %dma_start3A_41 = arith.constant 0 : i32
        %dma_start3A_42 = tpu.memref_slice %arg9[%dma_start3A_39, %dma_start3A_40, %dma_start3A_41] : memref<4x64x128xf32, #tpu.memory_space<vmem>> -> memref<1x64x128xf32, #tpu.memory_space<vmem>>
        %dma_start3A_43 = tpu.memref_squeeze %dma_start3A_42 : memref<1x64x128xf32, #tpu.memory_space<vmem>> -> memref<64x128xf32, #tpu.memory_space<vmem>>
        %dma_start3A_44 = arith.constant 0 : i32
        %dma_start3A_45 = tpu.memref_slice %arg7[%dma_start3A_38, %dma_start3A_44] : memref<125x64xi32, #tpu.memory_space<vmem>> -> memref<1x64xi32, #tpu.memory_space<vmem>>
        %dma_start3A_46 = tpu.memref_squeeze %dma_start3A_45 : memref<1x64xi32, #tpu.memory_space<vmem>> -> memref<64xi32, #tpu.memory_space<vmem>>
        %dma_start3A_47 = arith.constant 0 : i32
        %dma_start3A_48 = arith.constant 0 : i32
        %dma_start3A_49 = tpu.memref_slice %arg4[%dma_start3A_47, %dma_start3A_48] : memref<10000x128xf32, #tpu.memory_space<hbm>> -> memref<10000x128xf32, #tpu.memory_space<hbm>>
        tpu.enqueue_indirect_dma source(%dma_start3A_49 : memref<10000x128xf32, #tpu.memory_space<hbm>>) target(%dma_start3A_43 : memref<64x128xf32, #tpu.memory_space<vmem>>) offsets(%dma_start3A_46 : memref<64xi32, #tpu.memory_space<vmem>>) semaphore(%arg12 : memref<!tpu.dma_semaphore, #tpu.memory_space<semaphore_mem>>)
        %scan3A_50 = arith.constant 0 : i32
        %scan3A_51 = arith.constant 0 : i32
        %scan3A_52 = arith.constant 31 : i32
        %scan3A_53 = arith.addi %scan3A_51, %scan3A_52 : i32
        %scan3A_54 = arith.constant 1 : i32
        scf.for %scan3A_151 = %scan3A_51 to %scan3A_53 step %scan3A_54  : i32 {
          %mul3A_152 = arith.constant 4 : i32
          %mul3A_153 = arith.muli %scan3A_151, %mul3A_152 : i32
          %add3A_154 = arith.constant 0 : i32
          %add3A_155 = arith.addi %mul3A_153, %add3A_154 : i32
          %ge3A = arith.constant 2 : i32
          %ge3A_156 = arith.cmpi sge, %add3A_155, %ge3A : i32
          %add3A_157 = arith.constant 2 : i32
          %add3A_158 = arith.addi %add3A_155, %add3A_157 : i32
          %lt3A = arith.constant 124 : i32
          %lt3A_159 = arith.cmpi slt, %add3A_158, %lt3A : i32
          %and3A = arith.andi %ge3A_156, %lt3A_159 : i1
          %convert_element_type3A_160 = arith.extui %and3A : i1 to i32
          %cond3A_161 = arith.constant 0 : i32
          %cond3A_162 = arith.cmpi ne, %convert_element_type3A_160, %cond3A_161 : i32
          scf.if %cond3A_162 {
            %sub3A = arith.constant 2 : i32
            %sub3A_321 = arith.subi %add3A_155, %sub3A : i32
            %dma_wait3A_322 = arith.constant 2 : i32
            %dma_wait3A_323 = arith.constant 0 : i32
            %dma_wait3A_324 = arith.constant 0 : i32
            %dma_wait3A_325 = tpu.memref_slice %arg9[%dma_wait3A_322, %dma_wait3A_323, %dma_wait3A_324] : memref<4x64x128xf32, #tpu.memory_space<vmem>> -> memref<1x64x128xf32, #tpu.memory_space<vmem>>
            %dma_wait3A_326 = tpu.memref_squeeze %dma_wait3A_325 : memref<1x64x128xf32, #tpu.memory_space<vmem>> -> memref<64x128xf32, #tpu.memory_space<vmem>>
            %dma_wait3A_327 = arith.constant 0 : i32
            %dma_wait3A_328 = tpu.memref_slice %arg8[%sub3A_321, %dma_wait3A_327] : memref<125x64xi32, #tpu.memory_space<vmem>> -> memref<1x64xi32, #tpu.memory_space<vmem>>
            %dma_wait3A_329 = tpu.memref_squeeze %dma_wait3A_328 : memref<1x64xi32, #tpu.memory_space<vmem>> -> memref<64xi32, #tpu.memory_space<vmem>>
            %dma_wait3A_330 = arith.constant 0 : i32
            %dma_wait3A_331 = arith.constant 0 : i32
            %dma_wait3A_332 = tpu.memref_slice %arg10[%dma_wait3A_330, %dma_wait3A_331] : memref<10000x128xf32, #tpu.memory_space<vmem_shared>> -> memref<10000x128xf32, #tpu.memory_space<vmem_shared>>
            tpu.wait_indirect_dma semaphore(%arg17 : memref<!tpu.dma_semaphore, #tpu.memory_space<semaphore_mem>>) src(%dma_wait3A_326 : memref<64x128xf32, #tpu.memory_space<vmem>>) dst(%dma_wait3A_332 : memref<10000x128xf32, #tpu.memory_space<vmem_shared>>)
          } else {
          }
          %add3A_163 = arith.constant 2 : i32
          %add3A_164 = arith.addi %add3A_155, %add3A_163 : i32
          %lt3A_165 = arith.constant 124 : i32
          %lt3A_166 = arith.cmpi slt, %add3A_164, %lt3A_165 : i32
          %convert_element_type3A_167 = arith.extui %lt3A_166 : i1 to i32
          %cond3A_168 = arith.constant 0 : i32
          %cond3A_169 = arith.cmpi ne, %convert_element_type3A_167, %cond3A_168 : i32
          scf.if %cond3A_169 {
            %add3A_321 = arith.constant 2 : i32
            %add3A_322 = arith.addi %add3A_155, %add3A_321 : i32
            %dma_start3A_323 = arith.constant 2 : i32
            %dma_start3A_324 = arith.constant 0 : i32
            %dma_start3A_325 = arith.constant 0 : i32
            %dma_start3A_326 = tpu.memref_slice %arg9[%dma_start3A_323, %dma_start3A_324, %dma_start3A_325] : memref<4x64x128xf32, #tpu.memory_space<vmem>> -> memref<1x64x128xf32, #tpu.memory_space<vmem>>
            %dma_start3A_327 = tpu.memref_squeeze %dma_start3A_326 : memref<1x64x128xf32, #tpu.memory_space<vmem>> -> memref<64x128xf32, #tpu.memory_space<vmem>>
            %dma_start3A_328 = arith.constant 0 : i32
            %dma_start3A_329 = tpu.memref_slice %arg7[%add3A_322, %dma_start3A_328] : memref<125x64xi32, #tpu.memory_space<vmem>> -> memref<1x64xi32, #tpu.memory_space<vmem>>
            %dma_start3A_330 = tpu.memref_squeeze %dma_start3A_329 : memref<1x64xi32, #tpu.memory_space<vmem>> -> memref<64xi32, #tpu.memory_space<vmem>>
            %dma_start3A_331 = arith.constant 0 : i32
            %dma_start3A_332 = arith.constant 0 : i32
            %dma_start3A_333 = tpu.memref_slice %arg4[%dma_start3A_331, %dma_start3A_332] : memref<10000x128xf32, #tpu.memory_space<hbm>> -> memref<10000x128xf32, #tpu.memory_space<hbm>>
            tpu.enqueue_indirect_dma source(%dma_start3A_333 : memref<10000x128xf32, #tpu.memory_space<hbm>>) target(%dma_start3A_327 : memref<64x128xf32, #tpu.memory_space<vmem>>) offsets(%dma_start3A_330 : memref<64xi32, #tpu.memory_space<vmem>>) semaphore(%arg13 : memref<!tpu.dma_semaphore, #tpu.memory_space<semaphore_mem>>)
          } else {
          }
          %dma_wait3A_170 = arith.constant 0 : i32
          %dma_wait3A_171 = arith.constant 0 : i32
          %dma_wait3A_172 = arith.constant 0 : i32
          %dma_wait3A_173 = tpu.memref_slice %arg9[%dma_wait3A_170, %dma_wait3A_171, %dma_wait3A_172] : memref<4x64x128xf32, #tpu.memory_space<vmem>> -> memref<1x64x128xf32, #tpu.memory_space<vmem>>
          %dma_wait3A_174 = tpu.memref_squeeze %dma_wait3A_173 : memref<1x64x128xf32, #tpu.memory_space<vmem>> -> memref<64x128xf32, #tpu.memory_space<vmem>>
          %dma_wait3A_175 = arith.constant 0 : i32
          %dma_wait3A_176 = tpu.memref_slice %arg7[%add3A_155, %dma_wait3A_175] : memref<125x64xi32, #tpu.memory_space<vmem>> -> memref<1x64xi32, #tpu.memory_space<vmem>>
          %dma_wait3A_177 = tpu.memref_squeeze %dma_wait3A_176 : memref<1x64xi32, #tpu.memory_space<vmem>> -> memref<64xi32, #tpu.memory_space<vmem>>
          %dma_wait3A_178 = arith.constant 0 : i32
          %dma_wait3A_179 = arith.constant 0 : i32
          %dma_wait3A_180 = tpu.memref_slice %arg4[%dma_wait3A_178, %dma_wait3A_179] : memref<10000x128xf32, #tpu.memory_space<hbm>> -> memref<10000x128xf32, #tpu.memory_space<hbm>>
          tpu.wait_indirect_dma semaphore(%arg11 : memref<!tpu.dma_semaphore, #tpu.memory_space<semaphore_mem>>) src(%dma_wait3A_180 : memref<10000x128xf32, #tpu.memory_space<hbm>>) dst(%dma_wait3A_174 : memref<64x128xf32, #tpu.memory_space<vmem>>)
          %dma_start3A_181 = arith.constant 0 : i32
          %dma_start3A_182 = arith.constant 0 : i32
          %dma_start3A_183 = arith.constant 0 : i32
          %dma_start3A_184 = tpu.memref_slice %arg9[%dma_start3A_181, %dma_start3A_182, %dma_start3A_183] : memref<4x64x128xf32, #tpu.memory_space<vmem>> -> memref<1x64x128xf32, #tpu.memory_space<vmem>>
          %dma_start3A_185 = tpu.memref_squeeze %dma_start3A_184 : memref<1x64x128xf32, #tpu.memory_space<vmem>> -> memref<64x128xf32, #tpu.memory_space<vmem>>
          %dma_start3A_186 = arith.constant 0 : i32
          %dma_start3A_187 = tpu.memref_slice %arg8[%add3A_155, %dma_start3A_186] : memref<125x64xi32, #tpu.memory_space<vmem>> -> memref<1x64xi32, #tpu.memory_space<vmem>>
          %dma_start3A_188 = tpu.memref_squeeze %dma_start3A_187 : memref<1x64xi32, #tpu.memory_space<vmem>> -> memref<64xi32, #tpu.memory_space<vmem>>
          %dma_start3A_189 = arith.constant 0 : i32
          %dma_start3A_190 = arith.constant 0 : i32
          %dma_start3A_191 = tpu.memref_slice %arg10[%dma_start3A_189, %dma_start3A_190] : memref<10000x128xf32, #tpu.memory_space<vmem_shared>> -> memref<10000x128xf32, #tpu.memory_space<vmem_shared>>
          tpu.enqueue_indirect_dma source(%dma_start3A_185 : memref<64x128xf32, #tpu.memory_space<vmem>>) target(%dma_start3A_191 : memref<10000x128xf32, #tpu.memory_space<vmem_shared>>) offsets(%dma_start3A_188 : memref<64xi32, #tpu.memory_space<vmem>>) semaphore(%arg15 : memref<!tpu.dma_semaphore, #tpu.memory_space<semaphore_mem>>) {add = true}
          %mul3A_192 = arith.constant 4 : i32
          %mul3A_193 = arith.muli %scan3A_151, %mul3A_192 : i32
          %add3A_194 = arith.constant 1 : i32
          %add3A_195 = arith.addi %mul3A_193, %add3A_194 : i32
          %ge3A_196 = arith.constant 2 : i32
          %ge3A_197 = arith.cmpi sge, %add3A_195, %ge3A_196 : i32
          %add3A_198 = arith.constant 2 : i32
          %add3A_199 = arith.addi %add3A_195, %add3A_198 : i32
          %lt3A_200 = arith.constant 124 : i32
          %lt3A_201 = arith.cmpi slt, %add3A_199, %lt3A_200 : i32
          %and3A_202 = arith.andi %ge3A_197, %lt3A_201 : i1
          %convert_element_type3A_203 = arith.extui %and3A_202 : i1 to i32
          %cond3A_204 = arith.constant 0 : i32
          %cond3A_205 = arith.cmpi ne, %convert_element_type3A_203, %cond3A_204 : i32
          scf.if %cond3A_205 {
            %sub3A = arith.constant 2 : i32
            %sub3A_321 = arith.subi %add3A_195, %sub3A : i32
            %dma_wait3A_322 = arith.constant 3 : i32
            %dma_wait3A_323 = arith.constant 0 : i32
            %dma_wait3A_324 = arith.constant 0 : i32
            %dma_wait3A_325 = tpu.memref_slice %arg9[%dma_wait3A_322, %dma_wait3A_323, %dma_wait3A_324] : memref<4x64x128xf32, #tpu.memory_space<vmem>> -> memref<1x64x128xf32, #tpu.memory_space<vmem>>
            %dma_wait3A_326 = tpu.memref_squeeze %dma_wait3A_325 : memref<1x64x128xf32, #tpu.memory_space<vmem>> -> memref<64x128xf32, #tpu.memory_space<vmem>>
            %dma_wait3A_327 = arith.constant 0 : i32
            %dma_wait3A_328 = tpu.memref_slice %arg8[%sub3A_321, %dma_wait3A_327] : memref<125x64xi32, #tpu.memory_space<vmem>> -> memref<1x64xi32, #tpu.memory_space<vmem>>
            %dma_wait3A_329 = tpu.memref_squeeze %dma_wait3A_328 : memref<1x64xi32, #tpu.memory_space<vmem>> -> memref<64xi32, #tpu.memory_space<vmem>>
            %dma_wait3A_330 = arith.constant 0 : i32
            %dma_wait3A_331 = arith.constant 0 : i32
            %dma_wait3A_332 = tpu.memref_slice %arg10[%dma_wait3A_330, %dma_wait3A_331] : memref<10000x128xf32, #tpu.memory_space<vmem_shared>> -> memref<10000x128xf32, #tpu.memory_space<vmem_shared>>
            tpu.wait_indirect_dma semaphore(%arg18 : memref<!tpu.dma_semaphore, #tpu.memory_space<semaphore_mem>>) src(%dma_wait3A_326 : memref<64x128xf32, #tpu.memory_space<vmem>>) dst(%dma_wait3A_332 : memref<10000x128xf32, #tpu.memory_space<vmem_shared>>)
          } else {
          }
          %add3A_206 = arith.constant 2 : i32
          %add3A_207 = arith.addi %add3A_195, %add3A_206 : i32
          %lt3A_208 = arith.constant 124 : i32
          %lt3A_209 = arith.cmpi slt, %add3A_207, %lt3A_208 : i32
          %convert_element_type3A_210 = arith.extui %lt3A_209 : i1 to i32
          %cond3A_211 = arith.constant 0 : i32
          %cond3A_212 = arith.cmpi ne, %convert_element_type3A_210, %cond3A_211 : i32
          scf.if %cond3A_212 {
            %add3A_321 = arith.constant 2 : i32
            %add3A_322 = arith.addi %add3A_195, %add3A_321 : i32
            %dma_start3A_323 = arith.constant 3 : i32
            %dma_start3A_324 = arith.constant 0 : i32
            %dma_start3A_325 = arith.constant 0 : i32
            %dma_start3A_326 = tpu.memref_slice %arg9[%dma_start3A_323, %dma_start3A_324, %dma_start3A_325] : memref<4x64x128xf32, #tpu.memory_space<vmem>> -> memref<1x64x128xf32, #tpu.memory_space<vmem>>
            %dma_start3A_327 = tpu.memref_squeeze %dma_start3A_326 : memref<1x64x128xf32, #tpu.memory_space<vmem>> -> memref<64x128xf32, #tpu.memory_space<vmem>>
            %dma_start3A_328 = arith.constant 0 : i32
            %dma_start3A_329 = tpu.memref_slice %arg7[%add3A_322, %dma_start3A_328] : memref<125x64xi32, #tpu.memory_space<vmem>> -> memref<1x64xi32, #tpu.memory_space<vmem>>
            %dma_start3A_330 = tpu.memref_squeeze %dma_start3A_329 : memref<1x64xi32, #tpu.memory_space<vmem>> -> memref<64xi32, #tpu.memory_space<vmem>>
            %dma_start3A_331 = arith.constant 0 : i32
            %dma_start3A_332 = arith.constant 0 : i32
            %dma_start3A_333 = tpu.memref_slice %arg4[%dma_start3A_331, %dma_start3A_332] : memref<10000x128xf32, #tpu.memory_space<hbm>> -> memref<10000x128xf32, #tpu.memory_space<hbm>>
            tpu.enqueue_indirect_dma source(%dma_start3A_333 : memref<10000x128xf32, #tpu.memory_space<hbm>>) target(%dma_start3A_327 : memref<64x128xf32, #tpu.memory_space<vmem>>) offsets(%dma_start3A_330 : memref<64xi32, #tpu.memory_space<vmem>>) semaphore(%arg14 : memref<!tpu.dma_semaphore, #tpu.memory_space<semaphore_mem>>)
          } else {
          }
          %dma_wait3A_213 = arith.constant 1 : i32
          %dma_wait3A_214 = arith.constant 0 : i32
          %dma_wait3A_215 = arith.constant 0 : i32
          %dma_wait3A_216 = tpu.memref_slice %arg9[%dma_wait3A_213, %dma_wait3A_214, %dma_wait3A_215] : memref<4x64x128xf32, #tpu.memory_space<vmem>> -> memref<1x64x128xf32, #tpu.memory_space<vmem>>
          %dma_wait3A_217 = tpu.memref_squeeze %dma_wait3A_216 : memref<1x64x128xf32, #tpu.memory_space<vmem>> -> memref<64x128xf32, #tpu.memory_space<vmem>>
          %dma_wait3A_218 = arith.constant 0 : i32
          %dma_wait3A_219 = tpu.memref_slice %arg7[%add3A_195, %dma_wait3A_218] : memref<125x64xi32, #tpu.memory_space<vmem>> -> memref<1x64xi32, #tpu.memory_space<vmem>>
          %dma_wait3A_220 = tpu.memref_squeeze %dma_wait3A_219 : memref<1x64xi32, #tpu.memory_space<vmem>> -> memref<64xi32, #tpu.memory_space<vmem>>
          %dma_wait3A_221 = arith.constant 0 : i32
          %dma_wait3A_222 = arith.constant 0 : i32
          %dma_wait3A_223 = tpu.memref_slice %arg4[%dma_wait3A_221, %dma_wait3A_222] : memref<10000x128xf32, #tpu.memory_space<hbm>> -> memref<10000x128xf32, #tpu.memory_space<hbm>>
          tpu.wait_indirect_dma semaphore(%arg12 : memref<!tpu.dma_semaphore, #tpu.memory_space<semaphore_mem>>) src(%dma_wait3A_223 : memref<10000x128xf32, #tpu.memory_space<hbm>>) dst(%dma_wait3A_217 : memref<64x128xf32, #tpu.memory_space<vmem>>)
          %dma_start3A_224 = arith.constant 1 : i32
          %dma_start3A_225 = arith.constant 0 : i32
          %dma_start3A_226 = arith.constant 0 : i32
          %dma_start3A_227 = tpu.memref_slice %arg9[%dma_start3A_224, %dma_start3A_225, %dma_start3A_226] : memref<4x64x128xf32, #tpu.memory_space<vmem>> -> memref<1x64x128xf32, #tpu.memory_space<vmem>>
          %dma_start3A_228 = tpu.memref_squeeze %dma_start3A_227 : memref<1x64x128xf32, #tpu.memory_space<vmem>> -> memref<64x128xf32, #tpu.memory_space<vmem>>
          %dma_start3A_229 = arith.constant 0 : i32
          %dma_start3A_230 = tpu.memref_slice %arg8[%add3A_195, %dma_start3A_229] : memref<125x64xi32, #tpu.memory_space<vmem>> -> memref<1x64xi32, #tpu.memory_space<vmem>>
          %dma_start3A_231 = tpu.memref_squeeze %dma_start3A_230 : memref<1x64xi32, #tpu.memory_space<vmem>> -> memref<64xi32, #tpu.memory_space<vmem>>
          %dma_start3A_232 = arith.constant 0 : i32
          %dma_start3A_233 = arith.constant 0 : i32
          %dma_start3A_234 = tpu.memref_slice %arg10[%dma_start3A_232, %dma_start3A_233] : memref<10000x128xf32, #tpu.memory_space<vmem_shared>> -> memref<10000x128xf32, #tpu.memory_space<vmem_shared>>
          tpu.enqueue_indirect_dma source(%dma_start3A_228 : memref<64x128xf32, #tpu.memory_space<vmem>>) target(%dma_start3A_234 : memref<10000x128xf32, #tpu.memory_space<vmem_shared>>) offsets(%dma_start3A_231 : memref<64xi32, #tpu.memory_space<vmem>>) semaphore(%arg16 : memref<!tpu.dma_semaphore, #tpu.memory_space<semaphore_mem>>) {add = true}
          %mul3A_235 = arith.constant 4 : i32
          %mul3A_236 = arith.muli %scan3A_151, %mul3A_235 : i32
          %add3A_237 = arith.constant 2 : i32
          %add3A_238 = arith.addi %mul3A_236, %add3A_237 : i32
          %ge3A_239 = arith.constant 2 : i32
          %ge3A_240 = arith.cmpi sge, %add3A_238, %ge3A_239 : i32
          %add3A_241 = arith.constant 2 : i32
          %add3A_242 = arith.addi %add3A_238, %add3A_241 : i32
          %lt3A_243 = arith.constant 124 : i32
          %lt3A_244 = arith.cmpi slt, %add3A_242, %lt3A_243 : i32
          %and3A_245 = arith.andi %ge3A_240, %lt3A_244 : i1
          %convert_element_type3A_246 = arith.extui %and3A_245 : i1 to i32
          %cond3A_247 = arith.constant 0 : i32
          %cond3A_248 = arith.cmpi ne, %convert_element_type3A_246, %cond3A_247 : i32
          scf.if %cond3A_248 {
            %sub3A = arith.constant 2 : i32
            %sub3A_321 = arith.subi %add3A_238, %sub3A : i32
            %dma_wait3A_322 = arith.constant 0 : i32
            %dma_wait3A_323 = arith.constant 0 : i32
            %dma_wait3A_324 = arith.constant 0 : i32
            %dma_wait3A_325 = tpu.memref_slice %arg9[%dma_wait3A_322, %dma_wait3A_323, %dma_wait3A_324] : memref<4x64x128xf32, #tpu.memory_space<vmem>> -> memref<1x64x128xf32, #tpu.memory_space<vmem>>
            %dma_wait3A_326 = tpu.memref_squeeze %dma_wait3A_325 : memref<1x64x128xf32, #tpu.memory_space<vmem>> -> memref<64x128xf32, #tpu.memory_space<vmem>>
            %dma_wait3A_327 = arith.constant 0 : i32
            %dma_wait3A_328 = tpu.memref_slice %arg8[%sub3A_321, %dma_wait3A_327] : memref<125x64xi32, #tpu.memory_space<vmem>> -> memref<1x64xi32, #tpu.memory_space<vmem>>
            %dma_wait3A_329 = tpu.memref_squeeze %dma_wait3A_328 : memref<1x64xi32, #tpu.memory_space<vmem>> -> memref<64xi32, #tpu.memory_space<vmem>>
            %dma_wait3A_330 = arith.constant 0 : i32
            %dma_wait3A_331 = arith.constant 0 : i32
            %dma_wait3A_332 = tpu.memref_slice %arg10[%dma_wait3A_330, %dma_wait3A_331] : memref<10000x128xf32, #tpu.memory_space<vmem_shared>> -> memref<10000x128xf32, #tpu.memory_space<vmem_shared>>
            tpu.wait_indirect_dma semaphore(%arg15 : memref<!tpu.dma_semaphore, #tpu.memory_space<semaphore_mem>>) src(%dma_wait3A_326 : memref<64x128xf32, #tpu.memory_space<vmem>>) dst(%dma_wait3A_332 : memref<10000x128xf32, #tpu.memory_space<vmem_shared>>)
          } else {
          }
          %add3A_249 = arith.constant 2 : i32
          %add3A_250 = arith.addi %add3A_238, %add3A_249 : i32
          %lt3A_251 = arith.constant 124 : i32
          %lt3A_252 = arith.cmpi slt, %add3A_250, %lt3A_251 : i32
          %convert_element_type3A_253 = arith.extui %lt3A_252 : i1 to i32
          %cond3A_254 = arith.constant 0 : i32
          %cond3A_255 = arith.cmpi ne, %convert_element_type3A_253, %cond3A_254 : i32
          scf.if %cond3A_255 {
            %add3A_321 = arith.constant 2 : i32
            %add3A_322 = arith.addi %add3A_238, %add3A_321 : i32
            %dma_start3A_323 = arith.constant 0 : i32
            %dma_start3A_324 = arith.constant 0 : i32
            %dma_start3A_325 = arith.constant 0 : i32
            %dma_start3A_326 = tpu.memref_slice %arg9[%dma_start3A_323, %dma_start3A_324, %dma_start3A_325] : memref<4x64x128xf32, #tpu.memory_space<vmem>> -> memref<1x64x128xf32, #tpu.memory_space<vmem>>
            %dma_start3A_327 = tpu.memref_squeeze %dma_start3A_326 : memref<1x64x128xf32, #tpu.memory_space<vmem>> -> memref<64x128xf32, #tpu.memory_space<vmem>>
            %dma_start3A_328 = arith.constant 0 : i32
            %dma_start3A_329 = tpu.memref_slice %arg7[%add3A_322, %dma_start3A_328] : memref<125x64xi32, #tpu.memory_space<vmem>> -> memref<1x64xi32, #tpu.memory_space<vmem>>
            %dma_start3A_330 = tpu.memref_squeeze %dma_start3A_329 : memref<1x64xi32, #tpu.memory_space<vmem>> -> memref<64xi32, #tpu.memory_space<vmem>>
            %dma_start3A_331 = arith.constant 0 : i32
            %dma_start3A_332 = arith.constant 0 : i32
            %dma_start3A_333 = tpu.memref_slice %arg4[%dma_start3A_331, %dma_start3A_332] : memref<10000x128xf32, #tpu.memory_space<hbm>> -> memref<10000x128xf32, #tpu.memory_space<hbm>>
            tpu.enqueue_indirect_dma source(%dma_start3A_333 : memref<10000x128xf32, #tpu.memory_space<hbm>>) target(%dma_start3A_327 : memref<64x128xf32, #tpu.memory_space<vmem>>) offsets(%dma_start3A_330 : memref<64xi32, #tpu.memory_space<vmem>>) semaphore(%arg11 : memref<!tpu.dma_semaphore, #tpu.memory_space<semaphore_mem>>)
          } else {
          }
          %dma_wait3A_256 = arith.constant 2 : i32
          %dma_wait3A_257 = arith.constant 0 : i32
          %dma_wait3A_258 = arith.constant 0 : i32
          %dma_wait3A_259 = tpu.memref_slice %arg9[%dma_wait3A_256, %dma_wait3A_257, %dma_wait3A_258] : memref<4x64x128xf32, #tpu.memory_space<vmem>> -> memref<1x64x128xf32, #tpu.memory_space<vmem>>
          %dma_wait3A_260 = tpu.memref_squeeze %dma_wait3A_259 : memref<1x64x128xf32, #tpu.memory_space<vmem>> -> memref<64x128xf32, #tpu.memory_space<vmem>>
          %dma_wait3A_261 = arith.constant 0 : i32
          %dma_wait3A_262 = tpu.memref_slice %arg7[%add3A_238, %dma_wait3A_261] : memref<125x64xi32, #tpu.memory_space<vmem>> -> memref<1x64xi32, #tpu.memory_space<vmem>>
          %dma_wait3A_263 = tpu.memref_squeeze %dma_wait3A_262 : memref<1x64xi32, #tpu.memory_space<vmem>> -> memref<64xi32, #tpu.memory_space<vmem>>
          %dma_wait3A_264 = arith.constant 0 : i32
          %dma_wait3A_265 = arith.constant 0 : i32
          %dma_wait3A_266 = tpu.memref_slice %arg4[%dma_wait3A_264, %dma_wait3A_265] : memref<10000x128xf32, #tpu.memory_space<hbm>> -> memref<10000x128xf32, #tpu.memory_space<hbm>>
          tpu.wait_indirect_dma semaphore(%arg13 : memref<!tpu.dma_semaphore, #tpu.memory_space<semaphore_mem>>) src(%dma_wait3A_266 : memref<10000x128xf32, #tpu.memory_space<hbm>>) dst(%dma_wait3A_260 : memref<64x128xf32, #tpu.memory_space<vmem>>)
          %dma_start3A_267 = arith.constant 2 : i32
          %dma_start3A_268 = arith.constant 0 : i32
          %dma_start3A_269 = arith.constant 0 : i32
          %dma_start3A_270 = tpu.memref_slice %arg9[%dma_start3A_267, %dma_start3A_268, %dma_start3A_269] : memref<4x64x128xf32, #tpu.memory_space<vmem>> -> memref<1x64x128xf32, #tpu.memory_space<vmem>>
          %dma_start3A_271 = tpu.memref_squeeze %dma_start3A_270 : memref<1x64x128xf32, #tpu.memory_space<vmem>> -> memref<64x128xf32, #tpu.memory_space<vmem>>
          %dma_start3A_272 = arith.constant 0 : i32
          %dma_start3A_273 = tpu.memref_slice %arg8[%add3A_238, %dma_start3A_272] : memref<125x64xi32, #tpu.memory_space<vmem>> -> memref<1x64xi32, #tpu.memory_space<vmem>>
          %dma_start3A_274 = tpu.memref_squeeze %dma_start3A_273 : memref<1x64xi32, #tpu.memory_space<vmem>> -> memref<64xi32, #tpu.memory_space<vmem>>
          %dma_start3A_275 = arith.constant 0 : i32
          %dma_start3A_276 = arith.constant 0 : i32
          %dma_start3A_277 = tpu.memref_slice %arg10[%dma_start3A_275, %dma_start3A_276] : memref<10000x128xf32, #tpu.memory_space<vmem_shared>> -> memref<10000x128xf32, #tpu.memory_space<vmem_shared>>
          tpu.enqueue_indirect_dma source(%dma_start3A_271 : memref<64x128xf32, #tpu.memory_space<vmem>>) target(%dma_start3A_277 : memref<10000x128xf32, #tpu.memory_space<vmem_shared>>) offsets(%dma_start3A_274 : memref<64xi32, #tpu.memory_space<vmem>>) semaphore(%arg17 : memref<!tpu.dma_semaphore, #tpu.memory_space<semaphore_mem>>) {add = true}
          %mul3A_278 = arith.constant 4 : i32
          %mul3A_279 = arith.muli %scan3A_151, %mul3A_278 : i32
          %add3A_280 = arith.constant 3 : i32
          %add3A_281 = arith.addi %mul3A_279, %add3A_280 : i32
          %ge3A_282 = arith.constant 2 : i32
          %ge3A_283 = arith.cmpi sge, %add3A_281, %ge3A_282 : i32
          %add3A_284 = arith.constant 2 : i32
          %add3A_285 = arith.addi %add3A_281, %add3A_284 : i32
          %lt3A_286 = arith.constant 124 : i32
          %lt3A_287 = arith.cmpi slt, %add3A_285, %lt3A_286 : i32
          %and3A_288 = arith.andi %ge3A_283, %lt3A_287 : i1
          %convert_element_type3A_289 = arith.extui %and3A_288 : i1 to i32
          %cond3A_290 = arith.constant 0 : i32
          %cond3A_291 = arith.cmpi ne, %convert_element_type3A_289, %cond3A_290 : i32
          scf.if %cond3A_291 {
            %sub3A = arith.constant 2 : i32
            %sub3A_321 = arith.subi %add3A_281, %sub3A : i32
            %dma_wait3A_322 = arith.constant 1 : i32
            %dma_wait3A_323 = arith.constant 0 : i32
            %dma_wait3A_324 = arith.constant 0 : i32
            %dma_wait3A_325 = tpu.memref_slice %arg9[%dma_wait3A_322, %dma_wait3A_323, %dma_wait3A_324] : memref<4x64x128xf32, #tpu.memory_space<vmem>> -> memref<1x64x128xf32, #tpu.memory_space<vmem>>
            %dma_wait3A_326 = tpu.memref_squeeze %dma_wait3A_325 : memref<1x64x128xf32, #tpu.memory_space<vmem>> -> memref<64x128xf32, #tpu.memory_space<vmem>>
            %dma_wait3A_327 = arith.constant 0 : i32
            %dma_wait3A_328 = tpu.memref_slice %arg8[%sub3A_321, %dma_wait3A_327] : memref<125x64xi32, #tpu.memory_space<vmem>> -> memref<1x64xi32, #tpu.memory_space<vmem>>
            %dma_wait3A_329 = tpu.memref_squeeze %dma_wait3A_328 : memref<1x64xi32, #tpu.memory_space<vmem>> -> memref<64xi32, #tpu.memory_space<vmem>>
            %dma_wait3A_330 = arith.constant 0 : i32
            %dma_wait3A_331 = arith.constant 0 : i32
            %dma_wait3A_332 = tpu.memref_slice %arg10[%dma_wait3A_330, %dma_wait3A_331] : memref<10000x128xf32, #tpu.memory_space<vmem_shared>> -> memref<10000x128xf32, #tpu.memory_space<vmem_shared>>
            tpu.wait_indirect_dma semaphore(%arg16 : memref<!tpu.dma_semaphore, #tpu.memory_space<semaphore_mem>>) src(%dma_wait3A_326 : memref<64x128xf32, #tpu.memory_space<vmem>>) dst(%dma_wait3A_332 : memref<10000x128xf32, #tpu.memory_space<vmem_shared>>)
          } else {
          }
          %add3A_292 = arith.constant 2 : i32
          %add3A_293 = arith.addi %add3A_281, %add3A_292 : i32
          %lt3A_294 = arith.constant 124 : i32
          %lt3A_295 = arith.cmpi slt, %add3A_293, %lt3A_294 : i32
          %convert_element_type3A_296 = arith.extui %lt3A_295 : i1 to i32
          %cond3A_297 = arith.constant 0 : i32
          %cond3A_298 = arith.cmpi ne, %convert_element_type3A_296, %cond3A_297 : i32
          scf.if %cond3A_298 {
            %add3A_321 = arith.constant 2 : i32
            %add3A_322 = arith.addi %add3A_281, %add3A_321 : i32
            %dma_start3A_323 = arith.constant 1 : i32
            %dma_start3A_324 = arith.constant 0 : i32
            %dma_start3A_325 = arith.constant 0 : i32
            %dma_start3A_326 = tpu.memref_slice %arg9[%dma_start3A_323, %dma_start3A_324, %dma_start3A_325] : memref<4x64x128xf32, #tpu.memory_space<vmem>> -> memref<1x64x128xf32, #tpu.memory_space<vmem>>
            %dma_start3A_327 = tpu.memref_squeeze %dma_start3A_326 : memref<1x64x128xf32, #tpu.memory_space<vmem>> -> memref<64x128xf32, #tpu.memory_space<vmem>>
            %dma_start3A_328 = arith.constant 0 : i32
            %dma_start3A_329 = tpu.memref_slice %arg7[%add3A_322, %dma_start3A_328] : memref<125x64xi32, #tpu.memory_space<vmem>> -> memref<1x64xi32, #tpu.memory_space<vmem>>
            %dma_start3A_330 = tpu.memref_squeeze %dma_start3A_329 : memref<1x64xi32, #tpu.memory_space<vmem>> -> memref<64xi32, #tpu.memory_space<vmem>>
            %dma_start3A_331 = arith.constant 0 : i32
            %dma_start3A_332 = arith.constant 0 : i32
            %dma_start3A_333 = tpu.memref_slice %arg4[%dma_start3A_331, %dma_start3A_332] : memref<10000x128xf32, #tpu.memory_space<hbm>> -> memref<10000x128xf32, #tpu.memory_space<hbm>>
            tpu.enqueue_indirect_dma source(%dma_start3A_333 : memref<10000x128xf32, #tpu.memory_space<hbm>>) target(%dma_start3A_327 : memref<64x128xf32, #tpu.memory_space<vmem>>) offsets(%dma_start3A_330 : memref<64xi32, #tpu.memory_space<vmem>>) semaphore(%arg12 : memref<!tpu.dma_semaphore, #tpu.memory_space<semaphore_mem>>)
          } else {
          }
          %dma_wait3A_299 = arith.constant 3 : i32
          %dma_wait3A_300 = arith.constant 0 : i32
          %dma_wait3A_301 = arith.constant 0 : i32
          %dma_wait3A_302 = tpu.memref_slice %arg9[%dma_wait3A_299, %dma_wait3A_300, %dma_wait3A_301] : memref<4x64x128xf32, #tpu.memory_space<vmem>> -> memref<1x64x128xf32, #tpu.memory_space<vmem>>
          %dma_wait3A_303 = tpu.memref_squeeze %dma_wait3A_302 : memref<1x64x128xf32, #tpu.memory_space<vmem>> -> memref<64x128xf32, #tpu.memory_space<vmem>>
          %dma_wait3A_304 = arith.constant 0 : i32
          %dma_wait3A_305 = tpu.memref_slice %arg7[%add3A_281, %dma_wait3A_304] : memref<125x64xi32, #tpu.memory_space<vmem>> -> memref<1x64xi32, #tpu.memory_space<vmem>>
          %dma_wait3A_306 = tpu.memref_squeeze %dma_wait3A_305 : memref<1x64xi32, #tpu.memory_space<vmem>> -> memref<64xi32, #tpu.memory_space<vmem>>
          %dma_wait3A_307 = arith.constant 0 : i32
          %dma_wait3A_308 = arith.constant 0 : i32
          %dma_wait3A_309 = tpu.memref_slice %arg4[%dma_wait3A_307, %dma_wait3A_308] : memref<10000x128xf32, #tpu.memory_space<hbm>> -> memref<10000x128xf32, #tpu.memory_space<hbm>>
          tpu.wait_indirect_dma semaphore(%arg14 : memref<!tpu.dma_semaphore, #tpu.memory_space<semaphore_mem>>) src(%dma_wait3A_309 : memref<10000x128xf32, #tpu.memory_space<hbm>>) dst(%dma_wait3A_303 : memref<64x128xf32, #tpu.memory_space<vmem>>)
          %dma_start3A_310 = arith.constant 3 : i32
          %dma_start3A_311 = arith.constant 0 : i32
          %dma_start3A_312 = arith.constant 0 : i32
          %dma_start3A_313 = tpu.memref_slice %arg9[%dma_start3A_310, %dma_start3A_311, %dma_start3A_312] : memref<4x64x128xf32, #tpu.memory_space<vmem>> -> memref<1x64x128xf32, #tpu.memory_space<vmem>>
          %dma_start3A_314 = tpu.memref_squeeze %dma_start3A_313 : memref<1x64x128xf32, #tpu.memory_space<vmem>> -> memref<64x128xf32, #tpu.memory_space<vmem>>
          %dma_start3A_315 = arith.constant 0 : i32
          %dma_start3A_316 = tpu.memref_slice %arg8[%add3A_281, %dma_start3A_315] : memref<125x64xi32, #tpu.memory_space<vmem>> -> memref<1x64xi32, #tpu.memory_space<vmem>>
          %dma_start3A_317 = tpu.memref_squeeze %dma_start3A_316 : memref<1x64xi32, #tpu.memory_space<vmem>> -> memref<64xi32, #tpu.memory_space<vmem>>
          %dma_start3A_318 = arith.constant 0 : i32
          %dma_start3A_319 = arith.constant 0 : i32
          %dma_start3A_320 = tpu.memref_slice %arg10[%dma_start3A_318, %dma_start3A_319] : memref<10000x128xf32, #tpu.memory_space<vmem_shared>> -> memref<10000x128xf32, #tpu.memory_space<vmem_shared>>
          tpu.enqueue_indirect_dma source(%dma_start3A_314 : memref<64x128xf32, #tpu.memory_space<vmem>>) target(%dma_start3A_320 : memref<10000x128xf32, #tpu.memory_space<vmem_shared>>) offsets(%dma_start3A_317 : memref<64xi32, #tpu.memory_space<vmem>>) semaphore(%arg18 : memref<!tpu.dma_semaphore, #tpu.memory_space<semaphore_mem>>) {add = true}
        }
        %scan3A_55 = arith.constant 31 : i32
        %dma_wait3A = arith.constant 0 : i32
        %dma_wait3A_56 = arith.constant 120 : i32
        %dma_wait3A_57 = arith.constant 0 : i32
        %dma_wait3A_58 = arith.constant 0 : i32
        %dma_wait3A_59 = tpu.memref_slice %arg9[%dma_wait3A, %dma_wait3A_57, %dma_wait3A_58] : memref<4x64x128xf32, #tpu.memory_space<vmem>> -> memref<1x64x128xf32, #tpu.memory_space<vmem>>
        %dma_wait3A_60 = tpu.memref_squeeze %dma_wait3A_59 : memref<1x64x128xf32, #tpu.memory_space<vmem>> -> memref<64x128xf32, #tpu.memory_space<vmem>>
        %dma_wait3A_61 = arith.constant 0 : i32
        %dma_wait3A_62 = tpu.memref_slice %arg8[%dma_wait3A_56, %dma_wait3A_61] : memref<125x64xi32, #tpu.memory_space<vmem>> -> memref<1x64xi32, #tpu.memory_space<vmem>>
        %dma_wait3A_63 = tpu.memref_squeeze %dma_wait3A_62 : memref<1x64xi32, #tpu.memory_space<vmem>> -> memref<64xi32, #tpu.memory_space<vmem>>
        %dma_wait3A_64 = arith.constant 0 : i32
        %dma_wait3A_65 = arith.constant 0 : i32
        %dma_wait3A_66 = tpu.memref_slice %arg10[%dma_wait3A_64, %dma_wait3A_65] : memref<10000x128xf32, #tpu.memory_space<vmem_shared>> -> memref<10000x128xf32, #tpu.memory_space<vmem_shared>>
        tpu.wait_indirect_dma semaphore(%arg15 : memref<!tpu.dma_semaphore, #tpu.memory_space<semaphore_mem>>) src(%dma_wait3A_60 : memref<64x128xf32, #tpu.memory_space<vmem>>) dst(%dma_wait3A_66 : memref<10000x128xf32, #tpu.memory_space<vmem_shared>>)
        %dma_wait3A_67 = arith.constant 1 : i32
        %dma_wait3A_68 = arith.constant 121 : i32
        %dma_wait3A_69 = arith.constant 0 : i32
        %dma_wait3A_70 = arith.constant 0 : i32
        %dma_wait3A_71 = tpu.memref_slice %arg9[%dma_wait3A_67, %dma_wait3A_69, %dma_wait3A_70] : memref<4x64x128xf32, #tpu.memory_space<vmem>> -> memref<1x64x128xf32, #tpu.memory_space<vmem>>
        %dma_wait3A_72 = tpu.memref_squeeze %dma_wait3A_71 : memref<1x64x128xf32, #tpu.memory_space<vmem>> -> memref<64x128xf32, #tpu.memory_space<vmem>>
        %dma_wait3A_73 = arith.constant 0 : i32
        %dma_wait3A_74 = tpu.memref_slice %arg8[%dma_wait3A_68, %dma_wait3A_73] : memref<125x64xi32, #tpu.memory_space<vmem>> -> memref<1x64xi32, #tpu.memory_space<vmem>>
        %dma_wait3A_75 = tpu.memref_squeeze %dma_wait3A_74 : memref<1x64xi32, #tpu.memory_space<vmem>> -> memref<64xi32, #tpu.memory_space<vmem>>
        %dma_wait3A_76 = arith.constant 0 : i32
        %dma_wait3A_77 = arith.constant 0 : i32
        %dma_wait3A_78 = tpu.memref_slice %arg10[%dma_wait3A_76, %dma_wait3A_77] : memref<10000x128xf32, #tpu.memory_space<vmem_shared>> -> memref<10000x128xf32, #tpu.memory_space<vmem_shared>>
        tpu.wait_indirect_dma semaphore(%arg16 : memref<!tpu.dma_semaphore, #tpu.memory_space<semaphore_mem>>) src(%dma_wait3A_72 : memref<64x128xf32, #tpu.memory_space<vmem>>) dst(%dma_wait3A_78 : memref<10000x128xf32, #tpu.memory_space<vmem_shared>>)
        %dma_wait3A_79 = arith.constant 2 : i32
        %dma_wait3A_80 = arith.constant 122 : i32
        %dma_wait3A_81 = arith.constant 0 : i32
        %dma_wait3A_82 = arith.constant 0 : i32
        %dma_wait3A_83 = tpu.memref_slice %arg9[%dma_wait3A_79, %dma_wait3A_81, %dma_wait3A_82] : memref<4x64x128xf32, #tpu.memory_space<vmem>> -> memref<1x64x128xf32, #tpu.memory_space<vmem>>
        %dma_wait3A_84 = tpu.memref_squeeze %dma_wait3A_83 : memref<1x64x128xf32, #tpu.memory_space<vmem>> -> memref<64x128xf32, #tpu.memory_space<vmem>>
        %dma_wait3A_85 = arith.constant 0 : i32
        %dma_wait3A_86 = tpu.memref_slice %arg8[%dma_wait3A_80, %dma_wait3A_85] : memref<125x64xi32, #tpu.memory_space<vmem>> -> memref<1x64xi32, #tpu.memory_space<vmem>>
        %dma_wait3A_87 = tpu.memref_squeeze %dma_wait3A_86 : memref<1x64xi32, #tpu.memory_space<vmem>> -> memref<64xi32, #tpu.memory_space<vmem>>
        %dma_wait3A_88 = arith.constant 0 : i32
        %dma_wait3A_89 = arith.constant 0 : i32
        %dma_wait3A_90 = tpu.memref_slice %arg10[%dma_wait3A_88, %dma_wait3A_89] : memref<10000x128xf32, #tpu.memory_space<vmem_shared>> -> memref<10000x128xf32, #tpu.memory_space<vmem_shared>>
        tpu.wait_indirect_dma semaphore(%arg17 : memref<!tpu.dma_semaphore, #tpu.memory_space<semaphore_mem>>) src(%dma_wait3A_84 : memref<64x128xf32, #tpu.memory_space<vmem>>) dst(%dma_wait3A_90 : memref<10000x128xf32, #tpu.memory_space<vmem_shared>>)
        %dma_wait3A_91 = arith.constant 3 : i32
        %dma_wait3A_92 = arith.constant 123 : i32
        %dma_wait3A_93 = arith.constant 0 : i32
        %dma_wait3A_94 = arith.constant 0 : i32
        %dma_wait3A_95 = tpu.memref_slice %arg9[%dma_wait3A_91, %dma_wait3A_93, %dma_wait3A_94] : memref<4x64x128xf32, #tpu.memory_space<vmem>> -> memref<1x64x128xf32, #tpu.memory_space<vmem>>
        %dma_wait3A_96 = tpu.memref_squeeze %dma_wait3A_95 : memref<1x64x128xf32, #tpu.memory_space<vmem>> -> memref<64x128xf32, #tpu.memory_space<vmem>>
        %dma_wait3A_97 = arith.constant 0 : i32
        %dma_wait3A_98 = tpu.memref_slice %arg8[%dma_wait3A_92, %dma_wait3A_97] : memref<125x64xi32, #tpu.memory_space<vmem>> -> memref<1x64xi32, #tpu.memory_space<vmem>>
        %dma_wait3A_99 = tpu.memref_squeeze %dma_wait3A_98 : memref<1x64xi32, #tpu.memory_space<vmem>> -> memref<64xi32, #tpu.memory_space<vmem>>
        %dma_wait3A_100 = arith.constant 0 : i32
        %dma_wait3A_101 = arith.constant 0 : i32
        %dma_wait3A_102 = tpu.memref_slice %arg10[%dma_wait3A_100, %dma_wait3A_101] : memref<10000x128xf32, #tpu.memory_space<vmem_shared>> -> memref<10000x128xf32, #tpu.memory_space<vmem_shared>>
        tpu.wait_indirect_dma semaphore(%arg18 : memref<!tpu.dma_semaphore, #tpu.memory_space<semaphore_mem>>) src(%dma_wait3A_96 : memref<64x128xf32, #tpu.memory_space<vmem>>) dst(%dma_wait3A_102 : memref<10000x128xf32, #tpu.memory_space<vmem_shared>>)
        %dma_start3A_103 = arith.constant 124 : i32
        %dma_start3A_104 = arith.constant 0 : i32
        %dma_start3A_105 = arith.constant 0 : i32
        %dma_start3A_106 = arith.constant 0 : i32
        %dma_start3A_107 = tpu.memref_slice %arg9[%dma_start3A_104, %dma_start3A_105, %dma_start3A_106] : memref<4x64x128xf32, #tpu.memory_space<vmem>> -> memref<1x64x128xf32, #tpu.memory_space<vmem>>
        %dma_start3A_108 = tpu.memref_squeeze %dma_start3A_107 : memref<1x64x128xf32, #tpu.memory_space<vmem>> -> memref<64x128xf32, #tpu.memory_space<vmem>>
        %dma_start3A_109 = arith.constant 0 : i32
        %dma_start3A_110 = tpu.memref_slice %arg7[%dma_start3A_103, %dma_start3A_109] : memref<125x64xi32, #tpu.memory_space<vmem>> -> memref<1x64xi32, #tpu.memory_space<vmem>>
        %dma_start3A_111 = tpu.memref_squeeze %dma_start3A_110 : memref<1x64xi32, #tpu.memory_space<vmem>> -> memref<64xi32, #tpu.memory_space<vmem>>
        %dma_start3A_112 = arith.constant 0 : i32
        %dma_start3A_113 = arith.constant 0 : i32
        %dma_start3A_114 = tpu.memref_slice %arg4[%dma_start3A_112, %dma_start3A_113] : memref<10000x128xf32, #tpu.memory_space<hbm>> -> memref<10000x128xf32, #tpu.memory_space<hbm>>
        tpu.enqueue_indirect_dma source(%dma_start3A_114 : memref<10000x128xf32, #tpu.memory_space<hbm>>) target(%dma_start3A_108 : memref<64x128xf32, #tpu.memory_space<vmem>>) offsets(%dma_start3A_111 : memref<64xi32, #tpu.memory_space<vmem>>) semaphore(%arg11 : memref<!tpu.dma_semaphore, #tpu.memory_space<semaphore_mem>>)
        %dma_wait3A_115 = arith.constant 124 : i32
        %dma_wait3A_116 = arith.constant 0 : i32
        %dma_wait3A_117 = arith.constant 0 : i32
        %dma_wait3A_118 = arith.constant 0 : i32
        %dma_wait3A_119 = tpu.memref_slice %arg9[%dma_wait3A_116, %dma_wait3A_117, %dma_wait3A_118] : memref<4x64x128xf32, #tpu.memory_space<vmem>> -> memref<1x64x128xf32, #tpu.memory_space<vmem>>
        %dma_wait3A_120 = tpu.memref_squeeze %dma_wait3A_119 : memref<1x64x128xf32, #tpu.memory_space<vmem>> -> memref<64x128xf32, #tpu.memory_space<vmem>>
        %dma_wait3A_121 = arith.constant 0 : i32
        %dma_wait3A_122 = tpu.memref_slice %arg7[%dma_wait3A_115, %dma_wait3A_121] : memref<125x64xi32, #tpu.memory_space<vmem>> -> memref<1x64xi32, #tpu.memory_space<vmem>>
        %dma_wait3A_123 = tpu.memref_squeeze %dma_wait3A_122 : memref<1x64xi32, #tpu.memory_space<vmem>> -> memref<64xi32, #tpu.memory_space<vmem>>
        %dma_wait3A_124 = arith.constant 0 : i32
        %dma_wait3A_125 = arith.constant 0 : i32
        %dma_wait3A_126 = tpu.memref_slice %arg4[%dma_wait3A_124, %dma_wait3A_125] : memref<10000x128xf32, #tpu.memory_space<hbm>> -> memref<10000x128xf32, #tpu.memory_space<hbm>>
        tpu.wait_indirect_dma semaphore(%arg11 : memref<!tpu.dma_semaphore, #tpu.memory_space<semaphore_mem>>) src(%dma_wait3A_126 : memref<10000x128xf32, #tpu.memory_space<hbm>>) dst(%dma_wait3A_120 : memref<64x128xf32, #tpu.memory_space<vmem>>)
        %dma_start3A_127 = arith.constant 0 : i32
        %dma_start3A_128 = arith.constant 124 : i32
        %dma_start3A_129 = arith.constant 0 : i32
        %dma_start3A_130 = arith.constant 0 : i32
        %dma_start3A_131 = tpu.memref_slice %arg9[%dma_start3A_127, %dma_start3A_129, %dma_start3A_130] : memref<4x64x128xf32, #tpu.memory_space<vmem>> -> memref<1x64x128xf32, #tpu.memory_space<vmem>>
        %dma_start3A_132 = tpu.memref_squeeze %dma_start3A_131 : memref<1x64x128xf32, #tpu.memory_space<vmem>> -> memref<64x128xf32, #tpu.memory_space<vmem>>
        %dma_start3A_133 = arith.constant 0 : i32
        %dma_start3A_134 = tpu.memref_slice %arg8[%dma_start3A_128, %dma_start3A_133] : memref<125x64xi32, #tpu.memory_space<vmem>> -> memref<1x64xi32, #tpu.memory_space<vmem>>
        %dma_start3A_135 = tpu.memref_squeeze %dma_start3A_134 : memref<1x64xi32, #tpu.memory_space<vmem>> -> memref<64xi32, #tpu.memory_space<vmem>>
        %dma_start3A_136 = arith.constant 0 : i32
        %dma_start3A_137 = arith.constant 0 : i32
        %dma_start3A_138 = tpu.memref_slice %arg10[%dma_start3A_136, %dma_start3A_137] : memref<10000x128xf32, #tpu.memory_space<vmem_shared>> -> memref<10000x128xf32, #tpu.memory_space<vmem_shared>>
        tpu.enqueue_indirect_dma source(%dma_start3A_132 : memref<64x128xf32, #tpu.memory_space<vmem>>) target(%dma_start3A_138 : memref<10000x128xf32, #tpu.memory_space<vmem_shared>>) offsets(%dma_start3A_135 : memref<64xi32, #tpu.memory_space<vmem>>) semaphore(%arg15 : memref<!tpu.dma_semaphore, #tpu.memory_space<semaphore_mem>>) {add = true}
        %dma_wait3A_139 = arith.constant 0 : i32
        %dma_wait3A_140 = arith.constant 124 : i32
        %dma_wait3A_141 = arith.constant 0 : i32
        %dma_wait3A_142 = arith.constant 0 : i32
        %dma_wait3A_143 = tpu.memref_slice %arg9[%dma_wait3A_139, %dma_wait3A_141, %dma_wait3A_142] : memref<4x64x128xf32, #tpu.memory_space<vmem>> -> memref<1x64x128xf32, #tpu.memory_space<vmem>>
        %dma_wait3A_144 = tpu.memref_squeeze %dma_wait3A_143 : memref<1x64x128xf32, #tpu.memory_space<vmem>> -> memref<64x128xf32, #tpu.memory_space<vmem>>
        %dma_wait3A_145 = arith.constant 0 : i32
        %dma_wait3A_146 = tpu.memref_slice %arg8[%dma_wait3A_140, %dma_wait3A_145] : memref<125x64xi32, #tpu.memory_space<vmem>> -> memref<1x64xi32, #tpu.memory_space<vmem>>
        %dma_wait3A_147 = tpu.memref_squeeze %dma_wait3A_146 : memref<1x64xi32, #tpu.memory_space<vmem>> -> memref<64xi32, #tpu.memory_space<vmem>>
        %dma_wait3A_148 = arith.constant 0 : i32
        %dma_wait3A_149 = arith.constant 0 : i32
        %dma_wait3A_150 = tpu.memref_slice %arg10[%dma_wait3A_148, %dma_wait3A_149] : memref<10000x128xf32, #tpu.memory_space<vmem_shared>> -> memref<10000x128xf32, #tpu.memory_space<vmem_shared>>
        tpu.wait_indirect_dma semaphore(%arg15 : memref<!tpu.dma_semaphore, #tpu.memory_space<semaphore_mem>>) src(%dma_wait3A_144 : memref<64x128xf32, #tpu.memory_space<vmem>>) dst(%dma_wait3A_150 : memref<10000x128xf32, #tpu.memory_space<vmem_shared>>)
      }
      %scan3A_17 = arith.constant 5 : i32
      %barrier3A_18 = arith.constant 0 : index
      tpu.barrier barrier_id(%barrier3A_18)
      %eq3A_19 = arith.constant 0 : i32
      %eq3A_20 = arith.cmpi eq, %arg1, %eq3A_19 : i32
      %convert_element_type3A_21 = arith.extui %eq3A_20 : i1 to i32
      %cond3A_22 = arith.constant 0 : i32
      %cond3A_23 = arith.cmpi ne, %convert_element_type3A_21, %cond3A_22 : i32
      scf.if %cond3A_23 {
        "tpu.region"() ({
          %run_scoped3A = tpu.sem_alloc : memref<!tpu.dma_semaphore, #tpu.memory_space<semaphore_mem>>
          %dma_start3A = arith.constant 0 : i32
          %dma_start3A_24 = arith.constant 0 : i32
          %dma_start3A_25 = tpu.memref_slice %arg6[%arg0, %dma_start3A, %dma_start3A_24] : memref<2x10000x128xf32, #tpu.memory_space<hbm>> -> memref<1x10000x128xf32, #tpu.memory_space<hbm>>
          %dma_start3A_26 = tpu.memref_squeeze %dma_start3A_25 : memref<1x10000x128xf32, #tpu.memory_space<hbm>> -> memref<10000x128xf32, #tpu.memory_space<hbm>>
          tpu.enqueue_dma source(%arg10 : memref<10000x128xf32, #tpu.memory_space<vmem_shared>>) target(%dma_start3A_26 : memref<10000x128xf32, #tpu.memory_space<hbm>>) target_semaphore(%run_scoped3A : memref<!tpu.dma_semaphore, #tpu.memory_space<semaphore_mem>>)
          %dma_wait3A = arith.constant 0 : i32
          %dma_wait3A_27 = arith.constant 0 : i32
          %dma_wait3A_28 = tpu.memref_slice %arg6[%arg0, %dma_wait3A, %dma_wait3A_27] : memref<2x10000x128xf32, #tpu.memory_space<hbm>> -> memref<1x10000x128xf32, #tpu.memory_space<hbm>>
          %dma_wait3A_29 = tpu.memref_squeeze %dma_wait3A_28 : memref<1x10000x128xf32, #tpu.memory_space<hbm>> -> memref<10000x128xf32, #tpu.memory_space<hbm>>
          tpu.wait_dma2 semaphore(%run_scoped3A : memref<!tpu.dma_semaphore, #tpu.memory_space<semaphore_mem>>) src(%arg10 : memref<10000x128xf32, #tpu.memory_space<vmem_shared>>) dst(%dma_wait3A_29 : memref<10000x128xf32, #tpu.memory_space<hbm>>)
          tpu.yield
        }) : () -> ()
      } else {
      }
    } else {
    }
    %eq3A_2 = arith.constant 1 : i32
    %eq3A_3 = arith.cmpi eq, %arg0, %eq3A_2 : i32
    %convert_element_type3A_4 = arith.extui %eq3A_3 : i1 to i32
    %cond3A_5 = arith.constant 0 : i32
    %cond3A_6 = arith.cmpi ne, %convert_element_type3A_4, %cond3A_5 : i32
    scf.if %cond3A_6 {
      %eq3A_7 = arith.constant 0 : i32
      %eq3A_8 = arith.cmpi eq, %arg1, %eq3A_7 : i32
      %convert_element_type3A_9 = arith.extui %eq3A_8 : i1 to i32
      %cond3A_10 = arith.constant 0 : i32
      %cond3A_11 = arith.cmpi ne, %convert_element_type3A_9, %cond3A_10 : i32
      scf.if %cond3A_11 {
        "tpu.region"() ({
          %run_scoped3A = tpu.sem_alloc : memref<!tpu.dma_semaphore, #tpu.memory_space<semaphore_mem>>
          tpu.enqueue_dma source(%arg5 : memref<10000x128xf32, #tpu.memory_space<hbm>>) target(%arg10 : memref<10000x128xf32, #tpu.memory_space<vmem_shared>>) target_semaphore(%run_scoped3A : memref<!tpu.dma_semaphore, #tpu.memory_space<semaphore_mem>>)
          tpu.wait_dma2 semaphore(%run_scoped3A : memref<!tpu.dma_semaphore, #tpu.memory_space<semaphore_mem>>) src(%arg5 : memref<10000x128xf32, #tpu.memory_space<hbm>>) dst(%arg10 : memref<10000x128xf32, #tpu.memory_space<vmem_shared>>)
          tpu.yield
        }) : () -> ()
      } else {
      }
      %barrier3A = arith.constant 0 : index
      tpu.barrier barrier_id(%barrier3A)
      %mul3A = arith.constant 625 : i32
      %mul3A_12 = arith.muli %arg1, %mul3A : i32
      %scan3A = arith.constant 0 : i32
      %scan3A_13 = arith.constant 0 : i32
      %scan3A_14 = arith.constant 5 : i32
      %scan3A_15 = arith.addi %scan3A_13, %scan3A_14 : i32
      %scan3A_16 = arith.constant 1 : i32
      scf.for %scan3A_24 = %scan3A_13 to %scan3A_15 step %scan3A_16  : i32 {
        %mul3A_25 = arith.constant 125 : i32
        %mul3A_26 = arith.muli %scan3A_24, %mul3A_25 : i32
        %add3A = arith.addi %mul3A_12, %mul3A_26 : i32
        "tpu.region"() ({
          %run_scoped3A = tpu.sem_alloc : memref<!tpu.dma_semaphore, #tpu.memory_space<semaphore_mem>>
          %dma_start3A_151 = arith.constant 0 : i32
          %dma_start3A_152 = tpu.memref_slice %arg2[%add3A, %dma_start3A_151] : memref<10000x64xi32, #tpu.memory_space<hbm>> -> memref<125x64xi32, #tpu.memory_space<hbm>>
          %dma_start3A_153 = arith.constant 0 : i32
          %dma_start3A_154 = tpu.memref_slice %arg2[%add3A, %dma_start3A_153] : memref<10000x64xi32, #tpu.memory_space<hbm>> -> memref<125x64xi32, #tpu.memory_space<hbm>>
          tpu.enqueue_dma source(%dma_start3A_154 : memref<125x64xi32, #tpu.memory_space<hbm>>) target(%arg7 : memref<125x64xi32, #tpu.memory_space<vmem>>) target_semaphore(%run_scoped3A : memref<!tpu.dma_semaphore, #tpu.memory_space<semaphore_mem>>)
          %dma_wait3A_155 = arith.constant 0 : i32
          %dma_wait3A_156 = tpu.memref_slice %arg2[%add3A, %dma_wait3A_155] : memref<10000x64xi32, #tpu.memory_space<hbm>> -> memref<125x64xi32, #tpu.memory_space<hbm>>
          %dma_wait3A_157 = arith.constant 0 : i32
          %dma_wait3A_158 = tpu.memref_slice %arg2[%add3A, %dma_wait3A_157] : memref<10000x64xi32, #tpu.memory_space<hbm>> -> memref<125x64xi32, #tpu.memory_space<hbm>>
          tpu.wait_dma2 semaphore(%run_scoped3A : memref<!tpu.dma_semaphore, #tpu.memory_space<semaphore_mem>>) src(%dma_wait3A_158 : memref<125x64xi32, #tpu.memory_space<hbm>>) dst(%arg7 : memref<125x64xi32, #tpu.memory_space<vmem>>)
          tpu.yield
        }) : () -> ()
        "tpu.region"() ({
          %run_scoped3A = tpu.sem_alloc : memref<!tpu.dma_semaphore, #tpu.memory_space<semaphore_mem>>
          %dma_start3A_151 = arith.constant 0 : i32
          %dma_start3A_152 = tpu.memref_slice %arg3[%add3A, %dma_start3A_151] : memref<10000x64xi32, #tpu.memory_space<hbm>> -> memref<125x64xi32, #tpu.memory_space<hbm>>
          %dma_start3A_153 = arith.constant 0 : i32
          %dma_start3A_154 = tpu.memref_slice %arg3[%add3A, %dma_start3A_153] : memref<10000x64xi32, #tpu.memory_space<hbm>> -> memref<125x64xi32, #tpu.memory_space<hbm>>
          tpu.enqueue_dma source(%dma_start3A_154 : memref<125x64xi32, #tpu.memory_space<hbm>>) target(%arg8 : memref<125x64xi32, #tpu.memory_space<vmem>>) target_semaphore(%run_scoped3A : memref<!tpu.dma_semaphore, #tpu.memory_space<semaphore_mem>>)
          %dma_wait3A_155 = arith.constant 0 : i32
          %dma_wait3A_156 = tpu.memref_slice %arg3[%add3A, %dma_wait3A_155] : memref<10000x64xi32, #tpu.memory_space<hbm>> -> memref<125x64xi32, #tpu.memory_space<hbm>>
          %dma_wait3A_157 = arith.constant 0 : i32
          %dma_wait3A_158 = tpu.memref_slice %arg3[%add3A, %dma_wait3A_157] : memref<10000x64xi32, #tpu.memory_space<hbm>> -> memref<125x64xi32, #tpu.memory_space<hbm>>
          tpu.wait_dma2 semaphore(%run_scoped3A : memref<!tpu.dma_semaphore, #tpu.memory_space<semaphore_mem>>) src(%dma_wait3A_158 : memref<125x64xi32, #tpu.memory_space<hbm>>) dst(%arg8 : memref<125x64xi32, #tpu.memory_space<vmem>>)
          tpu.yield
        }) : () -> ()
        %dma_start3A = arith.constant 0 : i32
        %dma_start3A_27 = arith.constant 0 : i32
        %dma_start3A_28 = arith.constant 0 : i32
        %dma_start3A_29 = arith.constant 0 : i32
        %dma_start3A_30 = tpu.memref_slice %arg9[%dma_start3A_27, %dma_start3A_28, %dma_start3A_29] : memref<4x64x128xf32, #tpu.memory_space<vmem>> -> memref<1x64x128xf32, #tpu.memory_space<vmem>>
        %dma_start3A_31 = tpu.memref_squeeze %dma_start3A_30 : memref<1x64x128xf32, #tpu.memory_space<vmem>> -> memref<64x128xf32, #tpu.memory_space<vmem>>
        %dma_start3A_32 = arith.constant 0 : i32
        %dma_start3A_33 = tpu.memref_slice %arg7[%dma_start3A, %dma_start3A_32] : memref<125x64xi32, #tpu.memory_space<vmem>> -> memref<1x64xi32, #tpu.memory_space<vmem>>
        %dma_start3A_34 = tpu.memref_squeeze %dma_start3A_33 : memref<1x64xi32, #tpu.memory_space<vmem>> -> memref<64xi32, #tpu.memory_space<vmem>>
        %dma_start3A_35 = arith.constant 0 : i32
        %dma_start3A_36 = arith.constant 0 : i32
        %dma_start3A_37 = tpu.memref_slice %arg5[%dma_start3A_35, %dma_start3A_36] : memref<10000x128xf32, #tpu.memory_space<hbm>> -> memref<10000x128xf32, #tpu.memory_space<hbm>>
        tpu.enqueue_indirect_dma source(%dma_start3A_37 : memref<10000x128xf32, #tpu.memory_space<hbm>>) target(%dma_start3A_31 : memref<64x128xf32, #tpu.memory_space<vmem>>) offsets(%dma_start3A_34 : memref<64xi32, #tpu.memory_space<vmem>>) semaphore(%arg11 : memref<!tpu.dma_semaphore, #tpu.memory_space<semaphore_mem>>)
        %dma_start3A_38 = arith.constant 1 : i32
        %dma_start3A_39 = arith.constant 1 : i32
        %dma_start3A_40 = arith.constant 0 : i32
        %dma_start3A_41 = arith.constant 0 : i32
        %dma_start3A_42 = tpu.memref_slice %arg9[%dma_start3A_39, %dma_start3A_40, %dma_start3A_41] : memref<4x64x128xf32, #tpu.memory_space<vmem>> -> memref<1x64x128xf32, #tpu.memory_space<vmem>>
        %dma_start3A_43 = tpu.memref_squeeze %dma_start3A_42 : memref<1x64x128xf32, #tpu.memory_space<vmem>> -> memref<64x128xf32, #tpu.memory_space<vmem>>
        %dma_start3A_44 = arith.constant 0 : i32
        %dma_start3A_45 = tpu.memref_slice %arg7[%dma_start3A_38, %dma_start3A_44] : memref<125x64xi32, #tpu.memory_space<vmem>> -> memref<1x64xi32, #tpu.memory_space<vmem>>
        %dma_start3A_46 = tpu.memref_squeeze %dma_start3A_45 : memref<1x64xi32, #tpu.memory_space<vmem>> -> memref<64xi32, #tpu.memory_space<vmem>>
        %dma_start3A_47 = arith.constant 0 : i32
        %dma_start3A_48 = arith.constant 0 : i32
        %dma_start3A_49 = tpu.memref_slice %arg5[%dma_start3A_47, %dma_start3A_48] : memref<10000x128xf32, #tpu.memory_space<hbm>> -> memref<10000x128xf32, #tpu.memory_space<hbm>>
        tpu.enqueue_indirect_dma source(%dma_start3A_49 : memref<10000x128xf32, #tpu.memory_space<hbm>>) target(%dma_start3A_43 : memref<64x128xf32, #tpu.memory_space<vmem>>) offsets(%dma_start3A_46 : memref<64xi32, #tpu.memory_space<vmem>>) semaphore(%arg12 : memref<!tpu.dma_semaphore, #tpu.memory_space<semaphore_mem>>)
        %scan3A_50 = arith.constant 0 : i32
        %scan3A_51 = arith.constant 0 : i32
        %scan3A_52 = arith.constant 31 : i32
        %scan3A_53 = arith.addi %scan3A_51, %scan3A_52 : i32
        %scan3A_54 = arith.constant 1 : i32
        scf.for %scan3A_151 = %scan3A_51 to %scan3A_53 step %scan3A_54  : i32 {
          %mul3A_152 = arith.constant 4 : i32
          %mul3A_153 = arith.muli %scan3A_151, %mul3A_152 : i32
          %add3A_154 = arith.constant 0 : i32
          %add3A_155 = arith.addi %mul3A_153, %add3A_154 : i32
          %ge3A = arith.constant 2 : i32
          %ge3A_156 = arith.cmpi sge, %add3A_155, %ge3A : i32
          %add3A_157 = arith.constant 2 : i32
          %add3A_158 = arith.addi %add3A_155, %add3A_157 : i32
          %lt3A = arith.constant 124 : i32
          %lt3A_159 = arith.cmpi slt, %add3A_158, %lt3A : i32
          %and3A = arith.andi %ge3A_156, %lt3A_159 : i1
          %convert_element_type3A_160 = arith.extui %and3A : i1 to i32
          %cond3A_161 = arith.constant 0 : i32
          %cond3A_162 = arith.cmpi ne, %convert_element_type3A_160, %cond3A_161 : i32
          scf.if %cond3A_162 {
            %sub3A = arith.constant 2 : i32
            %sub3A_321 = arith.subi %add3A_155, %sub3A : i32
            %dma_wait3A_322 = arith.constant 2 : i32
            %dma_wait3A_323 = arith.constant 0 : i32
            %dma_wait3A_324 = arith.constant 0 : i32
            %dma_wait3A_325 = tpu.memref_slice %arg9[%dma_wait3A_322, %dma_wait3A_323, %dma_wait3A_324] : memref<4x64x128xf32, #tpu.memory_space<vmem>> -> memref<1x64x128xf32, #tpu.memory_space<vmem>>
            %dma_wait3A_326 = tpu.memref_squeeze %dma_wait3A_325 : memref<1x64x128xf32, #tpu.memory_space<vmem>> -> memref<64x128xf32, #tpu.memory_space<vmem>>
            %dma_wait3A_327 = arith.constant 0 : i32
            %dma_wait3A_328 = tpu.memref_slice %arg8[%sub3A_321, %dma_wait3A_327] : memref<125x64xi32, #tpu.memory_space<vmem>> -> memref<1x64xi32, #tpu.memory_space<vmem>>
            %dma_wait3A_329 = tpu.memref_squeeze %dma_wait3A_328 : memref<1x64xi32, #tpu.memory_space<vmem>> -> memref<64xi32, #tpu.memory_space<vmem>>
            %dma_wait3A_330 = arith.constant 0 : i32
            %dma_wait3A_331 = arith.constant 0 : i32
            %dma_wait3A_332 = tpu.memref_slice %arg10[%dma_wait3A_330, %dma_wait3A_331] : memref<10000x128xf32, #tpu.memory_space<vmem_shared>> -> memref<10000x128xf32, #tpu.memory_space<vmem_shared>>
            tpu.wait_indirect_dma semaphore(%arg17 : memref<!tpu.dma_semaphore, #tpu.memory_space<semaphore_mem>>) src(%dma_wait3A_326 : memref<64x128xf32, #tpu.memory_space<vmem>>) dst(%dma_wait3A_332 : memref<10000x128xf32, #tpu.memory_space<vmem_shared>>)
          } else {
          }
          %add3A_163 = arith.constant 2 : i32
          %add3A_164 = arith.addi %add3A_155, %add3A_163 : i32
          %lt3A_165 = arith.constant 124 : i32
          %lt3A_166 = arith.cmpi slt, %add3A_164, %lt3A_165 : i32
          %convert_element_type3A_167 = arith.extui %lt3A_166 : i1 to i32
          %cond3A_168 = arith.constant 0 : i32
          %cond3A_169 = arith.cmpi ne, %convert_element_type3A_167, %cond3A_168 : i32
          scf.if %cond3A_169 {
            %add3A_321 = arith.constant 2 : i32
            %add3A_322 = arith.addi %add3A_155, %add3A_321 : i32
            %dma_start3A_323 = arith.constant 2 : i32
            %dma_start3A_324 = arith.constant 0 : i32
            %dma_start3A_325 = arith.constant 0 : i32
            %dma_start3A_326 = tpu.memref_slice %arg9[%dma_start3A_323, %dma_start3A_324, %dma_start3A_325] : memref<4x64x128xf32, #tpu.memory_space<vmem>> -> memref<1x64x128xf32, #tpu.memory_space<vmem>>
            %dma_start3A_327 = tpu.memref_squeeze %dma_start3A_326 : memref<1x64x128xf32, #tpu.memory_space<vmem>> -> memref<64x128xf32, #tpu.memory_space<vmem>>
            %dma_start3A_328 = arith.constant 0 : i32
            %dma_start3A_329 = tpu.memref_slice %arg7[%add3A_322, %dma_start3A_328] : memref<125x64xi32, #tpu.memory_space<vmem>> -> memref<1x64xi32, #tpu.memory_space<vmem>>
            %dma_start3A_330 = tpu.memref_squeeze %dma_start3A_329 : memref<1x64xi32, #tpu.memory_space<vmem>> -> memref<64xi32, #tpu.memory_space<vmem>>
            %dma_start3A_331 = arith.constant 0 : i32
            %dma_start3A_332 = arith.constant 0 : i32
            %dma_start3A_333 = tpu.memref_slice %arg5[%dma_start3A_331, %dma_start3A_332] : memref<10000x128xf32, #tpu.memory_space<hbm>> -> memref<10000x128xf32, #tpu.memory_space<hbm>>
            tpu.enqueue_indirect_dma source(%dma_start3A_333 : memref<10000x128xf32, #tpu.memory_space<hbm>>) target(%dma_start3A_327 : memref<64x128xf32, #tpu.memory_space<vmem>>) offsets(%dma_start3A_330 : memref<64xi32, #tpu.memory_space<vmem>>) semaphore(%arg13 : memref<!tpu.dma_semaphore, #tpu.memory_space<semaphore_mem>>)
          } else {
          }
          %dma_wait3A_170 = arith.constant 0 : i32
          %dma_wait3A_171 = arith.constant 0 : i32
          %dma_wait3A_172 = arith.constant 0 : i32
          %dma_wait3A_173 = tpu.memref_slice %arg9[%dma_wait3A_170, %dma_wait3A_171, %dma_wait3A_172] : memref<4x64x128xf32, #tpu.memory_space<vmem>> -> memref<1x64x128xf32, #tpu.memory_space<vmem>>
          %dma_wait3A_174 = tpu.memref_squeeze %dma_wait3A_173 : memref<1x64x128xf32, #tpu.memory_space<vmem>> -> memref<64x128xf32, #tpu.memory_space<vmem>>
          %dma_wait3A_175 = arith.constant 0 : i32
          %dma_wait3A_176 = tpu.memref_slice %arg7[%add3A_155, %dma_wait3A_175] : memref<125x64xi32, #tpu.memory_space<vmem>> -> memref<1x64xi32, #tpu.memory_space<vmem>>
          %dma_wait3A_177 = tpu.memref_squeeze %dma_wait3A_176 : memref<1x64xi32, #tpu.memory_space<vmem>> -> memref<64xi32, #tpu.memory_space<vmem>>
          %dma_wait3A_178 = arith.constant 0 : i32
          %dma_wait3A_179 = arith.constant 0 : i32
          %dma_wait3A_180 = tpu.memref_slice %arg5[%dma_wait3A_178, %dma_wait3A_179] : memref<10000x128xf32, #tpu.memory_space<hbm>> -> memref<10000x128xf32, #tpu.memory_space<hbm>>
          tpu.wait_indirect_dma semaphore(%arg11 : memref<!tpu.dma_semaphore, #tpu.memory_space<semaphore_mem>>) src(%dma_wait3A_180 : memref<10000x128xf32, #tpu.memory_space<hbm>>) dst(%dma_wait3A_174 : memref<64x128xf32, #tpu.memory_space<vmem>>)
          %dma_start3A_181 = arith.constant 0 : i32
          %dma_start3A_182 = arith.constant 0 : i32
          %dma_start3A_183 = arith.constant 0 : i32
          %dma_start3A_184 = tpu.memref_slice %arg9[%dma_start3A_181, %dma_start3A_182, %dma_start3A_183] : memref<4x64x128xf32, #tpu.memory_space<vmem>> -> memref<1x64x128xf32, #tpu.memory_space<vmem>>
          %dma_start3A_185 = tpu.memref_squeeze %dma_start3A_184 : memref<1x64x128xf32, #tpu.memory_space<vmem>> -> memref<64x128xf32, #tpu.memory_space<vmem>>
          %dma_start3A_186 = arith.constant 0 : i32
          %dma_start3A_187 = tpu.memref_slice %arg8[%add3A_155, %dma_start3A_186] : memref<125x64xi32, #tpu.memory_space<vmem>> -> memref<1x64xi32, #tpu.memory_space<vmem>>
          %dma_start3A_188 = tpu.memref_squeeze %dma_start3A_187 : memref<1x64xi32, #tpu.memory_space<vmem>> -> memref<64xi32, #tpu.memory_space<vmem>>
          %dma_start3A_189 = arith.constant 0 : i32
          %dma_start3A_190 = arith.constant 0 : i32
          %dma_start3A_191 = tpu.memref_slice %arg10[%dma_start3A_189, %dma_start3A_190] : memref<10000x128xf32, #tpu.memory_space<vmem_shared>> -> memref<10000x128xf32, #tpu.memory_space<vmem_shared>>
          tpu.enqueue_indirect_dma source(%dma_start3A_185 : memref<64x128xf32, #tpu.memory_space<vmem>>) target(%dma_start3A_191 : memref<10000x128xf32, #tpu.memory_space<vmem_shared>>) offsets(%dma_start3A_188 : memref<64xi32, #tpu.memory_space<vmem>>) semaphore(%arg15 : memref<!tpu.dma_semaphore, #tpu.memory_space<semaphore_mem>>) {add = true}
          %mul3A_192 = arith.constant 4 : i32
          %mul3A_193 = arith.muli %scan3A_151, %mul3A_192 : i32
          %add3A_194 = arith.constant 1 : i32
          %add3A_195 = arith.addi %mul3A_193, %add3A_194 : i32
          %ge3A_196 = arith.constant 2 : i32
          %ge3A_197 = arith.cmpi sge, %add3A_195, %ge3A_196 : i32
          %add3A_198 = arith.constant 2 : i32
          %add3A_199 = arith.addi %add3A_195, %add3A_198 : i32
          %lt3A_200 = arith.constant 124 : i32
          %lt3A_201 = arith.cmpi slt, %add3A_199, %lt3A_200 : i32
          %and3A_202 = arith.andi %ge3A_197, %lt3A_201 : i1
          %convert_element_type3A_203 = arith.extui %and3A_202 : i1 to i32
          %cond3A_204 = arith.constant 0 : i32
          %cond3A_205 = arith.cmpi ne, %convert_element_type3A_203, %cond3A_204 : i32
          scf.if %cond3A_205 {
            %sub3A = arith.constant 2 : i32
            %sub3A_321 = arith.subi %add3A_195, %sub3A : i32
            %dma_wait3A_322 = arith.constant 3 : i32
            %dma_wait3A_323 = arith.constant 0 : i32
            %dma_wait3A_324 = arith.constant 0 : i32
            %dma_wait3A_325 = tpu.memref_slice %arg9[%dma_wait3A_322, %dma_wait3A_323, %dma_wait3A_324] : memref<4x64x128xf32, #tpu.memory_space<vmem>> -> memref<1x64x128xf32, #tpu.memory_space<vmem>>
            %dma_wait3A_326 = tpu.memref_squeeze %dma_wait3A_325 : memref<1x64x128xf32, #tpu.memory_space<vmem>> -> memref<64x128xf32, #tpu.memory_space<vmem>>
            %dma_wait3A_327 = arith.constant 0 : i32
            %dma_wait3A_328 = tpu.memref_slice %arg8[%sub3A_321, %dma_wait3A_327] : memref<125x64xi32, #tpu.memory_space<vmem>> -> memref<1x64xi32, #tpu.memory_space<vmem>>
            %dma_wait3A_329 = tpu.memref_squeeze %dma_wait3A_328 : memref<1x64xi32, #tpu.memory_space<vmem>> -> memref<64xi32, #tpu.memory_space<vmem>>
            %dma_wait3A_330 = arith.constant 0 : i32
            %dma_wait3A_331 = arith.constant 0 : i32
            %dma_wait3A_332 = tpu.memref_slice %arg10[%dma_wait3A_330, %dma_wait3A_331] : memref<10000x128xf32, #tpu.memory_space<vmem_shared>> -> memref<10000x128xf32, #tpu.memory_space<vmem_shared>>
            tpu.wait_indirect_dma semaphore(%arg18 : memref<!tpu.dma_semaphore, #tpu.memory_space<semaphore_mem>>) src(%dma_wait3A_326 : memref<64x128xf32, #tpu.memory_space<vmem>>) dst(%dma_wait3A_332 : memref<10000x128xf32, #tpu.memory_space<vmem_shared>>)
          } else {
          }
          %add3A_206 = arith.constant 2 : i32
          %add3A_207 = arith.addi %add3A_195, %add3A_206 : i32
          %lt3A_208 = arith.constant 124 : i32
          %lt3A_209 = arith.cmpi slt, %add3A_207, %lt3A_208 : i32
          %convert_element_type3A_210 = arith.extui %lt3A_209 : i1 to i32
          %cond3A_211 = arith.constant 0 : i32
          %cond3A_212 = arith.cmpi ne, %convert_element_type3A_210, %cond3A_211 : i32
          scf.if %cond3A_212 {
            %add3A_321 = arith.constant 2 : i32
            %add3A_322 = arith.addi %add3A_195, %add3A_321 : i32
            %dma_start3A_323 = arith.constant 3 : i32
            %dma_start3A_324 = arith.constant 0 : i32
            %dma_start3A_325 = arith.constant 0 : i32
            %dma_start3A_326 = tpu.memref_slice %arg9[%dma_start3A_323, %dma_start3A_324, %dma_start3A_325] : memref<4x64x128xf32, #tpu.memory_space<vmem>> -> memref<1x64x128xf32, #tpu.memory_space<vmem>>
            %dma_start3A_327 = tpu.memref_squeeze %dma_start3A_326 : memref<1x64x128xf32, #tpu.memory_space<vmem>> -> memref<64x128xf32, #tpu.memory_space<vmem>>
            %dma_start3A_328 = arith.constant 0 : i32
            %dma_start3A_329 = tpu.memref_slice %arg7[%add3A_322, %dma_start3A_328] : memref<125x64xi32, #tpu.memory_space<vmem>> -> memref<1x64xi32, #tpu.memory_space<vmem>>
            %dma_start3A_330 = tpu.memref_squeeze %dma_start3A_329 : memref<1x64xi32, #tpu.memory_space<vmem>> -> memref<64xi32, #tpu.memory_space<vmem>>
            %dma_start3A_331 = arith.constant 0 : i32
            %dma_start3A_332 = arith.constant 0 : i32
            %dma_start3A_333 = tpu.memref_slice %arg5[%dma_start3A_331, %dma_start3A_332] : memref<10000x128xf32, #tpu.memory_space<hbm>> -> memref<10000x128xf32, #tpu.memory_space<hbm>>
            tpu.enqueue_indirect_dma source(%dma_start3A_333 : memref<10000x128xf32, #tpu.memory_space<hbm>>) target(%dma_start3A_327 : memref<64x128xf32, #tpu.memory_space<vmem>>) offsets(%dma_start3A_330 : memref<64xi32, #tpu.memory_space<vmem>>) semaphore(%arg14 : memref<!tpu.dma_semaphore, #tpu.memory_space<semaphore_mem>>)
          } else {
          }
          %dma_wait3A_213 = arith.constant 1 : i32
          %dma_wait3A_214 = arith.constant 0 : i32
          %dma_wait3A_215 = arith.constant 0 : i32
          %dma_wait3A_216 = tpu.memref_slice %arg9[%dma_wait3A_213, %dma_wait3A_214, %dma_wait3A_215] : memref<4x64x128xf32, #tpu.memory_space<vmem>> -> memref<1x64x128xf32, #tpu.memory_space<vmem>>
          %dma_wait3A_217 = tpu.memref_squeeze %dma_wait3A_216 : memref<1x64x128xf32, #tpu.memory_space<vmem>> -> memref<64x128xf32, #tpu.memory_space<vmem>>
          %dma_wait3A_218 = arith.constant 0 : i32
          %dma_wait3A_219 = tpu.memref_slice %arg7[%add3A_195, %dma_wait3A_218] : memref<125x64xi32, #tpu.memory_space<vmem>> -> memref<1x64xi32, #tpu.memory_space<vmem>>
          %dma_wait3A_220 = tpu.memref_squeeze %dma_wait3A_219 : memref<1x64xi32, #tpu.memory_space<vmem>> -> memref<64xi32, #tpu.memory_space<vmem>>
          %dma_wait3A_221 = arith.constant 0 : i32
          %dma_wait3A_222 = arith.constant 0 : i32
          %dma_wait3A_223 = tpu.memref_slice %arg5[%dma_wait3A_221, %dma_wait3A_222] : memref<10000x128xf32, #tpu.memory_space<hbm>> -> memref<10000x128xf32, #tpu.memory_space<hbm>>
          tpu.wait_indirect_dma semaphore(%arg12 : memref<!tpu.dma_semaphore, #tpu.memory_space<semaphore_mem>>) src(%dma_wait3A_223 : memref<10000x128xf32, #tpu.memory_space<hbm>>) dst(%dma_wait3A_217 : memref<64x128xf32, #tpu.memory_space<vmem>>)
          %dma_start3A_224 = arith.constant 1 : i32
          %dma_start3A_225 = arith.constant 0 : i32
          %dma_start3A_226 = arith.constant 0 : i32
          %dma_start3A_227 = tpu.memref_slice %arg9[%dma_start3A_224, %dma_start3A_225, %dma_start3A_226] : memref<4x64x128xf32, #tpu.memory_space<vmem>> -> memref<1x64x128xf32, #tpu.memory_space<vmem>>
          %dma_start3A_228 = tpu.memref_squeeze %dma_start3A_227 : memref<1x64x128xf32, #tpu.memory_space<vmem>> -> memref<64x128xf32, #tpu.memory_space<vmem>>
          %dma_start3A_229 = arith.constant 0 : i32
          %dma_start3A_230 = tpu.memref_slice %arg8[%add3A_195, %dma_start3A_229] : memref<125x64xi32, #tpu.memory_space<vmem>> -> memref<1x64xi32, #tpu.memory_space<vmem>>
          %dma_start3A_231 = tpu.memref_squeeze %dma_start3A_230 : memref<1x64xi32, #tpu.memory_space<vmem>> -> memref<64xi32, #tpu.memory_space<vmem>>
          %dma_start3A_232 = arith.constant 0 : i32
          %dma_start3A_233 = arith.constant 0 : i32
          %dma_start3A_234 = tpu.memref_slice %arg10[%dma_start3A_232, %dma_start3A_233] : memref<10000x128xf32, #tpu.memory_space<vmem_shared>> -> memref<10000x128xf32, #tpu.memory_space<vmem_shared>>
          tpu.enqueue_indirect_dma source(%dma_start3A_228 : memref<64x128xf32, #tpu.memory_space<vmem>>) target(%dma_start3A_234 : memref<10000x128xf32, #tpu.memory_space<vmem_shared>>) offsets(%dma_start3A_231 : memref<64xi32, #tpu.memory_space<vmem>>) semaphore(%arg16 : memref<!tpu.dma_semaphore, #tpu.memory_space<semaphore_mem>>) {add = true}
          %mul3A_235 = arith.constant 4 : i32
          %mul3A_236 = arith.muli %scan3A_151, %mul3A_235 : i32
          %add3A_237 = arith.constant 2 : i32
          %add3A_238 = arith.addi %mul3A_236, %add3A_237 : i32
          %ge3A_239 = arith.constant 2 : i32
          %ge3A_240 = arith.cmpi sge, %add3A_238, %ge3A_239 : i32
          %add3A_241 = arith.constant 2 : i32
          %add3A_242 = arith.addi %add3A_238, %add3A_241 : i32
          %lt3A_243 = arith.constant 124 : i32
          %lt3A_244 = arith.cmpi slt, %add3A_242, %lt3A_243 : i32
          %and3A_245 = arith.andi %ge3A_240, %lt3A_244 : i1
          %convert_element_type3A_246 = arith.extui %and3A_245 : i1 to i32
          %cond3A_247 = arith.constant 0 : i32
          %cond3A_248 = arith.cmpi ne, %convert_element_type3A_246, %cond3A_247 : i32
          scf.if %cond3A_248 {
            %sub3A = arith.constant 2 : i32
            %sub3A_321 = arith.subi %add3A_238, %sub3A : i32
            %dma_wait3A_322 = arith.constant 0 : i32
            %dma_wait3A_323 = arith.constant 0 : i32
            %dma_wait3A_324 = arith.constant 0 : i32
            %dma_wait3A_325 = tpu.memref_slice %arg9[%dma_wait3A_322, %dma_wait3A_323, %dma_wait3A_324] : memref<4x64x128xf32, #tpu.memory_space<vmem>> -> memref<1x64x128xf32, #tpu.memory_space<vmem>>
            %dma_wait3A_326 = tpu.memref_squeeze %dma_wait3A_325 : memref<1x64x128xf32, #tpu.memory_space<vmem>> -> memref<64x128xf32, #tpu.memory_space<vmem>>
            %dma_wait3A_327 = arith.constant 0 : i32
            %dma_wait3A_328 = tpu.memref_slice %arg8[%sub3A_321, %dma_wait3A_327] : memref<125x64xi32, #tpu.memory_space<vmem>> -> memref<1x64xi32, #tpu.memory_space<vmem>>
            %dma_wait3A_329 = tpu.memref_squeeze %dma_wait3A_328 : memref<1x64xi32, #tpu.memory_space<vmem>> -> memref<64xi32, #tpu.memory_space<vmem>>
            %dma_wait3A_330 = arith.constant 0 : i32
            %dma_wait3A_331 = arith.constant 0 : i32
            %dma_wait3A_332 = tpu.memref_slice %arg10[%dma_wait3A_330, %dma_wait3A_331] : memref<10000x128xf32, #tpu.memory_space<vmem_shared>> -> memref<10000x128xf32, #tpu.memory_space<vmem_shared>>
            tpu.wait_indirect_dma semaphore(%arg15 : memref<!tpu.dma_semaphore, #tpu.memory_space<semaphore_mem>>) src(%dma_wait3A_326 : memref<64x128xf32, #tpu.memory_space<vmem>>) dst(%dma_wait3A_332 : memref<10000x128xf32, #tpu.memory_space<vmem_shared>>)
          } else {
          }
          %add3A_249 = arith.constant 2 : i32
          %add3A_250 = arith.addi %add3A_238, %add3A_249 : i32
          %lt3A_251 = arith.constant 124 : i32
          %lt3A_252 = arith.cmpi slt, %add3A_250, %lt3A_251 : i32
          %convert_element_type3A_253 = arith.extui %lt3A_252 : i1 to i32
          %cond3A_254 = arith.constant 0 : i32
          %cond3A_255 = arith.cmpi ne, %convert_element_type3A_253, %cond3A_254 : i32
          scf.if %cond3A_255 {
            %add3A_321 = arith.constant 2 : i32
            %add3A_322 = arith.addi %add3A_238, %add3A_321 : i32
            %dma_start3A_323 = arith.constant 0 : i32
            %dma_start3A_324 = arith.constant 0 : i32
            %dma_start3A_325 = arith.constant 0 : i32
            %dma_start3A_326 = tpu.memref_slice %arg9[%dma_start3A_323, %dma_start3A_324, %dma_start3A_325] : memref<4x64x128xf32, #tpu.memory_space<vmem>> -> memref<1x64x128xf32, #tpu.memory_space<vmem>>
            %dma_start3A_327 = tpu.memref_squeeze %dma_start3A_326 : memref<1x64x128xf32, #tpu.memory_space<vmem>> -> memref<64x128xf32, #tpu.memory_space<vmem>>
            %dma_start3A_328 = arith.constant 0 : i32
            %dma_start3A_329 = tpu.memref_slice %arg7[%add3A_322, %dma_start3A_328] : memref<125x64xi32, #tpu.memory_space<vmem>> -> memref<1x64xi32, #tpu.memory_space<vmem>>
            %dma_start3A_330 = tpu.memref_squeeze %dma_start3A_329 : memref<1x64xi32, #tpu.memory_space<vmem>> -> memref<64xi32, #tpu.memory_space<vmem>>
            %dma_start3A_331 = arith.constant 0 : i32
            %dma_start3A_332 = arith.constant 0 : i32
            %dma_start3A_333 = tpu.memref_slice %arg5[%dma_start3A_331, %dma_start3A_332] : memref<10000x128xf32, #tpu.memory_space<hbm>> -> memref<10000x128xf32, #tpu.memory_space<hbm>>
            tpu.enqueue_indirect_dma source(%dma_start3A_333 : memref<10000x128xf32, #tpu.memory_space<hbm>>) target(%dma_start3A_327 : memref<64x128xf32, #tpu.memory_space<vmem>>) offsets(%dma_start3A_330 : memref<64xi32, #tpu.memory_space<vmem>>) semaphore(%arg11 : memref<!tpu.dma_semaphore, #tpu.memory_space<semaphore_mem>>)
          } else {
          }
          %dma_wait3A_256 = arith.constant 2 : i32
          %dma_wait3A_257 = arith.constant 0 : i32
          %dma_wait3A_258 = arith.constant 0 : i32
          %dma_wait3A_259 = tpu.memref_slice %arg9[%dma_wait3A_256, %dma_wait3A_257, %dma_wait3A_258] : memref<4x64x128xf32, #tpu.memory_space<vmem>> -> memref<1x64x128xf32, #tpu.memory_space<vmem>>
          %dma_wait3A_260 = tpu.memref_squeeze %dma_wait3A_259 : memref<1x64x128xf32, #tpu.memory_space<vmem>> -> memref<64x128xf32, #tpu.memory_space<vmem>>
          %dma_wait3A_261 = arith.constant 0 : i32
          %dma_wait3A_262 = tpu.memref_slice %arg7[%add3A_238, %dma_wait3A_261] : memref<125x64xi32, #tpu.memory_space<vmem>> -> memref<1x64xi32, #tpu.memory_space<vmem>>
          %dma_wait3A_263 = tpu.memref_squeeze %dma_wait3A_262 : memref<1x64xi32, #tpu.memory_space<vmem>> -> memref<64xi32, #tpu.memory_space<vmem>>
          %dma_wait3A_264 = arith.constant 0 : i32
          %dma_wait3A_265 = arith.constant 0 : i32
          %dma_wait3A_266 = tpu.memref_slice %arg5[%dma_wait3A_264, %dma_wait3A_265] : memref<10000x128xf32, #tpu.memory_space<hbm>> -> memref<10000x128xf32, #tpu.memory_space<hbm>>
          tpu.wait_indirect_dma semaphore(%arg13 : memref<!tpu.dma_semaphore, #tpu.memory_space<semaphore_mem>>) src(%dma_wait3A_266 : memref<10000x128xf32, #tpu.memory_space<hbm>>) dst(%dma_wait3A_260 : memref<64x128xf32, #tpu.memory_space<vmem>>)
          %dma_start3A_267 = arith.constant 2 : i32
          %dma_start3A_268 = arith.constant 0 : i32
          %dma_start3A_269 = arith.constant 0 : i32
          %dma_start3A_270 = tpu.memref_slice %arg9[%dma_start3A_267, %dma_start3A_268, %dma_start3A_269] : memref<4x64x128xf32, #tpu.memory_space<vmem>> -> memref<1x64x128xf32, #tpu.memory_space<vmem>>
          %dma_start3A_271 = tpu.memref_squeeze %dma_start3A_270 : memref<1x64x128xf32, #tpu.memory_space<vmem>> -> memref<64x128xf32, #tpu.memory_space<vmem>>
          %dma_start3A_272 = arith.constant 0 : i32
          %dma_start3A_273 = tpu.memref_slice %arg8[%add3A_238, %dma_start3A_272] : memref<125x64xi32, #tpu.memory_space<vmem>> -> memref<1x64xi32, #tpu.memory_space<vmem>>
          %dma_start3A_274 = tpu.memref_squeeze %dma_start3A_273 : memref<1x64xi32, #tpu.memory_space<vmem>> -> memref<64xi32, #tpu.memory_space<vmem>>
          %dma_start3A_275 = arith.constant 0 : i32
          %dma_start3A_276 = arith.constant 0 : i32
          %dma_start3A_277 = tpu.memref_slice %arg10[%dma_start3A_275, %dma_start3A_276] : memref<10000x128xf32, #tpu.memory_space<vmem_shared>> -> memref<10000x128xf32, #tpu.memory_space<vmem_shared>>
          tpu.enqueue_indirect_dma source(%dma_start3A_271 : memref<64x128xf32, #tpu.memory_space<vmem>>) target(%dma_start3A_277 : memref<10000x128xf32, #tpu.memory_space<vmem_shared>>) offsets(%dma_start3A_274 : memref<64xi32, #tpu.memory_space<vmem>>) semaphore(%arg17 : memref<!tpu.dma_semaphore, #tpu.memory_space<semaphore_mem>>) {add = true}
          %mul3A_278 = arith.constant 4 : i32
          %mul3A_279 = arith.muli %scan3A_151, %mul3A_278 : i32
          %add3A_280 = arith.constant 3 : i32
          %add3A_281 = arith.addi %mul3A_279, %add3A_280 : i32
          %ge3A_282 = arith.constant 2 : i32
          %ge3A_283 = arith.cmpi sge, %add3A_281, %ge3A_282 : i32
          %add3A_284 = arith.constant 2 : i32
          %add3A_285 = arith.addi %add3A_281, %add3A_284 : i32
          %lt3A_286 = arith.constant 124 : i32
          %lt3A_287 = arith.cmpi slt, %add3A_285, %lt3A_286 : i32
          %and3A_288 = arith.andi %ge3A_283, %lt3A_287 : i1
          %convert_element_type3A_289 = arith.extui %and3A_288 : i1 to i32
          %cond3A_290 = arith.constant 0 : i32
          %cond3A_291 = arith.cmpi ne, %convert_element_type3A_289, %cond3A_290 : i32
          scf.if %cond3A_291 {
            %sub3A = arith.constant 2 : i32
            %sub3A_321 = arith.subi %add3A_281, %sub3A : i32
            %dma_wait3A_322 = arith.constant 1 : i32
            %dma_wait3A_323 = arith.constant 0 : i32
            %dma_wait3A_324 = arith.constant 0 : i32
            %dma_wait3A_325 = tpu.memref_slice %arg9[%dma_wait3A_322, %dma_wait3A_323, %dma_wait3A_324] : memref<4x64x128xf32, #tpu.memory_space<vmem>> -> memref<1x64x128xf32, #tpu.memory_space<vmem>>
            %dma_wait3A_326 = tpu.memref_squeeze %dma_wait3A_325 : memref<1x64x128xf32, #tpu.memory_space<vmem>> -> memref<64x128xf32, #tpu.memory_space<vmem>>
            %dma_wait3A_327 = arith.constant 0 : i32
            %dma_wait3A_328 = tpu.memref_slice %arg8[%sub3A_321, %dma_wait3A_327] : memref<125x64xi32, #tpu.memory_space<vmem>> -> memref<1x64xi32, #tpu.memory_space<vmem>>
            %dma_wait3A_329 = tpu.memref_squeeze %dma_wait3A_328 : memref<1x64xi32, #tpu.memory_space<vmem>> -> memref<64xi32, #tpu.memory_space<vmem>>
            %dma_wait3A_330 = arith.constant 0 : i32
            %dma_wait3A_331 = arith.constant 0 : i32
            %dma_wait3A_332 = tpu.memref_slice %arg10[%dma_wait3A_330, %dma_wait3A_331] : memref<10000x128xf32, #tpu.memory_space<vmem_shared>> -> memref<10000x128xf32, #tpu.memory_space<vmem_shared>>
            tpu.wait_indirect_dma semaphore(%arg16 : memref<!tpu.dma_semaphore, #tpu.memory_space<semaphore_mem>>) src(%dma_wait3A_326 : memref<64x128xf32, #tpu.memory_space<vmem>>) dst(%dma_wait3A_332 : memref<10000x128xf32, #tpu.memory_space<vmem_shared>>)
          } else {
          }
          %add3A_292 = arith.constant 2 : i32
          %add3A_293 = arith.addi %add3A_281, %add3A_292 : i32
          %lt3A_294 = arith.constant 124 : i32
          %lt3A_295 = arith.cmpi slt, %add3A_293, %lt3A_294 : i32
          %convert_element_type3A_296 = arith.extui %lt3A_295 : i1 to i32
          %cond3A_297 = arith.constant 0 : i32
          %cond3A_298 = arith.cmpi ne, %convert_element_type3A_296, %cond3A_297 : i32
          scf.if %cond3A_298 {
            %add3A_321 = arith.constant 2 : i32
            %add3A_322 = arith.addi %add3A_281, %add3A_321 : i32
            %dma_start3A_323 = arith.constant 1 : i32
            %dma_start3A_324 = arith.constant 0 : i32
            %dma_start3A_325 = arith.constant 0 : i32
            %dma_start3A_326 = tpu.memref_slice %arg9[%dma_start3A_323, %dma_start3A_324, %dma_start3A_325] : memref<4x64x128xf32, #tpu.memory_space<vmem>> -> memref<1x64x128xf32, #tpu.memory_space<vmem>>
            %dma_start3A_327 = tpu.memref_squeeze %dma_start3A_326 : memref<1x64x128xf32, #tpu.memory_space<vmem>> -> memref<64x128xf32, #tpu.memory_space<vmem>>
            %dma_start3A_328 = arith.constant 0 : i32
            %dma_start3A_329 = tpu.memref_slice %arg7[%add3A_322, %dma_start3A_328] : memref<125x64xi32, #tpu.memory_space<vmem>> -> memref<1x64xi32, #tpu.memory_space<vmem>>
            %dma_start3A_330 = tpu.memref_squeeze %dma_start3A_329 : memref<1x64xi32, #tpu.memory_space<vmem>> -> memref<64xi32, #tpu.memory_space<vmem>>
            %dma_start3A_331 = arith.constant 0 : i32
            %dma_start3A_332 = arith.constant 0 : i32
            %dma_start3A_333 = tpu.memref_slice %arg5[%dma_start3A_331, %dma_start3A_332] : memref<10000x128xf32, #tpu.memory_space<hbm>> -> memref<10000x128xf32, #tpu.memory_space<hbm>>
            tpu.enqueue_indirect_dma source(%dma_start3A_333 : memref<10000x128xf32, #tpu.memory_space<hbm>>) target(%dma_start3A_327 : memref<64x128xf32, #tpu.memory_space<vmem>>) offsets(%dma_start3A_330 : memref<64xi32, #tpu.memory_space<vmem>>) semaphore(%arg12 : memref<!tpu.dma_semaphore, #tpu.memory_space<semaphore_mem>>)
          } else {
          }
          %dma_wait3A_299 = arith.constant 3 : i32
          %dma_wait3A_300 = arith.constant 0 : i32
          %dma_wait3A_301 = arith.constant 0 : i32
          %dma_wait3A_302 = tpu.memref_slice %arg9[%dma_wait3A_299, %dma_wait3A_300, %dma_wait3A_301] : memref<4x64x128xf32, #tpu.memory_space<vmem>> -> memref<1x64x128xf32, #tpu.memory_space<vmem>>
          %dma_wait3A_303 = tpu.memref_squeeze %dma_wait3A_302 : memref<1x64x128xf32, #tpu.memory_space<vmem>> -> memref<64x128xf32, #tpu.memory_space<vmem>>
          %dma_wait3A_304 = arith.constant 0 : i32
          %dma_wait3A_305 = tpu.memref_slice %arg7[%add3A_281, %dma_wait3A_304] : memref<125x64xi32, #tpu.memory_space<vmem>> -> memref<1x64xi32, #tpu.memory_space<vmem>>
          %dma_wait3A_306 = tpu.memref_squeeze %dma_wait3A_305 : memref<1x64xi32, #tpu.memory_space<vmem>> -> memref<64xi32, #tpu.memory_space<vmem>>
          %dma_wait3A_307 = arith.constant 0 : i32
          %dma_wait3A_308 = arith.constant 0 : i32
          %dma_wait3A_309 = tpu.memref_slice %arg5[%dma_wait3A_307, %dma_wait3A_308] : memref<10000x128xf32, #tpu.memory_space<hbm>> -> memref<10000x128xf32, #tpu.memory_space<hbm>>
          tpu.wait_indirect_dma semaphore(%arg14 : memref<!tpu.dma_semaphore, #tpu.memory_space<semaphore_mem>>) src(%dma_wait3A_309 : memref<10000x128xf32, #tpu.memory_space<hbm>>) dst(%dma_wait3A_303 : memref<64x128xf32, #tpu.memory_space<vmem>>)
          %dma_start3A_310 = arith.constant 3 : i32
          %dma_start3A_311 = arith.constant 0 : i32
          %dma_start3A_312 = arith.constant 0 : i32
          %dma_start3A_313 = tpu.memref_slice %arg9[%dma_start3A_310, %dma_start3A_311, %dma_start3A_312] : memref<4x64x128xf32, #tpu.memory_space<vmem>> -> memref<1x64x128xf32, #tpu.memory_space<vmem>>
          %dma_start3A_314 = tpu.memref_squeeze %dma_start3A_313 : memref<1x64x128xf32, #tpu.memory_space<vmem>> -> memref<64x128xf32, #tpu.memory_space<vmem>>
          %dma_start3A_315 = arith.constant 0 : i32
          %dma_start3A_316 = tpu.memref_slice %arg8[%add3A_281, %dma_start3A_315] : memref<125x64xi32, #tpu.memory_space<vmem>> -> memref<1x64xi32, #tpu.memory_space<vmem>>
          %dma_start3A_317 = tpu.memref_squeeze %dma_start3A_316 : memref<1x64xi32, #tpu.memory_space<vmem>> -> memref<64xi32, #tpu.memory_space<vmem>>
          %dma_start3A_318 = arith.constant 0 : i32
          %dma_start3A_319 = arith.constant 0 : i32
          %dma_start3A_320 = tpu.memref_slice %arg10[%dma_start3A_318, %dma_start3A_319] : memref<10000x128xf32, #tpu.memory_space<vmem_shared>> -> memref<10000x128xf32, #tpu.memory_space<vmem_shared>>
          tpu.enqueue_indirect_dma source(%dma_start3A_314 : memref<64x128xf32, #tpu.memory_space<vmem>>) target(%dma_start3A_320 : memref<10000x128xf32, #tpu.memory_space<vmem_shared>>) offsets(%dma_start3A_317 : memref<64xi32, #tpu.memory_space<vmem>>) semaphore(%arg18 : memref<!tpu.dma_semaphore, #tpu.memory_space<semaphore_mem>>) {add = true}
        }
        %scan3A_55 = arith.constant 31 : i32
        %dma_wait3A = arith.constant 0 : i32
        %dma_wait3A_56 = arith.constant 120 : i32
        %dma_wait3A_57 = arith.constant 0 : i32
        %dma_wait3A_58 = arith.constant 0 : i32
        %dma_wait3A_59 = tpu.memref_slice %arg9[%dma_wait3A, %dma_wait3A_57, %dma_wait3A_58] : memref<4x64x128xf32, #tpu.memory_space<vmem>> -> memref<1x64x128xf32, #tpu.memory_space<vmem>>
        %dma_wait3A_60 = tpu.memref_squeeze %dma_wait3A_59 : memref<1x64x128xf32, #tpu.memory_space<vmem>> -> memref<64x128xf32, #tpu.memory_space<vmem>>
        %dma_wait3A_61 = arith.constant 0 : i32
        %dma_wait3A_62 = tpu.memref_slice %arg8[%dma_wait3A_56, %dma_wait3A_61] : memref<125x64xi32, #tpu.memory_space<vmem>> -> memref<1x64xi32, #tpu.memory_space<vmem>>
        %dma_wait3A_63 = tpu.memref_squeeze %dma_wait3A_62 : memref<1x64xi32, #tpu.memory_space<vmem>> -> memref<64xi32, #tpu.memory_space<vmem>>
        %dma_wait3A_64 = arith.constant 0 : i32
        %dma_wait3A_65 = arith.constant 0 : i32
        %dma_wait3A_66 = tpu.memref_slice %arg10[%dma_wait3A_64, %dma_wait3A_65] : memref<10000x128xf32, #tpu.memory_space<vmem_shared>> -> memref<10000x128xf32, #tpu.memory_space<vmem_shared>>
        tpu.wait_indirect_dma semaphore(%arg15 : memref<!tpu.dma_semaphore, #tpu.memory_space<semaphore_mem>>) src(%dma_wait3A_60 : memref<64x128xf32, #tpu.memory_space<vmem>>) dst(%dma_wait3A_66 : memref<10000x128xf32, #tpu.memory_space<vmem_shared>>)
        %dma_wait3A_67 = arith.constant 1 : i32
        %dma_wait3A_68 = arith.constant 121 : i32
        %dma_wait3A_69 = arith.constant 0 : i32
        %dma_wait3A_70 = arith.constant 0 : i32
        %dma_wait3A_71 = tpu.memref_slice %arg9[%dma_wait3A_67, %dma_wait3A_69, %dma_wait3A_70] : memref<4x64x128xf32, #tpu.memory_space<vmem>> -> memref<1x64x128xf32, #tpu.memory_space<vmem>>
        %dma_wait3A_72 = tpu.memref_squeeze %dma_wait3A_71 : memref<1x64x128xf32, #tpu.memory_space<vmem>> -> memref<64x128xf32, #tpu.memory_space<vmem>>
        %dma_wait3A_73 = arith.constant 0 : i32
        %dma_wait3A_74 = tpu.memref_slice %arg8[%dma_wait3A_68, %dma_wait3A_73] : memref<125x64xi32, #tpu.memory_space<vmem>> -> memref<1x64xi32, #tpu.memory_space<vmem>>
        %dma_wait3A_75 = tpu.memref_squeeze %dma_wait3A_74 : memref<1x64xi32, #tpu.memory_space<vmem>> -> memref<64xi32, #tpu.memory_space<vmem>>
        %dma_wait3A_76 = arith.constant 0 : i32
        %dma_wait3A_77 = arith.constant 0 : i32
        %dma_wait3A_78 = tpu.memref_slice %arg10[%dma_wait3A_76, %dma_wait3A_77] : memref<10000x128xf32, #tpu.memory_space<vmem_shared>> -> memref<10000x128xf32, #tpu.memory_space<vmem_shared>>
        tpu.wait_indirect_dma semaphore(%arg16 : memref<!tpu.dma_semaphore, #tpu.memory_space<semaphore_mem>>) src(%dma_wait3A_72 : memref<64x128xf32, #tpu.memory_space<vmem>>) dst(%dma_wait3A_78 : memref<10000x128xf32, #tpu.memory_space<vmem_shared>>)
        %dma_wait3A_79 = arith.constant 2 : i32
        %dma_wait3A_80 = arith.constant 122 : i32
        %dma_wait3A_81 = arith.constant 0 : i32
        %dma_wait3A_82 = arith.constant 0 : i32
        %dma_wait3A_83 = tpu.memref_slice %arg9[%dma_wait3A_79, %dma_wait3A_81, %dma_wait3A_82] : memref<4x64x128xf32, #tpu.memory_space<vmem>> -> memref<1x64x128xf32, #tpu.memory_space<vmem>>
        %dma_wait3A_84 = tpu.memref_squeeze %dma_wait3A_83 : memref<1x64x128xf32, #tpu.memory_space<vmem>> -> memref<64x128xf32, #tpu.memory_space<vmem>>
        %dma_wait3A_85 = arith.constant 0 : i32
        %dma_wait3A_86 = tpu.memref_slice %arg8[%dma_wait3A_80, %dma_wait3A_85] : memref<125x64xi32, #tpu.memory_space<vmem>> -> memref<1x64xi32, #tpu.memory_space<vmem>>
        %dma_wait3A_87 = tpu.memref_squeeze %dma_wait3A_86 : memref<1x64xi32, #tpu.memory_space<vmem>> -> memref<64xi32, #tpu.memory_space<vmem>>
        %dma_wait3A_88 = arith.constant 0 : i32
        %dma_wait3A_89 = arith.constant 0 : i32
        %dma_wait3A_90 = tpu.memref_slice %arg10[%dma_wait3A_88, %dma_wait3A_89] : memref<10000x128xf32, #tpu.memory_space<vmem_shared>> -> memref<10000x128xf32, #tpu.memory_space<vmem_shared>>
        tpu.wait_indirect_dma semaphore(%arg17 : memref<!tpu.dma_semaphore, #tpu.memory_space<semaphore_mem>>) src(%dma_wait3A_84 : memref<64x128xf32, #tpu.memory_space<vmem>>) dst(%dma_wait3A_90 : memref<10000x128xf32, #tpu.memory_space<vmem_shared>>)
        %dma_wait3A_91 = arith.constant 3 : i32
        %dma_wait3A_92 = arith.constant 123 : i32
        %dma_wait3A_93 = arith.constant 0 : i32
        %dma_wait3A_94 = arith.constant 0 : i32
        %dma_wait3A_95 = tpu.memref_slice %arg9[%dma_wait3A_91, %dma_wait3A_93, %dma_wait3A_94] : memref<4x64x128xf32, #tpu.memory_space<vmem>> -> memref<1x64x128xf32, #tpu.memory_space<vmem>>
        %dma_wait3A_96 = tpu.memref_squeeze %dma_wait3A_95 : memref<1x64x128xf32, #tpu.memory_space<vmem>> -> memref<64x128xf32, #tpu.memory_space<vmem>>
        %dma_wait3A_97 = arith.constant 0 : i32
        %dma_wait3A_98 = tpu.memref_slice %arg8[%dma_wait3A_92, %dma_wait3A_97] : memref<125x64xi32, #tpu.memory_space<vmem>> -> memref<1x64xi32, #tpu.memory_space<vmem>>
        %dma_wait3A_99 = tpu.memref_squeeze %dma_wait3A_98 : memref<1x64xi32, #tpu.memory_space<vmem>> -> memref<64xi32, #tpu.memory_space<vmem>>
        %dma_wait3A_100 = arith.constant 0 : i32
        %dma_wait3A_101 = arith.constant 0 : i32
        %dma_wait3A_102 = tpu.memref_slice %arg10[%dma_wait3A_100, %dma_wait3A_101] : memref<10000x128xf32, #tpu.memory_space<vmem_shared>> -> memref<10000x128xf32, #tpu.memory_space<vmem_shared>>
        tpu.wait_indirect_dma semaphore(%arg18 : memref<!tpu.dma_semaphore, #tpu.memory_space<semaphore_mem>>) src(%dma_wait3A_96 : memref<64x128xf32, #tpu.memory_space<vmem>>) dst(%dma_wait3A_102 : memref<10000x128xf32, #tpu.memory_space<vmem_shared>>)
        %dma_start3A_103 = arith.constant 124 : i32
        %dma_start3A_104 = arith.constant 0 : i32
        %dma_start3A_105 = arith.constant 0 : i32
        %dma_start3A_106 = arith.constant 0 : i32
        %dma_start3A_107 = tpu.memref_slice %arg9[%dma_start3A_104, %dma_start3A_105, %dma_start3A_106] : memref<4x64x128xf32, #tpu.memory_space<vmem>> -> memref<1x64x128xf32, #tpu.memory_space<vmem>>
        %dma_start3A_108 = tpu.memref_squeeze %dma_start3A_107 : memref<1x64x128xf32, #tpu.memory_space<vmem>> -> memref<64x128xf32, #tpu.memory_space<vmem>>
        %dma_start3A_109 = arith.constant 0 : i32
        %dma_start3A_110 = tpu.memref_slice %arg7[%dma_start3A_103, %dma_start3A_109] : memref<125x64xi32, #tpu.memory_space<vmem>> -> memref<1x64xi32, #tpu.memory_space<vmem>>
        %dma_start3A_111 = tpu.memref_squeeze %dma_start3A_110 : memref<1x64xi32, #tpu.memory_space<vmem>> -> memref<64xi32, #tpu.memory_space<vmem>>
        %dma_start3A_112 = arith.constant 0 : i32
        %dma_start3A_113 = arith.constant 0 : i32
        %dma_start3A_114 = tpu.memref_slice %arg5[%dma_start3A_112, %dma_start3A_113] : memref<10000x128xf32, #tpu.memory_space<hbm>> -> memref<10000x128xf32, #tpu.memory_space<hbm>>
        tpu.enqueue_indirect_dma source(%dma_start3A_114 : memref<10000x128xf32, #tpu.memory_space<hbm>>) target(%dma_start3A_108 : memref<64x128xf32, #tpu.memory_space<vmem>>) offsets(%dma_start3A_111 : memref<64xi32, #tpu.memory_space<vmem>>) semaphore(%arg11 : memref<!tpu.dma_semaphore, #tpu.memory_space<semaphore_mem>>)
        %dma_wait3A_115 = arith.constant 124 : i32
        %dma_wait3A_116 = arith.constant 0 : i32
        %dma_wait3A_117 = arith.constant 0 : i32
        %dma_wait3A_118 = arith.constant 0 : i32
        %dma_wait3A_119 = tpu.memref_slice %arg9[%dma_wait3A_116, %dma_wait3A_117, %dma_wait3A_118] : memref<4x64x128xf32, #tpu.memory_space<vmem>> -> memref<1x64x128xf32, #tpu.memory_space<vmem>>
        %dma_wait3A_120 = tpu.memref_squeeze %dma_wait3A_119 : memref<1x64x128xf32, #tpu.memory_space<vmem>> -> memref<64x128xf32, #tpu.memory_space<vmem>>
        %dma_wait3A_121 = arith.constant 0 : i32
        %dma_wait3A_122 = tpu.memref_slice %arg7[%dma_wait3A_115, %dma_wait3A_121] : memref<125x64xi32, #tpu.memory_space<vmem>> -> memref<1x64xi32, #tpu.memory_space<vmem>>
        %dma_wait3A_123 = tpu.memref_squeeze %dma_wait3A_122 : memref<1x64xi32, #tpu.memory_space<vmem>> -> memref<64xi32, #tpu.memory_space<vmem>>
        %dma_wait3A_124 = arith.constant 0 : i32
        %dma_wait3A_125 = arith.constant 0 : i32
        %dma_wait3A_126 = tpu.memref_slice %arg5[%dma_wait3A_124, %dma_wait3A_125] : memref<10000x128xf32, #tpu.memory_space<hbm>> -> memref<10000x128xf32, #tpu.memory_space<hbm>>
        tpu.wait_indirect_dma semaphore(%arg11 : memref<!tpu.dma_semaphore, #tpu.memory_space<semaphore_mem>>) src(%dma_wait3A_126 : memref<10000x128xf32, #tpu.memory_space<hbm>>) dst(%dma_wait3A_120 : memref<64x128xf32, #tpu.memory_space<vmem>>)
        %dma_start3A_127 = arith.constant 0 : i32
        %dma_start3A_128 = arith.constant 124 : i32
        %dma_start3A_129 = arith.constant 0 : i32
        %dma_start3A_130 = arith.constant 0 : i32
        %dma_start3A_131 = tpu.memref_slice %arg9[%dma_start3A_127, %dma_start3A_129, %dma_start3A_130] : memref<4x64x128xf32, #tpu.memory_space<vmem>> -> memref<1x64x128xf32, #tpu.memory_space<vmem>>
        %dma_start3A_132 = tpu.memref_squeeze %dma_start3A_131 : memref<1x64x128xf32, #tpu.memory_space<vmem>> -> memref<64x128xf32, #tpu.memory_space<vmem>>
        %dma_start3A_133 = arith.constant 0 : i32
        %dma_start3A_134 = tpu.memref_slice %arg8[%dma_start3A_128, %dma_start3A_133] : memref<125x64xi32, #tpu.memory_space<vmem>> -> memref<1x64xi32, #tpu.memory_space<vmem>>
        %dma_start3A_135 = tpu.memref_squeeze %dma_start3A_134 : memref<1x64xi32, #tpu.memory_space<vmem>> -> memref<64xi32, #tpu.memory_space<vmem>>
        %dma_start3A_136 = arith.constant 0 : i32
        %dma_start3A_137 = arith.constant 0 : i32
        %dma_start3A_138 = tpu.memref_slice %arg10[%dma_start3A_136, %dma_start3A_137] : memref<10000x128xf32, #tpu.memory_space<vmem_shared>> -> memref<10000x128xf32, #tpu.memory_space<vmem_shared>>
        tpu.enqueue_indirect_dma source(%dma_start3A_132 : memref<64x128xf32, #tpu.memory_space<vmem>>) target(%dma_start3A_138 : memref<10000x128xf32, #tpu.memory_space<vmem_shared>>) offsets(%dma_start3A_135 : memref<64xi32, #tpu.memory_space<vmem>>) semaphore(%arg15 : memref<!tpu.dma_semaphore, #tpu.memory_space<semaphore_mem>>) {add = true}
        %dma_wait3A_139 = arith.constant 0 : i32
        %dma_wait3A_140 = arith.constant 124 : i32
        %dma_wait3A_141 = arith.constant 0 : i32
        %dma_wait3A_142 = arith.constant 0 : i32
        %dma_wait3A_143 = tpu.memref_slice %arg9[%dma_wait3A_139, %dma_wait3A_141, %dma_wait3A_142] : memref<4x64x128xf32, #tpu.memory_space<vmem>> -> memref<1x64x128xf32, #tpu.memory_space<vmem>>
        %dma_wait3A_144 = tpu.memref_squeeze %dma_wait3A_143 : memref<1x64x128xf32, #tpu.memory_space<vmem>> -> memref<64x128xf32, #tpu.memory_space<vmem>>
        %dma_wait3A_145 = arith.constant 0 : i32
        %dma_wait3A_146 = tpu.memref_slice %arg8[%dma_wait3A_140, %dma_wait3A_145] : memref<125x64xi32, #tpu.memory_space<vmem>> -> memref<1x64xi32, #tpu.memory_space<vmem>>
        %dma_wait3A_147 = tpu.memref_squeeze %dma_wait3A_146 : memref<1x64xi32, #tpu.memory_space<vmem>> -> memref<64xi32, #tpu.memory_space<vmem>>
        %dma_wait3A_148 = arith.constant 0 : i32
        %dma_wait3A_149 = arith.constant 0 : i32
        %dma_wait3A_150 = tpu.memref_slice %arg10[%dma_wait3A_148, %dma_wait3A_149] : memref<10000x128xf32, #tpu.memory_space<vmem_shared>> -> memref<10000x128xf32, #tpu.memory_space<vmem_shared>>
        tpu.wait_indirect_dma semaphore(%arg15 : memref<!tpu.dma_semaphore, #tpu.memory_space<semaphore_mem>>) src(%dma_wait3A_144 : memref<64x128xf32, #tpu.memory_space<vmem>>) dst(%dma_wait3A_150 : memref<10000x128xf32, #tpu.memory_space<vmem_shared>>)
      }
      %scan3A_17 = arith.constant 5 : i32
      %barrier3A_18 = arith.constant 0 : index
      tpu.barrier barrier_id(%barrier3A_18)
      %eq3A_19 = arith.constant 0 : i32
      %eq3A_20 = arith.cmpi eq, %arg1, %eq3A_19 : i32
      %convert_element_type3A_21 = arith.extui %eq3A_20 : i1 to i32
      %cond3A_22 = arith.constant 0 : i32
      %cond3A_23 = arith.cmpi ne, %convert_element_type3A_21, %cond3A_22 : i32
      scf.if %cond3A_23 {
        "tpu.region"() ({
          %run_scoped3A = tpu.sem_alloc : memref<!tpu.dma_semaphore, #tpu.memory_space<semaphore_mem>>
          %dma_start3A = arith.constant 0 : i32
          %dma_start3A_24 = arith.constant 0 : i32
          %dma_start3A_25 = tpu.memref_slice %arg6[%arg0, %dma_start3A, %dma_start3A_24] : memref<2x10000x128xf32, #tpu.memory_space<hbm>> -> memref<1x10000x128xf32, #tpu.memory_space<hbm>>
          %dma_start3A_26 = tpu.memref_squeeze %dma_start3A_25 : memref<1x10000x128xf32, #tpu.memory_space<hbm>> -> memref<10000x128xf32, #tpu.memory_space<hbm>>
          tpu.enqueue_dma source(%arg10 : memref<10000x128xf32, #tpu.memory_space<vmem_shared>>) target(%dma_start3A_26 : memref<10000x128xf32, #tpu.memory_space<hbm>>) target_semaphore(%run_scoped3A : memref<!tpu.dma_semaphore, #tpu.memory_space<semaphore_mem>>)
          %dma_wait3A = arith.constant 0 : i32
          %dma_wait3A_27 = arith.constant 0 : i32
          %dma_wait3A_28 = tpu.memref_slice %arg6[%arg0, %dma_wait3A, %dma_wait3A_27] : memref<2x10000x128xf32, #tpu.memory_space<hbm>> -> memref<1x10000x128xf32, #tpu.memory_space<hbm>>
          %dma_wait3A_29 = tpu.memref_squeeze %dma_wait3A_28 : memref<1x10000x128xf32, #tpu.memory_space<hbm>> -> memref<10000x128xf32, #tpu.memory_space<hbm>>
          tpu.wait_dma2 semaphore(%run_scoped3A : memref<!tpu.dma_semaphore, #tpu.memory_space<semaphore_mem>>) src(%arg10 : memref<10000x128xf32, #tpu.memory_space<vmem_shared>>) dst(%dma_wait3A_29 : memref<10000x128xf32, #tpu.memory_space<hbm>>)
          tpu.yield
        }) : () -> ()
      } else {
      }
    } else {
    }
    return
  }
}

#map = affine_map<(d0, d1) -> (0, 0)>
#map1 = affine_map<(d0, d1) -> (0, 0, 0)>
module attributes {stable_mosaic.version = 14 : i64} {
  func.func @_agg16_body(%arg0: i32, %arg1: i32, %arg2: memref<8000x80xi32, #tpu.memory_space<hbm>>, %arg3: memref<8000x80xi32, #tpu.memory_space<hbm>>, %arg4: memref<10000x16xf32, #tpu.memory_space<hbm>>, %arg5: memref<2x10000x16xf32, #tpu.memory_space<hbm>>, %arg6: memref<125x80xi32, #tpu.memory_space<vmem>>, %arg7: memref<125x80xi32, #tpu.memory_space<vmem>>, %arg8: memref<4x80x16xf32, #tpu.memory_space<vmem>>, %arg9: memref<10000x16xf32, #tpu.memory_space<vmem_shared>>, %arg10: memref<!tpu.dma_semaphore, #tpu.memory_space<semaphore_mem>>, %arg11: memref<!tpu.dma_semaphore, #tpu.memory_space<semaphore_mem>>, %arg12: memref<!tpu.dma_semaphore, #tpu.memory_space<semaphore_mem>>, %arg13: memref<!tpu.dma_semaphore, #tpu.memory_space<semaphore_mem>>, %arg14: memref<!tpu.dma_semaphore, #tpu.memory_space<semaphore_mem>>, %arg15: memref<!tpu.dma_semaphore, #tpu.memory_space<semaphore_mem>>, %arg16: memref<!tpu.dma_semaphore, #tpu.memory_space<semaphore_mem>>, %arg17: memref<!tpu.dma_semaphore, #tpu.memory_space<semaphore_mem>>) attributes {dimension_semantics = [#tpu.dimension_semantics<core_parallel>, #tpu.dimension_semantics<subcore_parallel>], iteration_bounds = array<i64: 2, 16>, scalar_prefetch = 0 : i64, scratch_operands = 12 : i64, tpu.core_type = #tpu.core_type<sc_vector_subcore>, window_params = [{transform_indices = #map}, {transform_indices = #map}, {transform_indices = #map}, {transform_indices = #map1}]} {
    %eq3A = arith.constant 0 : i32
    %eq3A_0 = arith.cmpi eq, %arg1, %eq3A : i32
    %convert_element_type3A = arith.extui %eq3A_0 : i1 to i32
    %cond3A = arith.constant 0 : i32
    %cond3A_1 = arith.cmpi ne, %convert_element_type3A, %cond3A : i32
    scf.if %cond3A_1 {
      "tpu.region"() ({
        %run_scoped3A = tpu.sem_alloc : memref<!tpu.dma_semaphore, #tpu.memory_space<semaphore_mem>>
        tpu.enqueue_dma source(%arg4 : memref<10000x16xf32, #tpu.memory_space<hbm>>) target(%arg9 : memref<10000x16xf32, #tpu.memory_space<vmem_shared>>) target_semaphore(%run_scoped3A : memref<!tpu.dma_semaphore, #tpu.memory_space<semaphore_mem>>)
        tpu.wait_dma2 semaphore(%run_scoped3A : memref<!tpu.dma_semaphore, #tpu.memory_space<semaphore_mem>>) src(%arg4 : memref<10000x16xf32, #tpu.memory_space<hbm>>) dst(%arg9 : memref<10000x16xf32, #tpu.memory_space<vmem_shared>>)
        tpu.yield
      }) : () -> ()
    } else {
    }
    %barrier3A = arith.constant 0 : index
    tpu.barrier barrier_id(%barrier3A)
    %mul3A = arith.constant 16 : i32
    %mul3A_2 = arith.muli %arg0, %mul3A : i32
    %add3A = arith.addi %mul3A_2, %arg1 : i32
    %mul3A_3 = arith.constant 250 : i32
    %mul3A_4 = arith.muli %add3A, %mul3A_3 : i32
    %scan3A = arith.constant 0 : i32
    %scan3A_5 = arith.constant 0 : i32
    %scan3A_6 = arith.constant 2 : i32
    %scan3A_7 = arith.addi %scan3A_5, %scan3A_6 : i32
    %scan3A_8 = arith.constant 1 : i32
    scf.for %scan3A_16 = %scan3A_5 to %scan3A_7 step %scan3A_8  : i32 {
      %mul3A_17 = arith.constant 125 : i32
      %mul3A_18 = arith.muli %scan3A_16, %mul3A_17 : i32
      %add3A_19 = arith.addi %mul3A_4, %mul3A_18 : i32
      "tpu.region"() ({
        %run_scoped3A = tpu.sem_alloc : memref<!tpu.dma_semaphore, #tpu.memory_space<semaphore_mem>>
        %dma_start3A_144 = arith.constant 0 : i32
        %dma_start3A_145 = tpu.memref_slice %arg2[%add3A_19, %dma_start3A_144] : memref<8000x80xi32, #tpu.memory_space<hbm>> -> memref<125x80xi32, #tpu.memory_space<hbm>>
        %dma_start3A_146 = arith.constant 0 : i32
        %dma_start3A_147 = tpu.memref_slice %arg2[%add3A_19, %dma_start3A_146] : memref<8000x80xi32, #tpu.memory_space<hbm>> -> memref<125x80xi32, #tpu.memory_space<hbm>>
        tpu.enqueue_dma source(%dma_start3A_147 : memref<125x80xi32, #tpu.memory_space<hbm>>) target(%arg6 : memref<125x80xi32, #tpu.memory_space<vmem>>) target_semaphore(%run_scoped3A : memref<!tpu.dma_semaphore, #tpu.memory_space<semaphore_mem>>)
        %dma_wait3A_148 = arith.constant 0 : i32
        %dma_wait3A_149 = tpu.memref_slice %arg2[%add3A_19, %dma_wait3A_148] : memref<8000x80xi32, #tpu.memory_space<hbm>> -> memref<125x80xi32, #tpu.memory_space<hbm>>
        %dma_wait3A_150 = arith.constant 0 : i32
        %dma_wait3A_151 = tpu.memref_slice %arg2[%add3A_19, %dma_wait3A_150] : memref<8000x80xi32, #tpu.memory_space<hbm>> -> memref<125x80xi32, #tpu.memory_space<hbm>>
        tpu.wait_dma2 semaphore(%run_scoped3A : memref<!tpu.dma_semaphore, #tpu.memory_space<semaphore_mem>>) src(%dma_wait3A_151 : memref<125x80xi32, #tpu.memory_space<hbm>>) dst(%arg6 : memref<125x80xi32, #tpu.memory_space<vmem>>)
        tpu.yield
      }) : () -> ()
      "tpu.region"() ({
        %run_scoped3A = tpu.sem_alloc : memref<!tpu.dma_semaphore, #tpu.memory_space<semaphore_mem>>
        %dma_start3A_144 = arith.constant 0 : i32
        %dma_start3A_145 = tpu.memref_slice %arg3[%add3A_19, %dma_start3A_144] : memref<8000x80xi32, #tpu.memory_space<hbm>> -> memref<125x80xi32, #tpu.memory_space<hbm>>
        %dma_start3A_146 = arith.constant 0 : i32
        %dma_start3A_147 = tpu.memref_slice %arg3[%add3A_19, %dma_start3A_146] : memref<8000x80xi32, #tpu.memory_space<hbm>> -> memref<125x80xi32, #tpu.memory_space<hbm>>
        tpu.enqueue_dma source(%dma_start3A_147 : memref<125x80xi32, #tpu.memory_space<hbm>>) target(%arg7 : memref<125x80xi32, #tpu.memory_space<vmem>>) target_semaphore(%run_scoped3A : memref<!tpu.dma_semaphore, #tpu.memory_space<semaphore_mem>>)
        %dma_wait3A_148 = arith.constant 0 : i32
        %dma_wait3A_149 = tpu.memref_slice %arg3[%add3A_19, %dma_wait3A_148] : memref<8000x80xi32, #tpu.memory_space<hbm>> -> memref<125x80xi32, #tpu.memory_space<hbm>>
        %dma_wait3A_150 = arith.constant 0 : i32
        %dma_wait3A_151 = tpu.memref_slice %arg3[%add3A_19, %dma_wait3A_150] : memref<8000x80xi32, #tpu.memory_space<hbm>> -> memref<125x80xi32, #tpu.memory_space<hbm>>
        tpu.wait_dma2 semaphore(%run_scoped3A : memref<!tpu.dma_semaphore, #tpu.memory_space<semaphore_mem>>) src(%dma_wait3A_151 : memref<125x80xi32, #tpu.memory_space<hbm>>) dst(%arg7 : memref<125x80xi32, #tpu.memory_space<vmem>>)
        tpu.yield
      }) : () -> ()
      %dma_start3A = arith.constant 0 : i32
      %dma_start3A_20 = arith.constant 0 : i32
      %dma_start3A_21 = arith.constant 0 : i32
      %dma_start3A_22 = arith.constant 0 : i32
      %dma_start3A_23 = tpu.memref_slice %arg8[%dma_start3A_20, %dma_start3A_21, %dma_start3A_22] : memref<4x80x16xf32, #tpu.memory_space<vmem>> -> memref<1x80x16xf32, #tpu.memory_space<vmem>>
      %dma_start3A_24 = tpu.memref_squeeze %dma_start3A_23 : memref<1x80x16xf32, #tpu.memory_space<vmem>> -> memref<80x16xf32, #tpu.memory_space<vmem>>
      %dma_start3A_25 = arith.constant 0 : i32
      %dma_start3A_26 = tpu.memref_slice %arg6[%dma_start3A, %dma_start3A_25] : memref<125x80xi32, #tpu.memory_space<vmem>> -> memref<1x80xi32, #tpu.memory_space<vmem>>
      %dma_start3A_27 = tpu.memref_squeeze %dma_start3A_26 : memref<1x80xi32, #tpu.memory_space<vmem>> -> memref<80xi32, #tpu.memory_space<vmem>>
      %dma_start3A_28 = arith.constant 0 : i32
      %dma_start3A_29 = arith.constant 0 : i32
      %dma_start3A_30 = tpu.memref_slice %arg4[%dma_start3A_28, %dma_start3A_29] : memref<10000x16xf32, #tpu.memory_space<hbm>> -> memref<10000x16xf32, #tpu.memory_space<hbm>>
      tpu.enqueue_indirect_dma source(%dma_start3A_30 : memref<10000x16xf32, #tpu.memory_space<hbm>>) target(%dma_start3A_24 : memref<80x16xf32, #tpu.memory_space<vmem>>) offsets(%dma_start3A_27 : memref<80xi32, #tpu.memory_space<vmem>>) semaphore(%arg10 : memref<!tpu.dma_semaphore, #tpu.memory_space<semaphore_mem>>)
      %dma_start3A_31 = arith.constant 1 : i32
      %dma_start3A_32 = arith.constant 1 : i32
      %dma_start3A_33 = arith.constant 0 : i32
      %dma_start3A_34 = arith.constant 0 : i32
      %dma_start3A_35 = tpu.memref_slice %arg8[%dma_start3A_32, %dma_start3A_33, %dma_start3A_34] : memref<4x80x16xf32, #tpu.memory_space<vmem>> -> memref<1x80x16xf32, #tpu.memory_space<vmem>>
      %dma_start3A_36 = tpu.memref_squeeze %dma_start3A_35 : memref<1x80x16xf32, #tpu.memory_space<vmem>> -> memref<80x16xf32, #tpu.memory_space<vmem>>
      %dma_start3A_37 = arith.constant 0 : i32
      %dma_start3A_38 = tpu.memref_slice %arg6[%dma_start3A_31, %dma_start3A_37] : memref<125x80xi32, #tpu.memory_space<vmem>> -> memref<1x80xi32, #tpu.memory_space<vmem>>
      %dma_start3A_39 = tpu.memref_squeeze %dma_start3A_38 : memref<1x80xi32, #tpu.memory_space<vmem>> -> memref<80xi32, #tpu.memory_space<vmem>>
      %dma_start3A_40 = arith.constant 0 : i32
      %dma_start3A_41 = arith.constant 0 : i32
      %dma_start3A_42 = tpu.memref_slice %arg4[%dma_start3A_40, %dma_start3A_41] : memref<10000x16xf32, #tpu.memory_space<hbm>> -> memref<10000x16xf32, #tpu.memory_space<hbm>>
      tpu.enqueue_indirect_dma source(%dma_start3A_42 : memref<10000x16xf32, #tpu.memory_space<hbm>>) target(%dma_start3A_36 : memref<80x16xf32, #tpu.memory_space<vmem>>) offsets(%dma_start3A_39 : memref<80xi32, #tpu.memory_space<vmem>>) semaphore(%arg11 : memref<!tpu.dma_semaphore, #tpu.memory_space<semaphore_mem>>)
      %scan3A_43 = arith.constant 0 : i32
      %scan3A_44 = arith.constant 0 : i32
      %scan3A_45 = arith.constant 31 : i32
      %scan3A_46 = arith.addi %scan3A_44, %scan3A_45 : i32
      %scan3A_47 = arith.constant 1 : i32
      scf.for %scan3A_144 = %scan3A_44 to %scan3A_46 step %scan3A_47  : i32 {
        %mul3A_145 = arith.constant 4 : i32
        %mul3A_146 = arith.muli %scan3A_144, %mul3A_145 : i32
        %add3A_147 = arith.constant 0 : i32
        %add3A_148 = arith.addi %mul3A_146, %add3A_147 : i32
        %ge3A = arith.constant 2 : i32
        %ge3A_149 = arith.cmpi sge, %add3A_148, %ge3A : i32
        %add3A_150 = arith.constant 2 : i32
        %add3A_151 = arith.addi %add3A_148, %add3A_150 : i32
        %lt3A = arith.constant 124 : i32
        %lt3A_152 = arith.cmpi slt, %add3A_151, %lt3A : i32
        %and3A = arith.andi %ge3A_149, %lt3A_152 : i1
        %convert_element_type3A_153 = arith.extui %and3A : i1 to i32
        %cond3A_154 = arith.constant 0 : i32
        %cond3A_155 = arith.cmpi ne, %convert_element_type3A_153, %cond3A_154 : i32
        scf.if %cond3A_155 {
          %sub3A = arith.constant 2 : i32
          %sub3A_314 = arith.subi %add3A_148, %sub3A : i32
          %dma_wait3A_315 = arith.constant 2 : i32
          %dma_wait3A_316 = arith.constant 0 : i32
          %dma_wait3A_317 = arith.constant 0 : i32
          %dma_wait3A_318 = tpu.memref_slice %arg8[%dma_wait3A_315, %dma_wait3A_316, %dma_wait3A_317] : memref<4x80x16xf32, #tpu.memory_space<vmem>> -> memref<1x80x16xf32, #tpu.memory_space<vmem>>
          %dma_wait3A_319 = tpu.memref_squeeze %dma_wait3A_318 : memref<1x80x16xf32, #tpu.memory_space<vmem>> -> memref<80x16xf32, #tpu.memory_space<vmem>>
          %dma_wait3A_320 = arith.constant 0 : i32
          %dma_wait3A_321 = tpu.memref_slice %arg7[%sub3A_314, %dma_wait3A_320] : memref<125x80xi32, #tpu.memory_space<vmem>> -> memref<1x80xi32, #tpu.memory_space<vmem>>
          %dma_wait3A_322 = tpu.memref_squeeze %dma_wait3A_321 : memref<1x80xi32, #tpu.memory_space<vmem>> -> memref<80xi32, #tpu.memory_space<vmem>>
          %dma_wait3A_323 = arith.constant 0 : i32
          %dma_wait3A_324 = arith.constant 0 : i32
          %dma_wait3A_325 = tpu.memref_slice %arg9[%dma_wait3A_323, %dma_wait3A_324] : memref<10000x16xf32, #tpu.memory_space<vmem_shared>> -> memref<10000x16xf32, #tpu.memory_space<vmem_shared>>
          tpu.wait_indirect_dma semaphore(%arg16 : memref<!tpu.dma_semaphore, #tpu.memory_space<semaphore_mem>>) src(%dma_wait3A_319 : memref<80x16xf32, #tpu.memory_space<vmem>>) dst(%dma_wait3A_325 : memref<10000x16xf32, #tpu.memory_space<vmem_shared>>)
        } else {
        }
        %add3A_156 = arith.constant 2 : i32
        %add3A_157 = arith.addi %add3A_148, %add3A_156 : i32
        %lt3A_158 = arith.constant 124 : i32
        %lt3A_159 = arith.cmpi slt, %add3A_157, %lt3A_158 : i32
        %convert_element_type3A_160 = arith.extui %lt3A_159 : i1 to i32
        %cond3A_161 = arith.constant 0 : i32
        %cond3A_162 = arith.cmpi ne, %convert_element_type3A_160, %cond3A_161 : i32
        scf.if %cond3A_162 {
          %add3A_314 = arith.constant 2 : i32
          %add3A_315 = arith.addi %add3A_148, %add3A_314 : i32
          %dma_start3A_316 = arith.constant 2 : i32
          %dma_start3A_317 = arith.constant 0 : i32
          %dma_start3A_318 = arith.constant 0 : i32
          %dma_start3A_319 = tpu.memref_slice %arg8[%dma_start3A_316, %dma_start3A_317, %dma_start3A_318] : memref<4x80x16xf32, #tpu.memory_space<vmem>> -> memref<1x80x16xf32, #tpu.memory_space<vmem>>
          %dma_start3A_320 = tpu.memref_squeeze %dma_start3A_319 : memref<1x80x16xf32, #tpu.memory_space<vmem>> -> memref<80x16xf32, #tpu.memory_space<vmem>>
          %dma_start3A_321 = arith.constant 0 : i32
          %dma_start3A_322 = tpu.memref_slice %arg6[%add3A_315, %dma_start3A_321] : memref<125x80xi32, #tpu.memory_space<vmem>> -> memref<1x80xi32, #tpu.memory_space<vmem>>
          %dma_start3A_323 = tpu.memref_squeeze %dma_start3A_322 : memref<1x80xi32, #tpu.memory_space<vmem>> -> memref<80xi32, #tpu.memory_space<vmem>>
          %dma_start3A_324 = arith.constant 0 : i32
          %dma_start3A_325 = arith.constant 0 : i32
          %dma_start3A_326 = tpu.memref_slice %arg4[%dma_start3A_324, %dma_start3A_325] : memref<10000x16xf32, #tpu.memory_space<hbm>> -> memref<10000x16xf32, #tpu.memory_space<hbm>>
          tpu.enqueue_indirect_dma source(%dma_start3A_326 : memref<10000x16xf32, #tpu.memory_space<hbm>>) target(%dma_start3A_320 : memref<80x16xf32, #tpu.memory_space<vmem>>) offsets(%dma_start3A_323 : memref<80xi32, #tpu.memory_space<vmem>>) semaphore(%arg12 : memref<!tpu.dma_semaphore, #tpu.memory_space<semaphore_mem>>)
        } else {
        }
        %dma_wait3A_163 = arith.constant 0 : i32
        %dma_wait3A_164 = arith.constant 0 : i32
        %dma_wait3A_165 = arith.constant 0 : i32
        %dma_wait3A_166 = tpu.memref_slice %arg8[%dma_wait3A_163, %dma_wait3A_164, %dma_wait3A_165] : memref<4x80x16xf32, #tpu.memory_space<vmem>> -> memref<1x80x16xf32, #tpu.memory_space<vmem>>
        %dma_wait3A_167 = tpu.memref_squeeze %dma_wait3A_166 : memref<1x80x16xf32, #tpu.memory_space<vmem>> -> memref<80x16xf32, #tpu.memory_space<vmem>>
        %dma_wait3A_168 = arith.constant 0 : i32
        %dma_wait3A_169 = tpu.memref_slice %arg6[%add3A_148, %dma_wait3A_168] : memref<125x80xi32, #tpu.memory_space<vmem>> -> memref<1x80xi32, #tpu.memory_space<vmem>>
        %dma_wait3A_170 = tpu.memref_squeeze %dma_wait3A_169 : memref<1x80xi32, #tpu.memory_space<vmem>> -> memref<80xi32, #tpu.memory_space<vmem>>
        %dma_wait3A_171 = arith.constant 0 : i32
        %dma_wait3A_172 = arith.constant 0 : i32
        %dma_wait3A_173 = tpu.memref_slice %arg4[%dma_wait3A_171, %dma_wait3A_172] : memref<10000x16xf32, #tpu.memory_space<hbm>> -> memref<10000x16xf32, #tpu.memory_space<hbm>>
        tpu.wait_indirect_dma semaphore(%arg10 : memref<!tpu.dma_semaphore, #tpu.memory_space<semaphore_mem>>) src(%dma_wait3A_173 : memref<10000x16xf32, #tpu.memory_space<hbm>>) dst(%dma_wait3A_167 : memref<80x16xf32, #tpu.memory_space<vmem>>)
        %dma_start3A_174 = arith.constant 0 : i32
        %dma_start3A_175 = arith.constant 0 : i32
        %dma_start3A_176 = arith.constant 0 : i32
        %dma_start3A_177 = tpu.memref_slice %arg8[%dma_start3A_174, %dma_start3A_175, %dma_start3A_176] : memref<4x80x16xf32, #tpu.memory_space<vmem>> -> memref<1x80x16xf32, #tpu.memory_space<vmem>>
        %dma_start3A_178 = tpu.memref_squeeze %dma_start3A_177 : memref<1x80x16xf32, #tpu.memory_space<vmem>> -> memref<80x16xf32, #tpu.memory_space<vmem>>
        %dma_start3A_179 = arith.constant 0 : i32
        %dma_start3A_180 = tpu.memref_slice %arg7[%add3A_148, %dma_start3A_179] : memref<125x80xi32, #tpu.memory_space<vmem>> -> memref<1x80xi32, #tpu.memory_space<vmem>>
        %dma_start3A_181 = tpu.memref_squeeze %dma_start3A_180 : memref<1x80xi32, #tpu.memory_space<vmem>> -> memref<80xi32, #tpu.memory_space<vmem>>
        %dma_start3A_182 = arith.constant 0 : i32
        %dma_start3A_183 = arith.constant 0 : i32
        %dma_start3A_184 = tpu.memref_slice %arg9[%dma_start3A_182, %dma_start3A_183] : memref<10000x16xf32, #tpu.memory_space<vmem_shared>> -> memref<10000x16xf32, #tpu.memory_space<vmem_shared>>
        tpu.enqueue_indirect_dma source(%dma_start3A_178 : memref<80x16xf32, #tpu.memory_space<vmem>>) target(%dma_start3A_184 : memref<10000x16xf32, #tpu.memory_space<vmem_shared>>) offsets(%dma_start3A_181 : memref<80xi32, #tpu.memory_space<vmem>>) semaphore(%arg14 : memref<!tpu.dma_semaphore, #tpu.memory_space<semaphore_mem>>) {add = true}
        %mul3A_185 = arith.constant 4 : i32
        %mul3A_186 = arith.muli %scan3A_144, %mul3A_185 : i32
        %add3A_187 = arith.constant 1 : i32
        %add3A_188 = arith.addi %mul3A_186, %add3A_187 : i32
        %ge3A_189 = arith.constant 2 : i32
        %ge3A_190 = arith.cmpi sge, %add3A_188, %ge3A_189 : i32
        %add3A_191 = arith.constant 2 : i32
        %add3A_192 = arith.addi %add3A_188, %add3A_191 : i32
        %lt3A_193 = arith.constant 124 : i32
        %lt3A_194 = arith.cmpi slt, %add3A_192, %lt3A_193 : i32
        %and3A_195 = arith.andi %ge3A_190, %lt3A_194 : i1
        %convert_element_type3A_196 = arith.extui %and3A_195 : i1 to i32
        %cond3A_197 = arith.constant 0 : i32
        %cond3A_198 = arith.cmpi ne, %convert_element_type3A_196, %cond3A_197 : i32
        scf.if %cond3A_198 {
          %sub3A = arith.constant 2 : i32
          %sub3A_314 = arith.subi %add3A_188, %sub3A : i32
          %dma_wait3A_315 = arith.constant 3 : i32
          %dma_wait3A_316 = arith.constant 0 : i32
          %dma_wait3A_317 = arith.constant 0 : i32
          %dma_wait3A_318 = tpu.memref_slice %arg8[%dma_wait3A_315, %dma_wait3A_316, %dma_wait3A_317] : memref<4x80x16xf32, #tpu.memory_space<vmem>> -> memref<1x80x16xf32, #tpu.memory_space<vmem>>
          %dma_wait3A_319 = tpu.memref_squeeze %dma_wait3A_318 : memref<1x80x16xf32, #tpu.memory_space<vmem>> -> memref<80x16xf32, #tpu.memory_space<vmem>>
          %dma_wait3A_320 = arith.constant 0 : i32
          %dma_wait3A_321 = tpu.memref_slice %arg7[%sub3A_314, %dma_wait3A_320] : memref<125x80xi32, #tpu.memory_space<vmem>> -> memref<1x80xi32, #tpu.memory_space<vmem>>
          %dma_wait3A_322 = tpu.memref_squeeze %dma_wait3A_321 : memref<1x80xi32, #tpu.memory_space<vmem>> -> memref<80xi32, #tpu.memory_space<vmem>>
          %dma_wait3A_323 = arith.constant 0 : i32
          %dma_wait3A_324 = arith.constant 0 : i32
          %dma_wait3A_325 = tpu.memref_slice %arg9[%dma_wait3A_323, %dma_wait3A_324] : memref<10000x16xf32, #tpu.memory_space<vmem_shared>> -> memref<10000x16xf32, #tpu.memory_space<vmem_shared>>
          tpu.wait_indirect_dma semaphore(%arg17 : memref<!tpu.dma_semaphore, #tpu.memory_space<semaphore_mem>>) src(%dma_wait3A_319 : memref<80x16xf32, #tpu.memory_space<vmem>>) dst(%dma_wait3A_325 : memref<10000x16xf32, #tpu.memory_space<vmem_shared>>)
        } else {
        }
        %add3A_199 = arith.constant 2 : i32
        %add3A_200 = arith.addi %add3A_188, %add3A_199 : i32
        %lt3A_201 = arith.constant 124 : i32
        %lt3A_202 = arith.cmpi slt, %add3A_200, %lt3A_201 : i32
        %convert_element_type3A_203 = arith.extui %lt3A_202 : i1 to i32
        %cond3A_204 = arith.constant 0 : i32
        %cond3A_205 = arith.cmpi ne, %convert_element_type3A_203, %cond3A_204 : i32
        scf.if %cond3A_205 {
          %add3A_314 = arith.constant 2 : i32
          %add3A_315 = arith.addi %add3A_188, %add3A_314 : i32
          %dma_start3A_316 = arith.constant 3 : i32
          %dma_start3A_317 = arith.constant 0 : i32
          %dma_start3A_318 = arith.constant 0 : i32
          %dma_start3A_319 = tpu.memref_slice %arg8[%dma_start3A_316, %dma_start3A_317, %dma_start3A_318] : memref<4x80x16xf32, #tpu.memory_space<vmem>> -> memref<1x80x16xf32, #tpu.memory_space<vmem>>
          %dma_start3A_320 = tpu.memref_squeeze %dma_start3A_319 : memref<1x80x16xf32, #tpu.memory_space<vmem>> -> memref<80x16xf32, #tpu.memory_space<vmem>>
          %dma_start3A_321 = arith.constant 0 : i32
          %dma_start3A_322 = tpu.memref_slice %arg6[%add3A_315, %dma_start3A_321] : memref<125x80xi32, #tpu.memory_space<vmem>> -> memref<1x80xi32, #tpu.memory_space<vmem>>
          %dma_start3A_323 = tpu.memref_squeeze %dma_start3A_322 : memref<1x80xi32, #tpu.memory_space<vmem>> -> memref<80xi32, #tpu.memory_space<vmem>>
          %dma_start3A_324 = arith.constant 0 : i32
          %dma_start3A_325 = arith.constant 0 : i32
          %dma_start3A_326 = tpu.memref_slice %arg4[%dma_start3A_324, %dma_start3A_325] : memref<10000x16xf32, #tpu.memory_space<hbm>> -> memref<10000x16xf32, #tpu.memory_space<hbm>>
          tpu.enqueue_indirect_dma source(%dma_start3A_326 : memref<10000x16xf32, #tpu.memory_space<hbm>>) target(%dma_start3A_320 : memref<80x16xf32, #tpu.memory_space<vmem>>) offsets(%dma_start3A_323 : memref<80xi32, #tpu.memory_space<vmem>>) semaphore(%arg13 : memref<!tpu.dma_semaphore, #tpu.memory_space<semaphore_mem>>)
        } else {
        }
        %dma_wait3A_206 = arith.constant 1 : i32
        %dma_wait3A_207 = arith.constant 0 : i32
        %dma_wait3A_208 = arith.constant 0 : i32
        %dma_wait3A_209 = tpu.memref_slice %arg8[%dma_wait3A_206, %dma_wait3A_207, %dma_wait3A_208] : memref<4x80x16xf32, #tpu.memory_space<vmem>> -> memref<1x80x16xf32, #tpu.memory_space<vmem>>
        %dma_wait3A_210 = tpu.memref_squeeze %dma_wait3A_209 : memref<1x80x16xf32, #tpu.memory_space<vmem>> -> memref<80x16xf32, #tpu.memory_space<vmem>>
        %dma_wait3A_211 = arith.constant 0 : i32
        %dma_wait3A_212 = tpu.memref_slice %arg6[%add3A_188, %dma_wait3A_211] : memref<125x80xi32, #tpu.memory_space<vmem>> -> memref<1x80xi32, #tpu.memory_space<vmem>>
        %dma_wait3A_213 = tpu.memref_squeeze %dma_wait3A_212 : memref<1x80xi32, #tpu.memory_space<vmem>> -> memref<80xi32, #tpu.memory_space<vmem>>
        %dma_wait3A_214 = arith.constant 0 : i32
        %dma_wait3A_215 = arith.constant 0 : i32
        %dma_wait3A_216 = tpu.memref_slice %arg4[%dma_wait3A_214, %dma_wait3A_215] : memref<10000x16xf32, #tpu.memory_space<hbm>> -> memref<10000x16xf32, #tpu.memory_space<hbm>>
        tpu.wait_indirect_dma semaphore(%arg11 : memref<!tpu.dma_semaphore, #tpu.memory_space<semaphore_mem>>) src(%dma_wait3A_216 : memref<10000x16xf32, #tpu.memory_space<hbm>>) dst(%dma_wait3A_210 : memref<80x16xf32, #tpu.memory_space<vmem>>)
        %dma_start3A_217 = arith.constant 1 : i32
        %dma_start3A_218 = arith.constant 0 : i32
        %dma_start3A_219 = arith.constant 0 : i32
        %dma_start3A_220 = tpu.memref_slice %arg8[%dma_start3A_217, %dma_start3A_218, %dma_start3A_219] : memref<4x80x16xf32, #tpu.memory_space<vmem>> -> memref<1x80x16xf32, #tpu.memory_space<vmem>>
        %dma_start3A_221 = tpu.memref_squeeze %dma_start3A_220 : memref<1x80x16xf32, #tpu.memory_space<vmem>> -> memref<80x16xf32, #tpu.memory_space<vmem>>
        %dma_start3A_222 = arith.constant 0 : i32
        %dma_start3A_223 = tpu.memref_slice %arg7[%add3A_188, %dma_start3A_222] : memref<125x80xi32, #tpu.memory_space<vmem>> -> memref<1x80xi32, #tpu.memory_space<vmem>>
        %dma_start3A_224 = tpu.memref_squeeze %dma_start3A_223 : memref<1x80xi32, #tpu.memory_space<vmem>> -> memref<80xi32, #tpu.memory_space<vmem>>
        %dma_start3A_225 = arith.constant 0 : i32
        %dma_start3A_226 = arith.constant 0 : i32
        %dma_start3A_227 = tpu.memref_slice %arg9[%dma_start3A_225, %dma_start3A_226] : memref<10000x16xf32, #tpu.memory_space<vmem_shared>> -> memref<10000x16xf32, #tpu.memory_space<vmem_shared>>
        tpu.enqueue_indirect_dma source(%dma_start3A_221 : memref<80x16xf32, #tpu.memory_space<vmem>>) target(%dma_start3A_227 : memref<10000x16xf32, #tpu.memory_space<vmem_shared>>) offsets(%dma_start3A_224 : memref<80xi32, #tpu.memory_space<vmem>>) semaphore(%arg15 : memref<!tpu.dma_semaphore, #tpu.memory_space<semaphore_mem>>) {add = true}
        %mul3A_228 = arith.constant 4 : i32
        %mul3A_229 = arith.muli %scan3A_144, %mul3A_228 : i32
        %add3A_230 = arith.constant 2 : i32
        %add3A_231 = arith.addi %mul3A_229, %add3A_230 : i32
        %ge3A_232 = arith.constant 2 : i32
        %ge3A_233 = arith.cmpi sge, %add3A_231, %ge3A_232 : i32
        %add3A_234 = arith.constant 2 : i32
        %add3A_235 = arith.addi %add3A_231, %add3A_234 : i32
        %lt3A_236 = arith.constant 124 : i32
        %lt3A_237 = arith.cmpi slt, %add3A_235, %lt3A_236 : i32
        %and3A_238 = arith.andi %ge3A_233, %lt3A_237 : i1
        %convert_element_type3A_239 = arith.extui %and3A_238 : i1 to i32
        %cond3A_240 = arith.constant 0 : i32
        %cond3A_241 = arith.cmpi ne, %convert_element_type3A_239, %cond3A_240 : i32
        scf.if %cond3A_241 {
          %sub3A = arith.constant 2 : i32
          %sub3A_314 = arith.subi %add3A_231, %sub3A : i32
          %dma_wait3A_315 = arith.constant 0 : i32
          %dma_wait3A_316 = arith.constant 0 : i32
          %dma_wait3A_317 = arith.constant 0 : i32
          %dma_wait3A_318 = tpu.memref_slice %arg8[%dma_wait3A_315, %dma_wait3A_316, %dma_wait3A_317] : memref<4x80x16xf32, #tpu.memory_space<vmem>> -> memref<1x80x16xf32, #tpu.memory_space<vmem>>
          %dma_wait3A_319 = tpu.memref_squeeze %dma_wait3A_318 : memref<1x80x16xf32, #tpu.memory_space<vmem>> -> memref<80x16xf32, #tpu.memory_space<vmem>>
          %dma_wait3A_320 = arith.constant 0 : i32
          %dma_wait3A_321 = tpu.memref_slice %arg7[%sub3A_314, %dma_wait3A_320] : memref<125x80xi32, #tpu.memory_space<vmem>> -> memref<1x80xi32, #tpu.memory_space<vmem>>
          %dma_wait3A_322 = tpu.memref_squeeze %dma_wait3A_321 : memref<1x80xi32, #tpu.memory_space<vmem>> -> memref<80xi32, #tpu.memory_space<vmem>>
          %dma_wait3A_323 = arith.constant 0 : i32
          %dma_wait3A_324 = arith.constant 0 : i32
          %dma_wait3A_325 = tpu.memref_slice %arg9[%dma_wait3A_323, %dma_wait3A_324] : memref<10000x16xf32, #tpu.memory_space<vmem_shared>> -> memref<10000x16xf32, #tpu.memory_space<vmem_shared>>
          tpu.wait_indirect_dma semaphore(%arg14 : memref<!tpu.dma_semaphore, #tpu.memory_space<semaphore_mem>>) src(%dma_wait3A_319 : memref<80x16xf32, #tpu.memory_space<vmem>>) dst(%dma_wait3A_325 : memref<10000x16xf32, #tpu.memory_space<vmem_shared>>)
        } else {
        }
        %add3A_242 = arith.constant 2 : i32
        %add3A_243 = arith.addi %add3A_231, %add3A_242 : i32
        %lt3A_244 = arith.constant 124 : i32
        %lt3A_245 = arith.cmpi slt, %add3A_243, %lt3A_244 : i32
        %convert_element_type3A_246 = arith.extui %lt3A_245 : i1 to i32
        %cond3A_247 = arith.constant 0 : i32
        %cond3A_248 = arith.cmpi ne, %convert_element_type3A_246, %cond3A_247 : i32
        scf.if %cond3A_248 {
          %add3A_314 = arith.constant 2 : i32
          %add3A_315 = arith.addi %add3A_231, %add3A_314 : i32
          %dma_start3A_316 = arith.constant 0 : i32
          %dma_start3A_317 = arith.constant 0 : i32
          %dma_start3A_318 = arith.constant 0 : i32
          %dma_start3A_319 = tpu.memref_slice %arg8[%dma_start3A_316, %dma_start3A_317, %dma_start3A_318] : memref<4x80x16xf32, #tpu.memory_space<vmem>> -> memref<1x80x16xf32, #tpu.memory_space<vmem>>
          %dma_start3A_320 = tpu.memref_squeeze %dma_start3A_319 : memref<1x80x16xf32, #tpu.memory_space<vmem>> -> memref<80x16xf32, #tpu.memory_space<vmem>>
          %dma_start3A_321 = arith.constant 0 : i32
          %dma_start3A_322 = tpu.memref_slice %arg6[%add3A_315, %dma_start3A_321] : memref<125x80xi32, #tpu.memory_space<vmem>> -> memref<1x80xi32, #tpu.memory_space<vmem>>
          %dma_start3A_323 = tpu.memref_squeeze %dma_start3A_322 : memref<1x80xi32, #tpu.memory_space<vmem>> -> memref<80xi32, #tpu.memory_space<vmem>>
          %dma_start3A_324 = arith.constant 0 : i32
          %dma_start3A_325 = arith.constant 0 : i32
          %dma_start3A_326 = tpu.memref_slice %arg4[%dma_start3A_324, %dma_start3A_325] : memref<10000x16xf32, #tpu.memory_space<hbm>> -> memref<10000x16xf32, #tpu.memory_space<hbm>>
          tpu.enqueue_indirect_dma source(%dma_start3A_326 : memref<10000x16xf32, #tpu.memory_space<hbm>>) target(%dma_start3A_320 : memref<80x16xf32, #tpu.memory_space<vmem>>) offsets(%dma_start3A_323 : memref<80xi32, #tpu.memory_space<vmem>>) semaphore(%arg10 : memref<!tpu.dma_semaphore, #tpu.memory_space<semaphore_mem>>)
        } else {
        }
        %dma_wait3A_249 = arith.constant 2 : i32
        %dma_wait3A_250 = arith.constant 0 : i32
        %dma_wait3A_251 = arith.constant 0 : i32
        %dma_wait3A_252 = tpu.memref_slice %arg8[%dma_wait3A_249, %dma_wait3A_250, %dma_wait3A_251] : memref<4x80x16xf32, #tpu.memory_space<vmem>> -> memref<1x80x16xf32, #tpu.memory_space<vmem>>
        %dma_wait3A_253 = tpu.memref_squeeze %dma_wait3A_252 : memref<1x80x16xf32, #tpu.memory_space<vmem>> -> memref<80x16xf32, #tpu.memory_space<vmem>>
        %dma_wait3A_254 = arith.constant 0 : i32
        %dma_wait3A_255 = tpu.memref_slice %arg6[%add3A_231, %dma_wait3A_254] : memref<125x80xi32, #tpu.memory_space<vmem>> -> memref<1x80xi32, #tpu.memory_space<vmem>>
        %dma_wait3A_256 = tpu.memref_squeeze %dma_wait3A_255 : memref<1x80xi32, #tpu.memory_space<vmem>> -> memref<80xi32, #tpu.memory_space<vmem>>
        %dma_wait3A_257 = arith.constant 0 : i32
        %dma_wait3A_258 = arith.constant 0 : i32
        %dma_wait3A_259 = tpu.memref_slice %arg4[%dma_wait3A_257, %dma_wait3A_258] : memref<10000x16xf32, #tpu.memory_space<hbm>> -> memref<10000x16xf32, #tpu.memory_space<hbm>>
        tpu.wait_indirect_dma semaphore(%arg12 : memref<!tpu.dma_semaphore, #tpu.memory_space<semaphore_mem>>) src(%dma_wait3A_259 : memref<10000x16xf32, #tpu.memory_space<hbm>>) dst(%dma_wait3A_253 : memref<80x16xf32, #tpu.memory_space<vmem>>)
        %dma_start3A_260 = arith.constant 2 : i32
        %dma_start3A_261 = arith.constant 0 : i32
        %dma_start3A_262 = arith.constant 0 : i32
        %dma_start3A_263 = tpu.memref_slice %arg8[%dma_start3A_260, %dma_start3A_261, %dma_start3A_262] : memref<4x80x16xf32, #tpu.memory_space<vmem>> -> memref<1x80x16xf32, #tpu.memory_space<vmem>>
        %dma_start3A_264 = tpu.memref_squeeze %dma_start3A_263 : memref<1x80x16xf32, #tpu.memory_space<vmem>> -> memref<80x16xf32, #tpu.memory_space<vmem>>
        %dma_start3A_265 = arith.constant 0 : i32
        %dma_start3A_266 = tpu.memref_slice %arg7[%add3A_231, %dma_start3A_265] : memref<125x80xi32, #tpu.memory_space<vmem>> -> memref<1x80xi32, #tpu.memory_space<vmem>>
        %dma_start3A_267 = tpu.memref_squeeze %dma_start3A_266 : memref<1x80xi32, #tpu.memory_space<vmem>> -> memref<80xi32, #tpu.memory_space<vmem>>
        %dma_start3A_268 = arith.constant 0 : i32
        %dma_start3A_269 = arith.constant 0 : i32
        %dma_start3A_270 = tpu.memref_slice %arg9[%dma_start3A_268, %dma_start3A_269] : memref<10000x16xf32, #tpu.memory_space<vmem_shared>> -> memref<10000x16xf32, #tpu.memory_space<vmem_shared>>
        tpu.enqueue_indirect_dma source(%dma_start3A_264 : memref<80x16xf32, #tpu.memory_space<vmem>>) target(%dma_start3A_270 : memref<10000x16xf32, #tpu.memory_space<vmem_shared>>) offsets(%dma_start3A_267 : memref<80xi32, #tpu.memory_space<vmem>>) semaphore(%arg16 : memref<!tpu.dma_semaphore, #tpu.memory_space<semaphore_mem>>) {add = true}
        %mul3A_271 = arith.constant 4 : i32
        %mul3A_272 = arith.muli %scan3A_144, %mul3A_271 : i32
        %add3A_273 = arith.constant 3 : i32
        %add3A_274 = arith.addi %mul3A_272, %add3A_273 : i32
        %ge3A_275 = arith.constant 2 : i32
        %ge3A_276 = arith.cmpi sge, %add3A_274, %ge3A_275 : i32
        %add3A_277 = arith.constant 2 : i32
        %add3A_278 = arith.addi %add3A_274, %add3A_277 : i32
        %lt3A_279 = arith.constant 124 : i32
        %lt3A_280 = arith.cmpi slt, %add3A_278, %lt3A_279 : i32
        %and3A_281 = arith.andi %ge3A_276, %lt3A_280 : i1
        %convert_element_type3A_282 = arith.extui %and3A_281 : i1 to i32
        %cond3A_283 = arith.constant 0 : i32
        %cond3A_284 = arith.cmpi ne, %convert_element_type3A_282, %cond3A_283 : i32
        scf.if %cond3A_284 {
          %sub3A = arith.constant 2 : i32
          %sub3A_314 = arith.subi %add3A_274, %sub3A : i32
          %dma_wait3A_315 = arith.constant 1 : i32
          %dma_wait3A_316 = arith.constant 0 : i32
          %dma_wait3A_317 = arith.constant 0 : i32
          %dma_wait3A_318 = tpu.memref_slice %arg8[%dma_wait3A_315, %dma_wait3A_316, %dma_wait3A_317] : memref<4x80x16xf32, #tpu.memory_space<vmem>> -> memref<1x80x16xf32, #tpu.memory_space<vmem>>
          %dma_wait3A_319 = tpu.memref_squeeze %dma_wait3A_318 : memref<1x80x16xf32, #tpu.memory_space<vmem>> -> memref<80x16xf32, #tpu.memory_space<vmem>>
          %dma_wait3A_320 = arith.constant 0 : i32
          %dma_wait3A_321 = tpu.memref_slice %arg7[%sub3A_314, %dma_wait3A_320] : memref<125x80xi32, #tpu.memory_space<vmem>> -> memref<1x80xi32, #tpu.memory_space<vmem>>
          %dma_wait3A_322 = tpu.memref_squeeze %dma_wait3A_321 : memref<1x80xi32, #tpu.memory_space<vmem>> -> memref<80xi32, #tpu.memory_space<vmem>>
          %dma_wait3A_323 = arith.constant 0 : i32
          %dma_wait3A_324 = arith.constant 0 : i32
          %dma_wait3A_325 = tpu.memref_slice %arg9[%dma_wait3A_323, %dma_wait3A_324] : memref<10000x16xf32, #tpu.memory_space<vmem_shared>> -> memref<10000x16xf32, #tpu.memory_space<vmem_shared>>
          tpu.wait_indirect_dma semaphore(%arg15 : memref<!tpu.dma_semaphore, #tpu.memory_space<semaphore_mem>>) src(%dma_wait3A_319 : memref<80x16xf32, #tpu.memory_space<vmem>>) dst(%dma_wait3A_325 : memref<10000x16xf32, #tpu.memory_space<vmem_shared>>)
        } else {
        }
        %add3A_285 = arith.constant 2 : i32
        %add3A_286 = arith.addi %add3A_274, %add3A_285 : i32
        %lt3A_287 = arith.constant 124 : i32
        %lt3A_288 = arith.cmpi slt, %add3A_286, %lt3A_287 : i32
        %convert_element_type3A_289 = arith.extui %lt3A_288 : i1 to i32
        %cond3A_290 = arith.constant 0 : i32
        %cond3A_291 = arith.cmpi ne, %convert_element_type3A_289, %cond3A_290 : i32
        scf.if %cond3A_291 {
          %add3A_314 = arith.constant 2 : i32
          %add3A_315 = arith.addi %add3A_274, %add3A_314 : i32
          %dma_start3A_316 = arith.constant 1 : i32
          %dma_start3A_317 = arith.constant 0 : i32
          %dma_start3A_318 = arith.constant 0 : i32
          %dma_start3A_319 = tpu.memref_slice %arg8[%dma_start3A_316, %dma_start3A_317, %dma_start3A_318] : memref<4x80x16xf32, #tpu.memory_space<vmem>> -> memref<1x80x16xf32, #tpu.memory_space<vmem>>
          %dma_start3A_320 = tpu.memref_squeeze %dma_start3A_319 : memref<1x80x16xf32, #tpu.memory_space<vmem>> -> memref<80x16xf32, #tpu.memory_space<vmem>>
          %dma_start3A_321 = arith.constant 0 : i32
          %dma_start3A_322 = tpu.memref_slice %arg6[%add3A_315, %dma_start3A_321] : memref<125x80xi32, #tpu.memory_space<vmem>> -> memref<1x80xi32, #tpu.memory_space<vmem>>
          %dma_start3A_323 = tpu.memref_squeeze %dma_start3A_322 : memref<1x80xi32, #tpu.memory_space<vmem>> -> memref<80xi32, #tpu.memory_space<vmem>>
          %dma_start3A_324 = arith.constant 0 : i32
          %dma_start3A_325 = arith.constant 0 : i32
          %dma_start3A_326 = tpu.memref_slice %arg4[%dma_start3A_324, %dma_start3A_325] : memref<10000x16xf32, #tpu.memory_space<hbm>> -> memref<10000x16xf32, #tpu.memory_space<hbm>>
          tpu.enqueue_indirect_dma source(%dma_start3A_326 : memref<10000x16xf32, #tpu.memory_space<hbm>>) target(%dma_start3A_320 : memref<80x16xf32, #tpu.memory_space<vmem>>) offsets(%dma_start3A_323 : memref<80xi32, #tpu.memory_space<vmem>>) semaphore(%arg11 : memref<!tpu.dma_semaphore, #tpu.memory_space<semaphore_mem>>)
        } else {
        }
        %dma_wait3A_292 = arith.constant 3 : i32
        %dma_wait3A_293 = arith.constant 0 : i32
        %dma_wait3A_294 = arith.constant 0 : i32
        %dma_wait3A_295 = tpu.memref_slice %arg8[%dma_wait3A_292, %dma_wait3A_293, %dma_wait3A_294] : memref<4x80x16xf32, #tpu.memory_space<vmem>> -> memref<1x80x16xf32, #tpu.memory_space<vmem>>
        %dma_wait3A_296 = tpu.memref_squeeze %dma_wait3A_295 : memref<1x80x16xf32, #tpu.memory_space<vmem>> -> memref<80x16xf32, #tpu.memory_space<vmem>>
        %dma_wait3A_297 = arith.constant 0 : i32
        %dma_wait3A_298 = tpu.memref_slice %arg6[%add3A_274, %dma_wait3A_297] : memref<125x80xi32, #tpu.memory_space<vmem>> -> memref<1x80xi32, #tpu.memory_space<vmem>>
        %dma_wait3A_299 = tpu.memref_squeeze %dma_wait3A_298 : memref<1x80xi32, #tpu.memory_space<vmem>> -> memref<80xi32, #tpu.memory_space<vmem>>
        %dma_wait3A_300 = arith.constant 0 : i32
        %dma_wait3A_301 = arith.constant 0 : i32
        %dma_wait3A_302 = tpu.memref_slice %arg4[%dma_wait3A_300, %dma_wait3A_301] : memref<10000x16xf32, #tpu.memory_space<hbm>> -> memref<10000x16xf32, #tpu.memory_space<hbm>>
        tpu.wait_indirect_dma semaphore(%arg13 : memref<!tpu.dma_semaphore, #tpu.memory_space<semaphore_mem>>) src(%dma_wait3A_302 : memref<10000x16xf32, #tpu.memory_space<hbm>>) dst(%dma_wait3A_296 : memref<80x16xf32, #tpu.memory_space<vmem>>)
        %dma_start3A_303 = arith.constant 3 : i32
        %dma_start3A_304 = arith.constant 0 : i32
        %dma_start3A_305 = arith.constant 0 : i32
        %dma_start3A_306 = tpu.memref_slice %arg8[%dma_start3A_303, %dma_start3A_304, %dma_start3A_305] : memref<4x80x16xf32, #tpu.memory_space<vmem>> -> memref<1x80x16xf32, #tpu.memory_space<vmem>>
        %dma_start3A_307 = tpu.memref_squeeze %dma_start3A_306 : memref<1x80x16xf32, #tpu.memory_space<vmem>> -> memref<80x16xf32, #tpu.memory_space<vmem>>
        %dma_start3A_308 = arith.constant 0 : i32
        %dma_start3A_309 = tpu.memref_slice %arg7[%add3A_274, %dma_start3A_308] : memref<125x80xi32, #tpu.memory_space<vmem>> -> memref<1x80xi32, #tpu.memory_space<vmem>>
        %dma_start3A_310 = tpu.memref_squeeze %dma_start3A_309 : memref<1x80xi32, #tpu.memory_space<vmem>> -> memref<80xi32, #tpu.memory_space<vmem>>
        %dma_start3A_311 = arith.constant 0 : i32
        %dma_start3A_312 = arith.constant 0 : i32
        %dma_start3A_313 = tpu.memref_slice %arg9[%dma_start3A_311, %dma_start3A_312] : memref<10000x16xf32, #tpu.memory_space<vmem_shared>> -> memref<10000x16xf32, #tpu.memory_space<vmem_shared>>
        tpu.enqueue_indirect_dma source(%dma_start3A_307 : memref<80x16xf32, #tpu.memory_space<vmem>>) target(%dma_start3A_313 : memref<10000x16xf32, #tpu.memory_space<vmem_shared>>) offsets(%dma_start3A_310 : memref<80xi32, #tpu.memory_space<vmem>>) semaphore(%arg17 : memref<!tpu.dma_semaphore, #tpu.memory_space<semaphore_mem>>) {add = true}
      }
      %scan3A_48 = arith.constant 31 : i32
      %dma_wait3A = arith.constant 0 : i32
      %dma_wait3A_49 = arith.constant 120 : i32
      %dma_wait3A_50 = arith.constant 0 : i32
      %dma_wait3A_51 = arith.constant 0 : i32
      %dma_wait3A_52 = tpu.memref_slice %arg8[%dma_wait3A, %dma_wait3A_50, %dma_wait3A_51] : memref<4x80x16xf32, #tpu.memory_space<vmem>> -> memref<1x80x16xf32, #tpu.memory_space<vmem>>
      %dma_wait3A_53 = tpu.memref_squeeze %dma_wait3A_52 : memref<1x80x16xf32, #tpu.memory_space<vmem>> -> memref<80x16xf32, #tpu.memory_space<vmem>>
      %dma_wait3A_54 = arith.constant 0 : i32
      %dma_wait3A_55 = tpu.memref_slice %arg7[%dma_wait3A_49, %dma_wait3A_54] : memref<125x80xi32, #tpu.memory_space<vmem>> -> memref<1x80xi32, #tpu.memory_space<vmem>>
      %dma_wait3A_56 = tpu.memref_squeeze %dma_wait3A_55 : memref<1x80xi32, #tpu.memory_space<vmem>> -> memref<80xi32, #tpu.memory_space<vmem>>
      %dma_wait3A_57 = arith.constant 0 : i32
      %dma_wait3A_58 = arith.constant 0 : i32
      %dma_wait3A_59 = tpu.memref_slice %arg9[%dma_wait3A_57, %dma_wait3A_58] : memref<10000x16xf32, #tpu.memory_space<vmem_shared>> -> memref<10000x16xf32, #tpu.memory_space<vmem_shared>>
      tpu.wait_indirect_dma semaphore(%arg14 : memref<!tpu.dma_semaphore, #tpu.memory_space<semaphore_mem>>) src(%dma_wait3A_53 : memref<80x16xf32, #tpu.memory_space<vmem>>) dst(%dma_wait3A_59 : memref<10000x16xf32, #tpu.memory_space<vmem_shared>>)
      %dma_wait3A_60 = arith.constant 1 : i32
      %dma_wait3A_61 = arith.constant 121 : i32
      %dma_wait3A_62 = arith.constant 0 : i32
      %dma_wait3A_63 = arith.constant 0 : i32
      %dma_wait3A_64 = tpu.memref_slice %arg8[%dma_wait3A_60, %dma_wait3A_62, %dma_wait3A_63] : memref<4x80x16xf32, #tpu.memory_space<vmem>> -> memref<1x80x16xf32, #tpu.memory_space<vmem>>
      %dma_wait3A_65 = tpu.memref_squeeze %dma_wait3A_64 : memref<1x80x16xf32, #tpu.memory_space<vmem>> -> memref<80x16xf32, #tpu.memory_space<vmem>>
      %dma_wait3A_66 = arith.constant 0 : i32
      %dma_wait3A_67 = tpu.memref_slice %arg7[%dma_wait3A_61, %dma_wait3A_66] : memref<125x80xi32, #tpu.memory_space<vmem>> -> memref<1x80xi32, #tpu.memory_space<vmem>>
      %dma_wait3A_68 = tpu.memref_squeeze %dma_wait3A_67 : memref<1x80xi32, #tpu.memory_space<vmem>> -> memref<80xi32, #tpu.memory_space<vmem>>
      %dma_wait3A_69 = arith.constant 0 : i32
      %dma_wait3A_70 = arith.constant 0 : i32
      %dma_wait3A_71 = tpu.memref_slice %arg9[%dma_wait3A_69, %dma_wait3A_70] : memref<10000x16xf32, #tpu.memory_space<vmem_shared>> -> memref<10000x16xf32, #tpu.memory_space<vmem_shared>>
      tpu.wait_indirect_dma semaphore(%arg15 : memref<!tpu.dma_semaphore, #tpu.memory_space<semaphore_mem>>) src(%dma_wait3A_65 : memref<80x16xf32, #tpu.memory_space<vmem>>) dst(%dma_wait3A_71 : memref<10000x16xf32, #tpu.memory_space<vmem_shared>>)
      %dma_wait3A_72 = arith.constant 2 : i32
      %dma_wait3A_73 = arith.constant 122 : i32
      %dma_wait3A_74 = arith.constant 0 : i32
      %dma_wait3A_75 = arith.constant 0 : i32
      %dma_wait3A_76 = tpu.memref_slice %arg8[%dma_wait3A_72, %dma_wait3A_74, %dma_wait3A_75] : memref<4x80x16xf32, #tpu.memory_space<vmem>> -> memref<1x80x16xf32, #tpu.memory_space<vmem>>
      %dma_wait3A_77 = tpu.memref_squeeze %dma_wait3A_76 : memref<1x80x16xf32, #tpu.memory_space<vmem>> -> memref<80x16xf32, #tpu.memory_space<vmem>>
      %dma_wait3A_78 = arith.constant 0 : i32
      %dma_wait3A_79 = tpu.memref_slice %arg7[%dma_wait3A_73, %dma_wait3A_78] : memref<125x80xi32, #tpu.memory_space<vmem>> -> memref<1x80xi32, #tpu.memory_space<vmem>>
      %dma_wait3A_80 = tpu.memref_squeeze %dma_wait3A_79 : memref<1x80xi32, #tpu.memory_space<vmem>> -> memref<80xi32, #tpu.memory_space<vmem>>
      %dma_wait3A_81 = arith.constant 0 : i32
      %dma_wait3A_82 = arith.constant 0 : i32
      %dma_wait3A_83 = tpu.memref_slice %arg9[%dma_wait3A_81, %dma_wait3A_82] : memref<10000x16xf32, #tpu.memory_space<vmem_shared>> -> memref<10000x16xf32, #tpu.memory_space<vmem_shared>>
      tpu.wait_indirect_dma semaphore(%arg16 : memref<!tpu.dma_semaphore, #tpu.memory_space<semaphore_mem>>) src(%dma_wait3A_77 : memref<80x16xf32, #tpu.memory_space<vmem>>) dst(%dma_wait3A_83 : memref<10000x16xf32, #tpu.memory_space<vmem_shared>>)
      %dma_wait3A_84 = arith.constant 3 : i32
      %dma_wait3A_85 = arith.constant 123 : i32
      %dma_wait3A_86 = arith.constant 0 : i32
      %dma_wait3A_87 = arith.constant 0 : i32
      %dma_wait3A_88 = tpu.memref_slice %arg8[%dma_wait3A_84, %dma_wait3A_86, %dma_wait3A_87] : memref<4x80x16xf32, #tpu.memory_space<vmem>> -> memref<1x80x16xf32, #tpu.memory_space<vmem>>
      %dma_wait3A_89 = tpu.memref_squeeze %dma_wait3A_88 : memref<1x80x16xf32, #tpu.memory_space<vmem>> -> memref<80x16xf32, #tpu.memory_space<vmem>>
      %dma_wait3A_90 = arith.constant 0 : i32
      %dma_wait3A_91 = tpu.memref_slice %arg7[%dma_wait3A_85, %dma_wait3A_90] : memref<125x80xi32, #tpu.memory_space<vmem>> -> memref<1x80xi32, #tpu.memory_space<vmem>>
      %dma_wait3A_92 = tpu.memref_squeeze %dma_wait3A_91 : memref<1x80xi32, #tpu.memory_space<vmem>> -> memref<80xi32, #tpu.memory_space<vmem>>
      %dma_wait3A_93 = arith.constant 0 : i32
      %dma_wait3A_94 = arith.constant 0 : i32
      %dma_wait3A_95 = tpu.memref_slice %arg9[%dma_wait3A_93, %dma_wait3A_94] : memref<10000x16xf32, #tpu.memory_space<vmem_shared>> -> memref<10000x16xf32, #tpu.memory_space<vmem_shared>>
      tpu.wait_indirect_dma semaphore(%arg17 : memref<!tpu.dma_semaphore, #tpu.memory_space<semaphore_mem>>) src(%dma_wait3A_89 : memref<80x16xf32, #tpu.memory_space<vmem>>) dst(%dma_wait3A_95 : memref<10000x16xf32, #tpu.memory_space<vmem_shared>>)
      %dma_start3A_96 = arith.constant 124 : i32
      %dma_start3A_97 = arith.constant 0 : i32
      %dma_start3A_98 = arith.constant 0 : i32
      %dma_start3A_99 = arith.constant 0 : i32
      %dma_start3A_100 = tpu.memref_slice %arg8[%dma_start3A_97, %dma_start3A_98, %dma_start3A_99] : memref<4x80x16xf32, #tpu.memory_space<vmem>> -> memref<1x80x16xf32, #tpu.memory_space<vmem>>
      %dma_start3A_101 = tpu.memref_squeeze %dma_start3A_100 : memref<1x80x16xf32, #tpu.memory_space<vmem>> -> memref<80x16xf32, #tpu.memory_space<vmem>>
      %dma_start3A_102 = arith.constant 0 : i32
      %dma_start3A_103 = tpu.memref_slice %arg6[%dma_start3A_96, %dma_start3A_102] : memref<125x80xi32, #tpu.memory_space<vmem>> -> memref<1x80xi32, #tpu.memory_space<vmem>>
      %dma_start3A_104 = tpu.memref_squeeze %dma_start3A_103 : memref<1x80xi32, #tpu.memory_space<vmem>> -> memref<80xi32, #tpu.memory_space<vmem>>
      %dma_start3A_105 = arith.constant 0 : i32
      %dma_start3A_106 = arith.constant 0 : i32
      %dma_start3A_107 = tpu.memref_slice %arg4[%dma_start3A_105, %dma_start3A_106] : memref<10000x16xf32, #tpu.memory_space<hbm>> -> memref<10000x16xf32, #tpu.memory_space<hbm>>
      tpu.enqueue_indirect_dma source(%dma_start3A_107 : memref<10000x16xf32, #tpu.memory_space<hbm>>) target(%dma_start3A_101 : memref<80x16xf32, #tpu.memory_space<vmem>>) offsets(%dma_start3A_104 : memref<80xi32, #tpu.memory_space<vmem>>) semaphore(%arg10 : memref<!tpu.dma_semaphore, #tpu.memory_space<semaphore_mem>>)
      %dma_wait3A_108 = arith.constant 124 : i32
      %dma_wait3A_109 = arith.constant 0 : i32
      %dma_wait3A_110 = arith.constant 0 : i32
      %dma_wait3A_111 = arith.constant 0 : i32
      %dma_wait3A_112 = tpu.memref_slice %arg8[%dma_wait3A_109, %dma_wait3A_110, %dma_wait3A_111] : memref<4x80x16xf32, #tpu.memory_space<vmem>> -> memref<1x80x16xf32, #tpu.memory_space<vmem>>
      %dma_wait3A_113 = tpu.memref_squeeze %dma_wait3A_112 : memref<1x80x16xf32, #tpu.memory_space<vmem>> -> memref<80x16xf32, #tpu.memory_space<vmem>>
      %dma_wait3A_114 = arith.constant 0 : i32
      %dma_wait3A_115 = tpu.memref_slice %arg6[%dma_wait3A_108, %dma_wait3A_114] : memref<125x80xi32, #tpu.memory_space<vmem>> -> memref<1x80xi32, #tpu.memory_space<vmem>>
      %dma_wait3A_116 = tpu.memref_squeeze %dma_wait3A_115 : memref<1x80xi32, #tpu.memory_space<vmem>> -> memref<80xi32, #tpu.memory_space<vmem>>
      %dma_wait3A_117 = arith.constant 0 : i32
      %dma_wait3A_118 = arith.constant 0 : i32
      %dma_wait3A_119 = tpu.memref_slice %arg4[%dma_wait3A_117, %dma_wait3A_118] : memref<10000x16xf32, #tpu.memory_space<hbm>> -> memref<10000x16xf32, #tpu.memory_space<hbm>>
      tpu.wait_indirect_dma semaphore(%arg10 : memref<!tpu.dma_semaphore, #tpu.memory_space<semaphore_mem>>) src(%dma_wait3A_119 : memref<10000x16xf32, #tpu.memory_space<hbm>>) dst(%dma_wait3A_113 : memref<80x16xf32, #tpu.memory_space<vmem>>)
      %dma_start3A_120 = arith.constant 0 : i32
      %dma_start3A_121 = arith.constant 124 : i32
      %dma_start3A_122 = arith.constant 0 : i32
      %dma_start3A_123 = arith.constant 0 : i32
      %dma_start3A_124 = tpu.memref_slice %arg8[%dma_start3A_120, %dma_start3A_122, %dma_start3A_123] : memref<4x80x16xf32, #tpu.memory_space<vmem>> -> memref<1x80x16xf32, #tpu.memory_space<vmem>>
      %dma_start3A_125 = tpu.memref_squeeze %dma_start3A_124 : memref<1x80x16xf32, #tpu.memory_space<vmem>> -> memref<80x16xf32, #tpu.memory_space<vmem>>
      %dma_start3A_126 = arith.constant 0 : i32
      %dma_start3A_127 = tpu.memref_slice %arg7[%dma_start3A_121, %dma_start3A_126] : memref<125x80xi32, #tpu.memory_space<vmem>> -> memref<1x80xi32, #tpu.memory_space<vmem>>
      %dma_start3A_128 = tpu.memref_squeeze %dma_start3A_127 : memref<1x80xi32, #tpu.memory_space<vmem>> -> memref<80xi32, #tpu.memory_space<vmem>>
      %dma_start3A_129 = arith.constant 0 : i32
      %dma_start3A_130 = arith.constant 0 : i32
      %dma_start3A_131 = tpu.memref_slice %arg9[%dma_start3A_129, %dma_start3A_130] : memref<10000x16xf32, #tpu.memory_space<vmem_shared>> -> memref<10000x16xf32, #tpu.memory_space<vmem_shared>>
      tpu.enqueue_indirect_dma source(%dma_start3A_125 : memref<80x16xf32, #tpu.memory_space<vmem>>) target(%dma_start3A_131 : memref<10000x16xf32, #tpu.memory_space<vmem_shared>>) offsets(%dma_start3A_128 : memref<80xi32, #tpu.memory_space<vmem>>) semaphore(%arg14 : memref<!tpu.dma_semaphore, #tpu.memory_space<semaphore_mem>>) {add = true}
      %dma_wait3A_132 = arith.constant 0 : i32
      %dma_wait3A_133 = arith.constant 124 : i32
      %dma_wait3A_134 = arith.constant 0 : i32
      %dma_wait3A_135 = arith.constant 0 : i32
      %dma_wait3A_136 = tpu.memref_slice %arg8[%dma_wait3A_132, %dma_wait3A_134, %dma_wait3A_135] : memref<4x80x16xf32, #tpu.memory_space<vmem>> -> memref<1x80x16xf32, #tpu.memory_space<vmem>>
      %dma_wait3A_137 = tpu.memref_squeeze %dma_wait3A_136 : memref<1x80x16xf32, #tpu.memory_space<vmem>> -> memref<80x16xf32, #tpu.memory_space<vmem>>
      %dma_wait3A_138 = arith.constant 0 : i32
      %dma_wait3A_139 = tpu.memref_slice %arg7[%dma_wait3A_133, %dma_wait3A_138] : memref<125x80xi32, #tpu.memory_space<vmem>> -> memref<1x80xi32, #tpu.memory_space<vmem>>
      %dma_wait3A_140 = tpu.memref_squeeze %dma_wait3A_139 : memref<1x80xi32, #tpu.memory_space<vmem>> -> memref<80xi32, #tpu.memory_space<vmem>>
      %dma_wait3A_141 = arith.constant 0 : i32
      %dma_wait3A_142 = arith.constant 0 : i32
      %dma_wait3A_143 = tpu.memref_slice %arg9[%dma_wait3A_141, %dma_wait3A_142] : memref<10000x16xf32, #tpu.memory_space<vmem_shared>> -> memref<10000x16xf32, #tpu.memory_space<vmem_shared>>
      tpu.wait_indirect_dma semaphore(%arg14 : memref<!tpu.dma_semaphore, #tpu.memory_space<semaphore_mem>>) src(%dma_wait3A_137 : memref<80x16xf32, #tpu.memory_space<vmem>>) dst(%dma_wait3A_143 : memref<10000x16xf32, #tpu.memory_space<vmem_shared>>)
    }
    %scan3A_9 = arith.constant 2 : i32
    %barrier3A_10 = arith.constant 0 : index
    tpu.barrier barrier_id(%barrier3A_10)
    %eq3A_11 = arith.constant 0 : i32
    %eq3A_12 = arith.cmpi eq, %arg1, %eq3A_11 : i32
    %convert_element_type3A_13 = arith.extui %eq3A_12 : i1 to i32
    %cond3A_14 = arith.constant 0 : i32
    %cond3A_15 = arith.cmpi ne, %convert_element_type3A_13, %cond3A_14 : i32
    scf.if %cond3A_15 {
      "tpu.region"() ({
        %run_scoped3A = tpu.sem_alloc : memref<!tpu.dma_semaphore, #tpu.memory_space<semaphore_mem>>
        %dma_start3A = arith.constant 0 : i32
        %dma_start3A_16 = arith.constant 0 : i32
        %dma_start3A_17 = tpu.memref_slice %arg5[%arg0, %dma_start3A, %dma_start3A_16] : memref<2x10000x16xf32, #tpu.memory_space<hbm>> -> memref<1x10000x16xf32, #tpu.memory_space<hbm>>
        %dma_start3A_18 = tpu.memref_squeeze %dma_start3A_17 : memref<1x10000x16xf32, #tpu.memory_space<hbm>> -> memref<10000x16xf32, #tpu.memory_space<hbm>>
        tpu.enqueue_dma source(%arg9 : memref<10000x16xf32, #tpu.memory_space<vmem_shared>>) target(%dma_start3A_18 : memref<10000x16xf32, #tpu.memory_space<hbm>>) target_semaphore(%run_scoped3A : memref<!tpu.dma_semaphore, #tpu.memory_space<semaphore_mem>>)
        %dma_wait3A = arith.constant 0 : i32
        %dma_wait3A_19 = arith.constant 0 : i32
        %dma_wait3A_20 = tpu.memref_slice %arg5[%arg0, %dma_wait3A, %dma_wait3A_19] : memref<2x10000x16xf32, #tpu.memory_space<hbm>> -> memref<1x10000x16xf32, #tpu.memory_space<hbm>>
        %dma_wait3A_21 = tpu.memref_squeeze %dma_wait3A_20 : memref<1x10000x16xf32, #tpu.memory_space<hbm>> -> memref<10000x16xf32, #tpu.memory_space<hbm>>
        tpu.wait_dma2 semaphore(%run_scoped3A : memref<!tpu.dma_semaphore, #tpu.memory_space<semaphore_mem>>) src(%arg9 : memref<10000x16xf32, #tpu.memory_space<vmem_shared>>) dst(%dma_wait3A_21 : memref<10000x16xf32, #tpu.memory_space<hbm>>)
        tpu.yield
      }) : () -> ()
    } else {
    }
    return
  }
}

module attributes {stable_mosaic.version = 14 : i64} {
  func.func @_prep_body(%arg0: memref<10000x2xf32, #tpu.memory_space<vmem>>, %arg1: memref<10000x16xf32, #tpu.memory_space<vmem>>, %arg2: memref<10000x1xf32, #tpu.memory_space<vmem>>, %arg3: memref<10000x16xf32, #tpu.memory_space<vmem>>) attributes {dimension_semantics = [], scalar_prefetch = 0 : i64, scratch_operands = 0 : i64, tpu.core_type = #tpu.core_type<tc>} {
    %get3A = arith.constant 0 : index
    %get3A_0 = arith.constant 0 : index
    %get3A_1 = vector.load %arg0[%get3A, %get3A_0] : memref<10000x2xf32, #tpu.memory_space<vmem>>, vector<10000x1xf32>
    %get3A_2 = arith.constant 0 : index
    %get3A_3 = arith.constant 1 : index
    %get3A_4 = vector.load %arg0[%get3A_2, %get3A_3] : memref<10000x2xf32, #tpu.memory_space<vmem>>, vector<10000x1xf32>
    %add3A = arith.addf %get3A_1, %get3A_4 : vector<10000x1xf32>
    %add3A_5 = arith.constant 1.000000e+00 : f32
    %add3A_6 = vector.broadcast %add3A_5 : f32 to vector<10000x1xf32>
    %add3A_7 = arith.addf %add3A, %add3A_6 : vector<10000x1xf32>
    %rsqrt3A = math.rsqrt %add3A_7 : vector<10000x1xf32>
    %swap3A = arith.constant 0 : index
    %swap3A_8 = arith.constant 0 : index
    %swap3A_9 = vector.load %arg2[%swap3A, %swap3A_8] : memref<10000x1xf32, #tpu.memory_space<vmem>>, vector<10000x1xf32>
    tpu.vector_store %arg2[%swap3A, %swap3A_8], %rsqrt3A {strides = array<i32>} : memref<10000x1xf32, #tpu.memory_space<vmem>>, vector<10000x1xf32>,
    %get3A_10 = arith.constant 0 : index
    %get3A_11 = arith.constant 0 : index
    %get3A_12 = vector.load %arg1[%get3A_10, %get3A_11] : memref<10000x16xf32, #tpu.memory_space<vmem>>, vector<10000x16xf32>
    %mul3A = vector.broadcast %rsqrt3A : vector<10000x1xf32> to vector<10000x16xf32>
    %mul3A_13 = arith.mulf %get3A_12, %mul3A : vector<10000x16xf32>
    %swap3A_14 = arith.constant 0 : index
    %swap3A_15 = arith.constant 0 : index
    %swap3A_16 = vector.load %arg3[%swap3A_14, %swap3A_15] : memref<10000x16xf32, #tpu.memory_space<vmem>>, vector<10000x16xf32>
    tpu.vector_store %arg3[%swap3A_14, %swap3A_15], %mul3A_13 {strides = array<i32>} : memref<10000x16xf32, #tpu.memory_space<vmem>>, vector<10000x16xf32>,
    return
  }
}

module attributes {stable_mosaic.version = 14 : i64} {
  func.func @_l1_body(%arg0: i32, %arg1: memref<1000x16xf32, #tpu.memory_space<vmem>>, %arg2: memref<1000x16xf32, #tpu.memory_space<vmem>>, %arg3: memref<1000x16xf32, #tpu.memory_space<vmem>>, %arg4: memref<1000x1xf32, #tpu.memory_space<vmem>>, %arg5: memref<16x256xf32, #tpu.memory_space<vmem>>, %arg6: memref<1x256xf32, #tpu.memory_space<vmem>>, %arg7: memref<1x256xf32, #tpu.memory_space<vmem>>, %arg8: memref<1x256xf32, #tpu.memory_space<vmem>>, %arg9: memref<1000x128xf32, #tpu.memory_space<vmem>>, %arg10: memref<1000x128xf32, #tpu.memory_space<vmem>>) attributes {dimension_semantics = [#tpu.dimension_semantics<arbitrary>], iteration_bounds = array<i64: 10>, scalar_prefetch = 0 : i64, scratch_operands = 0 : i64, tpu.core_type = #tpu.core_type<tc>, window_params = [{transform_indices = @transform_0, window_bounds = array<i64: 1000, 16>}, {transform_indices = @transform_1, window_bounds = array<i64: 1000, 16>}, {transform_indices = @transform_2, window_bounds = array<i64: 1000, 16>}, {transform_indices = @transform_3, window_bounds = array<i64: 1000, 1>}, {pipeline_mode = #tpu.pipeline_mode<synchronous>, transform_indices = @transform_4, window_bounds = array<i64: 16, 256>}, {pipeline_mode = #tpu.pipeline_mode<synchronous>, transform_indices = @transform_5, window_bounds = array<i64: 1, 256>}, {pipeline_mode = #tpu.pipeline_mode<synchronous>, transform_indices = @transform_6, window_bounds = array<i64: 1, 256>}, {pipeline_mode = #tpu.pipeline_mode<synchronous>, transform_indices = @transform_7, window_bounds = array<i64: 1, 256>}, {transform_indices = @transform_8, window_bounds = array<i64: 1000, 128>}, {transform_indices = @transform_9, window_bounds = array<i64: 1000, 128>}]} {
    %get3A = arith.constant 0 : index
    %get3A_0 = arith.constant 0 : index
    %get3A_1 = vector.load %arg4[%get3A, %get3A_0] : memref<1000x1xf32, #tpu.memory_space<vmem>>, vector<1000x1xf32>
    %get3A_2 = arith.constant 0 : index
    %get3A_3 = arith.constant 0 : index
    %get3A_4 = vector.load %arg1[%get3A_2, %get3A_3] : memref<1000x16xf32, #tpu.memory_space<vmem>>, vector<1000x16xf32>
    %get3A_5 = arith.constant 0 : index
    %get3A_6 = arith.constant 0 : index
    %get3A_7 = vector.load %arg2[%get3A_5, %get3A_6] : memref<1000x16xf32, #tpu.memory_space<vmem>>, vector<1000x16xf32>
    %add3A = arith.addf %get3A_4, %get3A_7 : vector<1000x16xf32>
    %get3A_8 = arith.constant 0 : index
    %get3A_9 = arith.constant 0 : index
    %get3A_10 = vector.load %arg3[%get3A_8, %get3A_9] : memref<1000x16xf32, #tpu.memory_space<vmem>>, vector<1000x16xf32>
    %sub3A = arith.subf %add3A, %get3A_10 : vector<1000x16xf32>
    %mul3A = vector.broadcast %get3A_1 : vector<1000x1xf32> to vector<1000x16xf32>
    %mul3A_11 = arith.mulf %sub3A, %mul3A : vector<1000x16xf32>
    %get3A_12 = arith.constant 0 : index
    %get3A_13 = arith.constant 0 : index
    %get3A_14 = vector.load %arg5[%get3A_12, %get3A_13] : memref<16x256xf32, #tpu.memory_space<vmem>>, vector<16x256xf32>
    %dot_general3A = arith.constant dense<0.000000e+00> : vector<1000x256xf32>
    %dot_general3A_15 = tpu.matmul %mul3A_11, %get3A_14, %dot_general3A {dimension_numbers = #tpu.dot_dimension_numbers<[1], [0], [0], [1], [0, 0, 1, 1], [], []>, precision = #tpu.contract_precision<fp32>, transpose_lhs_hint = false} : vector<1000x16xf32>, vector<16x256xf32>, vector<1000x256xf32> -> vector<1000x256xf32>
    %get3A_16 = arith.constant 0 : index
    %get3A_17 = arith.constant 0 : index
    %get3A_18 = vector.load %arg6[%get3A_16, %get3A_17] : memref<1x256xf32, #tpu.memory_space<vmem>>, vector<1x256xf32>
    %add3A_19 = vector.broadcast %get3A_18 : vector<1x256xf32> to vector<1000x256xf32>
    %add3A_20 = arith.addf %dot_general3A_15, %add3A_19 : vector<1000x256xf32>
    %get3A_21 = arith.constant 0 : index
    %get3A_22 = arith.constant 0 : index
    %get3A_23 = vector.load %arg7[%get3A_21, %get3A_22] : memref<1x256xf32, #tpu.memory_space<vmem>>, vector<1x256xf32>
    %get3A_24 = arith.constant 0 : index
    %get3A_25 = arith.constant 0 : index
    %get3A_26 = vector.load %arg8[%get3A_24, %get3A_25] : memref<1x256xf32, #tpu.memory_space<vmem>>, vector<1x256xf32>
    %reduce_sum3A = arith.constant dense<0.000000e+00> : vector<1000xf32>
    %reduce_sum3A_27 = vector.multi_reduction <add>, %add3A_20, %reduce_sum3A [1] : vector<1000x256xf32> to vector<1000xf32>
    %broadcast_in_dim3A = vector.shape_cast %reduce_sum3A_27 : vector<1000xf32> to vector<1000x1xf32>
    %div3A = arith.constant 2.560000e+02 : f32
    %div3A_28 = vector.broadcast %div3A : f32 to vector<1000x1xf32>
    %div3A_29 = arith.divf %broadcast_in_dim3A, %div3A_28 : vector<1000x1xf32>
    %sub3A_30 = vector.broadcast %div3A_29 : vector<1000x1xf32> to vector<1000x256xf32>
    %sub3A_31 = arith.subf %add3A_20, %sub3A_30 : vector<1000x256xf32>
    %integer_pow3A = arith.mulf %sub3A_31, %sub3A_31 : vector<1000x256xf32>
    %reduce_sum3A_32 = arith.constant dense<0.000000e+00> : vector<1000xf32>
    %reduce_sum3A_33 = vector.multi_reduction <add>, %integer_pow3A, %reduce_sum3A_32 [1] : vector<1000x256xf32> to vector<1000xf32>
    %broadcast_in_dim3A_34 = vector.shape_cast %reduce_sum3A_33 : vector<1000xf32> to vector<1000x1xf32>
    %div3A_35 = arith.constant 2.560000e+02 : f32
    %div3A_36 = vector.broadcast %div3A_35 : f32 to vector<1000x1xf32>
    %div3A_37 = arith.divf %broadcast_in_dim3A_34, %div3A_36 : vector<1000x1xf32>
    %sub3A_38 = vector.broadcast %div3A_29 : vector<1000x1xf32> to vector<1000x256xf32>
    %sub3A_39 = arith.subf %add3A_20, %sub3A_38 : vector<1000x256xf32>
    %add3A_40 = arith.constant 9.99999974E-6 : f32
    %add3A_41 = vector.broadcast %add3A_40 : f32 to vector<1000x1xf32>
    %add3A_42 = arith.addf %div3A_37, %add3A_41 : vector<1000x1xf32>
    %sqrt3A = math.sqrt %add3A_42 : vector<1000x1xf32>
    %div3A_43 = vector.broadcast %sqrt3A : vector<1000x1xf32> to vector<1000x256xf32>
    %div3A_44 = arith.divf %sub3A_39, %div3A_43 : vector<1000x256xf32>
    %mul3A_45 = vector.broadcast %get3A_23 : vector<1x256xf32> to vector<1000x256xf32>
    %mul3A_46 = arith.mulf %div3A_44, %mul3A_45 : vector<1000x256xf32>
    %add3A_47 = vector.broadcast %get3A_26 : vector<1x256xf32> to vector<1000x256xf32>
    %add3A_48 = arith.addf %mul3A_46, %add3A_47 : vector<1000x256xf32>
    %max3A = arith.constant 0.000000e+00 : f32
    %max3A_49 = vector.broadcast %max3A : f32 to vector<1000x256xf32>
    %max3A_50 = arith.maximumf %add3A_48, %max3A_49 : vector<1000x256xf32>
    %mul3A_51 = vector.broadcast %get3A_1 : vector<1000x1xf32> to vector<1000x256xf32>
    %mul3A_52 = arith.mulf %max3A_50, %mul3A_51 : vector<1000x256xf32>
    %slice3A = vector.extract_strided_slice %mul3A_52 {offsets = [0, 0], sizes = [1000, 128], strides = [1, 1]} : vector<1000x256xf32> to vector<1000x128xf32>
    %swap3A = arith.constant 0 : index
    %swap3A_53 = arith.constant 0 : index
    %swap3A_54 = vector.load %arg9[%swap3A, %swap3A_53] : memref<1000x128xf32, #tpu.memory_space<vmem>>, vector<1000x128xf32>
    tpu.vector_store %arg9[%swap3A, %swap3A_53], %slice3A {strides = array<i32>} : memref<1000x128xf32, #tpu.memory_space<vmem>>, vector<1000x128xf32>,
    %slice3A_55 = vector.extract_strided_slice %mul3A_52 {offsets = [0, 128], sizes = [1000, 128], strides = [1, 1]} : vector<1000x256xf32> to vector<1000x128xf32>
    %swap3A_56 = arith.constant 0 : index
    %swap3A_57 = arith.constant 0 : index
    %swap3A_58 = vector.load %arg10[%swap3A_56, %swap3A_57] : memref<1000x128xf32, #tpu.memory_space<vmem>>, vector<1000x128xf32>
    tpu.vector_store %arg10[%swap3A_56, %swap3A_57], %slice3A_55 {strides = array<i32>} : memref<1000x128xf32, #tpu.memory_space<vmem>>, vector<1000x128xf32>,
    return
  }
  func.func @transform_0(%arg0: i32) -> (i32, i32) {
    %c0_i32 = arith.constant 0 : i32
    %c0_i32_0 = arith.constant 0 : i32
    return %arg0, %c0_i32 : i32, i32
  }
  func.func @transform_1(%arg0: i32) -> (i32, i32) {
    %c0_i32 = arith.constant 0 : i32
    %c0_i32_0 = arith.constant 0 : i32
    return %arg0, %c0_i32 : i32, i32
  }
  func.func @transform_2(%arg0: i32) -> (i32, i32) {
    %c0_i32 = arith.constant 0 : i32
    %c0_i32_0 = arith.constant 0 : i32
    return %arg0, %c0_i32 : i32, i32
  }
  func.func @transform_3(%arg0: i32) -> (i32, i32) {
    %c0_i32 = arith.constant 0 : i32
    %c0_i32_0 = arith.constant 0 : i32
    return %arg0, %c0_i32 : i32, i32
  }
  func.func @transform_4(%arg0: i32) -> (i32, i32) {
    %c0_i32 = arith.constant 0 : i32
    %c0_i32_0 = arith.constant 0 : i32
    %c0_i32_1 = arith.constant 0 : i32
    return %c0_i32, %c0_i32_0 : i32, i32
  }
  func.func @transform_5(%arg0: i32) -> (i32, i32) {
    %c0_i32 = arith.constant 0 : i32
    %c0_i32_0 = arith.constant 0 : i32
    %c0_i32_1 = arith.constant 0 : i32
    return %c0_i32, %c0_i32_0 : i32, i32
  }
  func.func @transform_6(%arg0: i32) -> (i32, i32) {
    %c0_i32 = arith.constant 0 : i32
    %c0_i32_0 = arith.constant 0 : i32
    %c0_i32_1 = arith.constant 0 : i32
    return %c0_i32, %c0_i32_0 : i32, i32
  }
  func.func @transform_7(%arg0: i32) -> (i32, i32) {
    %c0_i32 = arith.constant 0 : i32
    %c0_i32_0 = arith.constant 0 : i32
    %c0_i32_1 = arith.constant 0 : i32
    return %c0_i32, %c0_i32_0 : i32, i32
  }
  func.func @transform_8(%arg0: i32) -> (i32, i32) {
    %c0_i32 = arith.constant 0 : i32
    %c0_i32_0 = arith.constant 0 : i32
    return %arg0, %c0_i32 : i32, i32
  }
  func.func @transform_9(%arg0: i32) -> (i32, i32) {
    %c0_i32 = arith.constant 0 : i32
    %c0_i32_0 = arith.constant 0 : i32
    return %arg0, %c0_i32 : i32, i32
  }
}

module attributes {stable_mosaic.version = 14 : i64} {
  func.func @_head_body(%arg0: i32, %arg1: memref<1000x128xf32, #tpu.memory_space<vmem>>, %arg2: memref<1000x128xf32, #tpu.memory_space<vmem>>, %arg3: memref<1000x1xf32, #tpu.memory_space<vmem>>, %arg4: memref<1000x1xi32, #tpu.memory_space<vmem>>, %arg5: memref<128x256xf32, #tpu.memory_space<vmem>>, %arg6: memref<128x256xf32, #tpu.memory_space<vmem>>, %arg7: memref<1x256xf32, #tpu.memory_space<vmem>>, %arg8: memref<1x256xf32, #tpu.memory_space<vmem>>, %arg9: memref<1x256xf32, #tpu.memory_space<vmem>>, %arg10: memref<256x512xf32, #tpu.memory_space<vmem>>, %arg11: memref<1x512xf32, #tpu.memory_space<vmem>>, %arg12: memref<1x512xf32, #tpu.memory_space<vmem>>, %arg13: memref<1x512xf32, #tpu.memory_space<vmem>>, %arg14: memref<512x512xf32, #tpu.memory_space<vmem>>, %arg15: memref<1x512xf32, #tpu.memory_space<vmem>>, %arg16: memref<1x512xf32, #tpu.memory_space<vmem>>, %arg17: memref<1x512xf32, #tpu.memory_space<vmem>>, %arg18: memref<512x512xf32, #tpu.memory_space<vmem>>, %arg19: memref<1x512xf32, #tpu.memory_space<vmem>>, %arg20: memref<1x512xf32, #tpu.memory_space<vmem>>, %arg21: memref<1x512xf32, #tpu.memory_space<vmem>>, %arg22: memref<1x512xf32, #tpu.memory_space<vmem>>, %arg23: memref<1x1xf32, #tpu.memory_space<vmem>>, %arg24: memref<64x1xf32, #tpu.memory_space<vmem>>, %arg25: memref<64x256xf32, #tpu.memory_space<vmem>>) attributes {dimension_semantics = [#tpu.dimension_semantics<arbitrary>], iteration_bounds = array<i64: 10>, scalar_prefetch = 0 : i64, scratch_operands = 1 : i64, tpu.core_type = #tpu.core_type<tc>, window_params = [{transform_indices = @transform_0, window_bounds = array<i64: 1000, 128>}, {transform_indices = @transform_1, window_bounds = array<i64: 1000, 128>}, {transform_indices = @transform_2, window_bounds = array<i64: 1000, 1>}, {transform_indices = @transform_3, window_bounds = array<i64: 1000, 1>}, {pipeline_mode = #tpu.pipeline_mode<synchronous>, transform_indices = @transform_4, window_bounds = array<i64: 128, 256>}, {pipeline_mode = #tpu.pipeline_mode<synchronous>, transform_indices = @transform_5, window_bounds = array<i64: 128, 256>}, {pipeline_mode = #tpu.pipeline_mode<synchronous>, transform_indices = @transform_6, window_bounds = array<i64: 1, 256>}, {pipeline_mode = #tpu.pipeline_mode<synchronous>, transform_indices = @transform_7, window_bounds = array<i64: 1, 256>}, {pipeline_mode = #tpu.pipeline_mode<synchronous>, transform_indices = @transform_8, window_bounds = array<i64: 1, 256>}, {pipeline_mode = #tpu.pipeline_mode<synchronous>, transform_indices = @transform_9, window_bounds = array<i64: 256, 512>}, {pipeline_mode = #tpu.pipeline_mode<synchronous>, transform_indices = @transform_10, window_bounds = array<i64: 1, 512>}, {pipeline_mode = #tpu.pipeline_mode<synchronous>, transform_indices = @transform_11, window_bounds = array<i64: 1, 512>}, {pipeline_mode = #tpu.pipeline_mode<synchronous>, transform_indices = @transform_12, window_bounds = array<i64: 1, 512>}, {pipeline_mode = #tpu.pipeline_mode<synchronous>, transform_indices = @transform_13, window_bounds = array<i64: 512, 512>}, {pipeline_mode = #tpu.pipeline_mode<synchronous>, transform_indices = @transform_14, window_bounds = array<i64: 1, 512>}, {pipeline_mode = #tpu.pipeline_mode<synchronous>, transform_indices = @transform_15, window_bounds = array<i64: 1, 512>}, {pipeline_mode = #tpu.pipeline_mode<synchronous>, transform_indices = @transform_16, window_bounds = array<i64: 1, 512>}, {pipeline_mode = #tpu.pipeline_mode<synchronous>, transform_indices = @transform_17, window_bounds = array<i64: 512, 512>}, {pipeline_mode = #tpu.pipeline_mode<synchronous>, transform_indices = @transform_18, window_bounds = array<i64: 1, 512>}, {pipeline_mode = #tpu.pipeline_mode<synchronous>, transform_indices = @transform_19, window_bounds = array<i64: 1, 512>}, {pipeline_mode = #tpu.pipeline_mode<synchronous>, transform_indices = @transform_20, window_bounds = array<i64: 1, 512>}, {pipeline_mode = #tpu.pipeline_mode<synchronous>, transform_indices = @transform_21, window_bounds = array<i64: 1, 512>}, {pipeline_mode = #tpu.pipeline_mode<synchronous>, transform_indices = @transform_22, window_bounds = array<i64: 1, 1>}, {pipeline_mode = #tpu.pipeline_mode<synchronous>, transform_indices = @transform_23, window_bounds = array<i64: 64, 1>}]} {
    %eq3A = arith.constant 0 : i32
    %eq3A_0 = arith.cmpi eq, %arg0, %eq3A : i32
    %convert_element_type3A = arith.extui %eq3A_0 : i1 to i32
    %cond3A = arith.constant 0 : i32
    %cond3A_1 = arith.cmpi ne, %convert_element_type3A, %cond3A : i32
    scf.if %cond3A_1 {
      %broadcast_in_dim3A_146 = arith.constant 0xFF800000 : f32
      %broadcast_in_dim3A_147 = vector.broadcast %broadcast_in_dim3A_146 : f32 to vector<64x256xf32>
      %swap3A = arith.constant 0 : index
      %swap3A_148 = arith.constant 0 : index
      %swap3A_149 = vector.load %arg25[%swap3A, %swap3A_148] : memref<64x256xf32, #tpu.memory_space<vmem>>, vector<64x256xf32>
      tpu.vector_store %arg25[%swap3A, %swap3A_148], %broadcast_in_dim3A_147 {strides = array<i32>} : memref<64x256xf32, #tpu.memory_space<vmem>>, vector<64x256xf32>,
    } else {
    }
    %get3A = arith.constant 0 : index
    %get3A_2 = arith.constant 0 : index
    %get3A_3 = vector.load %arg3[%get3A, %get3A_2] : memref<1000x1xf32, #tpu.memory_space<vmem>>, vector<1000x1xf32>
    %get3A_4 = arith.constant 0 : index
    %get3A_5 = arith.constant 0 : index
    %get3A_6 = vector.load %arg1[%get3A_4, %get3A_5] : memref<1000x128xf32, #tpu.memory_space<vmem>>, vector<1000x128xf32>
    %mul3A = vector.broadcast %get3A_3 : vector<1000x1xf32> to vector<1000x128xf32>
    %mul3A_7 = arith.mulf %get3A_6, %mul3A : vector<1000x128xf32>
    %get3A_8 = arith.constant 0 : index
    %get3A_9 = arith.constant 0 : index
    %get3A_10 = vector.load %arg5[%get3A_8, %get3A_9] : memref<128x256xf32, #tpu.memory_space<vmem>>, vector<128x256xf32>
    %dot_general3A = arith.constant dense<0.000000e+00> : vector<1000x256xf32>
    %dot_general3A_11 = tpu.matmul %mul3A_7, %get3A_10, %dot_general3A {dimension_numbers = #tpu.dot_dimension_numbers<[1], [0], [0], [1], [0, 0, 1, 1], [], []>, precision = #tpu.contract_precision<fp32>, transpose_lhs_hint = false} : vector<1000x128xf32>, vector<128x256xf32>, vector<1000x256xf32> -> vector<1000x256xf32>
    %get3A_12 = arith.constant 0 : index
    %get3A_13 = arith.constant 0 : index
    %get3A_14 = vector.load %arg2[%get3A_12, %get3A_13] : memref<1000x128xf32, #tpu.memory_space<vmem>>, vector<1000x128xf32>
    %mul3A_15 = vector.broadcast %get3A_3 : vector<1000x1xf32> to vector<1000x128xf32>
    %mul3A_16 = arith.mulf %get3A_14, %mul3A_15 : vector<1000x128xf32>
    %get3A_17 = arith.constant 0 : index
    %get3A_18 = arith.constant 0 : index
    %get3A_19 = vector.load %arg6[%get3A_17, %get3A_18] : memref<128x256xf32, #tpu.memory_space<vmem>>, vector<128x256xf32>
    %dot_general3A_20 = arith.constant dense<0.000000e+00> : vector<1000x256xf32>
    %dot_general3A_21 = tpu.matmul %mul3A_16, %get3A_19, %dot_general3A_20 {dimension_numbers = #tpu.dot_dimension_numbers<[1], [0], [0], [1], [0, 0, 1, 1], [], []>, precision = #tpu.contract_precision<fp32>, transpose_lhs_hint = false} : vector<1000x128xf32>, vector<128x256xf32>, vector<1000x256xf32> -> vector<1000x256xf32>
    %add3A = arith.addf %dot_general3A_11, %dot_general3A_21 : vector<1000x256xf32>
    %get3A_22 = arith.constant 0 : index
    %get3A_23 = arith.constant 0 : index
    %get3A_24 = vector.load %arg7[%get3A_22, %get3A_23] : memref<1x256xf32, #tpu.memory_space<vmem>>, vector<1x256xf32>
    %add3A_25 = vector.broadcast %get3A_24 : vector<1x256xf32> to vector<1000x256xf32>
    %add3A_26 = arith.addf %add3A, %add3A_25 : vector<1000x256xf32>
    %get3A_27 = arith.constant 0 : index
    %get3A_28 = arith.constant 0 : index
    %get3A_29 = vector.load %arg8[%get3A_27, %get3A_28] : memref<1x256xf32, #tpu.memory_space<vmem>>, vector<1x256xf32>
    %get3A_30 = arith.constant 0 : index
    %get3A_31 = arith.constant 0 : index
    %get3A_32 = vector.load %arg9[%get3A_30, %get3A_31] : memref<1x256xf32, #tpu.memory_space<vmem>>, vector<1x256xf32>
    %reduce_sum3A = arith.constant dense<0.000000e+00> : vector<1000xf32>
    %reduce_sum3A_33 = vector.multi_reduction <add>, %add3A_26, %reduce_sum3A [1] : vector<1000x256xf32> to vector<1000xf32>
    %broadcast_in_dim3A = vector.shape_cast %reduce_sum3A_33 : vector<1000xf32> to vector<1000x1xf32>
    %div3A = arith.constant 2.560000e+02 : f32
    %div3A_34 = vector.broadcast %div3A : f32 to vector<1000x1xf32>
    %div3A_35 = arith.divf %broadcast_in_dim3A, %div3A_34 : vector<1000x1xf32>
    %sub3A = vector.broadcast %div3A_35 : vector<1000x1xf32> to vector<1000x256xf32>
    %sub3A_36 = arith.subf %add3A_26, %sub3A : vector<1000x256xf32>
    %integer_pow3A = arith.mulf %sub3A_36, %sub3A_36 : vector<1000x256xf32>
    %reduce_sum3A_37 = arith.constant dense<0.000000e+00> : vector<1000xf32>
    %reduce_sum3A_38 = vector.multi_reduction <add>, %integer_pow3A, %reduce_sum3A_37 [1] : vector<1000x256xf32> to vector<1000xf32>
    %broadcast_in_dim3A_39 = vector.shape_cast %reduce_sum3A_38 : vector<1000xf32> to vector<1000x1xf32>
    %div3A_40 = arith.constant 2.560000e+02 : f32
    %div3A_41 = vector.broadcast %div3A_40 : f32 to vector<1000x1xf32>
    %div3A_42 = arith.divf %broadcast_in_dim3A_39, %div3A_41 : vector<1000x1xf32>
    %sub3A_43 = vector.broadcast %div3A_35 : vector<1000x1xf32> to vector<1000x256xf32>
    %sub3A_44 = arith.subf %add3A_26, %sub3A_43 : vector<1000x256xf32>
    %add3A_45 = arith.constant 9.99999974E-6 : f32
    %add3A_46 = vector.broadcast %add3A_45 : f32 to vector<1000x1xf32>
    %add3A_47 = arith.addf %div3A_42, %add3A_46 : vector<1000x1xf32>
    %sqrt3A = math.sqrt %add3A_47 : vector<1000x1xf32>
    %div3A_48 = vector.broadcast %sqrt3A : vector<1000x1xf32> to vector<1000x256xf32>
    %div3A_49 = arith.divf %sub3A_44, %div3A_48 : vector<1000x256xf32>
    %mul3A_50 = vector.broadcast %get3A_29 : vector<1x256xf32> to vector<1000x256xf32>
    %mul3A_51 = arith.mulf %div3A_49, %mul3A_50 : vector<1000x256xf32>
    %add3A_52 = vector.broadcast %get3A_32 : vector<1x256xf32> to vector<1000x256xf32>
    %add3A_53 = arith.addf %mul3A_51, %add3A_52 : vector<1000x256xf32>
    %max3A = arith.constant 0.000000e+00 : f32
    %max3A_54 = vector.broadcast %max3A : f32 to vector<1000x256xf32>
    %max3A_55 = arith.maximumf %add3A_53, %max3A_54 : vector<1000x256xf32>
    %get3A_56 = arith.constant 0 : index
    %get3A_57 = arith.constant 0 : index
    %get3A_58 = vector.load %arg4[%get3A_56, %get3A_57] : memref<1000x1xi32, #tpu.memory_space<vmem>>, vector<1000x1xi32>
    %slice3A = vector.extract_strided_slice %get3A_58 {offsets = [0, 0], sizes = [250, 1], strides = [1, 1]} : vector<1000x1xi32> to vector<250x1xi32>
    %slice3A_59 = vector.extract_strided_slice %max3A_55 {offsets = [0, 0], sizes = [250, 256], strides = [1, 1]} : vector<1000x256xf32> to vector<250x256xf32>
    %get3A_60 = arith.constant 0 : index
    %get3A_61 = arith.constant 0 : index
    %get3A_62 = vector.load %arg4[%get3A_60, %get3A_61] : memref<1000x1xi32, #tpu.memory_space<vmem>>, vector<1x1xi32>
    %get3A_63 = vector.extract %get3A_62[0, 0] : i32 from vector<1x1xi32>
    %get3A_64 = arith.constant 249 : index
    %get3A_65 = arith.constant 0 : index
    %get3A_66 = vector.load %arg4[%get3A_64, %get3A_65] : memref<1000x1xi32, #tpu.memory_space<vmem>>, vector<1x1xi32>
    %get3A_67 = vector.extract %get3A_66[0, 0] : i32 from vector<1x1xi32>
    %add3A_68 = arith.constant 1 : i32
    %add3A_69 = arith.addi %get3A_67, %add3A_68 : i32
    %while3A = arith.constant 0 : i32
    %while3A_70 = arith.subi %add3A_69, %get3A_63 : i32
    %while3A_71 = arith.addi %get3A_63, %while3A_70 : i32
    %while3A_72 = arith.constant 1 : i32
    %while3A_73 = arith.divsi %while3A_70, %while3A_72 : i32
    %while3A_74 = arith.muli %while3A_73, %while3A_72 : i32
    %while3A_75 = arith.addi %get3A_63, %while3A_74 : i32
    %while3A_76 = arith.constant 1 : i32
    scf.for %while3A_146 = %get3A_63 to %while3A_75 step %while3A_76  : i32 {
      %eq3A_147 = vector.broadcast %while3A_146 : i32 to vector<250x1xi32>
      %eq3A_148 = arith.cmpi eq, %slice3A, %eq3A_147 : vector<250x1xi32>
      %jit3A = arith.constant 0xFF800000 : f32
      %broadcast_in_dim3A_149 = vector.shape_cast %eq3A_148 : vector<250x1xi1> to vector<250x1xi1>
      %broadcast_in_dim3A_150 = vector.broadcast %broadcast_in_dim3A_149 : vector<250x1xi1> to vector<250x256xi1>
      %broadcast_in_dim3A_151 = vector.broadcast %jit3A : f32 to vector<250x256xf32>
      %select_n3A = arith.select %broadcast_in_dim3A_150, %slice3A_59, %broadcast_in_dim3A_151 : vector<250x256xi1>, vector<250x256xf32>
      %reduce_max3A = arith.constant dense<0xFF800000> : vector<256xf32>
      %reduce_max3A_152 = vector.multi_reduction <maximumf>, %select_n3A, %reduce_max3A [0] : vector<250x256xf32> to vector<256xf32>
      %broadcast_in_dim3A_153 = vector.shape_cast %reduce_max3A_152 : vector<256xf32> to vector<1x256xf32>
      %get3A_154 = arith.index_cast %while3A_146 : i32 to index
      %get3A_155 = arith.constant 0 : index
      %get3A_156 = vector.load %arg25[%get3A_154, %get3A_155] : memref<64x256xf32, #tpu.memory_space<vmem>>, vector<1x256xf32>
      %max3A_157 = arith.maximumf %get3A_156, %broadcast_in_dim3A_153 : vector<1x256xf32>
      %swap3A = arith.index_cast %while3A_146 : i32 to index
      %swap3A_158 = arith.constant 0 : index
      %swap3A_159 = vector.load %arg25[%swap3A, %swap3A_158] : memref<64x256xf32, #tpu.memory_space<vmem>>, vector<1x256xf32>
      tpu.vector_store %arg25[%swap3A, %swap3A_158], %max3A_157 {strides = array<i32>} : memref<64x256xf32, #tpu.memory_space<vmem>>, vector<1x256xf32>,
    }
    %while3A_77 = arith.constant 1 : i32
    scf.for %while3A_146 = %while3A_75 to %while3A_71 step %while3A_77  : i32 {
      %eq3A_147 = vector.broadcast %while3A_146 : i32 to vector<250x1xi32>
      %eq3A_148 = arith.cmpi eq, %slice3A, %eq3A_147 : vector<250x1xi32>
      %jit3A = arith.constant 0xFF800000 : f32
      %broadcast_in_dim3A_149 = vector.shape_cast %eq3A_148 : vector<250x1xi1> to vector<250x1xi1>
      %broadcast_in_dim3A_150 = vector.broadcast %broadcast_in_dim3A_149 : vector<250x1xi1> to vector<250x256xi1>
      %broadcast_in_dim3A_151 = vector.broadcast %jit3A : f32 to vector<250x256xf32>
      %select_n3A = arith.select %broadcast_in_dim3A_150, %slice3A_59, %broadcast_in_dim3A_151 : vector<250x256xi1>, vector<250x256xf32>
      %reduce_max3A = arith.constant dense<0xFF800000> : vector<256xf32>
      %reduce_max3A_152 = vector.multi_reduction <maximumf>, %select_n3A, %reduce_max3A [0] : vector<250x256xf32> to vector<256xf32>
      %broadcast_in_dim3A_153 = vector.shape_cast %reduce_max3A_152 : vector<256xf32> to vector<1x256xf32>
      %get3A_154 = arith.index_cast %while3A_146 : i32 to index
      %get3A_155 = arith.constant 0 : index
      %get3A_156 = vector.load %arg25[%get3A_154, %get3A_155] : memref<64x256xf32, #tpu.memory_space<vmem>>, vector<1x256xf32>
      %max3A_157 = arith.maximumf %get3A_156, %broadcast_in_dim3A_153 : vector<1x256xf32>
      %swap3A = arith.index_cast %while3A_146 : i32 to index
      %swap3A_158 = arith.constant 0 : index
      %swap3A_159 = vector.load %arg25[%swap3A, %swap3A_158] : memref<64x256xf32, #tpu.memory_space<vmem>>, vector<1x256xf32>
      tpu.vector_store %arg25[%swap3A, %swap3A_158], %max3A_157 {strides = array<i32>} : memref<64x256xf32, #tpu.memory_space<vmem>>, vector<1x256xf32>,
    }
    %slice3A_78 = vector.extract_strided_slice %get3A_58 {offsets = [250, 0], sizes = [250, 1], strides = [1, 1]} : vector<1000x1xi32> to vector<250x1xi32>
    %slice3A_79 = vector.extract_strided_slice %max3A_55 {offsets = [250, 0], sizes = [250, 256], strides = [1, 1]} : vector<1000x256xf32> to vector<250x256xf32>
    %get3A_80 = arith.constant 250 : index
    %get3A_81 = arith.constant 0 : index
    %get3A_82 = vector.load %arg4[%get3A_80, %get3A_81] : memref<1000x1xi32, #tpu.memory_space<vmem>>, vector<1x1xi32>
    %get3A_83 = vector.extract %get3A_82[0, 0] : i32 from vector<1x1xi32>
    %get3A_84 = arith.constant 499 : index
    %get3A_85 = arith.constant 0 : index
    %get3A_86 = vector.load %arg4[%get3A_84, %get3A_85] : memref<1000x1xi32, #tpu.memory_space<vmem>>, vector<1x1xi32>
    %get3A_87 = vector.extract %get3A_86[0, 0] : i32 from vector<1x1xi32>
    %add3A_88 = arith.constant 1 : i32
    %add3A_89 = arith.addi %get3A_87, %add3A_88 : i32
    %while3A_90 = arith.constant 0 : i32
    %while3A_91 = arith.subi %add3A_89, %get3A_83 : i32
    %while3A_92 = arith.addi %get3A_83, %while3A_91 : i32
    %while3A_93 = arith.constant 1 : i32
    %while3A_94 = arith.divsi %while3A_91, %while3A_93 : i32
    %while3A_95 = arith.muli %while3A_94, %while3A_93 : i32
    %while3A_96 = arith.addi %get3A_83, %while3A_95 : i32
    %while3A_97 = arith.constant 1 : i32
    scf.for %while3A_146 = %get3A_83 to %while3A_96 step %while3A_97  : i32 {
      %eq3A_147 = vector.broadcast %while3A_146 : i32 to vector<250x1xi32>
      %eq3A_148 = arith.cmpi eq, %slice3A_78, %eq3A_147 : vector<250x1xi32>
      %jit3A = arith.constant 0xFF800000 : f32
      %broadcast_in_dim3A_149 = vector.shape_cast %eq3A_148 : vector<250x1xi1> to vector<250x1xi1>
      %broadcast_in_dim3A_150 = vector.broadcast %broadcast_in_dim3A_149 : vector<250x1xi1> to vector<250x256xi1>
      %broadcast_in_dim3A_151 = vector.broadcast %jit3A : f32 to vector<250x256xf32>
      %select_n3A = arith.select %broadcast_in_dim3A_150, %slice3A_79, %broadcast_in_dim3A_151 : vector<250x256xi1>, vector<250x256xf32>
      %reduce_max3A = arith.constant dense<0xFF800000> : vector<256xf32>
      %reduce_max3A_152 = vector.multi_reduction <maximumf>, %select_n3A, %reduce_max3A [0] : vector<250x256xf32> to vector<256xf32>
      %broadcast_in_dim3A_153 = vector.shape_cast %reduce_max3A_152 : vector<256xf32> to vector<1x256xf32>
      %get3A_154 = arith.index_cast %while3A_146 : i32 to index
      %get3A_155 = arith.constant 0 : index
      %get3A_156 = vector.load %arg25[%get3A_154, %get3A_155] : memref<64x256xf32, #tpu.memory_space<vmem>>, vector<1x256xf32>
      %max3A_157 = arith.maximumf %get3A_156, %broadcast_in_dim3A_153 : vector<1x256xf32>
      %swap3A = arith.index_cast %while3A_146 : i32 to index
      %swap3A_158 = arith.constant 0 : index
      %swap3A_159 = vector.load %arg25[%swap3A, %swap3A_158] : memref<64x256xf32, #tpu.memory_space<vmem>>, vector<1x256xf32>
      tpu.vector_store %arg25[%swap3A, %swap3A_158], %max3A_157 {strides = array<i32>} : memref<64x256xf32, #tpu.memory_space<vmem>>, vector<1x256xf32>,
    }
    %while3A_98 = arith.constant 1 : i32
    scf.for %while3A_146 = %while3A_96 to %while3A_92 step %while3A_98  : i32 {
      %eq3A_147 = vector.broadcast %while3A_146 : i32 to vector<250x1xi32>
      %eq3A_148 = arith.cmpi eq, %slice3A_78, %eq3A_147 : vector<250x1xi32>
      %jit3A = arith.constant 0xFF800000 : f32
      %broadcast_in_dim3A_149 = vector.shape_cast %eq3A_148 : vector<250x1xi1> to vector<250x1xi1>
      %broadcast_in_dim3A_150 = vector.broadcast %broadcast_in_dim3A_149 : vector<250x1xi1> to vector<250x256xi1>
      %broadcast_in_dim3A_151 = vector.broadcast %jit3A : f32 to vector<250x256xf32>
      %select_n3A = arith.select %broadcast_in_dim3A_150, %slice3A_79, %broadcast_in_dim3A_151 : vector<250x256xi1>, vector<250x256xf32>
      %reduce_max3A = arith.constant dense<0xFF800000> : vector<256xf32>
      %reduce_max3A_152 = vector.multi_reduction <maximumf>, %select_n3A, %reduce_max3A [0] : vector<250x256xf32> to vector<256xf32>
      %broadcast_in_dim3A_153 = vector.shape_cast %reduce_max3A_152 : vector<256xf32> to vector<1x256xf32>
      %get3A_154 = arith.index_cast %while3A_146 : i32 to index
      %get3A_155 = arith.constant 0 : index
      %get3A_156 = vector.load %arg25[%get3A_154, %get3A_155] : memref<64x256xf32, #tpu.memory_space<vmem>>, vector<1x256xf32>
      %max3A_157 = arith.maximumf %get3A_156, %broadcast_in_dim3A_153 : vector<1x256xf32>
      %swap3A = arith.index_cast %while3A_146 : i32 to index
      %swap3A_158 = arith.constant 0 : index
      %swap3A_159 = vector.load %arg25[%swap3A, %swap3A_158] : memref<64x256xf32, #tpu.memory_space<vmem>>, vector<1x256xf32>
      tpu.vector_store %arg25[%swap3A, %swap3A_158], %max3A_157 {strides = array<i32>} : memref<64x256xf32, #tpu.memory_space<vmem>>, vector<1x256xf32>,
    }
    %slice3A_99 = vector.extract_strided_slice %get3A_58 {offsets = [500, 0], sizes = [250, 1], strides = [1, 1]} : vector<1000x1xi32> to vector<250x1xi32>
    %slice3A_100 = vector.extract_strided_slice %max3A_55 {offsets = [500, 0], sizes = [250, 256], strides = [1, 1]} : vector<1000x256xf32> to vector<250x256xf32>
    %get3A_101 = arith.constant 500 : index
    %get3A_102 = arith.constant 0 : index
    %get3A_103 = vector.load %arg4[%get3A_101, %get3A_102] : memref<1000x1xi32, #tpu.memory_space<vmem>>, vector<1x1xi32>
    %get3A_104 = vector.extract %get3A_103[0, 0] : i32 from vector<1x1xi32>
    %get3A_105 = arith.constant 749 : index
    %get3A_106 = arith.constant 0 : index
    %get3A_107 = vector.load %arg4[%get3A_105, %get3A_106] : memref<1000x1xi32, #tpu.memory_space<vmem>>, vector<1x1xi32>
    %get3A_108 = vector.extract %get3A_107[0, 0] : i32 from vector<1x1xi32>
    %add3A_109 = arith.constant 1 : i32
    %add3A_110 = arith.addi %get3A_108, %add3A_109 : i32
    %while3A_111 = arith.constant 0 : i32
    %while3A_112 = arith.subi %add3A_110, %get3A_104 : i32
    %while3A_113 = arith.addi %get3A_104, %while3A_112 : i32
    %while3A_114 = arith.constant 1 : i32
    %while3A_115 = arith.divsi %while3A_112, %while3A_114 : i32
    %while3A_116 = arith.muli %while3A_115, %while3A_114 : i32
    %while3A_117 = arith.addi %get3A_104, %while3A_116 : i32
    %while3A_118 = arith.constant 1 : i32
    scf.for %while3A_146 = %get3A_104 to %while3A_117 step %while3A_118  : i32 {
      %eq3A_147 = vector.broadcast %while3A_146 : i32 to vector<250x1xi32>
      %eq3A_148 = arith.cmpi eq, %slice3A_99, %eq3A_147 : vector<250x1xi32>
      %jit3A = arith.constant 0xFF800000 : f32
      %broadcast_in_dim3A_149 = vector.shape_cast %eq3A_148 : vector<250x1xi1> to vector<250x1xi1>
      %broadcast_in_dim3A_150 = vector.broadcast %broadcast_in_dim3A_149 : vector<250x1xi1> to vector<250x256xi1>
      %broadcast_in_dim3A_151 = vector.broadcast %jit3A : f32 to vector<250x256xf32>
      %select_n3A = arith.select %broadcast_in_dim3A_150, %slice3A_100, %broadcast_in_dim3A_151 : vector<250x256xi1>, vector<250x256xf32>
      %reduce_max3A = arith.constant dense<0xFF800000> : vector<256xf32>
      %reduce_max3A_152 = vector.multi_reduction <maximumf>, %select_n3A, %reduce_max3A [0] : vector<250x256xf32> to vector<256xf32>
      %broadcast_in_dim3A_153 = vector.shape_cast %reduce_max3A_152 : vector<256xf32> to vector<1x256xf32>
      %get3A_154 = arith.index_cast %while3A_146 : i32 to index
      %get3A_155 = arith.constant 0 : index
      %get3A_156 = vector.load %arg25[%get3A_154, %get3A_155] : memref<64x256xf32, #tpu.memory_space<vmem>>, vector<1x256xf32>
      %max3A_157 = arith.maximumf %get3A_156, %broadcast_in_dim3A_153 : vector<1x256xf32>
      %swap3A = arith.index_cast %while3A_146 : i32 to index
      %swap3A_158 = arith.constant 0 : index
      %swap3A_159 = vector.load %arg25[%swap3A, %swap3A_158] : memref<64x256xf32, #tpu.memory_space<vmem>>, vector<1x256xf32>
      tpu.vector_store %arg25[%swap3A, %swap3A_158], %max3A_157 {strides = array<i32>} : memref<64x256xf32, #tpu.memory_space<vmem>>, vector<1x256xf32>,
    }
    %while3A_119 = arith.constant 1 : i32
    scf.for %while3A_146 = %while3A_117 to %while3A_113 step %while3A_119  : i32 {
      %eq3A_147 = vector.broadcast %while3A_146 : i32 to vector<250x1xi32>
      %eq3A_148 = arith.cmpi eq, %slice3A_99, %eq3A_147 : vector<250x1xi32>
      %jit3A = arith.constant 0xFF800000 : f32
      %broadcast_in_dim3A_149 = vector.shape_cast %eq3A_148 : vector<250x1xi1> to vector<250x1xi1>
      %broadcast_in_dim3A_150 = vector.broadcast %broadcast_in_dim3A_149 : vector<250x1xi1> to vector<250x256xi1>
      %broadcast_in_dim3A_151 = vector.broadcast %jit3A : f32 to vector<250x256xf32>
      %select_n3A = arith.select %broadcast_in_dim3A_150, %slice3A_100, %broadcast_in_dim3A_151 : vector<250x256xi1>, vector<250x256xf32>
      %reduce_max3A = arith.constant dense<0xFF800000> : vector<256xf32>
      %reduce_max3A_152 = vector.multi_reduction <maximumf>, %select_n3A, %reduce_max3A [0] : vector<250x256xf32> to vector<256xf32>
      %broadcast_in_dim3A_153 = vector.shape_cast %reduce_max3A_152 : vector<256xf32> to vector<1x256xf32>
      %get3A_154 = arith.index_cast %while3A_146 : i32 to index
      %get3A_155 = arith.constant 0 : index
      %get3A_156 = vector.load %arg25[%get3A_154, %get3A_155] : memref<64x256xf32, #tpu.memory_space<vmem>>, vector<1x256xf32>
      %max3A_157 = arith.maximumf %get3A_156, %broadcast_in_dim3A_153 : vector<1x256xf32>
      %swap3A = arith.index_cast %while3A_146 : i32 to index
      %swap3A_158 = arith.constant 0 : index
      %swap3A_159 = vector.load %arg25[%swap3A, %swap3A_158] : memref<64x256xf32, #tpu.memory_space<vmem>>, vector<1x256xf32>
      tpu.vector_store %arg25[%swap3A, %swap3A_158], %max3A_157 {strides = array<i32>} : memref<64x256xf32, #tpu.memory_space<vmem>>, vector<1x256xf32>,
    }
    %slice3A_120 = vector.extract_strided_slice %get3A_58 {offsets = [750, 0], sizes = [250, 1], strides = [1, 1]} : vector<1000x1xi32> to vector<250x1xi32>
    %slice3A_121 = vector.extract_strided_slice %max3A_55 {offsets = [750, 0], sizes = [250, 256], strides = [1, 1]} : vector<1000x256xf32> to vector<250x256xf32>
    %get3A_122 = arith.constant 750 : index
    %get3A_123 = arith.constant 0 : index
    %get3A_124 = vector.load %arg4[%get3A_122, %get3A_123] : memref<1000x1xi32, #tpu.memory_space<vmem>>, vector<1x1xi32>
    %get3A_125 = vector.extract %get3A_124[0, 0] : i32 from vector<1x1xi32>
    %get3A_126 = arith.constant 999 : index
    %get3A_127 = arith.constant 0 : index
    %get3A_128 = vector.load %arg4[%get3A_126, %get3A_127] : memref<1000x1xi32, #tpu.memory_space<vmem>>, vector<1x1xi32>
    %get3A_129 = vector.extract %get3A_128[0, 0] : i32 from vector<1x1xi32>
    %add3A_130 = arith.constant 1 : i32
    %add3A_131 = arith.addi %get3A_129, %add3A_130 : i32
    %while3A_132 = arith.constant 0 : i32
    %while3A_133 = arith.subi %add3A_131, %get3A_125 : i32
    %while3A_134 = arith.addi %get3A_125, %while3A_133 : i32
    %while3A_135 = arith.constant 1 : i32
    %while3A_136 = arith.divsi %while3A_133, %while3A_135 : i32
    %while3A_137 = arith.muli %while3A_136, %while3A_135 : i32
    %while3A_138 = arith.addi %get3A_125, %while3A_137 : i32
    %while3A_139 = arith.constant 1 : i32
    scf.for %while3A_146 = %get3A_125 to %while3A_138 step %while3A_139  : i32 {
      %eq3A_147 = vector.broadcast %while3A_146 : i32 to vector<250x1xi32>
      %eq3A_148 = arith.cmpi eq, %slice3A_120, %eq3A_147 : vector<250x1xi32>
      %jit3A = arith.constant 0xFF800000 : f32
      %broadcast_in_dim3A_149 = vector.shape_cast %eq3A_148 : vector<250x1xi1> to vector<250x1xi1>
      %broadcast_in_dim3A_150 = vector.broadcast %broadcast_in_dim3A_149 : vector<250x1xi1> to vector<250x256xi1>
      %broadcast_in_dim3A_151 = vector.broadcast %jit3A : f32 to vector<250x256xf32>
      %select_n3A = arith.select %broadcast_in_dim3A_150, %slice3A_121, %broadcast_in_dim3A_151 : vector<250x256xi1>, vector<250x256xf32>
      %reduce_max3A = arith.constant dense<0xFF800000> : vector<256xf32>
      %reduce_max3A_152 = vector.multi_reduction <maximumf>, %select_n3A, %reduce_max3A [0] : vector<250x256xf32> to vector<256xf32>
      %broadcast_in_dim3A_153 = vector.shape_cast %reduce_max3A_152 : vector<256xf32> to vector<1x256xf32>
      %get3A_154 = arith.index_cast %while3A_146 : i32 to index
      %get3A_155 = arith.constant 0 : index
      %get3A_156 = vector.load %arg25[%get3A_154, %get3A_155] : memref<64x256xf32, #tpu.memory_space<vmem>>, vector<1x256xf32>
      %max3A_157 = arith.maximumf %get3A_156, %broadcast_in_dim3A_153 : vector<1x256xf32>
      %swap3A = arith.index_cast %while3A_146 : i32 to index
      %swap3A_158 = arith.constant 0 : index
      %swap3A_159 = vector.load %arg25[%swap3A, %swap3A_158] : memref<64x256xf32, #tpu.memory_space<vmem>>, vector<1x256xf32>
      tpu.vector_store %arg25[%swap3A, %swap3A_158], %max3A_157 {strides = array<i32>} : memref<64x256xf32, #tpu.memory_space<vmem>>, vector<1x256xf32>,
    }
    %while3A_140 = arith.constant 1 : i32
    scf.for %while3A_146 = %while3A_138 to %while3A_134 step %while3A_140  : i32 {
      %eq3A_147 = vector.broadcast %while3A_146 : i32 to vector<250x1xi32>
      %eq3A_148 = arith.cmpi eq, %slice3A_120, %eq3A_147 : vector<250x1xi32>
      %jit3A = arith.constant 0xFF800000 : f32
      %broadcast_in_dim3A_149 = vector.shape_cast %eq3A_148 : vector<250x1xi1> to vector<250x1xi1>
      %broadcast_in_dim3A_150 = vector.broadcast %broadcast_in_dim3A_149 : vector<250x1xi1> to vector<250x256xi1>
      %broadcast_in_dim3A_151 = vector.broadcast %jit3A : f32 to vector<250x256xf32>
      %select_n3A = arith.select %broadcast_in_dim3A_150, %slice3A_121, %broadcast_in_dim3A_151 : vector<250x256xi1>, vector<250x256xf32>
      %reduce_max3A = arith.constant dense<0xFF800000> : vector<256xf32>
      %reduce_max3A_152 = vector.multi_reduction <maximumf>, %select_n3A, %reduce_max3A [0] : vector<250x256xf32> to vector<256xf32>
      %broadcast_in_dim3A_153 = vector.shape_cast %reduce_max3A_152 : vector<256xf32> to vector<1x256xf32>
      %get3A_154 = arith.index_cast %while3A_146 : i32 to index
      %get3A_155 = arith.constant 0 : index
      %get3A_156 = vector.load %arg25[%get3A_154, %get3A_155] : memref<64x256xf32, #tpu.memory_space<vmem>>, vector<1x256xf32>
      %max3A_157 = arith.maximumf %get3A_156, %broadcast_in_dim3A_153 : vector<1x256xf32>
      %swap3A = arith.index_cast %while3A_146 : i32 to index
      %swap3A_158 = arith.constant 0 : index
      %swap3A_159 = vector.load %arg25[%swap3A, %swap3A_158] : memref<64x256xf32, #tpu.memory_space<vmem>>, vector<1x256xf32>
      tpu.vector_store %arg25[%swap3A, %swap3A_158], %max3A_157 {strides = array<i32>} : memref<64x256xf32, #tpu.memory_space<vmem>>, vector<1x256xf32>,
    }
    %eq3A_141 = arith.constant 9 : i32
    %eq3A_142 = arith.cmpi eq, %arg0, %eq3A_141 : i32
    %convert_element_type3A_143 = arith.extui %eq3A_142 : i1 to i32
    %cond3A_144 = arith.constant 0 : i32
    %cond3A_145 = arith.cmpi ne, %convert_element_type3A_143, %cond3A_144 : i32
    scf.if %cond3A_145 {
      %get3A_146 = arith.constant 0 : index
      %get3A_147 = arith.constant 0 : index
      %get3A_148 = vector.load %arg25[%get3A_146, %get3A_147] : memref<64x256xf32, #tpu.memory_space<vmem>>, vector<64x256xf32>
      %get3A_149 = arith.constant 0 : index
      %get3A_150 = arith.constant 0 : index
      %get3A_151 = vector.load %arg10[%get3A_149, %get3A_150] : memref<256x512xf32, #tpu.memory_space<vmem>>, vector<256x512xf32>
      %dot_general3A_152 = arith.constant dense<0.000000e+00> : vector<64x512xf32>
      %dot_general3A_153 = tpu.matmul %get3A_148, %get3A_151, %dot_general3A_152 {dimension_numbers = #tpu.dot_dimension_numbers<[1], [0], [0], [1], [0, 0, 1, 1], [], []>, precision = #tpu.contract_precision<fp32>, transpose_lhs_hint = false} : vector<64x256xf32>, vector<256x512xf32>, vector<64x512xf32> -> vector<64x512xf32>
      %get3A_154 = arith.constant 0 : index
      %get3A_155 = arith.constant 0 : index
      %get3A_156 = vector.load %arg11[%get3A_154, %get3A_155] : memref<1x512xf32, #tpu.memory_space<vmem>>, vector<1x512xf32>
      %add3A_157 = vector.broadcast %get3A_156 : vector<1x512xf32> to vector<64x512xf32>
      %add3A_158 = arith.addf %dot_general3A_153, %add3A_157 : vector<64x512xf32>
      %get3A_159 = arith.constant 0 : index
      %get3A_160 = arith.constant 0 : index
      %get3A_161 = vector.load %arg12[%get3A_159, %get3A_160] : memref<1x512xf32, #tpu.memory_space<vmem>>, vector<1x512xf32>
      %get3A_162 = arith.constant 0 : index
      %get3A_163 = arith.constant 0 : index
      %get3A_164 = vector.load %arg13[%get3A_162, %get3A_163] : memref<1x512xf32, #tpu.memory_space<vmem>>, vector<1x512xf32>
      %reduce_sum3A_165 = arith.constant dense<0.000000e+00> : vector<64xf32>
      %reduce_sum3A_166 = vector.multi_reduction <add>, %add3A_158, %reduce_sum3A_165 [1] : vector<64x512xf32> to vector<64xf32>
      %broadcast_in_dim3A_167 = vector.shape_cast %reduce_sum3A_166 : vector<64xf32> to vector<64x1xf32>
      %div3A_168 = arith.constant 5.120000e+02 : f32
      %div3A_169 = vector.broadcast %div3A_168 : f32 to vector<64x1xf32>
      %div3A_170 = arith.divf %broadcast_in_dim3A_167, %div3A_169 : vector<64x1xf32>
      %sub3A_171 = vector.broadcast %div3A_170 : vector<64x1xf32> to vector<64x512xf32>
      %sub3A_172 = arith.subf %add3A_158, %sub3A_171 : vector<64x512xf32>
      %integer_pow3A_173 = arith.mulf %sub3A_172, %sub3A_172 : vector<64x512xf32>
      %reduce_sum3A_174 = arith.constant dense<0.000000e+00> : vector<64xf32>
      %reduce_sum3A_175 = vector.multi_reduction <add>, %integer_pow3A_173, %reduce_sum3A_174 [1] : vector<64x512xf32> to vector<64xf32>
      %broadcast_in_dim3A_176 = vector.shape_cast %reduce_sum3A_175 : vector<64xf32> to vector<64x1xf32>
      %div3A_177 = arith.constant 5.120000e+02 : f32
      %div3A_178 = vector.broadcast %div3A_177 : f32 to vector<64x1xf32>
      %div3A_179 = arith.divf %broadcast_in_dim3A_176, %div3A_178 : vector<64x1xf32>
      %sub3A_180 = vector.broadcast %div3A_170 : vector<64x1xf32> to vector<64x512xf32>
      %sub3A_181 = arith.subf %add3A_158, %sub3A_180 : vector<64x512xf32>
      %add3A_182 = arith.constant 9.99999974E-6 : f32
      %add3A_183 = vector.broadcast %add3A_182 : f32 to vector<64x1xf32>
      %add3A_184 = arith.addf %div3A_179, %add3A_183 : vector<64x1xf32>
      %sqrt3A_185 = math.sqrt %add3A_184 : vector<64x1xf32>
      %div3A_186 = vector.broadcast %sqrt3A_185 : vector<64x1xf32> to vector<64x512xf32>
      %div3A_187 = arith.divf %sub3A_181, %div3A_186 : vector<64x512xf32>
      %mul3A_188 = vector.broadcast %get3A_161 : vector<1x512xf32> to vector<64x512xf32>
      %mul3A_189 = arith.mulf %div3A_187, %mul3A_188 : vector<64x512xf32>
      %add3A_190 = vector.broadcast %get3A_164 : vector<1x512xf32> to vector<64x512xf32>
      %add3A_191 = arith.addf %mul3A_189, %add3A_190 : vector<64x512xf32>
      %max3A_192 = arith.constant 0.000000e+00 : f32
      %max3A_193 = vector.broadcast %max3A_192 : f32 to vector<64x512xf32>
      %max3A_194 = arith.maximumf %add3A_191, %max3A_193 : vector<64x512xf32>
      %get3A_195 = arith.constant 0 : index
      %get3A_196 = arith.constant 0 : index
      %get3A_197 = vector.load %arg14[%get3A_195, %get3A_196] : memref<512x512xf32, #tpu.memory_space<vmem>>, vector<512x512xf32>
      %dot_general3A_198 = arith.constant dense<0.000000e+00> : vector<64x512xf32>
      %dot_general3A_199 = tpu.matmul %max3A_194, %get3A_197, %dot_general3A_198 {dimension_numbers = #tpu.dot_dimension_numbers<[1], [0], [0], [1], [0, 0, 1, 1], [], []>, precision = #tpu.contract_precision<fp32>, transpose_lhs_hint = false} : vector<64x512xf32>, vector<512x512xf32>, vector<64x512xf32> -> vector<64x512xf32>
      %get3A_200 = arith.constant 0 : index
      %get3A_201 = arith.constant 0 : index
      %get3A_202 = vector.load %arg15[%get3A_200, %get3A_201] : memref<1x512xf32, #tpu.memory_space<vmem>>, vector<1x512xf32>
      %add3A_203 = vector.broadcast %get3A_202 : vector<1x512xf32> to vector<64x512xf32>
      %add3A_204 = arith.addf %dot_general3A_199, %add3A_203 : vector<64x512xf32>
      %get3A_205 = arith.constant 0 : index
      %get3A_206 = arith.constant 0 : index
      %get3A_207 = vector.load %arg16[%get3A_205, %get3A_206] : memref<1x512xf32, #tpu.memory_space<vmem>>, vector<1x512xf32>
      %get3A_208 = arith.constant 0 : index
      %get3A_209 = arith.constant 0 : index
      %get3A_210 = vector.load %arg17[%get3A_208, %get3A_209] : memref<1x512xf32, #tpu.memory_space<vmem>>, vector<1x512xf32>
      %reduce_sum3A_211 = arith.constant dense<0.000000e+00> : vector<64xf32>
      %reduce_sum3A_212 = vector.multi_reduction <add>, %add3A_204, %reduce_sum3A_211 [1] : vector<64x512xf32> to vector<64xf32>
      %broadcast_in_dim3A_213 = vector.shape_cast %reduce_sum3A_212 : vector<64xf32> to vector<64x1xf32>
      %div3A_214 = arith.constant 5.120000e+02 : f32
      %div3A_215 = vector.broadcast %div3A_214 : f32 to vector<64x1xf32>
      %div3A_216 = arith.divf %broadcast_in_dim3A_213, %div3A_215 : vector<64x1xf32>
      %sub3A_217 = vector.broadcast %div3A_216 : vector<64x1xf32> to vector<64x512xf32>
      %sub3A_218 = arith.subf %add3A_204, %sub3A_217 : vector<64x512xf32>
      %integer_pow3A_219 = arith.mulf %sub3A_218, %sub3A_218 : vector<64x512xf32>
      %reduce_sum3A_220 = arith.constant dense<0.000000e+00> : vector<64xf32>
      %reduce_sum3A_221 = vector.multi_reduction <add>, %integer_pow3A_219, %reduce_sum3A_220 [1] : vector<64x512xf32> to vector<64xf32>
      %broadcast_in_dim3A_222 = vector.shape_cast %reduce_sum3A_221 : vector<64xf32> to vector<64x1xf32>
      %div3A_223 = arith.constant 5.120000e+02 : f32
      %div3A_224 = vector.broadcast %div3A_223 : f32 to vector<64x1xf32>
      %div3A_225 = arith.divf %broadcast_in_dim3A_222, %div3A_224 : vector<64x1xf32>
      %sub3A_226 = vector.broadcast %div3A_216 : vector<64x1xf32> to vector<64x512xf32>
      %sub3A_227 = arith.subf %add3A_204, %sub3A_226 : vector<64x512xf32>
      %add3A_228 = arith.constant 9.99999974E-6 : f32
      %add3A_229 = vector.broadcast %add3A_228 : f32 to vector<64x1xf32>
      %add3A_230 = arith.addf %div3A_225, %add3A_229 : vector<64x1xf32>
      %sqrt3A_231 = math.sqrt %add3A_230 : vector<64x1xf32>
      %div3A_232 = vector.broadcast %sqrt3A_231 : vector<64x1xf32> to vector<64x512xf32>
      %div3A_233 = arith.divf %sub3A_227, %div3A_232 : vector<64x512xf32>
      %mul3A_234 = vector.broadcast %get3A_207 : vector<1x512xf32> to vector<64x512xf32>
      %mul3A_235 = arith.mulf %div3A_233, %mul3A_234 : vector<64x512xf32>
      %add3A_236 = vector.broadcast %get3A_210 : vector<1x512xf32> to vector<64x512xf32>
      %add3A_237 = arith.addf %mul3A_235, %add3A_236 : vector<64x512xf32>
      %max3A_238 = arith.constant 0.000000e+00 : f32
      %max3A_239 = vector.broadcast %max3A_238 : f32 to vector<64x512xf32>
      %max3A_240 = arith.maximumf %add3A_237, %max3A_239 : vector<64x512xf32>
      %get3A_241 = arith.constant 0 : index
      %get3A_242 = arith.constant 0 : index
      %get3A_243 = vector.load %arg18[%get3A_241, %get3A_242] : memref<512x512xf32, #tpu.memory_space<vmem>>, vector<512x512xf32>
      %dot_general3A_244 = arith.constant dense<0.000000e+00> : vector<64x512xf32>
      %dot_general3A_245 = tpu.matmul %max3A_240, %get3A_243, %dot_general3A_244 {dimension_numbers = #tpu.dot_dimension_numbers<[1], [0], [0], [1], [0, 0, 1, 1], [], []>, precision = #tpu.contract_precision<fp32>, transpose_lhs_hint = false} : vector<64x512xf32>, vector<512x512xf32>, vector<64x512xf32> -> vector<64x512xf32>
      %get3A_246 = arith.constant 0 : index
      %get3A_247 = arith.constant 0 : index
      %get3A_248 = vector.load %arg19[%get3A_246, %get3A_247] : memref<1x512xf32, #tpu.memory_space<vmem>>, vector<1x512xf32>
      %add3A_249 = vector.broadcast %get3A_248 : vector<1x512xf32> to vector<64x512xf32>
      %add3A_250 = arith.addf %dot_general3A_245, %add3A_249 : vector<64x512xf32>
      %get3A_251 = arith.constant 0 : index
      %get3A_252 = arith.constant 0 : index
      %get3A_253 = vector.load %arg20[%get3A_251, %get3A_252] : memref<1x512xf32, #tpu.memory_space<vmem>>, vector<1x512xf32>
      %get3A_254 = arith.constant 0 : index
      %get3A_255 = arith.constant 0 : index
      %get3A_256 = vector.load %arg21[%get3A_254, %get3A_255] : memref<1x512xf32, #tpu.memory_space<vmem>>, vector<1x512xf32>
      %reduce_sum3A_257 = arith.constant dense<0.000000e+00> : vector<64xf32>
      %reduce_sum3A_258 = vector.multi_reduction <add>, %add3A_250, %reduce_sum3A_257 [1] : vector<64x512xf32> to vector<64xf32>
      %broadcast_in_dim3A_259 = vector.shape_cast %reduce_sum3A_258 : vector<64xf32> to vector<64x1xf32>
      %div3A_260 = arith.constant 5.120000e+02 : f32
      %div3A_261 = vector.broadcast %div3A_260 : f32 to vector<64x1xf32>
      %div3A_262 = arith.divf %broadcast_in_dim3A_259, %div3A_261 : vector<64x1xf32>
      %sub3A_263 = vector.broadcast %div3A_262 : vector<64x1xf32> to vector<64x512xf32>
      %sub3A_264 = arith.subf %add3A_250, %sub3A_263 : vector<64x512xf32>
      %integer_pow3A_265 = arith.mulf %sub3A_264, %sub3A_264 : vector<64x512xf32>
      %reduce_sum3A_266 = arith.constant dense<0.000000e+00> : vector<64xf32>
      %reduce_sum3A_267 = vector.multi_reduction <add>, %integer_pow3A_265, %reduce_sum3A_266 [1] : vector<64x512xf32> to vector<64xf32>
      %broadcast_in_dim3A_268 = vector.shape_cast %reduce_sum3A_267 : vector<64xf32> to vector<64x1xf32>
      %div3A_269 = arith.constant 5.120000e+02 : f32
      %div3A_270 = vector.broadcast %div3A_269 : f32 to vector<64x1xf32>
      %div3A_271 = arith.divf %broadcast_in_dim3A_268, %div3A_270 : vector<64x1xf32>
      %sub3A_272 = vector.broadcast %div3A_262 : vector<64x1xf32> to vector<64x512xf32>
      %sub3A_273 = arith.subf %add3A_250, %sub3A_272 : vector<64x512xf32>
      %add3A_274 = arith.constant 9.99999974E-6 : f32
      %add3A_275 = vector.broadcast %add3A_274 : f32 to vector<64x1xf32>
      %add3A_276 = arith.addf %div3A_271, %add3A_275 : vector<64x1xf32>
      %sqrt3A_277 = math.sqrt %add3A_276 : vector<64x1xf32>
      %div3A_278 = vector.broadcast %sqrt3A_277 : vector<64x1xf32> to vector<64x512xf32>
      %div3A_279 = arith.divf %sub3A_273, %div3A_278 : vector<64x512xf32>
      %mul3A_280 = vector.broadcast %get3A_253 : vector<1x512xf32> to vector<64x512xf32>
      %mul3A_281 = arith.mulf %div3A_279, %mul3A_280 : vector<64x512xf32>
      %add3A_282 = vector.broadcast %get3A_256 : vector<1x512xf32> to vector<64x512xf32>
      %add3A_283 = arith.addf %mul3A_281, %add3A_282 : vector<64x512xf32>
      %max3A_284 = arith.constant 0.000000e+00 : f32
      %max3A_285 = vector.broadcast %max3A_284 : f32 to vector<64x512xf32>
      %max3A_286 = arith.maximumf %add3A_283, %max3A_285 : vector<64x512xf32>
      %get3A_287 = arith.constant 0 : index
      %get3A_288 = arith.constant 0 : index
      %get3A_289 = vector.load %arg22[%get3A_287, %get3A_288] : memref<1x512xf32, #tpu.memory_space<vmem>>, vector<1x512xf32>
      %mul3A_290 = vector.broadcast %get3A_289 : vector<1x512xf32> to vector<64x512xf32>
      %mul3A_291 = arith.mulf %max3A_286, %mul3A_290 : vector<64x512xf32>
      %reduce_sum3A_292 = arith.constant dense<0.000000e+00> : vector<64xf32>
      %reduce_sum3A_293 = vector.multi_reduction <add>, %mul3A_291, %reduce_sum3A_292 [1] : vector<64x512xf32> to vector<64xf32>
      %broadcast_in_dim3A_294 = vector.shape_cast %reduce_sum3A_293 : vector<64xf32> to vector<64x1xf32>
      %get3A_295 = arith.constant 0 : index
      %get3A_296 = arith.constant 0 : index
      %get3A_297 = vector.load %arg23[%get3A_295, %get3A_296] : memref<1x1xf32, #tpu.memory_space<vmem>>, vector<1x1xf32>
      %add3A_298 = vector.broadcast %get3A_297 : vector<1x1xf32> to vector<64x1xf32>
      %add3A_299 = arith.addf %broadcast_in_dim3A_294, %add3A_298 : vector<64x1xf32>
      %swap3A = arith.constant 0 : index
      %swap3A_300 = arith.constant 0 : index
      %swap3A_301 = vector.load %arg24[%swap3A, %swap3A_300] : memref<64x1xf32, #tpu.memory_space<vmem>>, vector<64x1xf32>
      tpu.vector_store %arg24[%swap3A, %swap3A_300], %add3A_299 {strides = array<i32>} : memref<64x1xf32, #tpu.memory_space<vmem>>, vector<64x1xf32>,
    } else {
    }
    return
  }
  func.func @transform_0(%arg0: i32) -> (i32, i32) {
    %c0_i32 = arith.constant 0 : i32
    %c0_i32_0 = arith.constant 0 : i32
    return %arg0, %c0_i32 : i32, i32
  }
  func.func @transform_1(%arg0: i32) -> (i32, i32) {
    %c0_i32 = arith.constant 0 : i32
    %c0_i32_0 = arith.constant 0 : i32
    return %arg0, %c0_i32 : i32, i32
  }
  func.func @transform_2(%arg0: i32) -> (i32, i32) {
    %c0_i32 = arith.constant 0 : i32
    %c0_i32_0 = arith.constant 0 : i32
    return %arg0, %c0_i32 : i32, i32
  }
  func.func @transform_3(%arg0: i32) -> (i32, i32) {
    %c0_i32 = arith.constant 0 : i32
    %c0_i32_0 = arith.constant 0 : i32
    return %arg0, %c0_i32 : i32, i32
  }
  func.func @transform_4(%arg0: i32) -> (i32, i32) {
    %c0_i32 = arith.constant 0 : i32
    %c0_i32_0 = arith.constant 0 : i32
    %c0_i32_1 = arith.constant 0 : i32
    return %c0_i32, %c0_i32_0 : i32, i32
  }
  func.func @transform_5(%arg0: i32) -> (i32, i32) {
    %c0_i32 = arith.constant 0 : i32
    %c0_i32_0 = arith.constant 0 : i32
    %c0_i32_1 = arith.constant 0 : i32
    return %c0_i32, %c0_i32_0 : i32, i32
  }
  func.func @transform_6(%arg0: i32) -> (i32, i32) {
    %c0_i32 = arith.constant 0 : i32
    %c0_i32_0 = arith.constant 0 : i32
    %c0_i32_1 = arith.constant 0 : i32
    return %c0_i32, %c0_i32_0 : i32, i32
  }
  func.func @transform_7(%arg0: i32) -> (i32, i32) {
    %c0_i32 = arith.constant 0 : i32
    %c0_i32_0 = arith.constant 0 : i32
    %c0_i32_1 = arith.constant 0 : i32
    return %c0_i32, %c0_i32_0 : i32, i32
  }
  func.func @transform_8(%arg0: i32) -> (i32, i32) {
    %c0_i32 = arith.constant 0 : i32
    %c0_i32_0 = arith.constant 0 : i32
    %c0_i32_1 = arith.constant 0 : i32
    return %c0_i32, %c0_i32_0 : i32, i32
  }
  func.func @transform_9(%arg0: i32) -> (i32, i32) {
    %c0_i32 = arith.constant 0 : i32
    %c0_i32_0 = arith.constant 0 : i32
    %c0_i32_1 = arith.constant 0 : i32
    return %c0_i32, %c0_i32_0 : i32, i32
  }
  func.func @transform_10(%arg0: i32) -> (i32, i32) {
    %c0_i32 = arith.constant 0 : i32
    %c0_i32_0 = arith.constant 0 : i32
    %c0_i32_1 = arith.constant 0 : i32
    return %c0_i32, %c0_i32_0 : i32, i32
  }
  func.func @transform_11(%arg0: i32) -> (i32, i32) {
    %c0_i32 = arith.constant 0 : i32
    %c0_i32_0 = arith.constant 0 : i32
    %c0_i32_1 = arith.constant 0 : i32
    return %c0_i32, %c0_i32_0 : i32, i32
  }
  func.func @transform_12(%arg0: i32) -> (i32, i32) {
    %c0_i32 = arith.constant 0 : i32
    %c0_i32_0 = arith.constant 0 : i32
    %c0_i32_1 = arith.constant 0 : i32
    return %c0_i32, %c0_i32_0 : i32, i32
  }
  func.func @transform_13(%arg0: i32) -> (i32, i32) {
    %c0_i32 = arith.constant 0 : i32
    %c0_i32_0 = arith.constant 0 : i32
    %c0_i32_1 = arith.constant 0 : i32
    return %c0_i32, %c0_i32_0 : i32, i32
  }
  func.func @transform_14(%arg0: i32) -> (i32, i32) {
    %c0_i32 = arith.constant 0 : i32
    %c0_i32_0 = arith.constant 0 : i32
    %c0_i32_1 = arith.constant 0 : i32
    return %c0_i32, %c0_i32_0 : i32, i32
  }
  func.func @transform_15(%arg0: i32) -> (i32, i32) {
    %c0_i32 = arith.constant 0 : i32
    %c0_i32_0 = arith.constant 0 : i32
    %c0_i32_1 = arith.constant 0 : i32
    return %c0_i32, %c0_i32_0 : i32, i32
  }
  func.func @transform_16(%arg0: i32) -> (i32, i32) {
    %c0_i32 = arith.constant 0 : i32
    %c0_i32_0 = arith.constant 0 : i32
    %c0_i32_1 = arith.constant 0 : i32
    return %c0_i32, %c0_i32_0 : i32, i32
  }
  func.func @transform_17(%arg0: i32) -> (i32, i32) {
    %c0_i32 = arith.constant 0 : i32
    %c0_i32_0 = arith.constant 0 : i32
    %c0_i32_1 = arith.constant 0 : i32
    return %c0_i32, %c0_i32_0 : i32, i32
  }
  func.func @transform_18(%arg0: i32) -> (i32, i32) {
    %c0_i32 = arith.constant 0 : i32
    %c0_i32_0 = arith.constant 0 : i32
    %c0_i32_1 = arith.constant 0 : i32
    return %c0_i32, %c0_i32_0 : i32, i32
  }
  func.func @transform_19(%arg0: i32) -> (i32, i32) {
    %c0_i32 = arith.constant 0 : i32
    %c0_i32_0 = arith.constant 0 : i32
    %c0_i32_1 = arith.constant 0 : i32
    return %c0_i32, %c0_i32_0 : i32, i32
  }
  func.func @transform_20(%arg0: i32) -> (i32, i32) {
    %c0_i32 = arith.constant 0 : i32
    %c0_i32_0 = arith.constant 0 : i32
    %c0_i32_1 = arith.constant 0 : i32
    return %c0_i32, %c0_i32_0 : i32, i32
  }
  func.func @transform_21(%arg0: i32) -> (i32, i32) {
    %c0_i32 = arith.constant 0 : i32
    %c0_i32_0 = arith.constant 0 : i32
    %c0_i32_1 = arith.constant 0 : i32
    return %c0_i32, %c0_i32_0 : i32, i32
  }
  func.func @transform_22(%arg0: i32) -> (i32, i32) {
    %c0_i32 = arith.constant 0 : i32
    %c0_i32_0 = arith.constant 0 : i32
    %c0_i32_1 = arith.constant 0 : i32
    return %c0_i32, %c0_i32_0 : i32, i32
  }
  func.func @transform_23(%arg0: i32) -> (i32, i32) {
    %c0_i32 = arith.constant 0 : i32
    %c0_i32_0 = arith.constant 0 : i32
    %c0_i32_1 = arith.constant 0 : i32
    return %c0_i32, %c0_i32_0 : i32, i32
  }
}

</mosaic_0001>

<sc_bundles>
// kernel: kernel.11.cloned.1.call-start
scs
__scs_entry_jumppad:
0x0: {  	(pc) =	sbr.rel $0x88, $3  }
0x1: {  	(tag) =	ssettag $0x0;
	lr =	simm.s32 $0x1  }
0x2: {  	[smem:$0x3F88] =	sst lr;
	_ =	strace $0xD0000000  }
0x3: {  	_ = 	snop  }
0x4: {  	_ = 	snop  }
0x5: {  	_ = 	snop  }
0x6: {  	_ = 	snop  }
0x7: {  	_ = 	snop  }
__scs_overlays_trampoline_lowered:
0x8: {  	[smem:$0x3F97] =	sst s0  }
0x9: {  	[smem:$0x3F98] =	sst s1  }
0xa: {  	[smem:$0x3F99] =	sst s2  }
0xb: {  	[smem:$0x3F9A] =	sst s3  }
0xc: {  	[smem:$0x3F9B] =	sst s4  }
0xd: {  	[smem:$0x3F9C] =	sst s5  }
0xe: {  	[smem:$0x3F9D] =	sst s6  }
0xf: {  	[smem:$0x3F9E] =	sst s7  }
0x10: {  	[smem:$0x3F9F] =	sst s8  }
0x11: {  	[smem:$0x3FA0] =	sst s9;
	s0 =	simm.s32 @!p0 $0x0  }
0x12: {  	s1 =	sld [smem:$0x3F86];
	s0 =	simm.s32 @p0 $0x1  }
0x13: {  	[smem:$0x3FA1] =	sst s0;
	s0 =	simm.s32 @!p1 $0x0  }
0x14: {  	s2 =	sld [smem:$0x3F85];
	s0 =	simm.s32 @p1 $0x1  }
0x15: {  	[smem:$0x3FA2] =	sst s0;
	s0 =	simm.s32 @!p2 $0x0  }
0x16: {  	s3 =	sld [smem:$0x3FDB];
	s0 =	simm.s32 @p2 $0x1  }
0x17: {  	s4 =	simm.s32 $0x1BF5;
	[smem:$0x3FA4] =	sst s0  }
0x18: {  	s0 =	sld [smem:$0x3F87];
	_ =	swait.ge [sflag:s4], $0x0  }
0x19: {  	s7 =	sld [smem:$0x3F88]  }
0x1a: {  	s8 =	sadd.s32 $0xFFFFE003, lr  }
0x1b: {  	s9 =	sadd.s32 $0xFFFFFEF7, lr;
	s5 =	simm.s32 $0xFFFFFFFF;
	p2 =	slt.u32 s8, $0xFFFFF086  }
0x1c: {  	p1 =	slt.u32 s9, $0xF7A;
	s5 =	simm.s32 @!p2 $0x0  }
0x1d: {  	s5 =	simm.s32 @p1 $0x1;
	p0 =	seq.s32 s7, s2  }
0x1e: {  	s7 =	smul.u32 @!p0 $0xF7A, s2;
	p2 =	seq.s32 @!p0 s5, $0x0  }
0x1f: {  	s9 =	smul.u32 $0xF7A, s1;
	s8 =	simm.s32 @!p0 $0x1BF5;
	p2 =	por !p2, p0  }
0x20: {  	[sflag:s8] =	ssyncset.s32 @!p0 $0xFFFFF086;
	s6 =	sadd.s32 @!p0 s3, s7;
	s7 =	simm.s32 @!p0 $0x108  }
0x21: {  	s3 =	sadd.s32 s3, s9;
	s6 =	sadd.s32 @!p0 $0x88, s6;
	s7 =	simm.s32 @p2 $0x1082  }
0x22: {  	[simem:s7], [sflag:s8] =	dma.local @!p0 [hbm:s6], $0xF7A  }
0x23: {  	s9 =	sor.u32 $0xD0000000, s2;
	s6 =	simm.s32 $0x108;
	_ =	swait.ge @!p0 [sflag:s8], $0x0  }
0x24: {  	s3 =	sadd.s32 $0x88, s3;
	s6 =	simm.s32 @!p1 $0x1082;
	[sflag:s4] =	ssyncset.s32 $0xFFFFF086  }
0x25: {  	[simem:s6], [sflag:s4] =	dma.local [hbm:s3], $0xF7A  }
0x26: {  	[smem:$0x3F88] =	sst s1;
	(tag) =	ssettag s2;
	_ =	strace s9  }
0x27: {  	s1 =	sld [smem:$0x3F98]  }
0x28: {  	s2 =	sld [smem:$0x3F99]  }
0x29: {  	s4 =	sld [smem:$0x3F9B]  }
0x2a: {  	p0 =	seq.s32 s5, $0x0;
	s5 =	sld [smem:$0x3F9C]  }
0x2b: {  	s6 =	sld [smem:$0x3F9D]  }
0x2c: {  	s7 =	sld [smem:$0x3F9E]  }
0x2d: {  	s3 =	simm.s32 $0x108;
	s8 =	sld [smem:$0x3F9F]  }
0x2e: {  	s3 =	simm.s32 @!p0 $0x1082;
	s9 =	sld [smem:$0x3FA0]  }
0x2f: {  	lr =	sadd.s32 s0, s3;
	s0 =	sld [smem:$0x3F97]  }
0x30: {  	s3 =	sld [smem:$0x3F9A]  }
0x31: {  	[smem:$0x3FA3] =	sst s10  }
0x32: {  	s10 =	sld [smem:$0x3FA1];
	_ =	sdelay $0x3  }
0x33: {  	p0 =	seq.s32 s10, $0x1;
	s10 =	sld [smem:$0x3FA3];
	_ =	sdelay $0x3  }
0x34: {  	[smem:$0x3FA3] =	sst s10  }
0x35: {  	s10 =	sld [smem:$0x3FA2];
	_ =	sdelay $0x3  }
0x36: {  	p1 =	seq.s32 s10, $0x1;
	s10 =	sld [smem:$0x3FA3];
	_ =	sdelay $0x3  }
0x37: {  	[smem:$0x3FA3] =	sst s10  }
0x38: {  	s10 =	sld [smem:$0x3FA4]  }
0x39: {  	_ = 	snop;
	(pc) =	sbr.ind lr, $3  }
0x3a: {  	_ = 	snop  }
0x3b: {  	_ = 	snop  }
0x3c: {  	p2 =	seq.s32 s10, $0x1;
	s10 =	sld [smem:$0x3FA3]  }
0x3d: {  	_ =	shalt  }
0x3e: {  	_ =	shalt  }
0x3f: {  	_ =	shalt  }
0x40: {  	_ =	shalt  }
0x41: {  	_ =	shalt  }
0x42: {  	_ =	shalt  }
0x43: {  	_ =	shalt  }
0x44: {  	_ =	shalt  }
0x45: {  	_ =	shalt  }
0x46: {  	_ =	shalt  }
0x47: {  	_ =	shalt  }
0x48: {  	_ =	shalt  }
0x49: {  	_ =	shalt  }
0x4a: {  	_ =	shalt  }
0x4b: {  	_ =	shalt  }
0x4c: {  	_ =	shalt  }
0x4d: {  	_ =	shalt  }
0x4e: {  	_ =	shalt  }
0x4f: {  	_ =	shalt  }
0x50: {  	_ =	shalt  }
0x51: {  	_ =	shalt  }
0x52: {  	_ =	shalt  }
0x53: {  	_ =	shalt  }
0x54: {  	_ =	shalt  }
0x55: {  	_ =	shalt  }
0x56: {  	_ =	shalt  }
0x57: {  	_ =	shalt  }
0x58: {  	_ =	shalt  }
0x59: {  	_ =	shalt  }
0x5a: {  	_ =	shalt  }
0x5b: {  	_ =	shalt  }
0x5c: {  	_ =	shalt  }
0x5d: {  	_ =	shalt  }
0x5e: {  	_ =	shalt  }
0x5f: {  	_ =	shalt  }
0x60: {  	_ =	shalt  }
0x61: {  	_ =	shalt  }
0x62: {  	_ =	shalt  }
0x63: {  	_ =	shalt  }
0x64: {  	_ =	shalt  }
0x65: {  	_ =	shalt  }
0x66: {  	_ =	shalt  }
0x67: {  	_ =	shalt  }
0x68: {  	_ =	shalt  }
0x69: {  	_ =	shalt  }
0x6a: {  	_ =	shalt  }
0x6b: {  	_ =	shalt  }
0x6c: {  	_ =	shalt  }
0x6d: {  	_ =	shalt  }
0x6e: {  	_ =	shalt  }
0x6f: {  	_ =	shalt  }
0x70: {  	_ =	shalt  }
0x71: {  	_ =	shalt  }
0x72: {  	_ =	shalt  }
0x73: {  	_ =	shalt  }
0x74: {  	_ =	shalt  }
0x75: {  	_ =	shalt  }
0x76: {  	_ =	shalt  }
0x77: {  	_ =	shalt  }
0x78: {  	_ =	shalt  }
0x79: {  	_ =	shalt  }
0x7a: {  	_ =	shalt  }
0x7b: {  	_ =	shalt  }
0x7c: {  	_ =	shalt  }
0x7d: {  	_ =	shalt  }
0x7e: {  	_ =	shalt  }
0x7f: {  	_ =	shalt  }
0x80: {  	_ =	shalt  }
0x81: {  	_ =	shalt  }
0x82: {  	_ =	shalt  }
0x83: {  	_ =	shalt  }
0x84: {  	_ =	shalt  }
0x85: {  	_ =	shalt  }
0x86: {  	_ =	shalt  }
0x87: {  	_ =	shalt  }
.Lfunc_end0:
.L_simem_size_0:
called_computation.1_lowered:
.L_overlay_start_0:
0x88: {  	s2 =	sld [smem:$0x3FD9]  }
0x89: {  	s3 =	sld [smem:$0x3FFE];
	_ =	sdelay $0x1  }
0x8a: {  	s1 =	srdreg.scid  }
0x8b: {  	s0 =	sand.u32 $0x1, s1  }
0x8c: {  	s16 =	sshll.u32 s0, $0xA;
	s2 =	sadd.s32 s3, s2  }
0x8d: {  	s2 =	sadd.s32 s2, s16  }
0x8e: {  	[smem:$0x3FAF] =	sst s2  }
0x8f: {  	_ = 	snop  }
0x90: {  	(tm) =	ssettm $0x1  }
0x91: {  	s17 =	sld [smem:$0x3FFB];
	_ =	sdelay $0x3  }
0x92: {  	_ =	strace s17  }
0x93: {  	s2 =	sld [smem:$0x3FFC];
	_ =	sdelay $0x3  }
0x94: {  	_ =	strace s2  }
0x95: {  	s2 =	sld [smem:$0x3FFD];
	_ =	sdelay $0x3  }
0x96: {  	_ =	strace s2  }
0x97: {  	_ =	strace $0x8FFFFFFF  }
0x98: {  	s18 =	sld [smem:$0x3FDB];
	_ =	sdelay $0x1  }
0x99: {  	s19 =	simm.s32 $_scs_section_size  }
0x9a: {  	s4 =	simm.s32 $_size__tile_overlayer_lowered;
	s5 =	simm.s32 $_tile_overlayer_lowered  }
0x9b: {  	s22 =	simm.s32 $0x1BFF;
	s21 =	sshll.u32 s5, $0x1;
	s2 =	sadd.s32 s19, s18  }
0x9c: {  	s6 =	simm.s32 $0x0;
	s20 =	sshll.u32 s4, $0x1;
	s4 =	sadd.s32 s21, s2  }
0x9d: {  	[timem:s6], [sflag:s22] =	dma.local [hbm:s4], s20  }
0x9e: {  	_ =	swait.ge [sflag:s22], s20  }
0x9f: {  	s3 =	ssub.s32 $0x0, s20;
	[sflag:s22] =	ssyncset.done $0x0  }
0xa0: {  	[sflag:s22] =	ssyncadd.s32 s3;
	_ =	sdelay $0x1  }
0xa1: {  	s23 =	simm.s32 $0x1B8B  }
0xa2: {  	_ =	swait.ge [sflag:s23], $0x1  }
0xa3: {  	[sflag:s23] =	ssyncset.done $0x0  }
0xa4: {  	s25 =	simm.s32 $0x1B8E;
	s24 =	sld [smem:$0x3FFE];
	[sflag:s23] =	ssyncadd.s32 $0xFFFFFFFF  }
0xa5: {  	s26 =	simm.s32 $execute0_lowered;
	[smem:$0x3FD2] =	sst s25  }
0xa6: {  	s4 =	sshll.u32 s26, $0x1;
	_ =	strace $0x80000049;
	[dreg:$0x1] =	wrdreg $0xFFFFFFFF  }
0xa7: {  	s28 =	simm.s32 $_size_execute0_lowered;
	s2 =	sadd.s32 s2, s4;
	[dreg:$0x0] =	wrdreg $0x0  }
0xa8: {  	s4 =	sshll.u32 s28, $0x1;
	[dreg:$0x2] =	wrdreg s2  }
0xa9: {  	[dreg:$0x3] =	wrdreg s4  }
0xaa: {  	[dreg:$0x4] =	wrdreg $0xC0  }
0xab: {  	_ =	task [dreg:s6], $0x5FFFF  }
0xac: {  	[dreg:$0x1] =	wrdreg $0xFFFFFFFF  }
0xad: {  	[dreg:$0x0] =	wrdreg $0x60  }
0xae: {  	[dreg:$0x2] =	wrdreg s24  }
0xaf: {  	[dreg:$0x3] =	wrdreg $0x62200  }
0xb0: {  	[dreg:$0x4] =	wrdreg $0x9  }
0xb1: {  	_ =	task.clear_ibuf [dreg:s6], $0x5FFFF;
	_ =	strace $0x90000049  }
0xb2: {  	s29 =	simm.s32 $0x9;
	_ =	strace $0x8000004B  }
0xb3: {  	_ =	swait.ge [sflag:s29], $0x1  }
0xb4: {  	[sflag:s29] =	ssyncadd.s32 $0xFFFFFFFF  }
0xb5: {  	_ =	strace $0x9000004B  }
0xb6: {  	_ =	sfence  }
0xb7: {  	s30 =	sld [smem:$0x0];
	_ =	sdelay $0x2  }
0xb8: {  	s31 =	sshll.u32 s1, $0xD;
	s1 =	sshrl.u32 s1, $0x2  }
0xb9: {  	s3 =	sand.u32 $0x4000, s31;
	s1 =	sadd.s32 s1, s30  }
0xba: {  	s0 =	sor.u32 s3, s0;
	s1 =	sshll.u32 s1, $0x11  }
0xbb: {  	s0 =	sor.u32 s1, s0  }
0xbc: {  	s0 =	sadd.s32 $0x8F2B, s0  }
0xbd: {  	[sflag:s0] =	ssyncadd.remote.s32 $0x1  }
0xbe: {  	_ =	sfence.sel $0xFFFF  }
0xbf: {  	[dreg:$0x0] =	wrdreg $0xFFFFFFFF;
	(pc) =	sbr.abs _section_cstart, $3  }
0xc0: {  	[dreg:$0x1] =	wrdreg $0xFFFFFFFF  }
0xc1: {  	_ =	task.clear_ibuf [dreg:s6], $0x2FFFF;
	_ =	strace $0x9FFFFFFF  }
0xc2: {  	(tm) =	ssettm $0x7FFFFFFF  }
0xc3: {  	_ =	shalt  }
tec
execute0_lowered:
.L_overlay_start_1:
0x0: {  	(tag) =	ssettag $0x1  }
0x1: {  	s0 =	rddreg [dreg:$0x0]  }
0x2: {  	s1 =	rddreg [dreg:$0x1];
	s9 =	simm.s32 $0x0;
	s2 =	srdreg.scid  }
0x3: {  	s7 =	stileid.u32;
	s10 =	simm.s32 $0x9;
	s11 =	simm.s32 $0x2710  }
0x4: {  	s12 =	simm.s32 $0x50;
	s13 =	simm.s32 $0x4E20;
	s14 =	simm.s32 $0x5320  }
0x5: {  	s18 =	simm.s32 $0xA0;
	s16 =	simm.s32 $0x5820;
	s17 =	simm.s32 $0x1  }
0x6: {  	s19 =	simm.s32 $0x5D20;
	s20 =	simm.s32 $0x2;
	s21 =	simm.s32 $0x2760  }
0x7: {  	s22 =	simm.s32 $0x5;
	s23 =	simm.s32 $0x140;
	s24 =	simm.s32 $0x3  }
0x8: {  	s28 =	simm.s32 $0x190;
	s29 =	simm.s32 $0x4;
	s30 =	simm.s32 $0x2800  }
0x9: {  	s31 =	simm.s32 $0x7;
	[smem:$0x7FF] =	sst s9;
	s3 =	sadd.s32 $0x19000, s0  }
0xa: {  	s2 =	sand.u32 $0x1, s2;
	s4 =	sadd.s32 $0x5600, s0;
	s5 =	sadd.s32 $0x7AE00, s0  }
0xb: {  	p0 =	sne.s32 s7, $0x0;
	_ =	strace $0x8000004A;
	s6 =	smul.u32 $0x4E20, s2  }
0xc: {  	s8 =	ssub.s32 $0x2, s2;
	s2 =	sshll.u32 s2, $0x4;
	s15 =	sshrl.u32 @!p0 s1, $0x3  }
0xd: {  	s25 =	sshrl.u32 s8, $0x1;
	s2 =	sor.u32 s7, s2;
	s7 =	simm.s32 $0x26C0  }
0xe: {  	[dreg:$0x6] =	wrdreg s15;
	s0 =	sadd.s32 s6, s0;
	s8 =	ssub.s32 s8, s25  }
0xf: {  	s6 =	smul.u32 $0xFA, s2;
	s25 =	simm.s32 $0x27B0;
	s0 =	sadd.s32 $0x7FE00, s0  }
0x10: {  	s26 =	smax.u32 s8, $0x1;
	s8 =	simm.s32 $0x4DD0;
	[dreg:$0x4] =	wrdreg s0  }
0x11: {  	[dreg:$0x5] =	wrdreg s26;
	s26 =	simm.s32 $0x6;
	s0 =	simm.s32 $0x8  }
.LBB2_1:
0x12: {  	[dreg:$0x3] =	wrdreg s9;
	s2 =	simm.s32 @!p0 $0x1C09  }
0x13: {  	[spmem:s15], [sflag:s2] =	dma.local @!p0 [hbm:s5], $0x4E20  }
0x14: {  	s2 =	simm.s32 @!p0 $0x9  }
0x15: {  	_ =	swait.ge @!p0 [sflag:s2], $0x4E20  }
0x16: {  	[sflag:s2] =	ssyncset.done @!p0 $0x0  }
0x17: {  	[sflag:s2] =	ssyncadd.s32 @!p0 $0xFFFFB1E0  }
0x18: {  	p2 =	por $0x1, $0x1;
	s2 =	simm.s32 $0x0;
	[bflag:$0x0] =	sbarrier.arrive $0xFFFF  }
.LBB2_2:
0x19: {  	s2 =	sadd.s32 s6, s2  }
0x1a: {  	s2 =	smul.u32 $0xA, s2;
	_ =	sdelay $0x1  }
0x1b: {  	s15 =	simm.s32 $0x0;
	s9 =	sadd.s32 s3, s2  }
0x1c: {  	[tilespmem:s15], [sflag:$0x9] =	stream.linear.gather [hbm4b:s9+s15], $0x2710, $0x38;
	[tilespmem:$0x8930] =	vst v63  }
0x1d: {  	_ =	swait.ge [sflag:s10], $0x2710  }
0x1e: {  	[sflag:s10] =	ssyncset.done $0x0  }
0x1f: {  	s2 =	sadd.s32 s4, s2;
	[sflag:s10] =	ssyncadd.s32 $0xFFFFD8F0  }
0x20: {  	[tilespmem:s11], [sflag:$0x9] =	stream.linear.gather [hbm4b:s2+s15], $0x2710, $0x38;
	[tilespmem:$0x8930] =	vst v63  }
0x21: {  	_ =	swait.ge [sflag:s10], $0x2710  }
0x22: {  	[sflag:s10] =	ssyncset.done $0x0  }
0x23: {  	[sflag:s10] =	ssyncadd.s32 $0xFFFFD8F0  }
0x24: {  	[tilespmem:s13], [sflag:$0x1] =	stream.indirect.gather [hbm4b:s5+s12], $0x10, s15, s12, $0xb8;
	[tilespmem:$0x8930] =	vst v63  }
0x25: {  	_ = 	snop  }
0x26: {  	[tilespmem:s14], [sflag:$0x2] =	stream.indirect.gather [hbm4b:s5+s12], $0x10, s12, s12, $0xb8;
	[tilespmem:$0x8930] =	vst v63  }
0x27: {  	_ = 	snop  }
0x28: {  	[tilespmem:s16], [sflag:$0x3] =	stream.indirect.gather [hbm4b:s5+s12], $0x10, s18, s12, $0xb8;
	[tilespmem:$0x8930] =	vst v63  }
0x29: {  	_ =	swait.ge [sflag:s17], $0x500  }
0x2a: {  	[sflag:s17] =	ssyncset.done $0x0  }
0x2b: {  	[sflag:s17] =	ssyncadd.s32 $0xFFFFFB00  }
0x2c: {  	[spmem:s1] =	stream.indirect.scatter.add.f32 [tilespmem:s13], [sflag:$0x5], $0x10, s11, s12, $0xb8;
	[tilespmem:$0x8930] =	vst v63  }
0x2d: {  	s9 =	simm.s32 $0xF0  }
0x2e: {  	[tilespmem:s19], [sflag:$0x4] =	stream.indirect.gather [hbm4b:s5+s12], $0x10, s9, s12, $0xb8;
	[tilespmem:$0x8930] =	vst v63  }
0x2f: {  	_ =	swait.ge [sflag:s20], $0x500  }
0x30: {  	[sflag:s20] =	ssyncset.done $0x0  }
0x31: {  	[sflag:s20] =	ssyncadd.s32 $0xFFFFFB00  }
0x32: {  	[spmem:s1] =	stream.indirect.scatter.add.f32 [tilespmem:s14], [sflag:$0x6], $0x10, s21, s12, $0xb8;
	[tilespmem:$0x8930] =	vst v63  }
0x33: {  	_ =	swait.ge [sflag:s22], $0x500  }
0x34: {  	[sflag:s22] =	ssyncset.done $0x0  }
0x35: {  	[sflag:s22] =	ssyncadd.s32 $0xFFFFFB00  }
0x36: {  	[tilespmem:s13], [sflag:$0x1] =	stream.indirect.gather [hbm4b:s5+s12], $0x10, s23, s12, $0xb8;
	[tilespmem:$0x8930] =	vst v63  }
0x37: {  	_ =	swait.ge [sflag:s24], $0x500  }
0x38: {  	[sflag:s24] =	ssyncset.done $0x0  }
0x39: {  	[sflag:s24] =	ssyncadd.s32 $0xFFFFFB00  }
0x3a: {  	[spmem:s1] =	stream.indirect.scatter.add.f32 [tilespmem:s16], [sflag:$0x7], $0x10, s25, s12, $0xb8;
	[tilespmem:$0x8930] =	vst v63  }
0x3b: {  	_ =	swait.ge [sflag:s26], $0x500  }
0x3c: {  	[sflag:s26] =	ssyncset.done $0x0  }
0x3d: {  	[sflag:s26] =	ssyncadd.s32 $0xFFFFFB00  }
0x3e: {  	[tilespmem:s14], [sflag:$0x2] =	stream.indirect.gather [hbm4b:s5+s12], $0x10, s28, s12, $0xb8;
	[tilespmem:$0x8930] =	vst v63  }
0x3f: {  	_ =	swait.ge [sflag:s29], $0x500  }
0x40: {  	[sflag:s29] =	ssyncset.done $0x0  }
0x41: {  	[sflag:s29] =	ssyncadd.s32 $0xFFFFFB00  }
0x42: {  	[spmem:s1] =	stream.indirect.scatter.add.f32 [tilespmem:s19], [sflag:$0x8], $0x10, s30, s12, $0xb8;
	[tilespmem:$0x8930] =	vst v63  }
0x43: {  	_ =	swait.ge [sflag:s31], $0x500  }
0x44: {  	[sflag:s31] =	ssyncset.done $0x0  }
0x45: {  	s15 =	simm.s32 $0x1E0;
	[sflag:s31] =	ssyncadd.s32 $0xFFFFFB00  }
0x46: {  	[tilespmem:s16], [sflag:$0x3] =	stream.indirect.gather [hbm4b:s5+s12], $0x10, s15, s12, $0xb8;
	[tilespmem:$0x8930] =	vst v63  }
0x47: {  	_ =	swait.ge [sflag:s17], $0x500  }
0x48: {  	[sflag:s17] =	ssyncset.done $0x0  }
0x49: {  	s9 =	simm.s32 $0x2850;
	[sflag:s17] =	ssyncadd.s32 $0xFFFFFB00  }
0x4a: {  	[spmem:s1] =	stream.indirect.scatter.add.f32 [tilespmem:s13], [sflag:$0x5], $0x10, s9, s12, $0xb8;
	[tilespmem:$0x8930] =	vst v63  }
0x4b: {  	_ =	swait.ge [sflag:s0], $0x500  }
0x4c: {  	[sflag:s0] =	ssyncset.done $0x0  }
0x4d: {  	s15 =	simm.s32 $0x230;
	[sflag:s0] =	ssyncadd.s32 $0xFFFFFB00  }
0x4e: {  	[tilespmem:s19], [sflag:$0x4] =	stream.indirect.gather [hbm4b:s5+s12], $0x10, s15, s12, $0xb8;
	[tilespmem:$0x8930] =	vst v63  }
0x4f: {  	_ =	swait.ge [sflag:s20], $0x500  }
0x50: {  	[sflag:s20] =	ssyncset.done $0x0  }
0x51: {  	s9 =	simm.s32 $0x28A0;
	[sflag:s20] =	ssyncadd.s32 $0xFFFFFB00  }
0x52: {  	[spmem:s1] =	stream.indirect.scatter.add.f32 [tilespmem:s14], [sflag:$0x6], $0x10, s9, s12, $0xb8;
	[tilespmem:$0x8930] =	vst v63  }
0x53: {  	_ =	swait.ge [sflag:s22], $0x500  }
0x54: {  	[sflag:s22] =	ssyncset.done $0x0  }
0x55: {  	s15 =	simm.s32 $0x280;
	[sflag:s22] =	ssyncadd.s32 $0xFFFFFB00  }
0x56: {  	[tilespmem:s13], [sflag:$0x1] =	stream.indirect.gather [hbm4b:s5+s12], $0x10, s15, s12, $0xb8;
	[tilespmem:$0x8930] =	vst v63  }
0x57: {  	_ =	swait.ge [sflag:s24], $0x500  }
0x58: {  	[sflag:s24] =	ssyncset.done $0x0  }
0x59: {  	s9 =	simm.s32 $0x28F0;
	[sflag:s24] =	ssyncadd.s32 $0xFFFFFB00  }
0x5a: {  	[spmem:s1] =	stream.indirect.scatter.add.f32 [tilespmem:s16], [sflag:$0x7], $0x10, s9, s12, $0xb8;
	[tilespmem:$0x8930] =	vst v63  }
0x5b: {  	_ =	swait.ge [sflag:s26], $0x500  }
0x5c: {  	[sflag:s26] =	ssyncset.done $0x0  }
0x5d: {  	s15 =	simm.s32 $0x2D0;
	[sflag:s26] =	ssyncadd.s32 $0xFFFFFB00  }
0x5e: {  	[tilespmem:s14], [sflag:$0x2] =	stream.indirect.gather [hbm4b:s5+s12], $0x10, s15, s12, $0xb8;
	[tilespmem:$0x8930] =	vst v63  }
0x5f: {  	_ =	swait.ge [sflag:s29], $0x500  }
0x60: {  	p1 =	por p2, p2;
	[sflag:s29] =	ssyncset.done $0x0  }
0x61: {  	s2 =	simm.s32 $0x2940;
	s9 =	simm.s32 $0x500;
	[sflag:s29] =	ssyncadd.s32 $0xFFFFFB00  }
.LBB2_3:
0x62: {  	[spmem:s1] =	stream.indirect.scatter.add.f32 [tilespmem:s19], [sflag:$0x8], $0x10, s2, s12, $0xb8;
	[tilespmem:$0x8930] =	vst v63  }
0x63: {  	s2 =	smov.u32 s9;
	s9 =	sadd.s32 $0x500, s9;
	_ =	swait.ge [sflag:s31], $0x500  }
0x64: {  	s2 =	sshra.s32 s2, $0x2;
	p2 =	sne.s32 s9, $0x9100;
	[sflag:s31] =	ssyncset.done $0x0  }
0x65: {  	s15 =	sadd.s32 $0x1E0, s2;
	[sflag:s31] =	ssyncadd.s32 $0xFFFFFB00  }
0x66: {  	[tilespmem:s16], [sflag:$0x3] =	stream.indirect.gather [hbm4b:s5+s12], $0x10, s15, s12, $0xb8;
	[tilespmem:$0x8930] =	vst v63  }
0x67: {  	_ =	swait.ge [sflag:s17], $0x500  }
0x68: {  	[sflag:s17] =	ssyncset.done $0x0  }
0x69: {  	s15 =	sadd.s32 $0x2850, s2;
	[sflag:s17] =	ssyncadd.s32 $0xFFFFFB00  }
0x6a: {  	[spmem:s1] =	stream.indirect.scatter.add.f32 [tilespmem:s13], [sflag:$0x5], $0x10, s15, s12, $0xb8;
	[tilespmem:$0x8930] =	vst v63  }
0x6b: {  	_ =	swait.ge [sflag:s0], $0x500  }
0x6c: {  	[sflag:s0] =	ssyncset.done $0x0  }
0x6d: {  	s15 =	sadd.s32 $0x230, s2;
	[sflag:s0] =	ssyncadd.s32 $0xFFFFFB00  }
0x6e: {  	[tilespmem:s19], [sflag:$0x4] =	stream.indirect.gather [hbm4b:s5+s12], $0x10, s15, s12, $0xb8;
	[tilespmem:$0x8930] =	vst v63  }
0x6f: {  	_ =	swait.ge [sflag:s20], $0x500  }
0x70: {  	[sflag:s20] =	ssyncset.done $0x0  }
0x71: {  	s15 =	sadd.s32 $0x28A0, s2;
	[sflag:s20] =	ssyncadd.s32 $0xFFFFFB00  }
0x72: {  	[spmem:s1] =	stream.indirect.scatter.add.f32 [tilespmem:s14], [sflag:$0x6], $0x10, s15, s12, $0xb8;
	[tilespmem:$0x8930] =	vst v63  }
0x73: {  	_ =	swait.ge [sflag:s22], $0x500  }
0x74: {  	[sflag:s22] =	ssyncset.done $0x0  }
0x75: {  	s15 =	sadd.s32 $0x280, s2;
	[sflag:s22] =	ssyncadd.s32 $0xFFFFFB00  }
0x76: {  	[tilespmem:s13], [sflag:$0x1] =	stream.indirect.gather [hbm4b:s5+s12], $0x10, s15, s12, $0xb8;
	[tilespmem:$0x8930] =	vst v63  }
0x77: {  	_ =	swait.ge [sflag:s24], $0x500  }
0x78: {  	[sflag:s24] =	ssyncset.done $0x0  }
0x79: {  	s15 =	sadd.s32 $0x28F0, s2;
	[sflag:s24] =	ssyncadd.s32 $0xFFFFFB00  }
0x7a: {  	[spmem:s1] =	stream.indirect.scatter.add.f32 [tilespmem:s16], [sflag:$0x7], $0x10, s15, s12, $0xb8;
	[tilespmem:$0x8930] =	vst v63  }
0x7b: {  	_ =	swait.ge [sflag:s26], $0x500  }
0x7c: {  	[sflag:s26] =	ssyncset.done $0x0  }
.Ltmp0:
0x7d: {  	s15 =	sadd.s32 $0x2D0, s2;
	[sflag:s26] =	ssyncadd.s32 $0xFFFFFB00;
	(pc) =	sbr.rel @p2 .LBB2_3-.Ltmp0, $4  }
0x7e: {  	[tilespmem:s14], [sflag:$0x2] =	stream.indirect.gather [hbm4b:s5+s12], $0x10, s15, s12, $0xb8;
	[tilespmem:$0x8930] =	vst v63  }
0x7f: {  	_ =	swait.ge [sflag:s29], $0x500  }
0x80: {  	[sflag:s29] =	ssyncset.done $0x0  }
0x81: {  	s2 =	sadd.s32 $0x2940, s2;
	[sflag:s29] =	ssyncadd.s32 $0xFFFFFB00  }
0x82: {  	[spmem:s1] =	stream.indirect.scatter.add.f32 [tilespmem:s19], [sflag:$0x8], $0x10, s2, s12, $0xb8;
	[tilespmem:$0x8930] =	vst v63  }
0x83: {  	_ =	swait.ge [sflag:s31], $0x500  }
0x84: {  	s2 =	sshra.s32 s9, $0x2;
	[sflag:s31] =	ssyncset.done $0x0  }
0x85: {  	s9 =	sadd.s32 $0x1E0, s2;
	[sflag:s31] =	ssyncadd.s32 $0xFFFFFB00  }
0x86: {  	[tilespmem:s16], [sflag:$0x3] =	stream.indirect.gather [hbm4b:s5+s12], $0x10, s9, s12, $0xb8;
	[tilespmem:$0x8930] =	vst v63  }
0x87: {  	_ =	swait.ge [sflag:s17], $0x500  }
0x88: {  	[sflag:s17] =	ssyncset.done $0x0  }
0x89: {  	s15 =	sadd.s32 $0x2850, s2;
	[sflag:s17] =	ssyncadd.s32 $0xFFFFFB00  }
0x8a: {  	[spmem:s1] =	stream.indirect.scatter.add.f32 [tilespmem:s13], [sflag:$0x5], $0x10, s15, s12, $0xb8;
	[tilespmem:$0x8930] =	vst v63  }
0x8b: {  	_ =	swait.ge [sflag:s0], $0x500  }
0x8c: {  	[sflag:s0] =	ssyncset.done $0x0  }
0x8d: {  	s15 =	sadd.s32 $0x230, s2;
	[sflag:s0] =	ssyncadd.s32 $0xFFFFFB00  }
0x8e: {  	[tilespmem:s19], [sflag:$0x4] =	stream.indirect.gather [hbm4b:s5+s12], $0x10, s15, s12, $0xb8;
	[tilespmem:$0x8930] =	vst v63  }
0x8f: {  	_ =	swait.ge [sflag:s20], $0x500  }
0x90: {  	[sflag:s20] =	ssyncset.done $0x0  }
0x91: {  	s15 =	sadd.s32 $0x28A0, s2;
	[sflag:s20] =	ssyncadd.s32 $0xFFFFFB00  }
0x92: {  	[spmem:s1] =	stream.indirect.scatter.add.f32 [tilespmem:s14], [sflag:$0x6], $0x10, s15, s12, $0xb8;
	[tilespmem:$0x8930] =	vst v63  }
0x93: {  	_ =	swait.ge [sflag:s24], $0x500  }
0x94: {  	[sflag:s24] =	ssyncset.done $0x0  }
0x95: {  	s15 =	sadd.s32 $0x28F0, s2;
	[sflag:s24] =	ssyncadd.s32 $0xFFFFFB00  }
0x96: {  	[spmem:s1] =	stream.indirect.scatter.add.f32 [tilespmem:s16], [sflag:$0x7], $0x10, s15, s12, $0xb8;
	[tilespmem:$0x8930] =	vst v63  }
0x97: {  	_ =	swait.ge [sflag:s29], $0x500  }
0x98: {  	[sflag:s29] =	ssyncset.done $0x0  }
0x99: {  	s2 =	sadd.s32 $0x2940, s2;
	[sflag:s29] =	ssyncadd.s32 $0xFFFFFB00  }
0x9a: {  	[spmem:s1] =	stream.indirect.scatter.add.f32 [tilespmem:s19], [sflag:$0x8], $0x10, s2, s12, $0xb8;
	[tilespmem:$0x8930] =	vst v63  }
0x9b: {  	_ =	swait.ge [sflag:s22], $0x500  }
0x9c: {  	[sflag:s22] =	ssyncset.done $0x0  }
0x9d: {  	[sflag:s22] =	ssyncadd.s32 $0xFFFFFB00  }
0x9e: {  	_ =	swait.ge [sflag:s26], $0x500  }
0x9f: {  	[sflag:s26] =	ssyncset.done $0x0  }
0xa0: {  	[sflag:s26] =	ssyncadd.s32 $0xFFFFFB00  }
0xa1: {  	_ =	swait.ge [sflag:s31], $0x500  }
0xa2: {  	[sflag:s31] =	ssyncset.done $0x0  }
0xa3: {  	[sflag:s31] =	ssyncadd.s32 $0xFFFFFB00  }
0xa4: {  	_ =	swait.ge [sflag:s0], $0x500  }
0xa5: {  	[sflag:s0] =	ssyncset.done $0x0  }
0xa6: {  	[sflag:s0] =	ssyncadd.s32 $0xFFFFFB00  }
0xa7: {  	[tilespmem:s13], [sflag:$0x1] =	stream.indirect.gather [hbm4b:s5+s12], $0x10, s7, s12, $0xb8;
	[tilespmem:$0x8930] =	vst v63  }
0xa8: {  	_ =	swait.ge [sflag:s17], $0x500  }
0xa9: {  	[sflag:s17] =	ssyncset.done $0x0  }
.Ltmp1:
0xaa: {  	[sflag:s17] =	ssyncadd.s32 $0xFFFFFB00;
	(pc) =	sbr.rel @p1 .LBB2_2-.Ltmp1, $4  }
0xab: {  	[spmem:s1] =	stream.indirect.scatter.add.f32 [tilespmem:s13], [sflag:$0x5], $0x10, s8, s12, $0xb8;
	[tilespmem:$0x8930] =	vst v63  }
0xac: {  	_ =	swait.ge [sflag:s22], $0x500  }
0xad: {  	[sflag:s22] =	ssyncset.done $0x0  }
0xae: {  	p2 =	por $0x0, $0x0;
	s2 =	simm.s32 $0x7D;
	[sflag:s22] =	ssyncadd.s32 $0xFFFFFB00  }
0xaf: {  	[bflag:$0x0] =	sbarrier.arrive $0xFFFF  }
0xb0: {  	s9 =	rddreg [dreg:$0x4]  }
0xb1: {  	s2 =	simm.s32 @!p0 $0x1C09;
	s18 =	rddreg [dreg:$0x6]  }
0xb2: {  	[hbm:s9], [sflag:s2] =	dma.local @!p0 [spmem:s18], $0x4E20  }
0xb3: {  	s2 =	simm.s32 @!p0 $0x9  }
0xb4: {  	_ =	swait.ge @!p0 [sflag:s2], $0x4E20  }
0xb5: {  	s15 =	rddreg [dreg:$0x3]  }
0xb6: {  	s9 =	sadd.s32 $0x1, s15;
	s15 =	rddreg [dreg:$0x5]  }
0xb7: {  	p1 =	sne.s32 s9, s15  }
.Ltmp2:
0xb8: {  	_ = 	snop;
	(pc) =	sbr.rel @p1 .LBB2_1-.Ltmp2, $3  }
0xb9: {  	_ =	sdelay $0x1  }
0xba: {  	[sflag:s2] =	ssyncset.done @!p0 $0x0  }
0xbb: {  	[sflag:s2] =	ssyncadd.s32 @!p0 $0xFFFFB1E0;
	s15 =	smov.u32 s18;
	s18 =	simm.s32 $0xA0  }
0xbc: {  	_ =	sfence.sel $0x180000  }
0xbd: {  	[bflag:$0x0] =	sbarrier.arrive $0xFFFF  }
0xbe: {  	_ =	strace $0x9000004A  }
0xbf: {  	[bflag:$0x2] =	sbarrier.arrive $0xFFFF  }
0xc0: {  	s0 =	rddreg [dreg:$0x2]  }
0xc1: {  	s0 =	sadd.s32 @!p0 $0x100000, s0  }
0xc2: {  	[sflag:s0] =	ssyncadd.tile.s32 @!p0 $0x1;
	_ =	shalt  }
.Lfunc_end2:
_tile_overlayer_lowered:
.L_overlay_start_2:
0xc3: {  	(tag) =	ssettag $0x2  }
0xc4: {  	s0 =	rddreg [dreg:$0x0];
	s2 =	stileid.u32  }
0xc5: {  	s1 =	rddreg [dreg:$0x1];
	p0 =	sne.s32 s2, $0x0  }
0xc6: {  	s3 =	rddreg [dreg:$0x2];
	[bflag:$0x3] =	sbarrier.arrive $0xFFFF;
	s2 =	simm.s32 @!p0 $0x1C09  }
0xc7: {  	[timem:s3], [sflag:s2] =	dma.local @!p0 [hbm:s0], s1  }
0xc8: {  	s0 =	simm.s32 @!p0 $0x9  }
0xc9: {  	_ =	swait.ge @!p0 [sflag:s0], s1  }
0xca: {  	s1 =	ssub.s32 @!p0 $0x0, s1;
	[sflag:s0] =	ssyncset.done @!p0 $0x0  }
0xcb: {  	[sflag:s0] =	ssyncadd.s32 @!p0 s1  }
0xcc: {  	[bflag:$0x3] =	sbarrier.arrive $0xFFFF  }
0xcd: {  	_ =	shalt  }

// kernel: kernel.14.cloned.1.call-start
scs
__scs_entry_jumppad:
0x0: {  	(pc) =	sbr.rel $0x88, $3  }
0x1: {  	(tag) =	ssettag $0x0;
	lr =	simm.s32 $0x1  }
0x2: {  	[smem:$0x3F88] =	sst lr;
	_ =	strace $0xD0000000  }
0x3: {  	_ = 	snop  }
0x4: {  	_ = 	snop  }
0x5: {  	_ = 	snop  }
0x6: {  	_ = 	snop  }
0x7: {  	_ = 	snop  }
__scs_overlays_trampoline_lowered:
0x8: {  	[smem:$0x3F97] =	sst s0  }
0x9: {  	[smem:$0x3F98] =	sst s1  }
0xa: {  	[smem:$0x3F99] =	sst s2  }
0xb: {  	[smem:$0x3F9A] =	sst s3  }
0xc: {  	[smem:$0x3F9B] =	sst s4  }
0xd: {  	[smem:$0x3F9C] =	sst s5  }
0xe: {  	[smem:$0x3F9D] =	sst s6  }
0xf: {  	[smem:$0x3F9E] =	sst s7  }
0x10: {  	[smem:$0x3F9F] =	sst s8  }
0x11: {  	[smem:$0x3FA0] =	sst s9;
	s0 =	simm.s32 @!p0 $0x0  }
0x12: {  	s1 =	sld [smem:$0x3F86];
	s0 =	simm.s32 @p0 $0x1  }
0x13: {  	[smem:$0x3FA1] =	sst s0;
	s0 =	simm.s32 @!p1 $0x0  }
0x14: {  	s2 =	sld [smem:$0x3F85];
	s0 =	simm.s32 @p1 $0x1  }
0x15: {  	[smem:$0x3FA2] =	sst s0;
	s0 =	simm.s32 @!p2 $0x0  }
0x16: {  	s3 =	sld [smem:$0x3FDB];
	s0 =	simm.s32 @p2 $0x1  }
0x17: {  	s4 =	simm.s32 $0x1BF5;
	[smem:$0x3FA4] =	sst s0  }
0x18: {  	s0 =	sld [smem:$0x3F87];
	_ =	swait.ge [sflag:s4], $0x0  }
0x19: {  	s7 =	sld [smem:$0x3F88]  }
0x1a: {  	s8 =	sadd.s32 $0xFFFFE003, lr  }
0x1b: {  	s9 =	sadd.s32 $0xFFFFFEF7, lr;
	s5 =	simm.s32 $0xFFFFFFFF;
	p2 =	slt.u32 s8, $0xFFFFF086  }
0x1c: {  	p1 =	slt.u32 s9, $0xF7A;
	s5 =	simm.s32 @!p2 $0x0  }
0x1d: {  	s5 =	simm.s32 @p1 $0x1;
	p0 =	seq.s32 s7, s2  }
0x1e: {  	s7 =	smul.u32 @!p0 $0xF7A, s2;
	p2 =	seq.s32 @!p0 s5, $0x0  }
0x1f: {  	s9 =	smul.u32 $0xF7A, s1;
	s8 =	simm.s32 @!p0 $0x1BF5;
	p2 =	por !p2, p0  }
0x20: {  	[sflag:s8] =	ssyncset.s32 @!p0 $0xFFFFF086;
	s6 =	sadd.s32 @!p0 s3, s7;
	s7 =	simm.s32 @!p0 $0x108  }
0x21: {  	s3 =	sadd.s32 s3, s9;
	s6 =	sadd.s32 @!p0 $0x88, s6;
	s7 =	simm.s32 @p2 $0x1082  }
0x22: {  	[simem:s7], [sflag:s8] =	dma.local @!p0 [hbm:s6], $0xF7A  }
0x23: {  	s9 =	sor.u32 $0xD0000000, s2;
	s6 =	simm.s32 $0x108;
	_ =	swait.ge @!p0 [sflag:s8], $0x0  }
0x24: {  	s3 =	sadd.s32 $0x88, s3;
	s6 =	simm.s32 @!p1 $0x1082;
	[sflag:s4] =	ssyncset.s32 $0xFFFFF086  }
0x25: {  	[simem:s6], [sflag:s4] =	dma.local [hbm:s3], $0xF7A  }
0x26: {  	[smem:$0x3F88] =	sst s1;
	(tag) =	ssettag s2;
	_ =	strace s9  }
0x27: {  	s1 =	sld [smem:$0x3F98]  }
0x28: {  	s2 =	sld [smem:$0x3F99]  }
0x29: {  	s4 =	sld [smem:$0x3F9B]  }
0x2a: {  	p0 =	seq.s32 s5, $0x0;
	s5 =	sld [smem:$0x3F9C]  }
0x2b: {  	s6 =	sld [smem:$0x3F9D]  }
0x2c: {  	s7 =	sld [smem:$0x3F9E]  }
0x2d: {  	s3 =	simm.s32 $0x108;
	s8 =	sld [smem:$0x3F9F]  }
0x2e: {  	s3 =	simm.s32 @!p0 $0x1082;
	s9 =	sld [smem:$0x3FA0]  }
0x2f: {  	lr =	sadd.s32 s0, s3;
	s0 =	sld [smem:$0x3F97]  }
0x30: {  	s3 =	sld [smem:$0x3F9A]  }
0x31: {  	[smem:$0x3FA3] =	sst s10  }
0x32: {  	s10 =	sld [smem:$0x3FA1];
	_ =	sdelay $0x3  }
0x33: {  	p0 =	seq.s32 s10, $0x1;
	s10 =	sld [smem:$0x3FA3];
	_ =	sdelay $0x3  }
0x34: {  	[smem:$0x3FA3] =	sst s10  }
0x35: {  	s10 =	sld [smem:$0x3FA2];
	_ =	sdelay $0x3  }
0x36: {  	p1 =	seq.s32 s10, $0x1;
	s10 =	sld [smem:$0x3FA3];
	_ =	sdelay $0x3  }
0x37: {  	[smem:$0x3FA3] =	sst s10  }
0x38: {  	s10 =	sld [smem:$0x3FA4]  }
0x39: {  	_ = 	snop;
	(pc) =	sbr.ind lr, $3  }
0x3a: {  	_ = 	snop  }
0x3b: {  	_ = 	snop  }
0x3c: {  	p2 =	seq.s32 s10, $0x1;
	s10 =	sld [smem:$0x3FA3]  }
0x3d: {  	_ =	shalt  }
0x3e: {  	_ =	shalt  }
0x3f: {  	_ =	shalt  }
0x40: {  	_ =	shalt  }
0x41: {  	_ =	shalt  }
0x42: {  	_ =	shalt  }
0x43: {  	_ =	shalt  }
0x44: {  	_ =	shalt  }
0x45: {  	_ =	shalt  }
0x46: {  	_ =	shalt  }
0x47: {  	_ =	shalt  }
0x48: {  	_ =	shalt  }
0x49: {  	_ =	shalt  }
0x4a: {  	_ =	shalt  }
0x4b: {  	_ =	shalt  }
0x4c: {  	_ =	shalt  }
0x4d: {  	_ =	shalt  }
0x4e: {  	_ =	shalt  }
0x4f: {  	_ =	shalt  }
0x50: {  	_ =	shalt  }
0x51: {  	_ =	shalt  }
0x52: {  	_ =	shalt  }
0x53: {  	_ =	shalt  }
0x54: {  	_ =	shalt  }
0x55: {  	_ =	shalt  }
0x56: {  	_ =	shalt  }
0x57: {  	_ =	shalt  }
0x58: {  	_ =	shalt  }
0x59: {  	_ =	shalt  }
0x5a: {  	_ =	shalt  }
0x5b: {  	_ =	shalt  }
0x5c: {  	_ =	shalt  }
0x5d: {  	_ =	shalt  }
0x5e: {  	_ =	shalt  }
0x5f: {  	_ =	shalt  }
0x60: {  	_ =	shalt  }
0x61: {  	_ =	shalt  }
0x62: {  	_ =	shalt  }
0x63: {  	_ =	shalt  }
0x64: {  	_ =	shalt  }
0x65: {  	_ =	shalt  }
0x66: {  	_ =	shalt  }
0x67: {  	_ =	shalt  }
0x68: {  	_ =	shalt  }
0x69: {  	_ =	shalt  }
0x6a: {  	_ =	shalt  }
0x6b: {  	_ =	shalt  }
0x6c: {  	_ =	shalt  }
0x6d: {  	_ =	shalt  }
0x6e: {  	_ =	shalt  }
0x6f: {  	_ =	shalt  }
0x70: {  	_ =	shalt  }
0x71: {  	_ =	shalt  }
0x72: {  	_ =	shalt  }
0x73: {  	_ =	shalt  }
0x74: {  	_ =	shalt  }
0x75: {  	_ =	shalt  }
0x76: {  	_ =	shalt  }
0x77: {  	_ =	shalt  }
0x78: {  	_ =	shalt  }
0x79: {  	_ =	shalt  }
0x7a: {  	_ =	shalt  }
0x7b: {  	_ =	shalt  }
0x7c: {  	_ =	shalt  }
0x7d: {  	_ =	shalt  }
0x7e: {  	_ =	shalt  }
0x7f: {  	_ =	shalt  }
0x80: {  	_ =	shalt  }
0x81: {  	_ =	shalt  }
0x82: {  	_ =	shalt  }
0x83: {  	_ =	shalt  }
0x84: {  	_ =	shalt  }
0x85: {  	_ =	shalt  }
0x86: {  	_ =	shalt  }
0x87: {  	_ =	shalt  }
.Lfunc_end0:
.L_simem_size_0:
called_computation.2_lowered:
.L_overlay_start_0:
0x88: {  	s2 =	sld [smem:$0x3FD9]  }
0x89: {  	s3 =	sld [smem:$0x3FFE];
	_ =	sdelay $0x1  }
0x8a: {  	s1 =	srdreg.scid  }
0x8b: {  	s0 =	sand.u32 $0x1, s1  }
0x8c: {  	s16 =	sshll.u32 s0, $0xA;
	s2 =	sadd.s32 s3, s2  }
0x8d: {  	s2 =	sadd.s32 s2, s16  }
0x8e: {  	[smem:$0x3FAF] =	sst s2  }
0x8f: {  	_ = 	snop  }
0x90: {  	(tm) =	ssettm $0x1  }
0x91: {  	s17 =	sld [smem:$0x3FFB];
	_ =	sdelay $0x3  }
0x92: {  	_ =	strace s17  }
0x93: {  	s2 =	sld [smem:$0x3FFC];
	_ =	sdelay $0x3  }
0x94: {  	_ =	strace s2  }
0x95: {  	s2 =	sld [smem:$0x3FFD];
	_ =	sdelay $0x3  }
0x96: {  	_ =	strace s2  }
0x97: {  	_ =	strace $0x8FFFFFFF  }
0x98: {  	s18 =	sld [smem:$0x3FDB];
	_ =	sdelay $0x1  }
0x99: {  	s19 =	simm.s32 $_scs_section_size  }
0x9a: {  	s4 =	simm.s32 $_size__tile_overlayer_lowered;
	s5 =	simm.s32 $_tile_overlayer_lowered  }
0x9b: {  	s22 =	simm.s32 $0x1BFF;
	s21 =	sshll.u32 s5, $0x1;
	s2 =	sadd.s32 s19, s18  }
0x9c: {  	s6 =	simm.s32 $0x0;
	s20 =	sshll.u32 s4, $0x1;
	s4 =	sadd.s32 s21, s2  }
0x9d: {  	[timem:s6], [sflag:s22] =	dma.local [hbm:s4], s20  }
0x9e: {  	_ =	swait.ge [sflag:s22], s20  }
0x9f: {  	s3 =	ssub.s32 $0x0, s20;
	[sflag:s22] =	ssyncset.done $0x0  }
0xa0: {  	[sflag:s22] =	ssyncadd.s32 s3;
	_ =	sdelay $0x1  }
0xa1: {  	s23 =	simm.s32 $0x1B8B  }
0xa2: {  	_ =	swait.ge [sflag:s23], $0x1  }
0xa3: {  	[sflag:s23] =	ssyncset.done $0x0  }
0xa4: {  	s25 =	simm.s32 $0x1B8E;
	s24 =	sld [smem:$0x3FFE];
	[sflag:s23] =	ssyncadd.s32 $0xFFFFFFFF  }
0xa5: {  	s26 =	simm.s32 $execute0_lowered;
	[smem:$0x3FD2] =	sst s25  }
0xa6: {  	s4 =	sshll.u32 s26, $0x1;
	_ =	strace $0x8000004C;
	[dreg:$0x1] =	wrdreg $0xFFFFFFFF  }
0xa7: {  	s28 =	simm.s32 $_size_execute0_lowered;
	s2 =	sadd.s32 s2, s4;
	[dreg:$0x0] =	wrdreg $0x0  }
0xa8: {  	s4 =	sshll.u32 s28, $0x1;
	[dreg:$0x2] =	wrdreg s2  }
0xa9: {  	[dreg:$0x3] =	wrdreg s4  }
0xaa: {  	[dreg:$0x4] =	wrdreg $0xC0  }
0xab: {  	_ =	task [dreg:s6], $0x5FFFF  }
0xac: {  	[dreg:$0x1] =	wrdreg $0xFFFFFFFF  }
0xad: {  	[dreg:$0x0] =	wrdreg $0x60  }
0xae: {  	[dreg:$0x2] =	wrdreg s24  }
0xaf: {  	[dreg:$0x3] =	wrdreg $0xBE800  }
0xb0: {  	[dreg:$0x4] =	wrdreg $0x9  }
0xb1: {  	_ =	task.clear_ibuf [dreg:s6], $0x5FFFF;
	_ =	strace $0x9000004C  }
0xb2: {  	s29 =	simm.s32 $0x9;
	_ =	strace $0x8000004E  }
0xb3: {  	_ =	swait.ge [sflag:s29], $0x1  }
0xb4: {  	[sflag:s29] =	ssyncadd.s32 $0xFFFFFFFF  }
0xb5: {  	_ =	strace $0x9000004E  }
0xb6: {  	_ =	sfence  }
0xb7: {  	s30 =	sld [smem:$0x0];
	_ =	sdelay $0x2  }
0xb8: {  	s31 =	sshll.u32 s1, $0xD;
	s1 =	sshrl.u32 s1, $0x2  }
0xb9: {  	s3 =	sand.u32 $0x4000, s31;
	s1 =	sadd.s32 s1, s30  }
0xba: {  	s0 =	sor.u32 s3, s0;
	s1 =	sshll.u32 s1, $0x11  }
0xbb: {  	s0 =	sor.u32 s1, s0  }
0xbc: {  	s0 =	sadd.s32 $0x8F2B, s0  }
0xbd: {  	[sflag:s0] =	ssyncadd.remote.s32 $0x1  }
0xbe: {  	_ =	sfence.sel $0xFFFF  }
0xbf: {  	[dreg:$0x0] =	wrdreg $0xFFFFFFFF;
	(pc) =	sbr.abs _section_cstart, $3  }
0xc0: {  	[dreg:$0x1] =	wrdreg $0xFFFFFFFF  }
0xc1: {  	_ =	task.clear_ibuf [dreg:s6], $0x2FFFF;
	_ =	strace $0x9FFFFFFF  }
0xc2: {  	(tm) =	ssettm $0x7FFFFFFF  }
0xc3: {  	_ =	shalt  }
tec
execute0_lowered:
.L_overlay_start_1:
0x0: {  	(tag) =	ssettag $0x1  }
0x1: {  	s0 =	rddreg [dreg:$0x0]  }
0x2: {  	s1 =	rddreg [dreg:$0x1];
	s10 =	simm.s32 $0x0;
	s2 =	srdreg.scid  }
0x3: {  	s7 =	stileid.u32;
	s12 =	simm.s32 $0x9;
	s13 =	simm.s32 $0x1F40  }
0x4: {  	s14 =	simm.s32 $0x40;
	s15 =	simm.s32 $0x3E80;
	s16 =	simm.s32 $0x5E80  }
0x5: {  	s18 =	simm.s32 $0x7E80;
	s19 =	simm.s32 $0x1;
	s21 =	simm.s32 $0x9E80  }
0x6: {  	s22 =	simm.s32 $0x2;
	s24 =	simm.s32 $0x5;
	s29 =	simm.s32 $0x6  }
0x7: {  	s31 =	simm.s32 $0x4;
	s17 =	simm.s32 $0x3D80;
	s20 =	simm.s32 $0x3DC0  }
0x8: {  	s23 =	simm.s32 $0x3E00;
	s25 =	simm.s32 $0x1F00;
	s28 =	simm.s32 $0x3E40  }
0x9: {  	[smem:$0x7FF] =	sst s10;
	s3 =	sadd.s32 $0x19000, s0;
	s4 =	sadd.s32 $0x5600, s0  }
0xa: {  	s5 =	sadd.s32 $0x2CA00, s0;
	s2 =	sand.u32 $0x1, s2;
	s6 =	sadd.s32 $0x7AE00, s0  }
0xb: {  	s11 =	sadd.s32 $0xA2000, s0;
	p0 =	sne.s32 s7, $0x0;
	p2 =	seq.s32 s7, $0x0  }
0xc: {  	_ =	strace $0x8000004D;
	s26 =	ssub.s32 $0x2, s2;
	s9 =	smul.u32 $0x27100, s2  }
.Ltmp0:
0xd: {  	p1 =	seq.s32 s2, $0x1;
	s8 =	sshrl.u32 s26, $0x1;
	(pc) =	sbr.rel .LBB2_1-.Ltmp0, $4  }
0xe: {  	[dreg:$0x4] =	wrdreg s11;
	s0 =	ssub.s32 s26, s8;
	s30 =	sadd.s32 s11, s9  }
0xf: {  	s8 =	smul.u32 $0x271, s7;
	[dreg:$0x5] =	wrdreg s30;
	s0 =	smax.u32 s0, $0x1  }
0x10: {  	s26 =	simm.s32 $0x3;
	[dreg:$0x6] =	wrdreg s0;
	s0 =	sshrl.u32 @!p0 s1, $0x3  }
0x11: {  	s9 =	simm.s32 $0x7;
	s7 =	simm.s32 $0x8;
	[dreg:$0x7] =	wrdreg s0  }
.LBB2_13:
0x12: {  	s2 =	sshrl.u32 s1, $0x3;
	s11 =	simm.s32 $0x1C09  }
0x13: {  	[hbm:s0], [sflag:s11] =	dma.local [spmem:s2], $0x27100  }
0x14: {  	_ =	swait.ge [sflag:s12], $0x27100  }
0x15: {  	[sflag:s12] =	ssyncset.done $0x0  }
0x16: {  	[sflag:s12] =	ssyncadd.s32 $0xFFFD8F00  }
.LBB2_14:
0x17: {  	s10 =	sadd.s32 $0x1, s10;
	s0 =	rddreg [dreg:$0x6]  }
0x18: {  	p3 =	sne.s32 s10, s0  }
.Ltmp1:
0x19: {  	_ = 	snop;
	(pc) =	sbr.rel @!p3 .LBB2_15-.Ltmp1, $1  }
0x1a: {  	_ =	sdelay $0x3  }
.LBB2_1:
.Ltmp2:
0x1b: {  	(pc) =	sbr.rel @!p1 .LBB2_2-.Ltmp2, $2  }
0x1c: {  	_ =	sdelay $0x2  }
0x1d: {  	[dreg:$0x3] =	wrdreg s10  }
0x1e: {  	s0 =	simm.s32 @!p0 $0x1C09;
	s2 =	rddreg [dreg:$0x7]  }
0x1f: {  	[spmem:s2], [sflag:s0] =	dma.local @!p0 [hbm:s6], $0x27100  }
0x20: {  	s0 =	simm.s32 @!p0 $0x9  }
0x21: {  	_ =	swait.ge @!p0 [sflag:s0], $0x27100  }
0x22: {  	[sflag:s0] =	ssyncset.done @!p0 $0x0  }
0x23: {  	[sflag:s0] =	ssyncadd.s32 @!p0 $0xFFFD8F00  }
0x24: {  	s30 =	simm.s32 $0x0;
	s0 =	simm.s32 $0x0;
	[bflag:$0x0] =	sbarrier.arrive $0xFFFF  }
.LBB2_8:
0x25: {  	s2 =	smul.u32 $0x7D, s0;
	_ =	sdelay $0x1  }
0x26: {  	s2 =	sadd.s32 s8, s2  }
0x27: {  	s2 =	sshll.u32 s2, $0x3  }
0x28: {  	s10 =	sadd.s32 s3, s2  }
0x29: {  	[tilespmem:s30], [sflag:$0x9] =	stream.linear.gather [hbm4b:s10+s30], $0x1F40, $0x38;
	[tilespmem:$0x1F700] =	vst v63  }
0x2a: {  	_ =	swait.ge [sflag:s12], $0x1F40  }
0x2b: {  	[sflag:s12] =	ssyncset.done $0x0  }
0x2c: {  	s2 =	sadd.s32 s4, s2;
	[sflag:s12] =	ssyncadd.s32 $0xFFFFE0C0  }
0x2d: {  	[tilespmem:s13], [sflag:$0x9] =	stream.linear.gather [hbm4b:s2+s30], $0x1F40, $0x38;
	[tilespmem:$0x1F700] =	vst v63  }
0x2e: {  	_ =	swait.ge [sflag:s12], $0x1F40  }
0x2f: {  	[sflag:s12] =	ssyncset.done $0x0  }
0x30: {  	[sflag:s12] =	ssyncadd.s32 $0xFFFFE0C0  }
0x31: {  	[tilespmem:s15], [sflag:$0x1] =	stream.indirect.gather [hbm4b:s6+s14], $0x80, s30, s14, $0xb8;
	[tilespmem:$0x1F700] =	vst v63  }
0x32: {  	_ = 	snop  }
0x33: {  	[tilespmem:s16], [sflag:$0x2] =	stream.indirect.gather [hbm4b:s6+s14], $0x80, s14, s14, $0xb8;
	[tilespmem:$0x1F700] =	vst v63  }
0x34: {  	s10 =	simm.s32 $0x80  }
0x35: {  	[tilespmem:s18], [sflag:$0x3] =	stream.indirect.gather [hbm4b:s6+s14], $0x80, s10, s14, $0xb8;
	[tilespmem:$0x1F700] =	vst v63  }
0x36: {  	_ =	swait.ge [sflag:s19], $0x2000  }
0x37: {  	[sflag:s19] =	ssyncset.done $0x0  }
0x38: {  	[sflag:s19] =	ssyncadd.s32 $0xFFFFE000  }
0x39: {  	[spmem:s1] =	stream.indirect.scatter.add.f32 [tilespmem:s15], [sflag:$0x5], $0x80, s13, s14, $0xb8;
	[tilespmem:$0x1F700] =	vst v63  }
0x3a: {  	s11 =	simm.s32 $0xC0  }
0x3b: {  	[tilespmem:s21], [sflag:$0x4] =	stream.indirect.gather [hbm4b:s6+s14], $0x80, s11, s14, $0xb8;
	[tilespmem:$0x1F700] =	vst v63  }
0x3c: {  	_ =	swait.ge [sflag:s22], $0x2000  }
0x3d: {  	[sflag:s22] =	ssyncset.done $0x0  }
0x3e: {  	s10 =	simm.s32 $0x1F80;
	[sflag:s22] =	ssyncadd.s32 $0xFFFFE000  }
0x3f: {  	[spmem:s1] =	stream.indirect.scatter.add.f32 [tilespmem:s16], [sflag:$0x6], $0x80, s10, s14, $0xb8;
	[tilespmem:$0x1F700] =	vst v63  }
0x40: {  	_ =	swait.ge [sflag:s24], $0x2000  }
0x41: {  	[sflag:s24] =	ssyncset.done $0x0  }
0x42: {  	s11 =	simm.s32 $0x100;
	[sflag:s24] =	ssyncadd.s32 $0xFFFFE000  }
0x43: {  	[tilespmem:s15], [sflag:$0x1] =	stream.indirect.gather [hbm4b:s6+s14], $0x80, s11, s14, $0xb8;
	[tilespmem:$0x1F700] =	vst v63  }
0x44: {  	_ =	swait.ge [sflag:s26], $0x2000  }
0x45: {  	[sflag:s26] =	ssyncset.done $0x0  }
0x46: {  	s10 =	simm.s32 $0x1FC0;
	[sflag:s26] =	ssyncadd.s32 $0xFFFFE000  }
0x47: {  	[spmem:s1] =	stream.indirect.scatter.add.f32 [tilespmem:s18], [sflag:$0x7], $0x80, s10, s14, $0xb8;
	[tilespmem:$0x1F700] =	vst v63  }
0x48: {  	_ =	swait.ge [sflag:s29], $0x2000  }
0x49: {  	[sflag:s29] =	ssyncset.done $0x0  }
0x4a: {  	s11 =	simm.s32 $0x140;
	[sflag:s29] =	ssyncadd.s32 $0xFFFFE000  }
0x4b: {  	[tilespmem:s16], [sflag:$0x2] =	stream.indirect.gather [hbm4b:s6+s14], $0x80, s11, s14, $0xb8;
	[tilespmem:$0x1F700] =	vst v63  }
0x4c: {  	_ =	swait.ge [sflag:s31], $0x2000  }
0x4d: {  	[sflag:s31] =	ssyncset.done $0x0  }
0x4e: {  	s10 =	simm.s32 $0x2000;
	[sflag:s31] =	ssyncadd.s32 $0xFFFFE000  }
0x4f: {  	[spmem:s1] =	stream.indirect.scatter.add.f32 [tilespmem:s21], [sflag:$0x8], $0x80, s10, s14, $0xb8;
	[tilespmem:$0x1F700] =	vst v63  }
0x50: {  	_ =	swait.ge [sflag:s9], $0x2000  }
0x51: {  	[sflag:s9] =	ssyncset.done $0x0  }
0x52: {  	s11 =	simm.s32 $0x180;
	[sflag:s9] =	ssyncadd.s32 $0xFFFFE000  }
0x53: {  	[tilespmem:s18], [sflag:$0x3] =	stream.indirect.gather [hbm4b:s6+s14], $0x80, s11, s14, $0xb8;
	[tilespmem:$0x1F700] =	vst v63  }
0x54: {  	_ =	swait.ge [sflag:s19], $0x2000  }
0x55: {  	[sflag:s19] =	ssyncset.done $0x0  }
0x56: {  	s10 =	simm.s32 $0x2040;
	[sflag:s19] =	ssyncadd.s32 $0xFFFFE000  }
0x57: {  	[spmem:s1] =	stream.indirect.scatter.add.f32 [tilespmem:s15], [sflag:$0x5], $0x80, s10, s14, $0xb8;
	[tilespmem:$0x1F700] =	vst v63  }
0x58: {  	_ =	swait.ge [sflag:s7], $0x2000  }
0x59: {  	[sflag:s7] =	ssyncset.done $0x0  }
0x5a: {  	s11 =	simm.s32 $0x1C0;
	[sflag:s7] =	ssyncadd.s32 $0xFFFFE000  }
0x5b: {  	[tilespmem:s21], [sflag:$0x4] =	stream.indirect.gather [hbm4b:s6+s14], $0x80, s11, s14, $0xb8;
	[tilespmem:$0x1F700] =	vst v63  }
0x5c: {  	_ =	swait.ge [sflag:s22], $0x2000  }
0x5d: {  	[sflag:s22] =	ssyncset.done $0x0  }
0x5e: {  	s10 =	simm.s32 $0x2080;
	[sflag:s22] =	ssyncadd.s32 $0xFFFFE000  }
0x5f: {  	[spmem:s1] =	stream.indirect.scatter.add.f32 [tilespmem:s16], [sflag:$0x6], $0x80, s10, s14, $0xb8;
	[tilespmem:$0x1F700] =	vst v63  }
0x60: {  	_ =	swait.ge [sflag:s24], $0x2000  }
0x61: {  	[sflag:s24] =	ssyncset.done $0x0  }
0x62: {  	s11 =	simm.s32 $0x200;
	[sflag:s24] =	ssyncadd.s32 $0xFFFFE000  }
0x63: {  	[tilespmem:s15], [sflag:$0x1] =	stream.indirect.gather [hbm4b:s6+s14], $0x80, s11, s14, $0xb8;
	[tilespmem:$0x1F700] =	vst v63  }
0x64: {  	_ =	swait.ge [sflag:s26], $0x2000  }
0x65: {  	[sflag:s26] =	ssyncset.done $0x0  }
0x66: {  	s10 =	simm.s32 $0x20C0;
	[sflag:s26] =	ssyncadd.s32 $0xFFFFE000  }
0x67: {  	[spmem:s1] =	stream.indirect.scatter.add.f32 [tilespmem:s18], [sflag:$0x7], $0x80, s10, s14, $0xb8;
	[tilespmem:$0x1F700] =	vst v63  }
0x68: {  	_ =	swait.ge [sflag:s29], $0x2000  }
0x69: {  	[sflag:s29] =	ssyncset.done $0x0  }
0x6a: {  	s11 =	simm.s32 $0x240;
	[sflag:s29] =	ssyncadd.s32 $0xFFFFE000  }
0x6b: {  	[tilespmem:s16], [sflag:$0x2] =	stream.indirect.gather [hbm4b:s6+s14], $0x80, s11, s14, $0xb8;
	[tilespmem:$0x1F700] =	vst v63  }
0x6c: {  	_ =	swait.ge [sflag:s31], $0x2000  }
0x6d: {  	[sflag:s31] =	ssyncset.done $0x0  }
0x6e: {  	s10 =	simm.s32 $0x400;
	s11 =	simm.s32 $0x2100;
	[sflag:s31] =	ssyncadd.s32 $0xFFFFE000  }
.LBB2_9:
0x6f: {  	[spmem:s1] =	stream.indirect.scatter.add.f32 [tilespmem:s21], [sflag:$0x8], $0x80, s11, s14, $0xb8;
	[tilespmem:$0x1F700] =	vst v63  }
0x70: {  	s2 =	smov.u32 s10  }
0x71: {  	p3 =	sne.s32 s10, $0x7000;
	s10 =	sadd.s32 $0x400, s10;
	_ =	swait.ge [sflag:s9], $0x2000  }
0x72: {  	s11 =	sshra.s32 s2, $0x2;
	[sflag:s9] =	ssyncset.done $0x0  }
0x73: {  	s2 =	sadd.s32 $0x180, s11;
	[sflag:s9] =	ssyncadd.s32 $0xFFFFE000  }
0x74: {  	[tilespmem:s18], [sflag:$0x3] =	stream.indirect.gather [hbm4b:s6+s14], $0x80, s2, s14, $0xb8;
	[tilespmem:$0x1F700] =	vst v63  }
0x75: {  	_ =	swait.ge [sflag:s19], $0x2000  }
0x76: {  	[sflag:s19] =	ssyncset.done $0x0  }
0x77: {  	s2 =	sadd.s32 $0x2040, s11;
	[sflag:s19] =	ssyncadd.s32 $0xFFFFE000  }
0x78: {  	[spmem:s1] =	stream.indirect.scatter.add.f32 [tilespmem:s15], [sflag:$0x5], $0x80, s2, s14, $0xb8;
	[tilespmem:$0x1F700] =	vst v63  }
0x79: {  	_ =	swait.ge [sflag:s7], $0x2000  }
0x7a: {  	[sflag:s7] =	ssyncset.done $0x0  }
0x7b: {  	s2 =	sadd.s32 $0x1C0, s11;
	[sflag:s7] =	ssyncadd.s32 $0xFFFFE000  }
0x7c: {  	[tilespmem:s21], [sflag:$0x4] =	stream.indirect.gather [hbm4b:s6+s14], $0x80, s2, s14, $0xb8;
	[tilespmem:$0x1F700] =	vst v63  }
0x7d: {  	_ =	swait.ge [sflag:s22], $0x2000  }
0x7e: {  	[sflag:s22] =	ssyncset.done $0x0  }
0x7f: {  	s2 =	sadd.s32 $0x2080, s11;
	[sflag:s22] =	ssyncadd.s32 $0xFFFFE000  }
0x80: {  	[spmem:s1] =	stream.indirect.scatter.add.f32 [tilespmem:s16], [sflag:$0x6], $0x80, s2, s14, $0xb8;
	[tilespmem:$0x1F700] =	vst v63  }
0x81: {  	_ =	swait.ge [sflag:s24], $0x2000  }
0x82: {  	[sflag:s24] =	ssyncset.done $0x0  }
0x83: {  	s2 =	sadd.s32 $0x200, s11;
	[sflag:s24] =	ssyncadd.s32 $0xFFFFE000  }
0x84: {  	[tilespmem:s15], [sflag:$0x1] =	stream.indirect.gather [hbm4b:s6+s14], $0x80, s2, s14, $0xb8;
	[tilespmem:$0x1F700] =	vst v63  }
0x85: {  	_ =	swait.ge [sflag:s26], $0x2000  }
0x86: {  	[sflag:s26] =	ssyncset.done $0x0  }
0x87: {  	s2 =	sadd.s32 $0x20C0, s11;
	[sflag:s26] =	ssyncadd.s32 $0xFFFFE000  }
0x88: {  	[spmem:s1] =	stream.indirect.scatter.add.f32 [tilespmem:s18], [sflag:$0x7], $0x80, s2, s14, $0xb8;
	[tilespmem:$0x1F700] =	vst v63  }
0x89: {  	_ =	swait.ge [sflag:s29], $0x2000  }
0x8a: {  	[sflag:s29] =	ssyncset.done $0x0  }
.Ltmp3:
0x8b: {  	s2 =	sadd.s32 $0x240, s11;
	[sflag:s29] =	ssyncadd.s32 $0xFFFFE000;
	(pc) =	sbr.rel @p3 .LBB2_9-.Ltmp3, $4  }
0x8c: {  	[tilespmem:s16], [sflag:$0x2] =	stream.indirect.gather [hbm4b:s6+s14], $0x80, s2, s14, $0xb8;
	[tilespmem:$0x1F700] =	vst v63  }
0x8d: {  	_ =	swait.ge [sflag:s31], $0x2000  }
0x8e: {  	[sflag:s31] =	ssyncset.done $0x0  }
0x8f: {  	s11 =	sadd.s32 $0x2100, s11;
	[sflag:s31] =	ssyncadd.s32 $0xFFFFE000  }
0x90: {  	[spmem:s1] =	stream.indirect.scatter.add.f32 [tilespmem:s21], [sflag:$0x8], $0x80, s11, s14, $0xb8;
	[tilespmem:$0x1F700] =	vst v63  }
0x91: {  	_ =	swait.ge [sflag:s9], $0x2000  }
0x92: {  	[sflag:s9] =	ssyncset.done $0x0  }
0x93: {  	s2 =	simm.s32 $0x1E80;
	[sflag:s9] =	ssyncadd.s32 $0xFFFFE000  }
0x94: {  	[tilespmem:s18], [sflag:$0x3] =	stream.indirect.gather [hbm4b:s6+s14], $0x80, s2, s14, $0xb8;
	[tilespmem:$0x1F700] =	vst v63  }
0x95: {  	_ =	swait.ge [sflag:s19], $0x2000  }
0x96: {  	[sflag:s19] =	ssyncset.done $0x0  }
0x97: {  	s10 =	simm.s32 $0x3D40;
	[sflag:s19] =	ssyncadd.s32 $0xFFFFE000  }
0x98: {  	[spmem:s1] =	stream.indirect.scatter.add.f32 [tilespmem:s15], [sflag:$0x5], $0x80, s10, s14, $0xb8;
	[tilespmem:$0x1F700] =	vst v63  }
0x99: {  	_ =	swait.ge [sflag:s7], $0x2000  }
0x9a: {  	[sflag:s7] =	ssyncset.done $0x0  }
0x9b: {  	s11 =	simm.s32 $0x1EC0;
	[sflag:s7] =	ssyncadd.s32 $0xFFFFE000  }
0x9c: {  	[tilespmem:s21], [sflag:$0x4] =	stream.indirect.gather [hbm4b:s6+s14], $0x80, s11, s14, $0xb8;
	[tilespmem:$0x1F700] =	vst v63  }
0x9d: {  	_ =	swait.ge [sflag:s22], $0x2000  }
0x9e: {  	[sflag:s22] =	ssyncset.done $0x0  }
0x9f: {  	[sflag:s22] =	ssyncadd.s32 $0xFFFFE000  }
0xa0: {  	[spmem:s1] =	stream.indirect.scatter.add.f32 [tilespmem:s16], [sflag:$0x6], $0x80, s17, s14, $0xb8;
	[tilespmem:$0x1F700] =	vst v63  }
0xa1: {  	_ =	swait.ge [sflag:s26], $0x2000  }
0xa2: {  	[sflag:s26] =	ssyncset.done $0x0  }
0xa3: {  	[sflag:s26] =	ssyncadd.s32 $0xFFFFE000  }
0xa4: {  	[spmem:s1] =	stream.indirect.scatter.add.f32 [tilespmem:s18], [sflag:$0x7], $0x80, s20, s14, $0xb8;
	[tilespmem:$0x1F700] =	vst v63  }
0xa5: {  	_ =	swait.ge [sflag:s31], $0x2000  }
0xa6: {  	[sflag:s31] =	ssyncset.done $0x0  }
0xa7: {  	[sflag:s31] =	ssyncadd.s32 $0xFFFFE000  }
0xa8: {  	[spmem:s1] =	stream.indirect.scatter.add.f32 [tilespmem:s21], [sflag:$0x8], $0x80, s23, s14, $0xb8;
	[tilespmem:$0x1F700] =	vst v63  }
0xa9: {  	_ =	swait.ge [sflag:s24], $0x2000  }
0xaa: {  	[sflag:s24] =	ssyncset.done $0x0  }
0xab: {  	[sflag:s24] =	ssyncadd.s32 $0xFFFFE000  }
0xac: {  	_ =	swait.ge [sflag:s29], $0x2000  }
0xad: {  	[sflag:s29] =	ssyncset.done $0x0  }
0xae: {  	[sflag:s29] =	ssyncadd.s32 $0xFFFFE000  }
0xaf: {  	_ =	swait.ge [sflag:s9], $0x2000  }
0xb0: {  	[sflag:s9] =	ssyncset.done $0x0  }
0xb1: {  	[sflag:s9] =	ssyncadd.s32 $0xFFFFE000  }
0xb2: {  	_ =	swait.ge [sflag:s7], $0x2000  }
0xb3: {  	[sflag:s7] =	ssyncset.done $0x0  }
0xb4: {  	[sflag:s7] =	ssyncadd.s32 $0xFFFFE000  }
0xb5: {  	[tilespmem:s15], [sflag:$0x1] =	stream.indirect.gather [hbm4b:s6+s14], $0x80, s25, s14, $0xb8;
	[tilespmem:$0x1F700] =	vst v63  }
0xb6: {  	s0 =	sadd.s32 $0x1, s0;
	_ =	swait.ge [sflag:s19], $0x2000  }
0xb7: {  	p3 =	sne.s32 s0, $0x5;
	[sflag:s19] =	ssyncset.done $0x0  }
.Ltmp4:
0xb8: {  	[sflag:s19] =	ssyncadd.s32 $0xFFFFE000;
	(pc) =	sbr.rel @p3 .LBB2_8-.Ltmp4, $4  }
0xb9: {  	[spmem:s1] =	stream.indirect.scatter.add.f32 [tilespmem:s15], [sflag:$0x5], $0x80, s28, s14, $0xb8;
	[tilespmem:$0x1F700] =	vst v63  }
0xba: {  	_ =	swait.ge [sflag:s24], $0x2000  }
0xbb: {  	[sflag:s24] =	ssyncset.done $0x0  }
0xbc: {  	[sflag:s24] =	ssyncadd.s32 $0xFFFFE000  }
.Ltmp5:
0xbd: {  	(pc) =	sbr.rel @p0 .LBB2_14-.Ltmp5, $3  }
0xbe: {  	_ =	sdelay $0x1  }
0xbf: {  	[bflag:$0x0] =	sbarrier.arrive $0xFFFF  }
0xc0: {  	s10 =	rddreg [dreg:$0x3]  }
.Ltmp6:
0xc1: {  	(pc) =	sbr.rel .LBB2_13-.Ltmp6, $2  }
0xc2: {  	_ =	sdelay $0x2  }
0xc3: {  	s0 =	rddreg [dreg:$0x5]  }
.LBB2_2:
0xc4: {  	s0 =	simm.s32 @!p0 $0x1C09;
	s2 =	rddreg [dreg:$0x7]  }
0xc5: {  	[spmem:s2], [sflag:s0] =	dma.local @!p0 [hbm:s5], $0x27100  }
0xc6: {  	s0 =	simm.s32 @!p0 $0x9  }
0xc7: {  	_ =	swait.ge @!p0 [sflag:s0], $0x27100  }
0xc8: {  	[sflag:s0] =	ssyncset.done @!p0 $0x0  }
0xc9: {  	[sflag:s0] =	ssyncadd.s32 @!p0 $0xFFFD8F00  }
0xca: {  	s30 =	simm.s32 $0x0;
	s0 =	simm.s32 $0x0;
	[bflag:$0x0] =	sbarrier.arrive $0xFFFF  }
.LBB2_3:
0xcb: {  	s10 =	smul.u32 $0x7D, s0;
	_ =	sdelay $0x1  }
0xcc: {  	s10 =	sadd.s32 s8, s10  }
0xcd: {  	s10 =	sshll.u32 s10, $0x3  }
0xce: {  	s11 =	sadd.s32 s3, s10  }
0xcf: {  	[tilespmem:s30], [sflag:$0x9] =	stream.linear.gather [hbm4b:s11+s30], $0x1F40, $0x38;
	[tilespmem:$0x1F700] =	vst v63  }
0xd0: {  	_ =	swait.ge [sflag:s12], $0x1F40  }
0xd1: {  	[sflag:s12] =	ssyncset.done $0x0  }
0xd2: {  	s10 =	sadd.s32 s4, s10;
	[sflag:s12] =	ssyncadd.s32 $0xFFFFE0C0  }
0xd3: {  	[tilespmem:s13], [sflag:$0x9] =	stream.linear.gather [hbm4b:s10+s30], $0x1F40, $0x38;
	[tilespmem:$0x1F700] =	vst v63  }
0xd4: {  	_ =	swait.ge [sflag:s12], $0x1F40  }
0xd5: {  	[sflag:s12] =	ssyncset.done $0x0  }
0xd6: {  	[sflag:s12] =	ssyncadd.s32 $0xFFFFE0C0  }
0xd7: {  	[tilespmem:s15], [sflag:$0x1] =	stream.indirect.gather [hbm4b:s5+s14], $0x80, s30, s14, $0xb8;
	[tilespmem:$0x1F700] =	vst v63  }
0xd8: {  	_ = 	snop  }
0xd9: {  	[tilespmem:s16], [sflag:$0x2] =	stream.indirect.gather [hbm4b:s5+s14], $0x80, s14, s14, $0xb8;
	[tilespmem:$0x1F700] =	vst v63  }
0xda: {  	s2 =	simm.s32 $0x80  }
0xdb: {  	[tilespmem:s18], [sflag:$0x3] =	stream.indirect.gather [hbm4b:s5+s14], $0x80, s2, s14, $0xb8;
	[tilespmem:$0x1F700] =	vst v63  }
0xdc: {  	_ =	swait.ge [sflag:s19], $0x2000  }
0xdd: {  	[sflag:s19] =	ssyncset.done $0x0  }
0xde: {  	[sflag:s19] =	ssyncadd.s32 $0xFFFFE000  }
0xdf: {  	[spmem:s1] =	stream.indirect.scatter.add.f32 [tilespmem:s15], [sflag:$0x5], $0x80, s13, s14, $0xb8;
	[tilespmem:$0x1F700] =	vst v63  }
0xe0: {  	s11 =	simm.s32 $0xC0  }
0xe1: {  	[tilespmem:s21], [sflag:$0x4] =	stream.indirect.gather [hbm4b:s5+s14], $0x80, s11, s14, $0xb8;
	[tilespmem:$0x1F700] =	vst v63  }
0xe2: {  	_ =	swait.ge [sflag:s22], $0x2000  }
0xe3: {  	[sflag:s22] =	ssyncset.done $0x0  }
0xe4: {  	s10 =	simm.s32 $0x1F80;
	[sflag:s22] =	ssyncadd.s32 $0xFFFFE000  }
0xe5: {  	[spmem:s1] =	stream.indirect.scatter.add.f32 [tilespmem:s16], [sflag:$0x6], $0x80, s10, s14, $0xb8;
	[tilespmem:$0x1F700] =	vst v63  }
0xe6: {  	_ =	swait.ge [sflag:s24], $0x2000  }
0xe7: {  	[sflag:s24] =	ssyncset.done $0x0  }
0xe8: {  	s11 =	simm.s32 $0x100;
	[sflag:s24] =	ssyncadd.s32 $0xFFFFE000  }
0xe9: {  	[tilespmem:s15], [sflag:$0x1] =	stream.indirect.gather [hbm4b:s5+s14], $0x80, s11, s14, $0xb8;
	[tilespmem:$0x1F700] =	vst v63  }
0xea: {  	_ =	swait.ge [sflag:s26], $0x2000  }
0xeb: {  	[sflag:s26] =	ssyncset.done $0x0  }
0xec: {  	s10 =	simm.s32 $0x1FC0;
	[sflag:s26] =	ssyncadd.s32 $0xFFFFE000  }
0xed: {  	[spmem:s1] =	stream.indirect.scatter.add.f32 [tilespmem:s18], [sflag:$0x7], $0x80, s10, s14, $0xb8;
	[tilespmem:$0x1F700] =	vst v63  }
0xee: {  	_ =	swait.ge [sflag:s29], $0x2000  }
0xef: {  	[sflag:s29] =	ssyncset.done $0x0  }
0xf0: {  	s11 =	simm.s32 $0x140;
	[sflag:s29] =	ssyncadd.s32 $0xFFFFE000  }
0xf1: {  	[tilespmem:s16], [sflag:$0x2] =	stream.indirect.gather [hbm4b:s5+s14], $0x80, s11, s14, $0xb8;
	[tilespmem:$0x1F700] =	vst v63  }
0xf2: {  	_ =	swait.ge [sflag:s31], $0x2000  }
0xf3: {  	[sflag:s31] =	ssyncset.done $0x0  }
0xf4: {  	s10 =	simm.s32 $0x2000;
	[sflag:s31] =	ssyncadd.s32 $0xFFFFE000  }
0xf5: {  	[spmem:s1] =	stream.indirect.scatter.add.f32 [tilespmem:s21], [sflag:$0x8], $0x80, s10, s14, $0xb8;
	[tilespmem:$0x1F700] =	vst v63  }
0xf6: {  	_ =	swait.ge [sflag:s9], $0x2000  }
0xf7: {  	[sflag:s9] =	ssyncset.done $0x0  }
0xf8: {  	s11 =	simm.s32 $0x180;
	[sflag:s9] =	ssyncadd.s32 $0xFFFFE000  }
0xf9: {  	[tilespmem:s18], [sflag:$0x3] =	stream.indirect.gather [hbm4b:s5+s14], $0x80, s11, s14, $0xb8;
	[tilespmem:$0x1F700] =	vst v63  }
0xfa: {  	_ =	swait.ge [sflag:s19], $0x2000  }
0xfb: {  	[sflag:s19] =	ssyncset.done $0x0  }
0xfc: {  	s2 =	simm.s32 $0x2040;
	[sflag:s19] =	ssyncadd.s32 $0xFFFFE000  }
0xfd: {  	[spmem:s1] =	stream.indirect.scatter.add.f32 [tilespmem:s15], [sflag:$0x5], $0x80, s2, s14, $0xb8;
	[tilespmem:$0x1F700] =	vst v63  }
0xfe: {  	_ =	swait.ge [sflag:s7], $0x2000  }
0xff: {  	[sflag:s7] =	ssyncset.done $0x0  }
0x100: {  	s11 =	simm.s32 $0x1C0;
	[sflag:s7] =	ssyncadd.s32 $0xFFFFE000  }
0x101: {  	[tilespmem:s21], [sflag:$0x4] =	stream.indirect.gather [hbm4b:s5+s14], $0x80, s11, s14, $0xb8;
	[tilespmem:$0x1F700] =	vst v63  }
0x102: {  	_ =	swait.ge [sflag:s22], $0x2000  }
0x103: {  	[sflag:s22] =	ssyncset.done $0x0  }
0x104: {  	s2 =	simm.s32 $0x2080;
	[sflag:s22] =	ssyncadd.s32 $0xFFFFE000  }
0x105: {  	[spmem:s1] =	stream.indirect.scatter.add.f32 [tilespmem:s16], [sflag:$0x6], $0x80, s2, s14, $0xb8;
	[tilespmem:$0x1F700] =	vst v63  }
0x106: {  	_ =	swait.ge [sflag:s24], $0x2000  }
0x107: {  	[sflag:s24] =	ssyncset.done $0x0  }
0x108: {  	s11 =	simm.s32 $0x200;
	[sflag:s24] =	ssyncadd.s32 $0xFFFFE000  }
0x109: {  	[tilespmem:s15], [sflag:$0x1] =	stream.indirect.gather [hbm4b:s5+s14], $0x80, s11, s14, $0xb8;
	[tilespmem:$0x1F700] =	vst v63  }
0x10a: {  	_ =	swait.ge [sflag:s26], $0x2000  }
0x10b: {  	[sflag:s26] =	ssyncset.done $0x0  }
0x10c: {  	s2 =	simm.s32 $0x20C0;
	[sflag:s26] =	ssyncadd.s32 $0xFFFFE000  }
0x10d: {  	[spmem:s1] =	stream.indirect.scatter.add.f32 [tilespmem:s18], [sflag:$0x7], $0x80, s2, s14, $0xb8;
	[tilespmem:$0x1F700] =	vst v63  }
0x10e: {  	_ =	swait.ge [sflag:s29], $0x2000  }
0x10f: {  	[sflag:s29] =	ssyncset.done $0x0  }
0x110: {  	s11 =	simm.s32 $0x240;
	[sflag:s29] =	ssyncadd.s32 $0xFFFFE000  }
0x111: {  	[tilespmem:s16], [sflag:$0x2] =	stream.indirect.gather [hbm4b:s5+s14], $0x80, s11, s14, $0xb8;
	[tilespmem:$0x1F700] =	vst v63  }
0x112: {  	_ =	swait.ge [sflag:s31], $0x2000  }
0x113: {  	[sflag:s31] =	ssyncset.done $0x0  }
0x114: {  	s10 =	simm.s32 $0x400;
	s11 =	simm.s32 $0x2100;
	[sflag:s31] =	ssyncadd.s32 $0xFFFFE000  }
.LBB2_4:
0x115: {  	[spmem:s1] =	stream.indirect.scatter.add.f32 [tilespmem:s21], [sflag:$0x8], $0x80, s11, s14, $0xb8;
	[tilespmem:$0x1F700] =	vst v63  }
0x116: {  	s11 =	smov.u32 s10  }
0x117: {  	p3 =	sne.s32 s10, $0x7000;
	s10 =	sadd.s32 $0x400, s10;
	_ =	swait.ge [sflag:s9], $0x2000  }
0x118: {  	s11 =	sshra.s32 s11, $0x2;
	[sflag:s9] =	ssyncset.done $0x0  }
0x119: {  	s2 =	sadd.s32 $0x180, s11;
	[sflag:s9] =	ssyncadd.s32 $0xFFFFE000  }
0x11a: {  	[tilespmem:s18], [sflag:$0x3] =	stream.indirect.gather [hbm4b:s5+s14], $0x80, s2, s14, $0xb8;
	[tilespmem:$0x1F700] =	vst v63  }
0x11b: {  	_ =	swait.ge [sflag:s19], $0x2000  }
0x11c: {  	[sflag:s19] =	ssyncset.done $0x0  }
0x11d: {  	s2 =	sadd.s32 $0x2040, s11;
	[sflag:s19] =	ssyncadd.s32 $0xFFFFE000  }
0x11e: {  	[spmem:s1] =	stream.indirect.scatter.add.f32 [tilespmem:s15], [sflag:$0x5], $0x80, s2, s14, $0xb8;
	[tilespmem:$0x1F700] =	vst v63  }
0x11f: {  	_ =	swait.ge [sflag:s7], $0x2000  }
0x120: {  	[sflag:s7] =	ssyncset.done $0x0  }
0x121: {  	s2 =	sadd.s32 $0x1C0, s11;
	[sflag:s7] =	ssyncadd.s32 $0xFFFFE000  }
0x122: {  	[tilespmem:s21], [sflag:$0x4] =	stream.indirect.gather [hbm4b:s5+s14], $0x80, s2, s14, $0xb8;
	[tilespmem:$0x1F700] =	vst v63  }
0x123: {  	_ =	swait.ge [sflag:s22], $0x2000  }
0x124: {  	[sflag:s22] =	ssyncset.done $0x0  }
0x125: {  	s2 =	sadd.s32 $0x2080, s11;
	[sflag:s22] =	ssyncadd.s32 $0xFFFFE000  }
0x126: {  	[spmem:s1] =	stream.indirect.scatter.add.f32 [tilespmem:s16], [sflag:$0x6], $0x80, s2, s14, $0xb8;
	[tilespmem:$0x1F700] =	vst v63  }
0x127: {  	_ =	swait.ge [sflag:s24], $0x2000  }
0x128: {  	[sflag:s24] =	ssyncset.done $0x0  }
0x129: {  	s2 =	sadd.s32 $0x200, s11;
	[sflag:s24] =	ssyncadd.s32 $0xFFFFE000  }
0x12a: {  	[tilespmem:s15], [sflag:$0x1] =	stream.indirect.gather [hbm4b:s5+s14], $0x80, s2, s14, $0xb8;
	[tilespmem:$0x1F700] =	vst v63  }
0x12b: {  	_ =	swait.ge [sflag:s26], $0x2000  }
0x12c: {  	[sflag:s26] =	ssyncset.done $0x0  }
0x12d: {  	s2 =	sadd.s32 $0x20C0, s11;
	[sflag:s26] =	ssyncadd.s32 $0xFFFFE000  }
0x12e: {  	[spmem:s1] =	stream.indirect.scatter.add.f32 [tilespmem:s18], [sflag:$0x7], $0x80, s2, s14, $0xb8;
	[tilespmem:$0x1F700] =	vst v63  }
0x12f: {  	_ =	swait.ge [sflag:s29], $0x2000  }
0x130: {  	[sflag:s29] =	ssyncset.done $0x0  }
.Ltmp7:
0x131: {  	s2 =	sadd.s32 $0x240, s11;
	[sflag:s29] =	ssyncadd.s32 $0xFFFFE000;
	(pc) =	sbr.rel @p3 .LBB2_4-.Ltmp7, $4  }
0x132: {  	[tilespmem:s16], [sflag:$0x2] =	stream.indirect.gather [hbm4b:s5+s14], $0x80, s2, s14, $0xb8;
	[tilespmem:$0x1F700] =	vst v63  }
0x133: {  	_ =	swait.ge [sflag:s31], $0x2000  }
0x134: {  	[sflag:s31] =	ssyncset.done $0x0  }
0x135: {  	s11 =	sadd.s32 $0x2100, s11;
	[sflag:s31] =	ssyncadd.s32 $0xFFFFE000  }
0x136: {  	[spmem:s1] =	stream.indirect.scatter.add.f32 [tilespmem:s21], [sflag:$0x8], $0x80, s11, s14, $0xb8;
	[tilespmem:$0x1F700] =	vst v63  }
0x137: {  	_ =	swait.ge [sflag:s9], $0x2000  }
0x138: {  	[sflag:s9] =	ssyncset.done $0x0  }
0x139: {  	s2 =	simm.s32 $0x1E80;
	[sflag:s9] =	ssyncadd.s32 $0xFFFFE000  }
0x13a: {  	[tilespmem:s18], [sflag:$0x3] =	stream.indirect.gather [hbm4b:s5+s14], $0x80, s2, s14, $0xb8;
	[tilespmem:$0x1F700] =	vst v63  }
0x13b: {  	_ =	swait.ge [sflag:s19], $0x2000  }
0x13c: {  	[sflag:s19] =	ssyncset.done $0x0  }
0x13d: {  	s10 =	simm.s32 $0x3D40;
	[sflag:s19] =	ssyncadd.s32 $0xFFFFE000  }
0x13e: {  	[spmem:s1] =	stream.indirect.scatter.add.f32 [tilespmem:s15], [sflag:$0x5], $0x80, s10, s14, $0xb8;
	[tilespmem:$0x1F700] =	vst v63  }
0x13f: {  	_ =	swait.ge [sflag:s7], $0x2000  }
0x140: {  	[sflag:s7] =	ssyncset.done $0x0  }
0x141: {  	s11 =	simm.s32 $0x1EC0;
	[sflag:s7] =	ssyncadd.s32 $0xFFFFE000  }
0x142: {  	[tilespmem:s21], [sflag:$0x4] =	stream.indirect.gather [hbm4b:s5+s14], $0x80, s11, s14, $0xb8;
	[tilespmem:$0x1F700] =	vst v63  }
0x143: {  	_ =	swait.ge [sflag:s22], $0x2000  }
0x144: {  	[sflag:s22] =	ssyncset.done $0x0  }
0x145: {  	[sflag:s22] =	ssyncadd.s32 $0xFFFFE000  }
0x146: {  	[spmem:s1] =	stream.indirect.scatter.add.f32 [tilespmem:s16], [sflag:$0x6], $0x80, s17, s14, $0xb8;
	[tilespmem:$0x1F700] =	vst v63  }
0x147: {  	_ =	swait.ge [sflag:s26], $0x2000  }
0x148: {  	[sflag:s26] =	ssyncset.done $0x0  }
0x149: {  	[sflag:s26] =	ssyncadd.s32 $0xFFFFE000  }
0x14a: {  	[spmem:s1] =	stream.indirect.scatter.add.f32 [tilespmem:s18], [sflag:$0x7], $0x80, s20, s14, $0xb8;
	[tilespmem:$0x1F700] =	vst v63  }
0x14b: {  	_ =	swait.ge [sflag:s31], $0x2000  }
0x14c: {  	[sflag:s31] =	ssyncset.done $0x0  }
0x14d: {  	[sflag:s31] =	ssyncadd.s32 $0xFFFFE000  }
0x14e: {  	[spmem:s1] =	stream.indirect.scatter.add.f32 [tilespmem:s21], [sflag:$0x8], $0x80, s23, s14, $0xb8;
	[tilespmem:$0x1F700] =	vst v63  }
0x14f: {  	_ =	swait.ge [sflag:s24], $0x2000  }
0x150: {  	[sflag:s24] =	ssyncset.done $0x0  }
0x151: {  	[sflag:s24] =	ssyncadd.s32 $0xFFFFE000  }
0x152: {  	_ =	swait.ge [sflag:s29], $0x2000  }
0x153: {  	[sflag:s29] =	ssyncset.done $0x0  }
0x154: {  	[sflag:s29] =	ssyncadd.s32 $0xFFFFE000  }
0x155: {  	_ =	swait.ge [sflag:s9], $0x2000  }
0x156: {  	[sflag:s9] =	ssyncset.done $0x0  }
0x157: {  	[sflag:s9] =	ssyncadd.s32 $0xFFFFE000  }
0x158: {  	_ =	swait.ge [sflag:s7], $0x2000  }
0x159: {  	[sflag:s7] =	ssyncset.done $0x0  }
0x15a: {  	[sflag:s7] =	ssyncadd.s32 $0xFFFFE000  }
0x15b: {  	[tilespmem:s15], [sflag:$0x1] =	stream.indirect.gather [hbm4b:s5+s14], $0x80, s25, s14, $0xb8;
	[tilespmem:$0x1F700] =	vst v63  }
0x15c: {  	s0 =	sadd.s32 $0x1, s0;
	_ =	swait.ge [sflag:s19], $0x2000  }
0x15d: {  	p3 =	sne.s32 s0, $0x5;
	[sflag:s19] =	ssyncset.done $0x0  }
.Ltmp8:
0x15e: {  	[sflag:s19] =	ssyncadd.s32 $0xFFFFE000;
	(pc) =	sbr.rel @p3 .LBB2_3-.Ltmp8, $4  }
0x15f: {  	[spmem:s1] =	stream.indirect.scatter.add.f32 [tilespmem:s15], [sflag:$0x5], $0x80, s28, s14, $0xb8;
	[tilespmem:$0x1F700] =	vst v63  }
0x160: {  	_ =	swait.ge [sflag:s24], $0x2000  }
0x161: {  	[sflag:s24] =	ssyncset.done $0x0  }
0x162: {  	[sflag:s24] =	ssyncadd.s32 $0xFFFFE000  }
.Ltmp9:
0x163: {  	(pc) =	sbr.rel @!p2 .LBB2_14-.Ltmp9, $4  }
.Ltmp10:
0x164: {  	(pc) =	sbr.rel @p2 .LBB2_13-.Ltmp10, $4  }
0x165: {  	[bflag:$0x0] =	sbarrier.arrive $0xFFFF  }
0x166: {  	s0 =	rddreg [dreg:$0x4]  }
0x167: {  	s10 =	rddreg [dreg:$0x3]  }
0x168: {  	_ = 	snop  }
.LBB2_15:
0x169: {  	_ =	sfence.sel $0x180000  }
0x16a: {  	[bflag:$0x0] =	sbarrier.arrive $0xFFFF  }
0x16b: {  	_ =	strace $0x9000004D  }
0x16c: {  	[bflag:$0x2] =	sbarrier.arrive $0xFFFF  }
0x16d: {  	s0 =	rddreg [dreg:$0x2]  }
0x16e: {  	s0 =	sadd.s32 @!p0 $0x100000, s0  }
0x16f: {  	[sflag:s0] =	ssyncadd.tile.s32 @!p0 $0x1;
	_ =	shalt  }
.Lfunc_end2:
_tile_overlayer_lowered:
.L_overlay_start_2:
0x170: {  	(tag) =	ssettag $0x2  }
0x171: {  	s0 =	rddreg [dreg:$0x0];
	s2 =	stileid.u32  }
0x172: {  	s1 =	rddreg [dreg:$0x1];
	p0 =	sne.s32 s2, $0x0  }
0x173: {  	s3 =	rddreg [dreg:$0x2];
	[bflag:$0x3] =	sbarrier.arrive $0xFFFF;
	s2 =	simm.s32 @!p0 $0x1C09  }
0x174: {  	[timem:s3], [sflag:s2] =	dma.local @!p0 [hbm:s0], s1  }
0x175: {  	s0 =	simm.s32 @!p0 $0x9  }
0x176: {  	_ =	swait.ge @!p0 [sflag:s0], s1  }
0x177: {  	s1 =	ssub.s32 @!p0 $0x0, s1;
	[sflag:s0] =	ssyncset.done @!p0 $0x0  }
0x178: {  	[sflag:s0] =	ssyncadd.s32 @!p0 s1  }
0x179: {  	[bflag:$0x3] =	sbarrier.arrive $0xFFFF  }
0x17a: {  	_ =	shalt  }

// kernel: kernel.8.cloned.1.call-start
scs
__scs_entry_jumppad:
0x0: {  	(pc) =	sbr.rel $0x88, $3  }
0x1: {  	(tag) =	ssettag $0x0;
	lr =	simm.s32 $0x1  }
0x2: {  	[smem:$0x3F88] =	sst lr;
	_ =	strace $0xD0000000  }
0x3: {  	_ = 	snop  }
0x4: {  	_ = 	snop  }
0x5: {  	_ = 	snop  }
0x6: {  	_ = 	snop  }
0x7: {  	_ = 	snop  }
__scs_overlays_trampoline_lowered:
0x8: {  	[smem:$0x3F97] =	sst s0  }
0x9: {  	[smem:$0x3F98] =	sst s1  }
0xa: {  	[smem:$0x3F99] =	sst s2  }
0xb: {  	[smem:$0x3F9A] =	sst s3  }
0xc: {  	[smem:$0x3F9B] =	sst s4  }
0xd: {  	[smem:$0x3F9C] =	sst s5  }
0xe: {  	[smem:$0x3F9D] =	sst s6  }
0xf: {  	[smem:$0x3F9E] =	sst s7  }
0x10: {  	[smem:$0x3F9F] =	sst s8  }
0x11: {  	[smem:$0x3FA0] =	sst s9;
	s0 =	simm.s32 @!p0 $0x0  }
0x12: {  	s1 =	sld [smem:$0x3F86];
	s0 =	simm.s32 @p0 $0x1  }
0x13: {  	[smem:$0x3FA1] =	sst s0;
	s0 =	simm.s32 @!p1 $0x0  }
0x14: {  	s2 =	sld [smem:$0x3F85];
	s0 =	simm.s32 @p1 $0x1  }
0x15: {  	[smem:$0x3FA2] =	sst s0;
	s0 =	simm.s32 @!p2 $0x0  }
0x16: {  	s3 =	sld [smem:$0x3FDB];
	s0 =	simm.s32 @p2 $0x1  }
0x17: {  	s4 =	simm.s32 $0x1BF5;
	[smem:$0x3FA4] =	sst s0  }
0x18: {  	s0 =	sld [smem:$0x3F87];
	_ =	swait.ge [sflag:s4], $0x0  }
0x19: {  	s7 =	sld [smem:$0x3F88]  }
0x1a: {  	s8 =	sadd.s32 $0xFFFFE003, lr  }
0x1b: {  	s9 =	sadd.s32 $0xFFFFFEF7, lr;
	s5 =	simm.s32 $0xFFFFFFFF;
	p2 =	slt.u32 s8, $0xFFFFF086  }
0x1c: {  	p1 =	slt.u32 s9, $0xF7A;
	s5 =	simm.s32 @!p2 $0x0  }
0x1d: {  	s5 =	simm.s32 @p1 $0x1;
	p0 =	seq.s32 s7, s2  }
0x1e: {  	s7 =	smul.u32 @!p0 $0xF7A, s2;
	p2 =	seq.s32 @!p0 s5, $0x0  }
0x1f: {  	s9 =	smul.u32 $0xF7A, s1;
	s8 =	simm.s32 @!p0 $0x1BF5;
	p2 =	por !p2, p0  }
0x20: {  	[sflag:s8] =	ssyncset.s32 @!p0 $0xFFFFF086;
	s6 =	sadd.s32 @!p0 s3, s7;
	s7 =	simm.s32 @!p0 $0x108  }
0x21: {  	s3 =	sadd.s32 s3, s9;
	s6 =	sadd.s32 @!p0 $0x88, s6;
	s7 =	simm.s32 @p2 $0x1082  }
0x22: {  	[simem:s7], [sflag:s8] =	dma.local @!p0 [hbm:s6], $0xF7A  }
0x23: {  	s9 =	sor.u32 $0xD0000000, s2;
	s6 =	simm.s32 $0x108;
	_ =	swait.ge @!p0 [sflag:s8], $0x0  }
0x24: {  	s3 =	sadd.s32 $0x88, s3;
	s6 =	simm.s32 @!p1 $0x1082;
	[sflag:s4] =	ssyncset.s32 $0xFFFFF086  }
0x25: {  	[simem:s6], [sflag:s4] =	dma.local [hbm:s3], $0xF7A  }
0x26: {  	[smem:$0x3F88] =	sst s1;
	(tag) =	ssettag s2;
	_ =	strace s9  }
0x27: {  	s1 =	sld [smem:$0x3F98]  }
0x28: {  	s2 =	sld [smem:$0x3F99]  }
0x29: {  	s4 =	sld [smem:$0x3F9B]  }
0x2a: {  	p0 =	seq.s32 s5, $0x0;
	s5 =	sld [smem:$0x3F9C]  }
0x2b: {  	s6 =	sld [smem:$0x3F9D]  }
0x2c: {  	s7 =	sld [smem:$0x3F9E]  }
0x2d: {  	s3 =	simm.s32 $0x108;
	s8 =	sld [smem:$0x3F9F]  }
0x2e: {  	s3 =	simm.s32 @!p0 $0x1082;
	s9 =	sld [smem:$0x3FA0]  }
0x2f: {  	lr =	sadd.s32 s0, s3;
	s0 =	sld [smem:$0x3F97]  }
0x30: {  	s3 =	sld [smem:$0x3F9A]  }
0x31: {  	[smem:$0x3FA3] =	sst s10  }
0x32: {  	s10 =	sld [smem:$0x3FA1];
	_ =	sdelay $0x3  }
0x33: {  	p0 =	seq.s32 s10, $0x1;
	s10 =	sld [smem:$0x3FA3];
	_ =	sdelay $0x3  }
0x34: {  	[smem:$0x3FA3] =	sst s10  }
0x35: {  	s10 =	sld [smem:$0x3FA2];
	_ =	sdelay $0x3  }
0x36: {  	p1 =	seq.s32 s10, $0x1;
	s10 =	sld [smem:$0x3FA3];
	_ =	sdelay $0x3  }
0x37: {  	[smem:$0x3FA3] =	sst s10  }
0x38: {  	s10 =	sld [smem:$0x3FA4]  }
0x39: {  	_ = 	snop;
	(pc) =	sbr.ind lr, $3  }
0x3a: {  	_ = 	snop  }
0x3b: {  	_ = 	snop  }
0x3c: {  	p2 =	seq.s32 s10, $0x1;
	s10 =	sld [smem:$0x3FA3]  }
0x3d: {  	_ =	shalt  }
0x3e: {  	_ =	shalt  }
0x3f: {  	_ =	shalt  }
0x40: {  	_ =	shalt  }
0x41: {  	_ =	shalt  }
0x42: {  	_ =	shalt  }
0x43: {  	_ =	shalt  }
0x44: {  	_ =	shalt  }
0x45: {  	_ =	shalt  }
0x46: {  	_ =	shalt  }
0x47: {  	_ =	shalt  }
0x48: {  	_ =	shalt  }
0x49: {  	_ =	shalt  }
0x4a: {  	_ =	shalt  }
0x4b: {  	_ =	shalt  }
0x4c: {  	_ =	shalt  }
0x4d: {  	_ =	shalt  }
0x4e: {  	_ =	shalt  }
0x4f: {  	_ =	shalt  }
0x50: {  	_ =	shalt  }
0x51: {  	_ =	shalt  }
0x52: {  	_ =	shalt  }
0x53: {  	_ =	shalt  }
0x54: {  	_ =	shalt  }
0x55: {  	_ =	shalt  }
0x56: {  	_ =	shalt  }
0x57: {  	_ =	shalt  }
0x58: {  	_ =	shalt  }
0x59: {  	_ =	shalt  }
0x5a: {  	_ =	shalt  }
0x5b: {  	_ =	shalt  }
0x5c: {  	_ =	shalt  }
0x5d: {  	_ =	shalt  }
0x5e: {  	_ =	shalt  }
0x5f: {  	_ =	shalt  }
0x60: {  	_ =	shalt  }
0x61: {  	_ =	shalt  }
0x62: {  	_ =	shalt  }
0x63: {  	_ =	shalt  }
0x64: {  	_ =	shalt  }
0x65: {  	_ =	shalt  }
0x66: {  	_ =	shalt  }
0x67: {  	_ =	shalt  }
0x68: {  	_ =	shalt  }
0x69: {  	_ =	shalt  }
0x6a: {  	_ =	shalt  }
0x6b: {  	_ =	shalt  }
0x6c: {  	_ =	shalt  }
0x6d: {  	_ =	shalt  }
0x6e: {  	_ =	shalt  }
0x6f: {  	_ =	shalt  }
0x70: {  	_ =	shalt  }
0x71: {  	_ =	shalt  }
0x72: {  	_ =	shalt  }
0x73: {  	_ =	shalt  }
0x74: {  	_ =	shalt  }
0x75: {  	_ =	shalt  }
0x76: {  	_ =	shalt  }
0x77: {  	_ =	shalt  }
0x78: {  	_ =	shalt  }
0x79: {  	_ =	shalt  }
0x7a: {  	_ =	shalt  }
0x7b: {  	_ =	shalt  }
0x7c: {  	_ =	shalt  }
0x7d: {  	_ =	shalt  }
0x7e: {  	_ =	shalt  }
0x7f: {  	_ =	shalt  }
0x80: {  	_ =	shalt  }
0x81: {  	_ =	shalt  }
0x82: {  	_ =	shalt  }
0x83: {  	_ =	shalt  }
0x84: {  	_ =	shalt  }
0x85: {  	_ =	shalt  }
0x86: {  	_ =	shalt  }
0x87: {  	_ =	shalt  }
.Lfunc_end0:
.L_simem_size_0:
called_computation_lowered:
.L_overlay_start_0:
0x88: {  	s2 =	sld [smem:$0x3FD9]  }
0x89: {  	s3 =	sld [smem:$0x3FFE];
	_ =	sdelay $0x1  }
0x8a: {  	s1 =	srdreg.scid  }
0x8b: {  	s0 =	sand.u32 $0x1, s1  }
0x8c: {  	s16 =	sshll.u32 s0, $0xA;
	s2 =	sadd.s32 s3, s2  }
0x8d: {  	s2 =	sadd.s32 s2, s16  }
0x8e: {  	[smem:$0x3FAF] =	sst s2  }
0x8f: {  	_ = 	snop  }
0x90: {  	(tm) =	ssettm $0x1  }
0x91: {  	s17 =	sld [smem:$0x3FFB];
	_ =	sdelay $0x3  }
0x92: {  	_ =	strace s17  }
0x93: {  	s2 =	sld [smem:$0x3FFC];
	_ =	sdelay $0x3  }
0x94: {  	_ =	strace s2  }
0x95: {  	s2 =	sld [smem:$0x3FFD];
	_ =	sdelay $0x3  }
0x96: {  	_ =	strace s2  }
0x97: {  	_ =	strace $0x8FFFFFFF  }
0x98: {  	s18 =	sld [smem:$0x3FDB];
	_ =	sdelay $0x1  }
0x99: {  	s19 =	simm.s32 $_scs_section_size  }
0x9a: {  	s4 =	simm.s32 $_size__tile_overlayer_lowered;
	s5 =	simm.s32 $_tile_overlayer_lowered  }
0x9b: {  	s22 =	simm.s32 $0x1BFF;
	s21 =	sshll.u32 s5, $0x1;
	s2 =	sadd.s32 s19, s18  }
0x9c: {  	s6 =	simm.s32 $0x0;
	s20 =	sshll.u32 s4, $0x1;
	s4 =	sadd.s32 s21, s2  }
0x9d: {  	[timem:s6], [sflag:s22] =	dma.local [hbm:s4], s20  }
0x9e: {  	_ =	swait.ge [sflag:s22], s20  }
0x9f: {  	s3 =	ssub.s32 $0x0, s20;
	[sflag:s22] =	ssyncset.done $0x0  }
0xa0: {  	[sflag:s22] =	ssyncadd.s32 s3;
	_ =	sdelay $0x1  }
0xa1: {  	s23 =	simm.s32 $0x1B8B  }
0xa2: {  	_ =	swait.ge [sflag:s23], $0x1  }
0xa3: {  	[sflag:s23] =	ssyncset.done $0x0  }
0xa4: {  	s25 =	simm.s32 $0x1B8E;
	s24 =	sld [smem:$0x3FFE];
	[sflag:s23] =	ssyncadd.s32 $0xFFFFFFFF  }
0xa5: {  	s26 =	simm.s32 $execute0_lowered;
	[smem:$0x3FD2] =	sst s25  }
0xa6: {  	s4 =	sshll.u32 s26, $0x1;
	_ =	strace $0x80000046;
	[dreg:$0x1] =	wrdreg $0xFFFFFFFF  }
0xa7: {  	s28 =	simm.s32 $_size_execute0_lowered;
	s2 =	sadd.s32 s2, s4;
	[dreg:$0x0] =	wrdreg $0x0  }
0xa8: {  	s4 =	sshll.u32 s28, $0x1;
	[dreg:$0x2] =	wrdreg s2  }
0xa9: {  	[dreg:$0x3] =	wrdreg s4  }
0xaa: {  	[dreg:$0x4] =	wrdreg $0xC0  }
0xab: {  	_ =	task [dreg:s6], $0x5FFFF  }
0xac: {  	[dreg:$0x1] =	wrdreg $0xFFFFFFFF  }
0xad: {  	[dreg:$0x0] =	wrdreg $0x60  }
0xae: {  	[dreg:$0x2] =	wrdreg s24  }
0xaf: {  	[dreg:$0x3] =	wrdreg $0x17C00  }
0xb0: {  	[dreg:$0x4] =	wrdreg $0x9  }
0xb1: {  	_ =	task.clear_ibuf [dreg:s6], $0x5FFFF;
	_ =	strace $0x90000046  }
0xb2: {  	s29 =	simm.s32 $0x9;
	_ =	strace $0x80000048  }
0xb3: {  	_ =	swait.ge [sflag:s29], $0x1  }
0xb4: {  	[sflag:s29] =	ssyncadd.s32 $0xFFFFFFFF  }
0xb5: {  	_ =	strace $0x90000048  }
0xb6: {  	_ =	sfence  }
0xb7: {  	s30 =	sld [smem:$0x0];
	_ =	sdelay $0x2  }
0xb8: {  	s31 =	sshll.u32 s1, $0xD;
	s1 =	sshrl.u32 s1, $0x2  }
0xb9: {  	s3 =	sand.u32 $0x4000, s31;
	s1 =	sadd.s32 s1, s30  }
0xba: {  	s0 =	sor.u32 s3, s0;
	s1 =	sshll.u32 s1, $0x11  }
0xbb: {  	s0 =	sor.u32 s1, s0  }
0xbc: {  	s0 =	sadd.s32 $0x8F2B, s0  }
0xbd: {  	[sflag:s0] =	ssyncadd.remote.s32 $0x1  }
0xbe: {  	_ =	sfence.sel $0xFFFF  }
0xbf: {  	[dreg:$0x0] =	wrdreg $0xFFFFFFFF;
	(pc) =	sbr.abs _section_cstart, $3  }
0xc0: {  	[dreg:$0x1] =	wrdreg $0xFFFFFFFF  }
0xc1: {  	_ =	task.clear_ibuf [dreg:s6], $0x2FFFF;
	_ =	strace $0x9FFFFFFF  }
0xc2: {  	(tm) =	ssettm $0x7FFFFFFF  }
0xc3: {  	_ =	shalt  }
tec
execute0_lowered:
.L_overlay_start_1:
0x0: {  	(tag) =	ssettag $0x1  }
0x1: {  	s4 =	rddreg [dreg:$0x0]  }
0x2: {  	s1 =	rddreg [dreg:$0x1]  }
0x3: {  	s3 =	srdreg.scid;
	s0 =	rddreg [dreg:$0x2];
	s2 =	simm.s32 $0x0  }
0x4: {  	s11 =	stileid.u32;
	s12 =	simm.s32 $0x820;
	s13 =	simm.s32 $0x50  }
0x5: {  	s14 =	simm.s32 $0x7D0;
	s15 =	simm.s32 $0x1;
	s17 =	simm.s32 $0x0  }
0x6: {  	s5 =	sand.u32 $0x1, s3;
	[smem:$0x7FF] =	sst s2;
	s3 =	sadd.s32 $0x5600, s4  }
0x7: {  	p0 =	sne.s32 s11, $0x0;
	s6 =	smul.u32 $0x4E2, s5;
	_ =	strace $0x80000047  }
0x8: {  	s7 =	ssub.s32 $0x2, s5;
	s31 =	sshll.u32 s5, $0x4;
	s5 =	sadd.s32 $0xFA0, s1  }
0x9: {  	s16 =	sshrl.u32 @!p0 s1, $0x3;
	s30 =	sshrl.u32 s7, $0x1;
	s8 =	sor.u32 s11, s31  }
0xa: {  	s11 =	simm.s32 $0x2;
	s9 =	sadd.s32 s6, s4;
	s10 =	ssub.s32 s7, s30  }
0xb: {  	s4 =	sadd.s32 $0x7D0, s1;
	s6 =	sadd.s32 $0x1770, s1;
	s7 =	sadd.s32 $0x1F40, s1  }
0xc: {  	v0 =	vimm.f32 $0.0e+00;
	v1 =	vimm.f32 $1.000000000e+00;
	s8 =	smul.u32 $0xFA, s8;
	s9 =	sadd.s32 $0x2CA00, s9;
	s10 =	smax.u32 s10, $0x1  }
.LBB2_1:
.Ltmp0:
0xd: {  	(pc) =	sbr.rel @p0 .LBB2_5-.Ltmp0, $1  }
0xe: {  	_ =	sdelay $0x3  }
0xf: {  	s18 =	simm.s32 $0x40;
	s19 =	simm.s32 $0x0  }
.LBB2_3:
0x10: {  	p1 =	sne.s32 s18, $0x1F00;
	[tilespmem:s19+$0x0] =	vst v0;
	s19 =	smov.u32 s18;
	s18 =	sadd.s32 $0x40, s18  }
.Ltmp1:
0x11: {  	(pc) =	sbr.rel @p1 .LBB2_3-.Ltmp1, $2  }
0x12: {  	_ =	sdelay $0x2  }
0x13: {  	s19 =	sshra.s32 s19, $0x2  }
0x14: {  	[tilespmem:s19+$0x0] =	vst v0  }
0x15: {  	[spmem:s1] =	stream.linear.scatter [tilespmem:s2], [sflag:$0x2], $0x7D0, $0x38;
	[tilespmem:$0x1A38] =	vst v63  }
0x16: {  	_ =	swait.ge [sflag:s11], $0x7D0  }
0x17: {  	[sflag:s11] =	ssyncset.done $0x0  }
0x18: {  	[sflag:s11] =	ssyncadd.s32 $0xFFFFF830  }
0x19: {  	[spmem:s4] =	stream.linear.scatter [tilespmem:s2], [sflag:$0x2], $0x7D0, $0x38;
	[tilespmem:$0x1A38] =	vst v63  }
0x1a: {  	_ =	swait.ge [sflag:s11], $0x7D0  }
0x1b: {  	[sflag:s11] =	ssyncset.done $0x0  }
0x1c: {  	[sflag:s11] =	ssyncadd.s32 $0xFFFFF830  }
0x1d: {  	[spmem:s5] =	stream.linear.scatter [tilespmem:s2], [sflag:$0x2], $0x7D0, $0x38;
	[tilespmem:$0x1A38] =	vst v63  }
0x1e: {  	_ =	swait.ge [sflag:s11], $0x7D0  }
0x1f: {  	[sflag:s11] =	ssyncset.done $0x0  }
0x20: {  	[sflag:s11] =	ssyncadd.s32 $0xFFFFF830  }
0x21: {  	[spmem:s6] =	stream.linear.scatter [tilespmem:s2], [sflag:$0x2], $0x7D0, $0x38;
	[tilespmem:$0x1A38] =	vst v63  }
0x22: {  	_ =	swait.ge [sflag:s11], $0x7D0  }
0x23: {  	[sflag:s11] =	ssyncset.done $0x0  }
0x24: {  	[sflag:s11] =	ssyncadd.s32 $0xFFFFF830  }
0x25: {  	[spmem:s7] =	stream.linear.scatter [tilespmem:s2], [sflag:$0x2], $0x7D0, $0x38;
	[tilespmem:$0x1A38] =	vst v63  }
0x26: {  	_ =	swait.ge [sflag:s11], $0x7D0  }
0x27: {  	[sflag:s11] =	ssyncset.done $0x0  }
0x28: {  	[sflag:s11] =	ssyncadd.s32 $0xFFFFF830  }
.LBB2_5:
0x29: {  	[tilespmem:$0x7D0] =	vst v1  }
0x2a: {  	[tilespmem:$0x7E0] =	vst v1  }
0x2b: {  	[tilespmem:$0x7F0] =	vst v1  }
0x2c: {  	[tilespmem:$0x800] =	vst v1  }
0x2d: {  	[tilespmem:$0x810] =	vst v1  }
0x2e: {  	s18 =	simm.s32 $0x0;
	s19 =	simm.s32 $0x0;
	[bflag:$0x0] =	sbarrier.arrive $0xFFFF  }
.LBB2_6:
0x2f: {  	s20 =	smul.u32 $0x32, s19;
	_ =	sdelay $0x1  }
0x30: {  	s20 =	sadd.s32 s8, s20  }
0x31: {  	s20 =	smul.u32 $0xA, s20;
	_ =	sdelay $0x1  }
0x32: {  	s20 =	sadd.s32 s3, s20  }
0x33: {  	[tilespmem:s12], [sflag:$0x2] =	stream.linear.gather [hbm4b:s20+s18], $0xFA0, $0x38;
	[tilespmem:$0x1A38] =	vst v63  }
0x34: {  	_ =	swait.ge [sflag:s11], $0xFA0  }
0x35: {  	[sflag:s11] =	ssyncset.done $0x0  }
0x36: {  	s26 =	simm.s32 $0x820;
	[sflag:s11] =	ssyncadd.s32 $0xFFFFF060  }
0x37: {  	[spmem:s1] =	stream.indirect.scatter.add.f32 [tilespmem:s14], [sflag:$0x1], $0x1, s26, s13, $0xb8;
	[tilespmem:$0x1A38] =	vst v63  }
0x38: {  	s28 =	simm.s32 $0x870  }
0x39: {  	[spmem:s1] =	stream.indirect.scatter.add.f32 [tilespmem:s14], [sflag:$0x1], $0x1, s28, s13, $0xb8;
	[tilespmem:$0x1A38] =	vst v63  }
0x3a: {  	s29 =	simm.s32 $0x8C0  }
0x3b: {  	[spmem:s1] =	stream.indirect.scatter.add.f32 [tilespmem:s14], [sflag:$0x1], $0x1, s29, s13, $0xb8;
	[tilespmem:$0x1A38] =	vst v63  }
0x3c: {  	s30 =	simm.s32 $0x910  }
0x3d: {  	[spmem:s1] =	stream.indirect.scatter.add.f32 [tilespmem:s14], [sflag:$0x1], $0x1, s30, s13, $0xb8;
	[tilespmem:$0x1A38] =	vst v63  }
0x3e: {  	s31 =	simm.s32 $0x960  }
0x3f: {  	[spmem:s1] =	stream.indirect.scatter.add.f32 [tilespmem:s14], [sflag:$0x1], $0x1, s31, s13, $0xb8;
	[tilespmem:$0x1A38] =	vst v63  }
0x40: {  	_ =	swait.ge [sflag:s15], $0x50  }
0x41: {  	[sflag:s15] =	ssyncset.done $0x0  }
0x42: {  	[sflag:s15] =	ssyncadd.s32 $0xFFFFFFB0  }
0x43: {  	_ =	swait.ge [sflag:s15], $0x50  }
0x44: {  	[sflag:s15] =	ssyncset.done $0x0  }
0x45: {  	[sflag:s15] =	ssyncadd.s32 $0xFFFFFFB0  }
0x46: {  	_ =	swait.ge [sflag:s15], $0x50  }
0x47: {  	[sflag:s15] =	ssyncset.done $0x0  }
0x48: {  	[sflag:s15] =	ssyncadd.s32 $0xFFFFFFB0  }
0x49: {  	_ =	swait.ge [sflag:s15], $0x50  }
0x4a: {  	[sflag:s15] =	ssyncset.done $0x0  }
0x4b: {  	[sflag:s15] =	ssyncadd.s32 $0xFFFFFFB0  }
0x4c: {  	_ =	swait.ge [sflag:s15], $0x50  }
0x4d: {  	s21 =	simm.s32 $0xC80;
	s20 =	simm.s32 $0x190;
	[sflag:s15] =	ssyncset.done $0x0  }
.LBB2_7:
0x4e: {  	s22 =	sadd.s32 $0x820, s20  }
0x4f: {  	[sflag:s15] =	ssyncadd.s32 $0xFFFFFFB0;
	s23 =	smov.u32 s21;
	s24 =	sadd.s32 $0x640, s21  }
0x50: {  	[spmem:s1] =	stream.indirect.scatter.add.f32 [tilespmem:s14], [sflag:$0x1], $0x1, s22, s13, $0xb8;
	[tilespmem:$0x1A38] =	vst v63  }
0x51: {  	p1 =	sne.s32 s21, $0x3840;
	s21 =	sadd.s32 $0x870, s20  }
0x52: {  	[spmem:s1] =	stream.indirect.scatter.add.f32 [tilespmem:s14], [sflag:$0x1], $0x1, s21, s13, $0xb8;
	[tilespmem:$0x1A38] =	vst v63  }
0x53: {  	s21 =	sadd.s32 $0x8C0, s20  }
0x54: {  	[spmem:s1] =	stream.indirect.scatter.add.f32 [tilespmem:s14], [sflag:$0x1], $0x1, s21, s13, $0xb8;
	[tilespmem:$0x1A38] =	vst v63  }
0x55: {  	s21 =	sadd.s32 $0x910, s20  }
0x56: {  	[spmem:s1] =	stream.indirect.scatter.add.f32 [tilespmem:s14], [sflag:$0x1], $0x1, s21, s13, $0xb8;
	[tilespmem:$0x1A38] =	vst v63  }
0x57: {  	s20 =	sadd.s32 $0x960, s20  }
0x58: {  	[spmem:s1] =	stream.indirect.scatter.add.f32 [tilespmem:s14], [sflag:$0x1], $0x1, s20, s13, $0xb8;
	[tilespmem:$0x1A38] =	vst v63  }
0x59: {  	_ =	swait.ge [sflag:s15], $0x50  }
0x5a: {  	[sflag:s15] =	ssyncset.done $0x0  }
0x5b: {  	[sflag:s15] =	ssyncadd.s32 $0xFFFFFFB0  }
0x5c: {  	_ =	swait.ge [sflag:s15], $0x50  }
0x5d: {  	[sflag:s15] =	ssyncset.done $0x0  }
0x5e: {  	[sflag:s15] =	ssyncadd.s32 $0xFFFFFFB0  }
0x5f: {  	_ =	swait.ge [sflag:s15], $0x50  }
0x60: {  	[sflag:s15] =	ssyncset.done $0x0  }
0x61: {  	[sflag:s15] =	ssyncadd.s32 $0xFFFFFFB0  }
.Ltmp2:
0x62: {  	_ =	swait.ge [sflag:s15], $0x50;
	(pc) =	sbr.rel @p1 .LBB2_7-.Ltmp2, $4  }
0x63: {  	[sflag:s15] =	ssyncset.done $0x0  }
0x64: {  	[sflag:s15] =	ssyncadd.s32 $0xFFFFFFB0  }
0x65: {  	_ =	swait.ge [sflag:s15], $0x50  }
0x66: {  	s21 =	smov.u32 s24;
	s20 =	sshra.s32 s23, $0x2;
	[sflag:s15] =	ssyncset.done $0x0  }
0x67: {  	s21 =	sadd.s32 $0x820, s20;
	[sflag:s15] =	ssyncadd.s32 $0xFFFFFFB0  }
0x68: {  	[spmem:s1] =	stream.indirect.scatter.add.f32 [tilespmem:s14], [sflag:$0x1], $0x1, s21, s13, $0xb8;
	[tilespmem:$0x1A38] =	vst v63  }
0x69: {  	s28 =	sadd.s32 $0x870, s20  }
0x6a: {  	[spmem:s1] =	stream.indirect.scatter.add.f32 [tilespmem:s14], [sflag:$0x1], $0x1, s28, s13, $0xb8;
	[tilespmem:$0x1A38] =	vst v63  }
0x6b: {  	s29 =	sadd.s32 $0x8C0, s20  }
0x6c: {  	[spmem:s1] =	stream.indirect.scatter.add.f32 [tilespmem:s14], [sflag:$0x1], $0x1, s29, s13, $0xb8;
	[tilespmem:$0x1A38] =	vst v63  }
0x6d: {  	s30 =	sadd.s32 $0x910, s20  }
0x6e: {  	[spmem:s1] =	stream.indirect.scatter.add.f32 [tilespmem:s14], [sflag:$0x1], $0x1, s30, s13, $0xb8;
	[tilespmem:$0x1A38] =	vst v63  }
0x6f: {  	s31 =	sadd.s32 $0x960, s20  }
0x70: {  	[spmem:s1] =	stream.indirect.scatter.add.f32 [tilespmem:s14], [sflag:$0x1], $0x1, s31, s13, $0xb8;
	[tilespmem:$0x1A38] =	vst v63  }
0x71: {  	_ =	swait.ge [sflag:s15], $0x50  }
0x72: {  	[sflag:s15] =	ssyncset.done $0x0  }
0x73: {  	[sflag:s15] =	ssyncadd.s32 $0xFFFFFFB0  }
0x74: {  	_ =	swait.ge [sflag:s15], $0x50  }
0x75: {  	[sflag:s15] =	ssyncset.done $0x0  }
0x76: {  	[sflag:s15] =	ssyncadd.s32 $0xFFFFFFB0  }
0x77: {  	_ =	swait.ge [sflag:s15], $0x50  }
0x78: {  	[sflag:s15] =	ssyncset.done $0x0  }
0x79: {  	s19 =	sadd.s32 $0x1, s19;
	[sflag:s15] =	ssyncadd.s32 $0xFFFFFFB0  }
0x7a: {  	p1 =	sne.s32 s19, $0x5;
	_ =	swait.ge [sflag:s15], $0x50  }
.Ltmp3:
0x7b: {  	[sflag:s15] =	ssyncset.done $0x0;
	(pc) =	sbr.rel @p1 .LBB2_6-.Ltmp3, $4  }
0x7c: {  	[sflag:s15] =	ssyncadd.s32 $0xFFFFFFB0  }
0x7d: {  	_ =	swait.ge [sflag:s15], $0x50  }
0x7e: {  	[sflag:s15] =	ssyncset.done $0x0  }
0x7f: {  	[sflag:s15] =	ssyncadd.s32 $0xFFFFFFB0  }
0x80: {  	[bflag:$0x0] =	sbarrier.arrive $0xFFFF;
	s18 =	simm.s32 @!p0 $0x1C02;
	s17 =	sadd.s32 $0x1, s17  }
0x81: {  	[hbm:s9], [sflag:s18] =	dma.local @!p0 [spmem:s16], $0x4E2  }
0x82: {  	p1 =	sne.s32 s17, s10  }
.Ltmp4:
0x83: {  	_ = 	snop;
	(pc) =	sbr.rel @p1 .LBB2_1-.Ltmp4, $4  }
0x84: {  	s18 =	simm.s32 @!p0 $0x2  }
0x85: {  	_ =	swait.ge @!p0 [sflag:s18], $0x4E2  }
0x86: {  	[sflag:s18] =	ssyncset.done @!p0 $0x0  }
0x87: {  	[sflag:s18] =	ssyncadd.s32 @!p0 $0xFFFFFB1E  }
0x88: {  	_ =	sfence.sel $0x180000  }
0x89: {  	[bflag:$0x0] =	sbarrier.arrive $0xFFFF  }
0x8a: {  	_ =	strace $0x90000047  }
0x8b: {  	s0 =	sadd.s32 @!p0 $0x100000, s0;
	[bflag:$0x2] =	sbarrier.arrive $0xFFFF  }
0x8c: {  	[sflag:s0] =	ssyncadd.tile.s32 @!p0 $0x1;
	_ =	shalt  }
.Lfunc_end2:
_tile_overlayer_lowered:
.L_overlay_start_2:
0x8d: {  	(tag) =	ssettag $0x2  }
0x8e: {  	s0 =	rddreg [dreg:$0x0];
	s2 =	stileid.u32  }
0x8f: {  	s1 =	rddreg [dreg:$0x1];
	p0 =	sne.s32 s2, $0x0  }
0x90: {  	s3 =	rddreg [dreg:$0x2];
	[bflag:$0x3] =	sbarrier.arrive $0xFFFF;
	s2 =	simm.s32 @!p0 $0x1C02  }
0x91: {  	[timem:s3], [sflag:s2] =	dma.local @!p0 [hbm:s0], s1  }
0x92: {  	s0 =	simm.s32 @!p0 $0x2  }
0x93: {  	_ =	swait.ge @!p0 [sflag:s0], s1  }
0x94: {  	s1 =	ssub.s32 @!p0 $0x0, s1;
	[sflag:s0] =	ssyncset.done @!p0 $0x0  }
0x95: {  	[sflag:s0] =	ssyncadd.s32 @!p0 s1  }
0x96: {  	[bflag:$0x3] =	sbarrier.arrive $0xFFFF  }
0x97: {  	_ =	shalt  }

</sc_bundles>
